<compile_context>
chip_gen: v7x
topology: tpu7x:2x2x1
jax: 0.10.2.dev20260603
libtpu: 0.0.44.dev20260713+nightly
codegen_flags: <defaults>
</compile_context>

<pallas_src>
import jax
import jax.numpy as jnp
from jax import lax
from jax.experimental import pallas as pl
from jax.experimental.pallas import tpu as pltpu
from jax.experimental.pallas import tpu_sc as plsc

B, L, D = 4, 8192, 1024
NC, NS = 2, 16
NW = NC * NS
P = L // NW
C = 8
STEPS = P // C
NBUF = 3
LANES = 16
DCH = D // LANES


def _body(x_hbm, W_hbm, pe_hbm, out_hbm, idx_v, pe_v, rows_v, lsem, ssem):
    wid = lax.axis_index("s") * NC + lax.axis_index("c")
    base = wid * P

    for b in range(B):
        pltpu.sync_copy(x_hbm.at[b, pl.ds(base, P)], idx_v.at[b])

    def issue_loads(s, q):
        l0 = base + s * C
        pltpu.async_copy(pe_hbm.at[pl.ds(l0, C)], pe_v.at[q], lsem.at[q])
        for b in range(B):
            pltpu.async_copy(
                W_hbm.at[idx_v.at[b, pl.ds(s * C, C)]],
                rows_v.at[q, pl.ds(b * C, C)],
                lsem.at[q],
            )

    def wait_loads(q):
        pltpu.make_async_copy(
            pe_hbm.at[pl.ds(base, C)], pe_v.at[q], lsem.at[q]
        ).wait()
        pltpu.make_async_copy(
            W_hbm.at[idx_v.at[0, pl.ds(0, B * C)]], rows_v.at[q], lsem.at[q]
        ).wait()

    def compute(q):
        def add_row(j, c2):
            for d in range(DCH):
                pv = pe_v[q, j, pl.ds(d * LANES, LANES)]
                for b in range(B):
                    r = b * C + j
                    rows_v[q, r, pl.ds(d * LANES, LANES)] = (
                        rows_v[q, r, pl.ds(d * LANES, LANES)] + pv
                    )
            return c2

        lax.fori_loop(0, C, add_row, 0)

    def issue_stores(s, q):
        l0 = base + s * C
        for b in range(B):
            pltpu.async_copy(
                rows_v.at[q, pl.ds(b * C, C)],
                out_hbm.at[b, pl.ds(l0, C)],
                ssem.at[q],
            )

    def wait_stores(q):
        pltpu.make_async_copy(
            rows_v.at[q], out_hbm.at[0, pl.ds(base, B * C)], ssem.at[q]
        ).wait()

    issue_loads(0, 0)
    issue_loads(1, 1)

    def step(s, carry):
        q = lax.rem(s, NBUF)
        qn = lax.rem(s + 2, NBUF)

        wait_loads(q)
        compute(q)
        issue_stores(s, q)

        @pl.when(s + 2 < STEPS)
        def _():
            @pl.when(s >= 1)
            def _():
                wait_stores(qn)

            issue_loads(s + 2, qn)

        return carry

    lax.fori_loop(0, STEPS, step, 0)

    wait_stores((STEPS - 3) % NBUF)
    wait_stores((STEPS - 2) % NBUF)
    wait_stores((STEPS - 1) % NBUF)


_emb = pl.kernel(
    _body,
    out_type=jax.ShapeDtypeStruct((B, L, D), jnp.float32),
    mesh=plsc.VectorSubcoreMesh(core_axis_name="c", subcore_axis_name="s"),
    scratch_types=[
        pltpu.VMEM((B, P), jnp.int32),
        pltpu.VMEM((NBUF, C, D), jnp.float32),
        pltpu.VMEM((NBUF, B * C, D), jnp.float32),
        pltpu.SemaphoreType.DMA((NBUF,)),
        pltpu.SemaphoreType.DMA((NBUF,)),
    ],
)


def kernel(x, W, pe):
    return _emb(x, W, pe.reshape(L, D))

# --- scband reference (transcript-rebuilt; emitter-appended) ---
"""Pipeline reference for scband-target-embeddings-85040352461318 (READ-ONLY COPY).

The authoritative reference and input builder live on the scoring server;
editing this copy changes nothing except your own understanding.
"""

import math
import jax, jax.numpy as jnp
import numpy as np

MAX_LENGTH = 8192
EMBED_DIM = 1024
BATCH = 4
SEQ_LEN = 8192


def _make_positional_encoding(max_length, embedding_dim):
    pe = np.zeros((max_length, embedding_dim), dtype=np.float32)
    position = np.arange(0, max_length, dtype=np.float32)[:, None]
    div_term = np.exp(np.arange(0, embedding_dim, 2).astype(np.float32) * -(math.log(10000.0) / embedding_dim))
    pe[:, 0::2] = np.sin(position * div_term)
    pe[:, 1::2] = np.cos(position * div_term)
    return jnp.asarray(pe)[None, :, :]


def setup_inputs(seed: int = 0) -> dict:
    key = jax.random.key(seed)
    k1, k2 = jax.random.split(key)
    x = jax.random.randint(k1, (BATCH, SEQ_LEN), 0, MAX_LENGTH, dtype=jnp.int32)
    W = jax.random.normal(k2, (MAX_LENGTH, EMBED_DIM), dtype=jnp.float32)
    pe = _make_positional_encoding(MAX_LENGTH, EMBED_DIM)
    return {"x": x, "W": W, "pe": pe}


def reference(x, W, pe):
    # Embedding lookup (gather) + positional encoding broadcast-add
    emb = jnp.take(W, x, axis=0)          # [B, L, D]
    return emb + pe[:, : x.shape[1]]       # [B, L, D]

if __name__ == "__main__":
    import jax
    _d = setup_inputs()
    print(jax.jit(kernel)(*tuple(_d.values())))

</pallas_src>

<mosaic_0001>
#map = affine_map<(d0, d1) -> (0, 0)>
#map1 = affine_map<(d0, d1) -> (0, 0, 0)>
module attributes {stable_mosaic.version = 14 : i64} {
  func.func @_body(%arg0: i32, %arg1: i32, %arg2: memref<4x8192xi32, #tpu.memory_space<hbm>>, %arg3: memref<8192x1024xf32, #tpu.memory_space<hbm>>, %arg4: memref<8192x1024xf32, #tpu.memory_space<hbm>>, %arg5: memref<4x8192x1024xf32, #tpu.memory_space<hbm>>, %arg6: memref<4x256xi32, #tpu.memory_space<vmem>>, %arg7: memref<3x8x1024xf32, #tpu.memory_space<vmem>>, %arg8: memref<3x32x1024xf32, #tpu.memory_space<vmem>>, %arg9: memref<3x!tpu.dma_semaphore, #tpu.memory_space<semaphore_mem>>, %arg10: memref<3x!tpu.dma_semaphore, #tpu.memory_space<semaphore_mem>>) attributes {dimension_semantics = [#tpu.dimension_semantics<core_parallel>, #tpu.dimension_semantics<subcore_parallel>], iteration_bounds = array<i64: 2, 16>, scalar_prefetch = 0 : i64, scratch_operands = 5 : i64, tpu.core_type = #tpu.core_type<sc_vector_subcore>, window_params = [{transform_indices = #map}, {transform_indices = #map}, {transform_indices = #map}, {transform_indices = #map1}]} {
    %mul3A = arith.constant 2 : i32
    %mul3A_0 = arith.muli %arg1, %mul3A : i32
    %add3A = arith.addi %mul3A_0, %arg0 : i32
    %mul3A_1 = arith.constant 256 : i32
    %mul3A_2 = arith.muli %add3A, %mul3A_1 : i32
    %run_scoped3A = arith.constant 0 : i32
    %run_scoped3A_3 = arith.constant 0 : i32
    "tpu.region"() ({
      %run_scoped3A_226 = tpu.sem_alloc : memref<!tpu.dma_semaphore, #tpu.memory_space<semaphore_mem>>
      %dma_start3A_227 = arith.constant 0 : i32
      %dma_start3A_228 = tpu.memref_slice %arg6[%run_scoped3A_3, %dma_start3A_227] : memref<4x256xi32, #tpu.memory_space<vmem>> -> memref<1x256xi32, #tpu.memory_space<vmem>>
      %dma_start3A_229 = tpu.memref_squeeze %dma_start3A_228 : memref<1x256xi32, #tpu.memory_space<vmem>> -> memref<256xi32, #tpu.memory_space<vmem>>
      %dma_start3A_230 = tpu.memref_slice %arg2[%run_scoped3A, %mul3A_2] : memref<4x8192xi32, #tpu.memory_space<hbm>> -> memref<1x256xi32, #tpu.memory_space<hbm>>
      %dma_start3A_231 = tpu.memref_squeeze %dma_start3A_230 : memref<1x256xi32, #tpu.memory_space<hbm>> -> memref<256xi32, #tpu.memory_space<hbm>>
      %dma_start3A_232 = arith.constant 0 : i32
      %dma_start3A_233 = tpu.memref_slice %arg6[%run_scoped3A_3, %dma_start3A_232] : memref<4x256xi32, #tpu.memory_space<vmem>> -> memref<1x256xi32, #tpu.memory_space<vmem>>
      %dma_start3A_234 = tpu.memref_squeeze %dma_start3A_233 : memref<1x256xi32, #tpu.memory_space<vmem>> -> memref<256xi32, #tpu.memory_space<vmem>>
      %dma_start3A_235 = tpu.memref_slice %arg2[%run_scoped3A, %mul3A_2] : memref<4x8192xi32, #tpu.memory_space<hbm>> -> memref<1x256xi32, #tpu.memory_space<hbm>>
      %dma_start3A_236 = tpu.memref_squeeze %dma_start3A_235 : memref<1x256xi32, #tpu.memory_space<hbm>> -> memref<256xi32, #tpu.memory_space<hbm>>
      tpu.enqueue_dma source(%dma_start3A_236 : memref<256xi32, #tpu.memory_space<hbm>>) target(%dma_start3A_234 : memref<256xi32, #tpu.memory_space<vmem>>) target_semaphore(%run_scoped3A_226 : memref<!tpu.dma_semaphore, #tpu.memory_space<semaphore_mem>>)
      %dma_wait3A_237 = arith.constant 0 : i32
      %dma_wait3A_238 = tpu.memref_slice %arg6[%run_scoped3A_3, %dma_wait3A_237] : memref<4x256xi32, #tpu.memory_space<vmem>> -> memref<1x256xi32, #tpu.memory_space<vmem>>
      %dma_wait3A_239 = tpu.memref_squeeze %dma_wait3A_238 : memref<1x256xi32, #tpu.memory_space<vmem>> -> memref<256xi32, #tpu.memory_space<vmem>>
      %dma_wait3A_240 = tpu.memref_slice %arg2[%run_scoped3A, %mul3A_2] : memref<4x8192xi32, #tpu.memory_space<hbm>> -> memref<1x256xi32, #tpu.memory_space<hbm>>
      %dma_wait3A_241 = tpu.memref_squeeze %dma_wait3A_240 : memref<1x256xi32, #tpu.memory_space<hbm>> -> memref<256xi32, #tpu.memory_space<hbm>>
      %dma_wait3A_242 = arith.constant 0 : i32
      %dma_wait3A_243 = tpu.memref_slice %arg6[%run_scoped3A_3, %dma_wait3A_242] : memref<4x256xi32, #tpu.memory_space<vmem>> -> memref<1x256xi32, #tpu.memory_space<vmem>>
      %dma_wait3A_244 = tpu.memref_squeeze %dma_wait3A_243 : memref<1x256xi32, #tpu.memory_space<vmem>> -> memref<256xi32, #tpu.memory_space<vmem>>
      %dma_wait3A_245 = tpu.memref_slice %arg2[%run_scoped3A, %mul3A_2] : memref<4x8192xi32, #tpu.memory_space<hbm>> -> memref<1x256xi32, #tpu.memory_space<hbm>>
      %dma_wait3A_246 = tpu.memref_squeeze %dma_wait3A_245 : memref<1x256xi32, #tpu.memory_space<hbm>> -> memref<256xi32, #tpu.memory_space<hbm>>
      tpu.wait_dma2 semaphore(%run_scoped3A_226 : memref<!tpu.dma_semaphore, #tpu.memory_space<semaphore_mem>>) src(%dma_wait3A_246 : memref<256xi32, #tpu.memory_space<hbm>>) dst(%dma_wait3A_244 : memref<256xi32, #tpu.memory_space<vmem>>)
      tpu.yield
    }) : () -> ()
    %run_scoped3A_4 = arith.constant 1 : i32
    %run_scoped3A_5 = arith.constant 1 : i32
    "tpu.region"() ({
      %run_scoped3A_226 = tpu.sem_alloc : memref<!tpu.dma_semaphore, #tpu.memory_space<semaphore_mem>>
      %dma_start3A_227 = arith.constant 0 : i32
      %dma_start3A_228 = tpu.memref_slice %arg6[%run_scoped3A_5, %dma_start3A_227] : memref<4x256xi32, #tpu.memory_space<vmem>> -> memref<1x256xi32, #tpu.memory_space<vmem>>
      %dma_start3A_229 = tpu.memref_squeeze %dma_start3A_228 : memref<1x256xi32, #tpu.memory_space<vmem>> -> memref<256xi32, #tpu.memory_space<vmem>>
      %dma_start3A_230 = tpu.memref_slice %arg2[%run_scoped3A_4, %mul3A_2] : memref<4x8192xi32, #tpu.memory_space<hbm>> -> memref<1x256xi32, #tpu.memory_space<hbm>>
      %dma_start3A_231 = tpu.memref_squeeze %dma_start3A_230 : memref<1x256xi32, #tpu.memory_space<hbm>> -> memref<256xi32, #tpu.memory_space<hbm>>
      %dma_start3A_232 = arith.constant 0 : i32
      %dma_start3A_233 = tpu.memref_slice %arg6[%run_scoped3A_5, %dma_start3A_232] : memref<4x256xi32, #tpu.memory_space<vmem>> -> memref<1x256xi32, #tpu.memory_space<vmem>>
      %dma_start3A_234 = tpu.memref_squeeze %dma_start3A_233 : memref<1x256xi32, #tpu.memory_space<vmem>> -> memref<256xi32, #tpu.memory_space<vmem>>
      %dma_start3A_235 = tpu.memref_slice %arg2[%run_scoped3A_4, %mul3A_2] : memref<4x8192xi32, #tpu.memory_space<hbm>> -> memref<1x256xi32, #tpu.memory_space<hbm>>
      %dma_start3A_236 = tpu.memref_squeeze %dma_start3A_235 : memref<1x256xi32, #tpu.memory_space<hbm>> -> memref<256xi32, #tpu.memory_space<hbm>>
      tpu.enqueue_dma source(%dma_start3A_236 : memref<256xi32, #tpu.memory_space<hbm>>) target(%dma_start3A_234 : memref<256xi32, #tpu.memory_space<vmem>>) target_semaphore(%run_scoped3A_226 : memref<!tpu.dma_semaphore, #tpu.memory_space<semaphore_mem>>)
      %dma_wait3A_237 = arith.constant 0 : i32
      %dma_wait3A_238 = tpu.memref_slice %arg6[%run_scoped3A_5, %dma_wait3A_237] : memref<4x256xi32, #tpu.memory_space<vmem>> -> memref<1x256xi32, #tpu.memory_space<vmem>>
      %dma_wait3A_239 = tpu.memref_squeeze %dma_wait3A_238 : memref<1x256xi32, #tpu.memory_space<vmem>> -> memref<256xi32, #tpu.memory_space<vmem>>
      %dma_wait3A_240 = tpu.memref_slice %arg2[%run_scoped3A_4, %mul3A_2] : memref<4x8192xi32, #tpu.memory_space<hbm>> -> memref<1x256xi32, #tpu.memory_space<hbm>>
      %dma_wait3A_241 = tpu.memref_squeeze %dma_wait3A_240 : memref<1x256xi32, #tpu.memory_space<hbm>> -> memref<256xi32, #tpu.memory_space<hbm>>
      %dma_wait3A_242 = arith.constant 0 : i32
      %dma_wait3A_243 = tpu.memref_slice %arg6[%run_scoped3A_5, %dma_wait3A_242] : memref<4x256xi32, #tpu.memory_space<vmem>> -> memref<1x256xi32, #tpu.memory_space<vmem>>
      %dma_wait3A_244 = tpu.memref_squeeze %dma_wait3A_243 : memref<1x256xi32, #tpu.memory_space<vmem>> -> memref<256xi32, #tpu.memory_space<vmem>>
      %dma_wait3A_245 = tpu.memref_slice %arg2[%run_scoped3A_4, %mul3A_2] : memref<4x8192xi32, #tpu.memory_space<hbm>> -> memref<1x256xi32, #tpu.memory_space<hbm>>
      %dma_wait3A_246 = tpu.memref_squeeze %dma_wait3A_245 : memref<1x256xi32, #tpu.memory_space<hbm>> -> memref<256xi32, #tpu.memory_space<hbm>>
      tpu.wait_dma2 semaphore(%run_scoped3A_226 : memref<!tpu.dma_semaphore, #tpu.memory_space<semaphore_mem>>) src(%dma_wait3A_246 : memref<256xi32, #tpu.memory_space<hbm>>) dst(%dma_wait3A_244 : memref<256xi32, #tpu.memory_space<vmem>>)
      tpu.yield
    }) : () -> ()
    %run_scoped3A_6 = arith.constant 2 : i32
    %run_scoped3A_7 = arith.constant 2 : i32
    "tpu.region"() ({
      %run_scoped3A_226 = tpu.sem_alloc : memref<!tpu.dma_semaphore, #tpu.memory_space<semaphore_mem>>
      %dma_start3A_227 = arith.constant 0 : i32
      %dma_start3A_228 = tpu.memref_slice %arg6[%run_scoped3A_7, %dma_start3A_227] : memref<4x256xi32, #tpu.memory_space<vmem>> -> memref<1x256xi32, #tpu.memory_space<vmem>>
      %dma_start3A_229 = tpu.memref_squeeze %dma_start3A_228 : memref<1x256xi32, #tpu.memory_space<vmem>> -> memref<256xi32, #tpu.memory_space<vmem>>
      %dma_start3A_230 = tpu.memref_slice %arg2[%run_scoped3A_6, %mul3A_2] : memref<4x8192xi32, #tpu.memory_space<hbm>> -> memref<1x256xi32, #tpu.memory_space<hbm>>
      %dma_start3A_231 = tpu.memref_squeeze %dma_start3A_230 : memref<1x256xi32, #tpu.memory_space<hbm>> -> memref<256xi32, #tpu.memory_space<hbm>>
      %dma_start3A_232 = arith.constant 0 : i32
      %dma_start3A_233 = tpu.memref_slice %arg6[%run_scoped3A_7, %dma_start3A_232] : memref<4x256xi32, #tpu.memory_space<vmem>> -> memref<1x256xi32, #tpu.memory_space<vmem>>
      %dma_start3A_234 = tpu.memref_squeeze %dma_start3A_233 : memref<1x256xi32, #tpu.memory_space<vmem>> -> memref<256xi32, #tpu.memory_space<vmem>>
      %dma_start3A_235 = tpu.memref_slice %arg2[%run_scoped3A_6, %mul3A_2] : memref<4x8192xi32, #tpu.memory_space<hbm>> -> memref<1x256xi32, #tpu.memory_space<hbm>>
      %dma_start3A_236 = tpu.memref_squeeze %dma_start3A_235 : memref<1x256xi32, #tpu.memory_space<hbm>> -> memref<256xi32, #tpu.memory_space<hbm>>
      tpu.enqueue_dma source(%dma_start3A_236 : memref<256xi32, #tpu.memory_space<hbm>>) target(%dma_start3A_234 : memref<256xi32, #tpu.memory_space<vmem>>) target_semaphore(%run_scoped3A_226 : memref<!tpu.dma_semaphore, #tpu.memory_space<semaphore_mem>>)
      %dma_wait3A_237 = arith.constant 0 : i32
      %dma_wait3A_238 = tpu.memref_slice %arg6[%run_scoped3A_7, %dma_wait3A_237] : memref<4x256xi32, #tpu.memory_space<vmem>> -> memref<1x256xi32, #tpu.memory_space<vmem>>
      %dma_wait3A_239 = tpu.memref_squeeze %dma_wait3A_238 : memref<1x256xi32, #tpu.memory_space<vmem>> -> memref<256xi32, #tpu.memory_space<vmem>>
      %dma_wait3A_240 = tpu.memref_slice %arg2[%run_scoped3A_6, %mul3A_2] : memref<4x8192xi32, #tpu.memory_space<hbm>> -> memref<1x256xi32, #tpu.memory_space<hbm>>
      %dma_wait3A_241 = tpu.memref_squeeze %dma_wait3A_240 : memref<1x256xi32, #tpu.memory_space<hbm>> -> memref<256xi32, #tpu.memory_space<hbm>>
      %dma_wait3A_242 = arith.constant 0 : i32
      %dma_wait3A_243 = tpu.memref_slice %arg6[%run_scoped3A_7, %dma_wait3A_242] : memref<4x256xi32, #tpu.memory_space<vmem>> -> memref<1x256xi32, #tpu.memory_space<vmem>>
      %dma_wait3A_244 = tpu.memref_squeeze %dma_wait3A_243 : memref<1x256xi32, #tpu.memory_space<vmem>> -> memref<256xi32, #tpu.memory_space<vmem>>
      %dma_wait3A_245 = tpu.memref_slice %arg2[%run_scoped3A_6, %mul3A_2] : memref<4x8192xi32, #tpu.memory_space<hbm>> -> memref<1x256xi32, #tpu.memory_space<hbm>>
      %dma_wait3A_246 = tpu.memref_squeeze %dma_wait3A_245 : memref<1x256xi32, #tpu.memory_space<hbm>> -> memref<256xi32, #tpu.memory_space<hbm>>
      tpu.wait_dma2 semaphore(%run_scoped3A_226 : memref<!tpu.dma_semaphore, #tpu.memory_space<semaphore_mem>>) src(%dma_wait3A_246 : memref<256xi32, #tpu.memory_space<hbm>>) dst(%dma_wait3A_244 : memref<256xi32, #tpu.memory_space<vmem>>)
      tpu.yield
    }) : () -> ()
    %run_scoped3A_8 = arith.constant 3 : i32
    %run_scoped3A_9 = arith.constant 3 : i32
    "tpu.region"() ({
      %run_scoped3A_226 = tpu.sem_alloc : memref<!tpu.dma_semaphore, #tpu.memory_space<semaphore_mem>>
      %dma_start3A_227 = arith.constant 0 : i32
      %dma_start3A_228 = tpu.memref_slice %arg6[%run_scoped3A_9, %dma_start3A_227] : memref<4x256xi32, #tpu.memory_space<vmem>> -> memref<1x256xi32, #tpu.memory_space<vmem>>
      %dma_start3A_229 = tpu.memref_squeeze %dma_start3A_228 : memref<1x256xi32, #tpu.memory_space<vmem>> -> memref<256xi32, #tpu.memory_space<vmem>>
      %dma_start3A_230 = tpu.memref_slice %arg2[%run_scoped3A_8, %mul3A_2] : memref<4x8192xi32, #tpu.memory_space<hbm>> -> memref<1x256xi32, #tpu.memory_space<hbm>>
      %dma_start3A_231 = tpu.memref_squeeze %dma_start3A_230 : memref<1x256xi32, #tpu.memory_space<hbm>> -> memref<256xi32, #tpu.memory_space<hbm>>
      %dma_start3A_232 = arith.constant 0 : i32
      %dma_start3A_233 = tpu.memref_slice %arg6[%run_scoped3A_9, %dma_start3A_232] : memref<4x256xi32, #tpu.memory_space<vmem>> -> memref<1x256xi32, #tpu.memory_space<vmem>>
      %dma_start3A_234 = tpu.memref_squeeze %dma_start3A_233 : memref<1x256xi32, #tpu.memory_space<vmem>> -> memref<256xi32, #tpu.memory_space<vmem>>
      %dma_start3A_235 = tpu.memref_slice %arg2[%run_scoped3A_8, %mul3A_2] : memref<4x8192xi32, #tpu.memory_space<hbm>> -> memref<1x256xi32, #tpu.memory_space<hbm>>
      %dma_start3A_236 = tpu.memref_squeeze %dma_start3A_235 : memref<1x256xi32, #tpu.memory_space<hbm>> -> memref<256xi32, #tpu.memory_space<hbm>>
      tpu.enqueue_dma source(%dma_start3A_236 : memref<256xi32, #tpu.memory_space<hbm>>) target(%dma_start3A_234 : memref<256xi32, #tpu.memory_space<vmem>>) target_semaphore(%run_scoped3A_226 : memref<!tpu.dma_semaphore, #tpu.memory_space<semaphore_mem>>)
      %dma_wait3A_237 = arith.constant 0 : i32
      %dma_wait3A_238 = tpu.memref_slice %arg6[%run_scoped3A_9, %dma_wait3A_237] : memref<4x256xi32, #tpu.memory_space<vmem>> -> memref<1x256xi32, #tpu.memory_space<vmem>>
      %dma_wait3A_239 = tpu.memref_squeeze %dma_wait3A_238 : memref<1x256xi32, #tpu.memory_space<vmem>> -> memref<256xi32, #tpu.memory_space<vmem>>
      %dma_wait3A_240 = tpu.memref_slice %arg2[%run_scoped3A_8, %mul3A_2] : memref<4x8192xi32, #tpu.memory_space<hbm>> -> memref<1x256xi32, #tpu.memory_space<hbm>>
      %dma_wait3A_241 = tpu.memref_squeeze %dma_wait3A_240 : memref<1x256xi32, #tpu.memory_space<hbm>> -> memref<256xi32, #tpu.memory_space<hbm>>
      %dma_wait3A_242 = arith.constant 0 : i32
      %dma_wait3A_243 = tpu.memref_slice %arg6[%run_scoped3A_9, %dma_wait3A_242] : memref<4x256xi32, #tpu.memory_space<vmem>> -> memref<1x256xi32, #tpu.memory_space<vmem>>
      %dma_wait3A_244 = tpu.memref_squeeze %dma_wait3A_243 : memref<1x256xi32, #tpu.memory_space<vmem>> -> memref<256xi32, #tpu.memory_space<vmem>>
      %dma_wait3A_245 = tpu.memref_slice %arg2[%run_scoped3A_8, %mul3A_2] : memref<4x8192xi32, #tpu.memory_space<hbm>> -> memref<1x256xi32, #tpu.memory_space<hbm>>
      %dma_wait3A_246 = tpu.memref_squeeze %dma_wait3A_245 : memref<1x256xi32, #tpu.memory_space<hbm>> -> memref<256xi32, #tpu.memory_space<hbm>>
      tpu.wait_dma2 semaphore(%run_scoped3A_226 : memref<!tpu.dma_semaphore, #tpu.memory_space<semaphore_mem>>) src(%dma_wait3A_246 : memref<256xi32, #tpu.memory_space<hbm>>) dst(%dma_wait3A_244 : memref<256xi32, #tpu.memory_space<vmem>>)
      tpu.yield
    }) : () -> ()
    %add3A_10 = arith.constant 0 : i32
    %add3A_11 = arith.addi %mul3A_2, %add3A_10 : i32
    %dma_start3A = arith.constant 0 : i32
    %dma_start3A_12 = arith.constant 0 : i32
    %dma_start3A_13 = arith.constant 0 : i32
    %dma_start3A_14 = arith.constant 0 : i32
    %dma_start3A_15 = tpu.memref_slice %arg7[%dma_start3A, %dma_start3A_13, %dma_start3A_14] : memref<3x8x1024xf32, #tpu.memory_space<vmem>> -> memref<1x8x1024xf32, #tpu.memory_space<vmem>>
    %dma_start3A_16 = tpu.memref_squeeze %dma_start3A_15 : memref<1x8x1024xf32, #tpu.memory_space<vmem>> -> memref<8x1024xf32, #tpu.memory_space<vmem>>
    %dma_start3A_17 = arith.constant 0 : i32
    %dma_start3A_18 = tpu.memref_slice %arg4[%add3A_11, %dma_start3A_17] : memref<8192x1024xf32, #tpu.memory_space<hbm>> -> memref<8x1024xf32, #tpu.memory_space<hbm>>
    %dma_start3A_19 = tpu.memref_slice %arg9[%dma_start3A_12] : memref<3x!tpu.dma_semaphore, #tpu.memory_space<semaphore_mem>> -> memref<1x!tpu.dma_semaphore, #tpu.memory_space<semaphore_mem>>
    %dma_start3A_20 = tpu.memref_squeeze %dma_start3A_19 : memref<1x!tpu.dma_semaphore, #tpu.memory_space<semaphore_mem>> -> memref<!tpu.dma_semaphore, #tpu.memory_space<semaphore_mem>>
    %dma_start3A_21 = arith.constant 0 : i32
    %dma_start3A_22 = arith.constant 0 : i32
    %dma_start3A_23 = tpu.memref_slice %arg7[%dma_start3A, %dma_start3A_21, %dma_start3A_22] : memref<3x8x1024xf32, #tpu.memory_space<vmem>> -> memref<1x8x1024xf32, #tpu.memory_space<vmem>>
    %dma_start3A_24 = tpu.memref_squeeze %dma_start3A_23 : memref<1x8x1024xf32, #tpu.memory_space<vmem>> -> memref<8x1024xf32, #tpu.memory_space<vmem>>
    %dma_start3A_25 = arith.constant 0 : i32
    %dma_start3A_26 = tpu.memref_slice %arg4[%add3A_11, %dma_start3A_25] : memref<8192x1024xf32, #tpu.memory_space<hbm>> -> memref<8x1024xf32, #tpu.memory_space<hbm>>
    tpu.enqueue_dma source(%dma_start3A_26 : memref<8x1024xf32, #tpu.memory_space<hbm>>) target(%dma_start3A_24 : memref<8x1024xf32, #tpu.memory_space<vmem>>) target_semaphore(%dma_start3A_20 : memref<!tpu.dma_semaphore, #tpu.memory_space<semaphore_mem>>)
    %dma_start3A_27 = arith.constant 0 : i32
    %dma_start3A_28 = arith.constant 0 : i32
    %dma_start3A_29 = arith.constant 0 : i32
    %dma_start3A_30 = arith.constant 0 : i32
    %dma_start3A_31 = arith.constant 0 : i32
    %dma_start3A_32 = tpu.memref_slice %arg8[%dma_start3A_28, %dma_start3A_30, %dma_start3A_31] : memref<3x32x1024xf32, #tpu.memory_space<vmem>> -> memref<1x8x1024xf32, #tpu.memory_space<vmem>>
    %dma_start3A_33 = tpu.memref_squeeze %dma_start3A_32 : memref<1x8x1024xf32, #tpu.memory_space<vmem>> -> memref<8x1024xf32, #tpu.memory_space<vmem>>
    %dma_start3A_34 = arith.constant 0 : i32
    %dma_start3A_35 = tpu.memref_slice %arg6[%dma_start3A_27, %dma_start3A_34] : memref<4x256xi32, #tpu.memory_space<vmem>> -> memref<1x8xi32, #tpu.memory_space<vmem>>
    %dma_start3A_36 = tpu.memref_squeeze %dma_start3A_35 : memref<1x8xi32, #tpu.memory_space<vmem>> -> memref<8xi32, #tpu.memory_space<vmem>>
    %dma_start3A_37 = arith.constant 0 : i32
    %dma_start3A_38 = arith.constant 0 : i32
    %dma_start3A_39 = tpu.memref_slice %arg3[%dma_start3A_37, %dma_start3A_38] : memref<8192x1024xf32, #tpu.memory_space<hbm>> -> memref<8192x1024xf32, #tpu.memory_space<hbm>>
    %dma_start3A_40 = tpu.memref_slice %arg9[%dma_start3A_29] : memref<3x!tpu.dma_semaphore, #tpu.memory_space<semaphore_mem>> -> memref<1x!tpu.dma_semaphore, #tpu.memory_space<semaphore_mem>>
    %dma_start3A_41 = tpu.memref_squeeze %dma_start3A_40 : memref<1x!tpu.dma_semaphore, #tpu.memory_space<semaphore_mem>> -> memref<!tpu.dma_semaphore, #tpu.memory_space<semaphore_mem>>
    tpu.enqueue_indirect_dma source(%dma_start3A_39 : memref<8192x1024xf32, #tpu.memory_space<hbm>>) target(%dma_start3A_33 : memref<8x1024xf32, #tpu.memory_space<vmem>>) offsets(%dma_start3A_36 : memref<8xi32, #tpu.memory_space<vmem>>) semaphore(%dma_start3A_41 : memref<!tpu.dma_semaphore, #tpu.memory_space<semaphore_mem>>)
    %dma_start3A_42 = arith.constant 1 : i32
    %dma_start3A_43 = arith.constant 0 : i32
    %dma_start3A_44 = arith.constant 0 : i32
    %dma_start3A_45 = arith.constant 8 : i32
    %dma_start3A_46 = arith.constant 0 : i32
    %dma_start3A_47 = tpu.memref_slice %arg8[%dma_start3A_43, %dma_start3A_45, %dma_start3A_46] : memref<3x32x1024xf32, #tpu.memory_space<vmem>> -> memref<1x8x1024xf32, #tpu.memory_space<vmem>>
    %dma_start3A_48 = tpu.memref_squeeze %dma_start3A_47 : memref<1x8x1024xf32, #tpu.memory_space<vmem>> -> memref<8x1024xf32, #tpu.memory_space<vmem>>
    %dma_start3A_49 = arith.constant 0 : i32
    %dma_start3A_50 = tpu.memref_slice %arg6[%dma_start3A_42, %dma_start3A_49] : memref<4x256xi32, #tpu.memory_space<vmem>> -> memref<1x8xi32, #tpu.memory_space<vmem>>
    %dma_start3A_51 = tpu.memref_squeeze %dma_start3A_50 : memref<1x8xi32, #tpu.memory_space<vmem>> -> memref<8xi32, #tpu.memory_space<vmem>>
    %dma_start3A_52 = arith.constant 0 : i32
    %dma_start3A_53 = arith.constant 0 : i32
    %dma_start3A_54 = tpu.memref_slice %arg3[%dma_start3A_52, %dma_start3A_53] : memref<8192x1024xf32, #tpu.memory_space<hbm>> -> memref<8192x1024xf32, #tpu.memory_space<hbm>>
    %dma_start3A_55 = tpu.memref_slice %arg9[%dma_start3A_44] : memref<3x!tpu.dma_semaphore, #tpu.memory_space<semaphore_mem>> -> memref<1x!tpu.dma_semaphore, #tpu.memory_space<semaphore_mem>>
    %dma_start3A_56 = tpu.memref_squeeze %dma_start3A_55 : memref<1x!tpu.dma_semaphore, #tpu.memory_space<semaphore_mem>> -> memref<!tpu.dma_semaphore, #tpu.memory_space<semaphore_mem>>
    tpu.enqueue_indirect_dma source(%dma_start3A_54 : memref<8192x1024xf32, #tpu.memory_space<hbm>>) target(%dma_start3A_48 : memref<8x1024xf32, #tpu.memory_space<vmem>>) offsets(%dma_start3A_51 : memref<8xi32, #tpu.memory_space<vmem>>) semaphore(%dma_start3A_56 : memref<!tpu.dma_semaphore, #tpu.memory_space<semaphore_mem>>)
    %dma_start3A_57 = arith.constant 2 : i32
    %dma_start3A_58 = arith.constant 0 : i32
    %dma_start3A_59 = arith.constant 0 : i32
    %dma_start3A_60 = arith.constant 16 : i32
    %dma_start3A_61 = arith.constant 0 : i32
    %dma_start3A_62 = tpu.memref_slice %arg8[%dma_start3A_58, %dma_start3A_60, %dma_start3A_61] : memref<3x32x1024xf32, #tpu.memory_space<vmem>> -> memref<1x8x1024xf32, #tpu.memory_space<vmem>>
    %dma_start3A_63 = tpu.memref_squeeze %dma_start3A_62 : memref<1x8x1024xf32, #tpu.memory_space<vmem>> -> memref<8x1024xf32, #tpu.memory_space<vmem>>
    %dma_start3A_64 = arith.constant 0 : i32
    %dma_start3A_65 = tpu.memref_slice %arg6[%dma_start3A_57, %dma_start3A_64] : memref<4x256xi32, #tpu.memory_space<vmem>> -> memref<1x8xi32, #tpu.memory_space<vmem>>
    %dma_start3A_66 = tpu.memref_squeeze %dma_start3A_65 : memref<1x8xi32, #tpu.memory_space<vmem>> -> memref<8xi32, #tpu.memory_space<vmem>>
    %dma_start3A_67 = arith.constant 0 : i32
    %dma_start3A_68 = arith.constant 0 : i32
    %dma_start3A_69 = tpu.memref_slice %arg3[%dma_start3A_67, %dma_start3A_68] : memref<8192x1024xf32, #tpu.memory_space<hbm>> -> memref<8192x1024xf32, #tpu.memory_space<hbm>>
    %dma_start3A_70 = tpu.memref_slice %arg9[%dma_start3A_59] : memref<3x!tpu.dma_semaphore, #tpu.memory_space<semaphore_mem>> -> memref<1x!tpu.dma_semaphore, #tpu.memory_space<semaphore_mem>>
    %dma_start3A_71 = tpu.memref_squeeze %dma_start3A_70 : memref<1x!tpu.dma_semaphore, #tpu.memory_space<semaphore_mem>> -> memref<!tpu.dma_semaphore, #tpu.memory_space<semaphore_mem>>
    tpu.enqueue_indirect_dma source(%dma_start3A_69 : memref<8192x1024xf32, #tpu.memory_space<hbm>>) target(%dma_start3A_63 : memref<8x1024xf32, #tpu.memory_space<vmem>>) offsets(%dma_start3A_66 : memref<8xi32, #tpu.memory_space<vmem>>) semaphore(%dma_start3A_71 : memref<!tpu.dma_semaphore, #tpu.memory_space<semaphore_mem>>)
    %dma_start3A_72 = arith.constant 3 : i32
    %dma_start3A_73 = arith.constant 0 : i32
    %dma_start3A_74 = arith.constant 0 : i32
    %dma_start3A_75 = arith.constant 24 : i32
    %dma_start3A_76 = arith.constant 0 : i32
    %dma_start3A_77 = tpu.memref_slice %arg8[%dma_start3A_73, %dma_start3A_75, %dma_start3A_76] : memref<3x32x1024xf32, #tpu.memory_space<vmem>> -> memref<1x8x1024xf32, #tpu.memory_space<vmem>>
    %dma_start3A_78 = tpu.memref_squeeze %dma_start3A_77 : memref<1x8x1024xf32, #tpu.memory_space<vmem>> -> memref<8x1024xf32, #tpu.memory_space<vmem>>
    %dma_start3A_79 = arith.constant 0 : i32
    %dma_start3A_80 = tpu.memref_slice %arg6[%dma_start3A_72, %dma_start3A_79] : memref<4x256xi32, #tpu.memory_space<vmem>> -> memref<1x8xi32, #tpu.memory_space<vmem>>
    %dma_start3A_81 = tpu.memref_squeeze %dma_start3A_80 : memref<1x8xi32, #tpu.memory_space<vmem>> -> memref<8xi32, #tpu.memory_space<vmem>>
    %dma_start3A_82 = arith.constant 0 : i32
    %dma_start3A_83 = arith.constant 0 : i32
    %dma_start3A_84 = tpu.memref_slice %arg3[%dma_start3A_82, %dma_start3A_83] : memref<8192x1024xf32, #tpu.memory_space<hbm>> -> memref<8192x1024xf32, #tpu.memory_space<hbm>>
    %dma_start3A_85 = tpu.memref_slice %arg9[%dma_start3A_74] : memref<3x!tpu.dma_semaphore, #tpu.memory_space<semaphore_mem>> -> memref<1x!tpu.dma_semaphore, #tpu.memory_space<semaphore_mem>>
    %dma_start3A_86 = tpu.memref_squeeze %dma_start3A_85 : memref<1x!tpu.dma_semaphore, #tpu.memory_space<semaphore_mem>> -> memref<!tpu.dma_semaphore, #tpu.memory_space<semaphore_mem>>
    tpu.enqueue_indirect_dma source(%dma_start3A_84 : memref<8192x1024xf32, #tpu.memory_space<hbm>>) target(%dma_start3A_78 : memref<8x1024xf32, #tpu.memory_space<vmem>>) offsets(%dma_start3A_81 : memref<8xi32, #tpu.memory_space<vmem>>) semaphore(%dma_start3A_86 : memref<!tpu.dma_semaphore, #tpu.memory_space<semaphore_mem>>)
    %add3A_87 = arith.constant 8 : i32
    %add3A_88 = arith.addi %mul3A_2, %add3A_87 : i32
    %dma_start3A_89 = arith.constant 1 : i32
    %dma_start3A_90 = arith.constant 1 : i32
    %dma_start3A_91 = arith.constant 0 : i32
    %dma_start3A_92 = arith.constant 0 : i32
    %dma_start3A_93 = tpu.memref_slice %arg7[%dma_start3A_89, %dma_start3A_91, %dma_start3A_92] : memref<3x8x1024xf32, #tpu.memory_space<vmem>> -> memref<1x8x1024xf32, #tpu.memory_space<vmem>>
    %dma_start3A_94 = tpu.memref_squeeze %dma_start3A_93 : memref<1x8x1024xf32, #tpu.memory_space<vmem>> -> memref<8x1024xf32, #tpu.memory_space<vmem>>
    %dma_start3A_95 = arith.constant 0 : i32
    %dma_start3A_96 = tpu.memref_slice %arg4[%add3A_88, %dma_start3A_95] : memref<8192x1024xf32, #tpu.memory_space<hbm>> -> memref<8x1024xf32, #tpu.memory_space<hbm>>
    %dma_start3A_97 = tpu.memref_slice %arg9[%dma_start3A_90] : memref<3x!tpu.dma_semaphore, #tpu.memory_space<semaphore_mem>> -> memref<1x!tpu.dma_semaphore, #tpu.memory_space<semaphore_mem>>
    %dma_start3A_98 = tpu.memref_squeeze %dma_start3A_97 : memref<1x!tpu.dma_semaphore, #tpu.memory_space<semaphore_mem>> -> memref<!tpu.dma_semaphore, #tpu.memory_space<semaphore_mem>>
    %dma_start3A_99 = arith.constant 0 : i32
    %dma_start3A_100 = arith.constant 0 : i32
    %dma_start3A_101 = tpu.memref_slice %arg7[%dma_start3A_89, %dma_start3A_99, %dma_start3A_100] : memref<3x8x1024xf32, #tpu.memory_space<vmem>> -> memref<1x8x1024xf32, #tpu.memory_space<vmem>>
    %dma_start3A_102 = tpu.memref_squeeze %dma_start3A_101 : memref<1x8x1024xf32, #tpu.memory_space<vmem>> -> memref<8x1024xf32, #tpu.memory_space<vmem>>
    %dma_start3A_103 = arith.constant 0 : i32
    %dma_start3A_104 = tpu.memref_slice %arg4[%add3A_88, %dma_start3A_103] : memref<8192x1024xf32, #tpu.memory_space<hbm>> -> memref<8x1024xf32, #tpu.memory_space<hbm>>
    tpu.enqueue_dma source(%dma_start3A_104 : memref<8x1024xf32, #tpu.memory_space<hbm>>) target(%dma_start3A_102 : memref<8x1024xf32, #tpu.memory_space<vmem>>) target_semaphore(%dma_start3A_98 : memref<!tpu.dma_semaphore, #tpu.memory_space<semaphore_mem>>)
    %dma_start3A_105 = arith.constant 0 : i32
    %dma_start3A_106 = arith.constant 1 : i32
    %dma_start3A_107 = arith.constant 1 : i32
    %dma_start3A_108 = arith.constant 0 : i32
    %dma_start3A_109 = arith.constant 0 : i32
    %dma_start3A_110 = tpu.memref_slice %arg8[%dma_start3A_106, %dma_start3A_108, %dma_start3A_109] : memref<3x32x1024xf32, #tpu.memory_space<vmem>> -> memref<1x8x1024xf32, #tpu.memory_space<vmem>>
    %dma_start3A_111 = tpu.memref_squeeze %dma_start3A_110 : memref<1x8x1024xf32, #tpu.memory_space<vmem>> -> memref<8x1024xf32, #tpu.memory_space<vmem>>
    %dma_start3A_112 = arith.constant 8 : i32
    %dma_start3A_113 = tpu.memref_slice %arg6[%dma_start3A_105, %dma_start3A_112] : memref<4x256xi32, #tpu.memory_space<vmem>> -> memref<1x8xi32, #tpu.memory_space<vmem>>
    %dma_start3A_114 = tpu.memref_squeeze %dma_start3A_113 : memref<1x8xi32, #tpu.memory_space<vmem>> -> memref<8xi32, #tpu.memory_space<vmem>>
    %dma_start3A_115 = arith.constant 0 : i32
    %dma_start3A_116 = arith.constant 0 : i32
    %dma_start3A_117 = tpu.memref_slice %arg3[%dma_start3A_115, %dma_start3A_116] : memref<8192x1024xf32, #tpu.memory_space<hbm>> -> memref<8192x1024xf32, #tpu.memory_space<hbm>>
    %dma_start3A_118 = tpu.memref_slice %arg9[%dma_start3A_107] : memref<3x!tpu.dma_semaphore, #tpu.memory_space<semaphore_mem>> -> memref<1x!tpu.dma_semaphore, #tpu.memory_space<semaphore_mem>>
    %dma_start3A_119 = tpu.memref_squeeze %dma_start3A_118 : memref<1x!tpu.dma_semaphore, #tpu.memory_space<semaphore_mem>> -> memref<!tpu.dma_semaphore, #tpu.memory_space<semaphore_mem>>
    tpu.enqueue_indirect_dma source(%dma_start3A_117 : memref<8192x1024xf32, #tpu.memory_space<hbm>>) target(%dma_start3A_111 : memref<8x1024xf32, #tpu.memory_space<vmem>>) offsets(%dma_start3A_114 : memref<8xi32, #tpu.memory_space<vmem>>) semaphore(%dma_start3A_119 : memref<!tpu.dma_semaphore, #tpu.memory_space<semaphore_mem>>)
    %dma_start3A_120 = arith.constant 1 : i32
    %dma_start3A_121 = arith.constant 1 : i32
    %dma_start3A_122 = arith.constant 1 : i32
    %dma_start3A_123 = arith.constant 8 : i32
    %dma_start3A_124 = arith.constant 0 : i32
    %dma_start3A_125 = tpu.memref_slice %arg8[%dma_start3A_121, %dma_start3A_123, %dma_start3A_124] : memref<3x32x1024xf32, #tpu.memory_space<vmem>> -> memref<1x8x1024xf32, #tpu.memory_space<vmem>>
    %dma_start3A_126 = tpu.memref_squeeze %dma_start3A_125 : memref<1x8x1024xf32, #tpu.memory_space<vmem>> -> memref<8x1024xf32, #tpu.memory_space<vmem>>
    %dma_start3A_127 = arith.constant 8 : i32
    %dma_start3A_128 = tpu.memref_slice %arg6[%dma_start3A_120, %dma_start3A_127] : memref<4x256xi32, #tpu.memory_space<vmem>> -> memref<1x8xi32, #tpu.memory_space<vmem>>
    %dma_start3A_129 = tpu.memref_squeeze %dma_start3A_128 : memref<1x8xi32, #tpu.memory_space<vmem>> -> memref<8xi32, #tpu.memory_space<vmem>>
    %dma_start3A_130 = arith.constant 0 : i32
    %dma_start3A_131 = arith.constant 0 : i32
    %dma_start3A_132 = tpu.memref_slice %arg3[%dma_start3A_130, %dma_start3A_131] : memref<8192x1024xf32, #tpu.memory_space<hbm>> -> memref<8192x1024xf32, #tpu.memory_space<hbm>>
    %dma_start3A_133 = tpu.memref_slice %arg9[%dma_start3A_122] : memref<3x!tpu.dma_semaphore, #tpu.memory_space<semaphore_mem>> -> memref<1x!tpu.dma_semaphore, #tpu.memory_space<semaphore_mem>>
    %dma_start3A_134 = tpu.memref_squeeze %dma_start3A_133 : memref<1x!tpu.dma_semaphore, #tpu.memory_space<semaphore_mem>> -> memref<!tpu.dma_semaphore, #tpu.memory_space<semaphore_mem>>
    tpu.enqueue_indirect_dma source(%dma_start3A_132 : memref<8192x1024xf32, #tpu.memory_space<hbm>>) target(%dma_start3A_126 : memref<8x1024xf32, #tpu.memory_space<vmem>>) offsets(%dma_start3A_129 : memref<8xi32, #tpu.memory_space<vmem>>) semaphore(%dma_start3A_134 : memref<!tpu.dma_semaphore, #tpu.memory_space<semaphore_mem>>)
    %dma_start3A_135 = arith.constant 2 : i32
    %dma_start3A_136 = arith.constant 1 : i32
    %dma_start3A_137 = arith.constant 1 : i32
    %dma_start3A_138 = arith.constant 16 : i32
    %dma_start3A_139 = arith.constant 0 : i32
    %dma_start3A_140 = tpu.memref_slice %arg8[%dma_start3A_136, %dma_start3A_138, %dma_start3A_139] : memref<3x32x1024xf32, #tpu.memory_space<vmem>> -> memref<1x8x1024xf32, #tpu.memory_space<vmem>>
    %dma_start3A_141 = tpu.memref_squeeze %dma_start3A_140 : memref<1x8x1024xf32, #tpu.memory_space<vmem>> -> memref<8x1024xf32, #tpu.memory_space<vmem>>
    %dma_start3A_142 = arith.constant 8 : i32
    %dma_start3A_143 = tpu.memref_slice %arg6[%dma_start3A_135, %dma_start3A_142] : memref<4x256xi32, #tpu.memory_space<vmem>> -> memref<1x8xi32, #tpu.memory_space<vmem>>
    %dma_start3A_144 = tpu.memref_squeeze %dma_start3A_143 : memref<1x8xi32, #tpu.memory_space<vmem>> -> memref<8xi32, #tpu.memory_space<vmem>>
    %dma_start3A_145 = arith.constant 0 : i32
    %dma_start3A_146 = arith.constant 0 : i32
    %dma_start3A_147 = tpu.memref_slice %arg3[%dma_start3A_145, %dma_start3A_146] : memref<8192x1024xf32, #tpu.memory_space<hbm>> -> memref<8192x1024xf32, #tpu.memory_space<hbm>>
    %dma_start3A_148 = tpu.memref_slice %arg9[%dma_start3A_137] : memref<3x!tpu.dma_semaphore, #tpu.memory_space<semaphore_mem>> -> memref<1x!tpu.dma_semaphore, #tpu.memory_space<semaphore_mem>>
    %dma_start3A_149 = tpu.memref_squeeze %dma_start3A_148 : memref<1x!tpu.dma_semaphore, #tpu.memory_space<semaphore_mem>> -> memref<!tpu.dma_semaphore, #tpu.memory_space<semaphore_mem>>
    tpu.enqueue_indirect_dma source(%dma_start3A_147 : memref<8192x1024xf32, #tpu.memory_space<hbm>>) target(%dma_start3A_141 : memref<8x1024xf32, #tpu.memory_space<vmem>>) offsets(%dma_start3A_144 : memref<8xi32, #tpu.memory_space<vmem>>) semaphore(%dma_start3A_149 : memref<!tpu.dma_semaphore, #tpu.memory_space<semaphore_mem>>)
    %dma_start3A_150 = arith.constant 3 : i32
    %dma_start3A_151 = arith.constant 1 : i32
    %dma_start3A_152 = arith.constant 1 : i32
    %dma_start3A_153 = arith.constant 24 : i32
    %dma_start3A_154 = arith.constant 0 : i32
    %dma_start3A_155 = tpu.memref_slice %arg8[%dma_start3A_151, %dma_start3A_153, %dma_start3A_154] : memref<3x32x1024xf32, #tpu.memory_space<vmem>> -> memref<1x8x1024xf32, #tpu.memory_space<vmem>>
    %dma_start3A_156 = tpu.memref_squeeze %dma_start3A_155 : memref<1x8x1024xf32, #tpu.memory_space<vmem>> -> memref<8x1024xf32, #tpu.memory_space<vmem>>
    %dma_start3A_157 = arith.constant 8 : i32
    %dma_start3A_158 = tpu.memref_slice %arg6[%dma_start3A_150, %dma_start3A_157] : memref<4x256xi32, #tpu.memory_space<vmem>> -> memref<1x8xi32, #tpu.memory_space<vmem>>
    %dma_start3A_159 = tpu.memref_squeeze %dma_start3A_158 : memref<1x8xi32, #tpu.memory_space<vmem>> -> memref<8xi32, #tpu.memory_space<vmem>>
    %dma_start3A_160 = arith.constant 0 : i32
    %dma_start3A_161 = arith.constant 0 : i32
    %dma_start3A_162 = tpu.memref_slice %arg3[%dma_start3A_160, %dma_start3A_161] : memref<8192x1024xf32, #tpu.memory_space<hbm>> -> memref<8192x1024xf32, #tpu.memory_space<hbm>>
    %dma_start3A_163 = tpu.memref_slice %arg9[%dma_start3A_152] : memref<3x!tpu.dma_semaphore, #tpu.memory_space<semaphore_mem>> -> memref<1x!tpu.dma_semaphore, #tpu.memory_space<semaphore_mem>>
    %dma_start3A_164 = tpu.memref_squeeze %dma_start3A_163 : memref<1x!tpu.dma_semaphore, #tpu.memory_space<semaphore_mem>> -> memref<!tpu.dma_semaphore, #tpu.memory_space<semaphore_mem>>
    tpu.enqueue_indirect_dma source(%dma_start3A_162 : memref<8192x1024xf32, #tpu.memory_space<hbm>>) target(%dma_start3A_156 : memref<8x1024xf32, #tpu.memory_space<vmem>>) offsets(%dma_start3A_159 : memref<8xi32, #tpu.memory_space<vmem>>) semaphore(%dma_start3A_164 : memref<!tpu.dma_semaphore, #tpu.memory_space<semaphore_mem>>)
    %scan3A = arith.constant 0 : i32
    %scan3A_165 = arith.constant 0 : i32
    %scan3A_166 = arith.constant 32 : i32
    %scan3A_167 = arith.addi %scan3A_165, %scan3A_166 : i32
    %scan3A_168 = arith.constant 1 : i32
    scf.for %scan3A_226 = %scan3A_165 to %scan3A_167 step %scan3A_168  : i32 {
      %rem3A = arith.constant 3 : i32
      %rem3A_227 = arith.remsi %scan3A_226, %rem3A : i32
      %add3A_228 = arith.constant 2 : i32
      %add3A_229 = arith.addi %scan3A_226, %add3A_228 : i32
      %rem3A_230 = arith.constant 3 : i32
      %rem3A_231 = arith.remsi %add3A_229, %rem3A_230 : i32
      %dma_wait3A_232 = arith.constant 0 : i32
      %dma_wait3A_233 = arith.constant 0 : i32
      %dma_wait3A_234 = tpu.memref_slice %arg7[%rem3A_227, %dma_wait3A_232, %dma_wait3A_233] : memref<3x8x1024xf32, #tpu.memory_space<vmem>> -> memref<1x8x1024xf32, #tpu.memory_space<vmem>>
      %dma_wait3A_235 = tpu.memref_squeeze %dma_wait3A_234 : memref<1x8x1024xf32, #tpu.memory_space<vmem>> -> memref<8x1024xf32, #tpu.memory_space<vmem>>
      %dma_wait3A_236 = arith.constant 0 : i32
      %dma_wait3A_237 = tpu.memref_slice %arg4[%mul3A_2, %dma_wait3A_236] : memref<8192x1024xf32, #tpu.memory_space<hbm>> -> memref<8x1024xf32, #tpu.memory_space<hbm>>
      %dma_wait3A_238 = tpu.memref_slice %arg9[%rem3A_227] : memref<3x!tpu.dma_semaphore, #tpu.memory_space<semaphore_mem>> -> memref<1x!tpu.dma_semaphore, #tpu.memory_space<semaphore_mem>>
      %dma_wait3A_239 = tpu.memref_squeeze %dma_wait3A_238 : memref<1x!tpu.dma_semaphore, #tpu.memory_space<semaphore_mem>> -> memref<!tpu.dma_semaphore, #tpu.memory_space<semaphore_mem>>
      %dma_wait3A_240 = arith.constant 0 : i32
      %dma_wait3A_241 = arith.constant 0 : i32
      %dma_wait3A_242 = tpu.memref_slice %arg7[%rem3A_227, %dma_wait3A_240, %dma_wait3A_241] : memref<3x8x1024xf32, #tpu.memory_space<vmem>> -> memref<1x8x1024xf32, #tpu.memory_space<vmem>>
      %dma_wait3A_243 = tpu.memref_squeeze %dma_wait3A_242 : memref<1x8x1024xf32, #tpu.memory_space<vmem>> -> memref<8x1024xf32, #tpu.memory_space<vmem>>
      %dma_wait3A_244 = arith.constant 0 : i32
      %dma_wait3A_245 = tpu.memref_slice %arg4[%mul3A_2, %dma_wait3A_244] : memref<8192x1024xf32, #tpu.memory_space<hbm>> -> memref<8x1024xf32, #tpu.memory_space<hbm>>
      tpu.wait_dma2 semaphore(%dma_wait3A_239 : memref<!tpu.dma_semaphore, #tpu.memory_space<semaphore_mem>>) src(%dma_wait3A_245 : memref<8x1024xf32, #tpu.memory_space<hbm>>) dst(%dma_wait3A_243 : memref<8x1024xf32, #tpu.memory_space<vmem>>)
      %dma_wait3A_246 = arith.constant 0 : i32
      %dma_wait3A_247 = arith.constant 0 : i32
      %dma_wait3A_248 = arith.constant 0 : i32
      %dma_wait3A_249 = tpu.memref_slice %arg8[%rem3A_227, %dma_wait3A_247, %dma_wait3A_248] : memref<3x32x1024xf32, #tpu.memory_space<vmem>> -> memref<1x32x1024xf32, #tpu.memory_space<vmem>>
      %dma_wait3A_250 = tpu.memref_squeeze %dma_wait3A_249 : memref<1x32x1024xf32, #tpu.memory_space<vmem>> -> memref<32x1024xf32, #tpu.memory_space<vmem>>
      %dma_wait3A_251 = arith.constant 0 : i32
      %dma_wait3A_252 = tpu.memref_slice %arg6[%dma_wait3A_246, %dma_wait3A_251] : memref<4x256xi32, #tpu.memory_space<vmem>> -> memref<1x32xi32, #tpu.memory_space<vmem>>
      %dma_wait3A_253 = tpu.memref_squeeze %dma_wait3A_252 : memref<1x32xi32, #tpu.memory_space<vmem>> -> memref<32xi32, #tpu.memory_space<vmem>>
      %dma_wait3A_254 = arith.constant 0 : i32
      %dma_wait3A_255 = arith.constant 0 : i32
      %dma_wait3A_256 = tpu.memref_slice %arg3[%dma_wait3A_254, %dma_wait3A_255] : memref<8192x1024xf32, #tpu.memory_space<hbm>> -> memref<8192x1024xf32, #tpu.memory_space<hbm>>
      %dma_wait3A_257 = tpu.memref_slice %arg9[%rem3A_227] : memref<3x!tpu.dma_semaphore, #tpu.memory_space<semaphore_mem>> -> memref<1x!tpu.dma_semaphore, #tpu.memory_space<semaphore_mem>>
      %dma_wait3A_258 = tpu.memref_squeeze %dma_wait3A_257 : memref<1x!tpu.dma_semaphore, #tpu.memory_space<semaphore_mem>> -> memref<!tpu.dma_semaphore, #tpu.memory_space<semaphore_mem>>
      tpu.wait_indirect_dma semaphore(%dma_wait3A_258 : memref<!tpu.dma_semaphore, #tpu.memory_space<semaphore_mem>>) src(%dma_wait3A_256 : memref<8192x1024xf32, #tpu.memory_space<hbm>>) dst(%dma_wait3A_250 : memref<32x1024xf32, #tpu.memory_space<vmem>>)
      %scan3A_259 = arith.constant 0 : i32
      %scan3A_260 = arith.constant 0 : i32
      %scan3A_261 = arith.constant 8 : i32
      %scan3A_262 = arith.addi %scan3A_260, %scan3A_261 : i32
      %scan3A_263 = arith.constant 1 : i32
      scf.for %scan3A_340 = %scan3A_260 to %scan3A_262 step %scan3A_263  : i32 {
        %get3A = arith.index_cast %rem3A_227 : i32 to index
        %get3A_341 = arith.index_cast %scan3A_340 : i32 to index
        %get3A_342 = arith.constant 0 : index
        %get3A_343 = tpu.vector_load %arg7[%get3A, %get3A_341, %get3A_342] {strides = array<i32>} : memref<3x8x1024xf32, #tpu.memory_space<vmem>>, vector<1x1x16xf32>,
        %get3A_344 = vector.shape_cast %get3A_343 : vector<1x1x16xf32> to vector<16xf32>
        %add3A_345 = arith.constant 0 : i32
        %add3A_346 = arith.addi %add3A_345, %scan3A_340 : i32
        %get3A_347 = arith.index_cast %rem3A_227 : i32 to index
        %get3A_348 = arith.index_cast %add3A_346 : i32 to index
        %get3A_349 = arith.constant 0 : index
        %get3A_350 = tpu.vector_load %arg8[%get3A_347, %get3A_348, %get3A_349] {strides = array<i32>} : memref<3x32x1024xf32, #tpu.memory_space<vmem>>, vector<1x1x16xf32>,
        %get3A_351 = vector.shape_cast %get3A_350 : vector<1x1x16xf32> to vector<16xf32>
        %add3A_352 = arith.addf %get3A_351, %get3A_344 : vector<16xf32>
        %swap3A = arith.index_cast %rem3A_227 : i32 to index
        %swap3A_353 = arith.index_cast %add3A_346 : i32 to index
        %swap3A_354 = arith.constant 0 : index
        %swap3A_355 = tpu.vector_load %arg8[%swap3A, %swap3A_353, %swap3A_354] {strides = array<i32>} : memref<3x32x1024xf32, #tpu.memory_space<vmem>>, vector<1x1x16xf32>,
        %swap3A_356 = vector.shape_cast %swap3A_355 : vector<1x1x16xf32> to vector<16xf32>
        %swap3A_357 = vector.shape_cast %add3A_352 : vector<16xf32> to vector<1x1x16xf32>
        tpu.vector_store %arg8[%swap3A, %swap3A_353, %swap3A_354], %swap3A_357 {strides = array<i32>} : memref<3x32x1024xf32, #tpu.memory_space<vmem>>, vector<1x1x16xf32>,
        %add3A_358 = arith.constant 8 : i32
        %add3A_359 = arith.addi %add3A_358, %scan3A_340 : i32
        %get3A_360 = arith.index_cast %rem3A_227 : i32 to index
        %get3A_361 = arith.index_cast %add3A_359 : i32 to index
        %get3A_362 = arith.constant 0 : index
        %get3A_363 = tpu.vector_load %arg8[%get3A_360, %get3A_361, %get3A_362] {strides = array<i32>} : memref<3x32x1024xf32, #tpu.memory_space<vmem>>, vector<1x1x16xf32>,
        %get3A_364 = vector.shape_cast %get3A_363 : vector<1x1x16xf32> to vector<16xf32>
        %add3A_365 = arith.addf %get3A_364, %get3A_344 : vector<16xf32>
        %swap3A_366 = arith.index_cast %rem3A_227 : i32 to index
        %swap3A_367 = arith.index_cast %add3A_359 : i32 to index
        %swap3A_368 = arith.constant 0 : index
        %swap3A_369 = tpu.vector_load %arg8[%swap3A_366, %swap3A_367, %swap3A_368] {strides = array<i32>} : memref<3x32x1024xf32, #tpu.memory_space<vmem>>, vector<1x1x16xf32>,
        %swap3A_370 = vector.shape_cast %swap3A_369 : vector<1x1x16xf32> to vector<16xf32>
        %swap3A_371 = vector.shape_cast %add3A_365 : vector<16xf32> to vector<1x1x16xf32>
        tpu.vector_store %arg8[%swap3A_366, %swap3A_367, %swap3A_368], %swap3A_371 {strides = array<i32>} : memref<3x32x1024xf32, #tpu.memory_space<vmem>>, vector<1x1x16xf32>,
        %add3A_372 = arith.constant 16 : i32
        %add3A_373 = arith.addi %add3A_372, %scan3A_340 : i32
        %get3A_374 = arith.index_cast %rem3A_227 : i32 to index
        %get3A_375 = arith.index_cast %add3A_373 : i32 to index
        %get3A_376 = arith.constant 0 : index
        %get3A_377 = tpu.vector_load %arg8[%get3A_374, %get3A_375, %get3A_376] {strides = array<i32>} : memref<3x32x1024xf32, #tpu.memory_space<vmem>>, vector<1x1x16xf32>,
        %get3A_378 = vector.shape_cast %get3A_377 : vector<1x1x16xf32> to vector<16xf32>
        %add3A_379 = arith.addf %get3A_378, %get3A_344 : vector<16xf32>
        %swap3A_380 = arith.index_cast %rem3A_227 : i32 to index
        %swap3A_381 = arith.index_cast %add3A_373 : i32 to index
        %swap3A_382 = arith.constant 0 : index
        %swap3A_383 = tpu.vector_load %arg8[%swap3A_380, %swap3A_381, %swap3A_382] {strides = array<i32>} : memref<3x32x1024xf32, #tpu.memory_space<vmem>>, vector<1x1x16xf32>,
        %swap3A_384 = vector.shape_cast %swap3A_383 : vector<1x1x16xf32> to vector<16xf32>
        %swap3A_385 = vector.shape_cast %add3A_379 : vector<16xf32> to vector<1x1x16xf32>
        tpu.vector_store %arg8[%swap3A_380, %swap3A_381, %swap3A_382], %swap3A_385 {strides = array<i32>} : memref<3x32x1024xf32, #tpu.memory_space<vmem>>, vector<1x1x16xf32>,
        %add3A_386 = arith.constant 24 : i32
        %add3A_387 = arith.addi %add3A_386, %scan3A_340 : i32
        %get3A_388 = arith.index_cast %rem3A_227 : i32 to index
        %get3A_389 = arith.index_cast %add3A_387 : i32 to index
        %get3A_390 = arith.constant 0 : index
        %get3A_391 = tpu.vector_load %arg8[%get3A_388, %get3A_389, %get3A_390] {strides = array<i32>} : memref<3x32x1024xf32, #tpu.memory_space<vmem>>, vector<1x1x16xf32>,
        %get3A_392 = vector.shape_cast %get3A_391 : vector<1x1x16xf32> to vector<16xf32>
        %add3A_393 = arith.addf %get3A_392, %get3A_344 : vector<16xf32>
        %swap3A_394 = arith.index_cast %rem3A_227 : i32 to index
        %swap3A_395 = arith.index_cast %add3A_387 : i32 to index
        %swap3A_396 = arith.constant 0 : index
        %swap3A_397 = tpu.vector_load %arg8[%swap3A_394, %swap3A_395, %swap3A_396] {strides = array<i32>} : memref<3x32x1024xf32, #tpu.memory_space<vmem>>, vector<1x1x16xf32>,
        %swap3A_398 = vector.shape_cast %swap3A_397 : vector<1x1x16xf32> to vector<16xf32>
        %swap3A_399 = vector.shape_cast %add3A_393 : vector<16xf32> to vector<1x1x16xf32>
        tpu.vector_store %arg8[%swap3A_394, %swap3A_395, %swap3A_396], %swap3A_399 {strides = array<i32>} : memref<3x32x1024xf32, #tpu.memory_space<vmem>>, vector<1x1x16xf32>,
        %get3A_400 = arith.index_cast %rem3A_227 : i32 to index
        %get3A_401 = arith.index_cast %scan3A_340 : i32 to index
        %get3A_402 = arith.constant 16 : index
        %get3A_403 = tpu.vector_load %arg7[%get3A_400, %get3A_401, %get3A_402] {strides = array<i32>} : memref<3x8x1024xf32, #tpu.memory_space<vmem>>, vector<1x1x16xf32>,
        %get3A_404 = vector.shape_cast %get3A_403 : vector<1x1x16xf32> to vector<16xf32>
        %add3A_405 = arith.constant 0 : i32
        %add3A_406 = arith.addi %add3A_405, %scan3A_340 : i32
        %get3A_407 = arith.index_cast %rem3A_227 : i32 to index
        %get3A_408 = arith.index_cast %add3A_406 : i32 to index
        %get3A_409 = arith.constant 16 : index
        %get3A_410 = tpu.vector_load %arg8[%get3A_407, %get3A_408, %get3A_409] {strides = array<i32>} : memref<3x32x1024xf32, #tpu.memory_space<vmem>>, vector<1x1x16xf32>,
        %get3A_411 = vector.shape_cast %get3A_410 : vector<1x1x16xf32> to vector<16xf32>
        %add3A_412 = arith.addf %get3A_411, %get3A_404 : vector<16xf32>
        %swap3A_413 = arith.index_cast %rem3A_227 : i32 to index
        %swap3A_414 = arith.index_cast %add3A_406 : i32 to index
        %swap3A_415 = arith.constant 16 : index
        %swap3A_416 = tpu.vector_load %arg8[%swap3A_413, %swap3A_414, %swap3A_415] {strides = array<i32>} : memref<3x32x1024xf32, #tpu.memory_space<vmem>>, vector<1x1x16xf32>,
        %swap3A_417 = vector.shape_cast %swap3A_416 : vector<1x1x16xf32> to vector<16xf32>
        %swap3A_418 = vector.shape_cast %add3A_412 : vector<16xf32> to vector<1x1x16xf32>
        tpu.vector_store %arg8[%swap3A_413, %swap3A_414, %swap3A_415], %swap3A_418 {strides = array<i32>} : memref<3x32x1024xf32, #tpu.memory_space<vmem>>, vector<1x1x16xf32>,
        %add3A_419 = arith.constant 8 : i32
        %add3A_420 = arith.addi %add3A_419, %scan3A_340 : i32
        %get3A_421 = arith.index_cast %rem3A_227 : i32 to index
        %get3A_422 = arith.index_cast %add3A_420 : i32 to index
        %get3A_423 = arith.constant 16 : index
        %get3A_424 = tpu.vector_load %arg8[%get3A_421, %get3A_422, %get3A_423] {strides = array<i32>} : memref<3x32x1024xf32, #tpu.memory_space<vmem>>, vector<1x1x16xf32>,
        %get3A_425 = vector.shape_cast %get3A_424 : vector<1x1x16xf32> to vector<16xf32>
        %add3A_426 = arith.addf %get3A_425, %get3A_404 : vector<16xf32>
        %swap3A_427 = arith.index_cast %rem3A_227 : i32 to index
        %swap3A_428 = arith.index_cast %add3A_420 : i32 to index
        %swap3A_429 = arith.constant 16 : index
        %swap3A_430 = tpu.vector_load %arg8[%swap3A_427, %swap3A_428, %swap3A_429] {strides = array<i32>} : memref<3x32x1024xf32, #tpu.memory_space<vmem>>, vector<1x1x16xf32>,
        %swap3A_431 = vector.shape_cast %swap3A_430 : vector<1x1x16xf32> to vector<16xf32>
        %swap3A_432 = vector.shape_cast %add3A_426 : vector<16xf32> to vector<1x1x16xf32>
        tpu.vector_store %arg8[%swap3A_427, %swap3A_428, %swap3A_429], %swap3A_432 {strides = array<i32>} : memref<3x32x1024xf32, #tpu.memory_space<vmem>>, vector<1x1x16xf32>,
        %add3A_433 = arith.constant 16 : i32
        %add3A_434 = arith.addi %add3A_433, %scan3A_340 : i32
        %get3A_435 = arith.index_cast %rem3A_227 : i32 to index
        %get3A_436 = arith.index_cast %add3A_434 : i32 to index
        %get3A_437 = arith.constant 16 : index
        %get3A_438 = tpu.vector_load %arg8[%get3A_435, %get3A_436, %get3A_437] {strides = array<i32>} : memref<3x32x1024xf32, #tpu.memory_space<vmem>>, vector<1x1x16xf32>,
        %get3A_439 = vector.shape_cast %get3A_438 : vector<1x1x16xf32> to vector<16xf32>
        %add3A_440 = arith.addf %get3A_439, %get3A_404 : vector<16xf32>
        %swap3A_441 = arith.index_cast %rem3A_227 : i32 to index
        %swap3A_442 = arith.index_cast %add3A_434 : i32 to index
        %swap3A_443 = arith.constant 16 : index
        %swap3A_444 = tpu.vector_load %arg8[%swap3A_441, %swap3A_442, %swap3A_443] {strides = array<i32>} : memref<3x32x1024xf32, #tpu.memory_space<vmem>>, vector<1x1x16xf32>,
        %swap3A_445 = vector.shape_cast %swap3A_444 : vector<1x1x16xf32> to vector<16xf32>
        %swap3A_446 = vector.shape_cast %add3A_440 : vector<16xf32> to vector<1x1x16xf32>
        tpu.vector_store %arg8[%swap3A_441, %swap3A_442, %swap3A_443], %swap3A_446 {strides = array<i32>} : memref<3x32x1024xf32, #tpu.memory_space<vmem>>, vector<1x1x16xf32>,
        %add3A_447 = arith.constant 24 : i32
        %add3A_448 = arith.addi %add3A_447, %scan3A_340 : i32
        %get3A_449 = arith.index_cast %rem3A_227 : i32 to index
        %get3A_450 = arith.index_cast %add3A_448 : i32 to index
        %get3A_451 = arith.constant 16 : index
        %get3A_452 = tpu.vector_load %arg8[%get3A_449, %get3A_450, %get3A_451] {strides = array<i32>} : memref<3x32x1024xf32, #tpu.memory_space<vmem>>, vector<1x1x16xf32>,
        %get3A_453 = vector.shape_cast %get3A_452 : vector<1x1x16xf32> to vector<16xf32>
        %add3A_454 = arith.addf %get3A_453, %get3A_404 : vector<16xf32>
        %swap3A_455 = arith.index_cast %rem3A_227 : i32 to index
        %swap3A_456 = arith.index_cast %add3A_448 : i32 to index
        %swap3A_457 = arith.constant 16 : index
        %swap3A_458 = tpu.vector_load %arg8[%swap3A_455, %swap3A_456, %swap3A_457] {strides = array<i32>} : memref<3x32x1024xf32, #tpu.memory_space<vmem>>, vector<1x1x16xf32>,
        %swap3A_459 = vector.shape_cast %swap3A_458 : vector<1x1x16xf32> to vector<16xf32>
        %swap3A_460 = vector.shape_cast %add3A_454 : vector<16xf32> to vector<1x1x16xf32>
        tpu.vector_store %arg8[%swap3A_455, %swap3A_456, %swap3A_457], %swap3A_460 {strides = array<i32>} : memref<3x32x1024xf32, #tpu.memory_space<vmem>>, vector<1x1x16xf32>,
        %get3A_461 = arith.index_cast %rem3A_227 : i32 to index
        %get3A_462 = arith.index_cast %scan3A_340 : i32 to index
        %get3A_463 = arith.constant 32 : index
        %get3A_464 = tpu.vector_load %arg7[%get3A_461, %get3A_462, %get3A_463] {strides = array<i32>} : memref<3x8x1024xf32, #tpu.memory_space<vmem>>, vector<1x1x16xf32>,
        %get3A_465 = vector.shape_cast %get3A_464 : vector<1x1x16xf32> to vector<16xf32>
        %add3A_466 = arith.constant 0 : i32
        %add3A_467 = arith.addi %add3A_466, %scan3A_340 : i32
        %get3A_468 = arith.index_cast %rem3A_227 : i32 to index
        %get3A_469 = arith.index_cast %add3A_467 : i32 to index
        %get3A_470 = arith.constant 32 : index
        %get3A_471 = tpu.vector_load %arg8[%get3A_468, %get3A_469, %get3A_470] {strides = array<i32>} : memref<3x32x1024xf32, #tpu.memory_space<vmem>>, vector<1x1x16xf32>,
        %get3A_472 = vector.shape_cast %get3A_471 : vector<1x1x16xf32> to vector<16xf32>
        %add3A_473 = arith.addf %get3A_472, %get3A_465 : vector<16xf32>
        %swap3A_474 = arith.index_cast %rem3A_227 : i32 to index
        %swap3A_475 = arith.index_cast %add3A_467 : i32 to index
        %swap3A_476 = arith.constant 32 : index
        %swap3A_477 = tpu.vector_load %arg8[%swap3A_474, %swap3A_475, %swap3A_476] {strides = array<i32>} : memref<3x32x1024xf32, #tpu.memory_space<vmem>>, vector<1x1x16xf32>,
        %swap3A_478 = vector.shape_cast %swap3A_477 : vector<1x1x16xf32> to vector<16xf32>
        %swap3A_479 = vector.shape_cast %add3A_473 : vector<16xf32> to vector<1x1x16xf32>
        tpu.vector_store %arg8[%swap3A_474, %swap3A_475, %swap3A_476], %swap3A_479 {strides = array<i32>} : memref<3x32x1024xf32, #tpu.memory_space<vmem>>, vector<1x1x16xf32>,
        %add3A_480 = arith.constant 8 : i32
        %add3A_481 = arith.addi %add3A_480, %scan3A_340 : i32
        %get3A_482 = arith.index_cast %rem3A_227 : i32 to index
        %get3A_483 = arith.index_cast %add3A_481 : i32 to index
        %get3A_484 = arith.constant 32 : index
        %get3A_485 = tpu.vector_load %arg8[%get3A_482, %get3A_483, %get3A_484] {strides = array<i32>} : memref<3x32x1024xf32, #tpu.memory_space<vmem>>, vector<1x1x16xf32>,
        %get3A_486 = vector.shape_cast %get3A_485 : vector<1x1x16xf32> to vector<16xf32>
        %add3A_487 = arith.addf %get3A_486, %get3A_465 : vector<16xf32>
        %swap3A_488 = arith.index_cast %rem3A_227 : i32 to index
        %swap3A_489 = arith.index_cast %add3A_481 : i32 to index
        %swap3A_490 = arith.constant 32 : index
        %swap3A_491 = tpu.vector_load %arg8[%swap3A_488, %swap3A_489, %swap3A_490] {strides = array<i32>} : memref<3x32x1024xf32, #tpu.memory_space<vmem>>, vector<1x1x16xf32>,
        %swap3A_492 = vector.shape_cast %swap3A_491 : vector<1x1x16xf32> to vector<16xf32>
        %swap3A_493 = vector.shape_cast %add3A_487 : vector<16xf32> to vector<1x1x16xf32>
        tpu.vector_store %arg8[%swap3A_488, %swap3A_489, %swap3A_490], %swap3A_493 {strides = array<i32>} : memref<3x32x1024xf32, #tpu.memory_space<vmem>>, vector<1x1x16xf32>,
        %add3A_494 = arith.constant 16 : i32
        %add3A_495 = arith.addi %add3A_494, %scan3A_340 : i32
        %get3A_496 = arith.index_cast %rem3A_227 : i32 to index
        %get3A_497 = arith.index_cast %add3A_495 : i32 to index
        %get3A_498 = arith.constant 32 : index
        %get3A_499 = tpu.vector_load %arg8[%get3A_496, %get3A_497, %get3A_498] {strides = array<i32>} : memref<3x32x1024xf32, #tpu.memory_space<vmem>>, vector<1x1x16xf32>,
        %get3A_500 = vector.shape_cast %get3A_499 : vector<1x1x16xf32> to vector<16xf32>
        %add3A_501 = arith.addf %get3A_500, %get3A_465 : vector<16xf32>
        %swap3A_502 = arith.index_cast %rem3A_227 : i32 to index
        %swap3A_503 = arith.index_cast %add3A_495 : i32 to index
        %swap3A_504 = arith.constant 32 : index
        %swap3A_505 = tpu.vector_load %arg8[%swap3A_502, %swap3A_503, %swap3A_504] {strides = array<i32>} : memref<3x32x1024xf32, #tpu.memory_space<vmem>>, vector<1x1x16xf32>,
        %swap3A_506 = vector.shape_cast %swap3A_505 : vector<1x1x16xf32> to vector<16xf32>
        %swap3A_507 = vector.shape_cast %add3A_501 : vector<16xf32> to vector<1x1x16xf32>
        tpu.vector_store %arg8[%swap3A_502, %swap3A_503, %swap3A_504], %swap3A_507 {strides = array<i32>} : memref<3x32x1024xf32, #tpu.memory_space<vmem>>, vector<1x1x16xf32>,
        %add3A_508 = arith.constant 24 : i32
        %add3A_509 = arith.addi %add3A_508, %scan3A_340 : i32
        %get3A_510 = arith.index_cast %rem3A_227 : i32 to index
        %get3A_511 = arith.index_cast %add3A_509 : i32 to index
        %get3A_512 = arith.constant 32 : index
        %get3A_513 = tpu.vector_load %arg8[%get3A_510, %get3A_511, %get3A_512] {strides = array<i32>} : memref<3x32x1024xf32, #tpu.memory_space<vmem>>, vector<1x1x16xf32>,
        %get3A_514 = vector.shape_cast %get3A_513 : vector<1x1x16xf32> to vector<16xf32>
        %add3A_515 = arith.addf %get3A_514, %get3A_465 : vector<16xf32>
        %swap3A_516 = arith.index_cast %rem3A_227 : i32 to index
        %swap3A_517 = arith.index_cast %add3A_509 : i32 to index
        %swap3A_518 = arith.constant 32 : index
        %swap3A_519 = tpu.vector_load %arg8[%swap3A_516, %swap3A_517, %swap3A_518] {strides = array<i32>} : memref<3x32x1024xf32, #tpu.memory_space<vmem>>, vector<1x1x16xf32>,
        %swap3A_520 = vector.shape_cast %swap3A_519 : vector<1x1x16xf32> to vector<16xf32>
        %swap3A_521 = vector.shape_cast %add3A_515 : vector<16xf32> to vector<1x1x16xf32>
        tpu.vector_store %arg8[%swap3A_516, %swap3A_517, %swap3A_518], %swap3A_521 {strides = array<i32>} : memref<3x32x1024xf32, #tpu.memory_space<vmem>>, vector<1x1x16xf32>,
        %get3A_522 = arith.index_cast %rem3A_227 : i32 to index
        %get3A_523 = arith.index_cast %scan3A_340 : i32 to index
        %get3A_524 = arith.constant 48 : index
        %get3A_525 = tpu.vector_load %arg7[%get3A_522, %get3A_523, %get3A_524] {strides = array<i32>} : memref<3x8x1024xf32, #tpu.memory_space<vmem>>, vector<1x1x16xf32>,
        %get3A_526 = vector.shape_cast %get3A_525 : vector<1x1x16xf32> to vector<16xf32>
        %add3A_527 = arith.constant 0 : i32
        %add3A_528 = arith.addi %add3A_527, %scan3A_340 : i32
        %get3A_529 = arith.index_cast %rem3A_227 : i32 to index
        %get3A_530 = arith.index_cast %add3A_528 : i32 to index
        %get3A_531 = arith.constant 48 : index
        %get3A_532 = tpu.vector_load %arg8[%get3A_529, %get3A_530, %get3A_531] {strides = array<i32>} : memref<3x32x1024xf32, #tpu.memory_space<vmem>>, vector<1x1x16xf32>,
        %get3A_533 = vector.shape_cast %get3A_532 : vector<1x1x16xf32> to vector<16xf32>
        %add3A_534 = arith.addf %get3A_533, %get3A_526 : vector<16xf32>
        %swap3A_535 = arith.index_cast %rem3A_227 : i32 to index
        %swap3A_536 = arith.index_cast %add3A_528 : i32 to index
        %swap3A_537 = arith.constant 48 : index
        %swap3A_538 = tpu.vector_load %arg8[%swap3A_535, %swap3A_536, %swap3A_537] {strides = array<i32>} : memref<3x32x1024xf32, #tpu.memory_space<vmem>>, vector<1x1x16xf32>,
        %swap3A_539 = vector.shape_cast %swap3A_538 : vector<1x1x16xf32> to vector<16xf32>
        %swap3A_540 = vector.shape_cast %add3A_534 : vector<16xf32> to vector<1x1x16xf32>
        tpu.vector_store %arg8[%swap3A_535, %swap3A_536, %swap3A_537], %swap3A_540 {strides = array<i32>} : memref<3x32x1024xf32, #tpu.memory_space<vmem>>, vector<1x1x16xf32>,
        %add3A_541 = arith.constant 8 : i32
        %add3A_542 = arith.addi %add3A_541, %scan3A_340 : i32
        %get3A_543 = arith.index_cast %rem3A_227 : i32 to index
        %get3A_544 = arith.index_cast %add3A_542 : i32 to index
        %get3A_545 = arith.constant 48 : index
        %get3A_546 = tpu.vector_load %arg8[%get3A_543, %get3A_544, %get3A_545] {strides = array<i32>} : memref<3x32x1024xf32, #tpu.memory_space<vmem>>, vector<1x1x16xf32>,
        %get3A_547 = vector.shape_cast %get3A_546 : vector<1x1x16xf32> to vector<16xf32>
        %add3A_548 = arith.addf %get3A_547, %get3A_526 : vector<16xf32>
        %swap3A_549 = arith.index_cast %rem3A_227 : i32 to index
        %swap3A_550 = arith.index_cast %add3A_542 : i32 to index
        %swap3A_551 = arith.constant 48 : index
        %swap3A_552 = tpu.vector_load %arg8[%swap3A_549, %swap3A_550, %swap3A_551] {strides = array<i32>} : memref<3x32x1024xf32, #tpu.memory_space<vmem>>, vector<1x1x16xf32>,
        %swap3A_553 = vector.shape_cast %swap3A_552 : vector<1x1x16xf32> to vector<16xf32>
        %swap3A_554 = vector.shape_cast %add3A_548 : vector<16xf32> to vector<1x1x16xf32>
        tpu.vector_store %arg8[%swap3A_549, %swap3A_550, %swap3A_551], %swap3A_554 {strides = array<i32>} : memref<3x32x1024xf32, #tpu.memory_space<vmem>>, vector<1x1x16xf32>,
        %add3A_555 = arith.constant 16 : i32
        %add3A_556 = arith.addi %add3A_555, %scan3A_340 : i32
        %get3A_557 = arith.index_cast %rem3A_227 : i32 to index
        %get3A_558 = arith.index_cast %add3A_556 : i32 to index
        %get3A_559 = arith.constant 48 : index
        %get3A_560 = tpu.vector_load %arg8[%get3A_557, %get3A_558, %get3A_559] {strides = array<i32>} : memref<3x32x1024xf32, #tpu.memory_space<vmem>>, vector<1x1x16xf32>,
        %get3A_561 = vector.shape_cast %get3A_560 : vector<1x1x16xf32> to vector<16xf32>
        %add3A_562 = arith.addf %get3A_561, %get3A_526 : vector<16xf32>
        %swap3A_563 = arith.index_cast %rem3A_227 : i32 to index
        %swap3A_564 = arith.index_cast %add3A_556 : i32 to index
        %swap3A_565 = arith.constant 48 : index
        %swap3A_566 = tpu.vector_load %arg8[%swap3A_563, %swap3A_564, %swap3A_565] {strides = array<i32>} : memref<3x32x1024xf32, #tpu.memory_space<vmem>>, vector<1x1x16xf32>,
        %swap3A_567 = vector.shape_cast %swap3A_566 : vector<1x1x16xf32> to vector<16xf32>
        %swap3A_568 = vector.shape_cast %add3A_562 : vector<16xf32> to vector<1x1x16xf32>
        tpu.vector_store %arg8[%swap3A_563, %swap3A_564, %swap3A_565], %swap3A_568 {strides = array<i32>} : memref<3x32x1024xf32, #tpu.memory_space<vmem>>, vector<1x1x16xf32>,
        %add3A_569 = arith.constant 24 : i32
        %add3A_570 = arith.addi %add3A_569, %scan3A_340 : i32
        %get3A_571 = arith.index_cast %rem3A_227 : i32 to index
        %get3A_572 = arith.index_cast %add3A_570 : i32 to index
        %get3A_573 = arith.constant 48 : index
        %get3A_574 = tpu.vector_load %arg8[%get3A_571, %get3A_572, %get3A_573] {strides = array<i32>} : memref<3x32x1024xf32, #tpu.memory_space<vmem>>, vector<1x1x16xf32>,
        %get3A_575 = vector.shape_cast %get3A_574 : vector<1x1x16xf32> to vector<16xf32>
        %add3A_576 = arith.addf %get3A_575, %get3A_526 : vector<16xf32>
        %swap3A_577 = arith.index_cast %rem3A_227 : i32 to index
        %swap3A_578 = arith.index_cast %add3A_570 : i32 to index
        %swap3A_579 = arith.constant 48 : index
        %swap3A_580 = tpu.vector_load %arg8[%swap3A_577, %swap3A_578, %swap3A_579] {strides = array<i32>} : memref<3x32x1024xf32, #tpu.memory_space<vmem>>, vector<1x1x16xf32>,
        %swap3A_581 = vector.shape_cast %swap3A_580 : vector<1x1x16xf32> to vector<16xf32>
        %swap3A_582 = vector.shape_cast %add3A_576 : vector<16xf32> to vector<1x1x16xf32>
        tpu.vector_store %arg8[%swap3A_577, %swap3A_578, %swap3A_579], %swap3A_582 {strides = array<i32>} : memref<3x32x1024xf32, #tpu.memory_space<vmem>>, vector<1x1x16xf32>,
        %get3A_583 = arith.index_cast %rem3A_227 : i32 to index
        %get3A_584 = arith.index_cast %scan3A_340 : i32 to index
        %get3A_585 = arith.constant 64 : index
        %get3A_586 = tpu.vector_load %arg7[%get3A_583, %get3A_584, %get3A_585] {strides = array<i32>} : memref<3x8x1024xf32, #tpu.memory_space<vmem>>, vector<1x1x16xf32>,
        %get3A_587 = vector.shape_cast %get3A_586 : vector<1x1x16xf32> to vector<16xf32>
        %add3A_588 = arith.constant 0 : i32
        %add3A_589 = arith.addi %add3A_588, %scan3A_340 : i32
        %get3A_590 = arith.index_cast %rem3A_227 : i32 to index
        %get3A_591 = arith.index_cast %add3A_589 : i32 to index
        %get3A_592 = arith.constant 64 : index
        %get3A_593 = tpu.vector_load %arg8[%get3A_590, %get3A_591, %get3A_592] {strides = array<i32>} : memref<3x32x1024xf32, #tpu.memory_space<vmem>>, vector<1x1x16xf32>,
        %get3A_594 = vector.shape_cast %get3A_593 : vector<1x1x16xf32> to vector<16xf32>
        %add3A_595 = arith.addf %get3A_594, %get3A_587 : vector<16xf32>
        %swap3A_596 = arith.index_cast %rem3A_227 : i32 to index
        %swap3A_597 = arith.index_cast %add3A_589 : i32 to index
        %swap3A_598 = arith.constant 64 : index
        %swap3A_599 = tpu.vector_load %arg8[%swap3A_596, %swap3A_597, %swap3A_598] {strides = array<i32>} : memref<3x32x1024xf32, #tpu.memory_space<vmem>>, vector<1x1x16xf32>,
        %swap3A_600 = vector.shape_cast %swap3A_599 : vector<1x1x16xf32> to vector<16xf32>
        %swap3A_601 = vector.shape_cast %add3A_595 : vector<16xf32> to vector<1x1x16xf32>
        tpu.vector_store %arg8[%swap3A_596, %swap3A_597, %swap3A_598], %swap3A_601 {strides = array<i32>} : memref<3x32x1024xf32, #tpu.memory_space<vmem>>, vector<1x1x16xf32>,
        %add3A_602 = arith.constant 8 : i32
        %add3A_603 = arith.addi %add3A_602, %scan3A_340 : i32
        %get3A_604 = arith.index_cast %rem3A_227 : i32 to index
        %get3A_605 = arith.index_cast %add3A_603 : i32 to index
        %get3A_606 = arith.constant 64 : index
        %get3A_607 = tpu.vector_load %arg8[%get3A_604, %get3A_605, %get3A_606] {strides = array<i32>} : memref<3x32x1024xf32, #tpu.memory_space<vmem>>, vector<1x1x16xf32>,
        %get3A_608 = vector.shape_cast %get3A_607 : vector<1x1x16xf32> to vector<16xf32>
        %add3A_609 = arith.addf %get3A_608, %get3A_587 : vector<16xf32>
        %swap3A_610 = arith.index_cast %rem3A_227 : i32 to index
        %swap3A_611 = arith.index_cast %add3A_603 : i32 to index
        %swap3A_612 = arith.constant 64 : index
        %swap3A_613 = tpu.vector_load %arg8[%swap3A_610, %swap3A_611, %swap3A_612] {strides = array<i32>} : memref<3x32x1024xf32, #tpu.memory_space<vmem>>, vector<1x1x16xf32>,
        %swap3A_614 = vector.shape_cast %swap3A_613 : vector<1x1x16xf32> to vector<16xf32>
        %swap3A_615 = vector.shape_cast %add3A_609 : vector<16xf32> to vector<1x1x16xf32>
        tpu.vector_store %arg8[%swap3A_610, %swap3A_611, %swap3A_612], %swap3A_615 {strides = array<i32>} : memref<3x32x1024xf32, #tpu.memory_space<vmem>>, vector<1x1x16xf32>,
        %add3A_616 = arith.constant 16 : i32
        %add3A_617 = arith.addi %add3A_616, %scan3A_340 : i32
        %get3A_618 = arith.index_cast %rem3A_227 : i32 to index
        %get3A_619 = arith.index_cast %add3A_617 : i32 to index
        %get3A_620 = arith.constant 64 : index
        %get3A_621 = tpu.vector_load %arg8[%get3A_618, %get3A_619, %get3A_620] {strides = array<i32>} : memref<3x32x1024xf32, #tpu.memory_space<vmem>>, vector<1x1x16xf32>,
        %get3A_622 = vector.shape_cast %get3A_621 : vector<1x1x16xf32> to vector<16xf32>
        %add3A_623 = arith.addf %get3A_622, %get3A_587 : vector<16xf32>
        %swap3A_624 = arith.index_cast %rem3A_227 : i32 to index
        %swap3A_625 = arith.index_cast %add3A_617 : i32 to index
        %swap3A_626 = arith.constant 64 : index
        %swap3A_627 = tpu.vector_load %arg8[%swap3A_624, %swap3A_625, %swap3A_626] {strides = array<i32>} : memref<3x32x1024xf32, #tpu.memory_space<vmem>>, vector<1x1x16xf32>,
        %swap3A_628 = vector.shape_cast %swap3A_627 : vector<1x1x16xf32> to vector<16xf32>
        %swap3A_629 = vector.shape_cast %add3A_623 : vector<16xf32> to vector<1x1x16xf32>
        tpu.vector_store %arg8[%swap3A_624, %swap3A_625, %swap3A_626], %swap3A_629 {strides = array<i32>} : memref<3x32x1024xf32, #tpu.memory_space<vmem>>, vector<1x1x16xf32>,
        %add3A_630 = arith.constant 24 : i32
        %add3A_631 = arith.addi %add3A_630, %scan3A_340 : i32
        %get3A_632 = arith.index_cast %rem3A_227 : i32 to index
        %get3A_633 = arith.index_cast %add3A_631 : i32 to index
        %get3A_634 = arith.constant 64 : index
        %get3A_635 = tpu.vector_load %arg8[%get3A_632, %get3A_633, %get3A_634] {strides = array<i32>} : memref<3x32x1024xf32, #tpu.memory_space<vmem>>, vector<1x1x16xf32>,
        %get3A_636 = vector.shape_cast %get3A_635 : vector<1x1x16xf32> to vector<16xf32>
        %add3A_637 = arith.addf %get3A_636, %get3A_587 : vector<16xf32>
        %swap3A_638 = arith.index_cast %rem3A_227 : i32 to index
        %swap3A_639 = arith.index_cast %add3A_631 : i32 to index
        %swap3A_640 = arith.constant 64 : index
        %swap3A_641 = tpu.vector_load %arg8[%swap3A_638, %swap3A_639, %swap3A_640] {strides = array<i32>} : memref<3x32x1024xf32, #tpu.memory_space<vmem>>, vector<1x1x16xf32>,
        %swap3A_642 = vector.shape_cast %swap3A_641 : vector<1x1x16xf32> to vector<16xf32>
        %swap3A_643 = vector.shape_cast %add3A_637 : vector<16xf32> to vector<1x1x16xf32>
        tpu.vector_store %arg8[%swap3A_638, %swap3A_639, %swap3A_640], %swap3A_643 {strides = array<i32>} : memref<3x32x1024xf32, #tpu.memory_space<vmem>>, vector<1x1x16xf32>,
        %get3A_644 = arith.index_cast %rem3A_227 : i32 to index
        %get3A_645 = arith.index_cast %scan3A_340 : i32 to index
        %get3A_646 = arith.constant 80 : index
        %get3A_647 = tpu.vector_load %arg7[%get3A_644, %get3A_645, %get3A_646] {strides = array<i32>} : memref<3x8x1024xf32, #tpu.memory_space<vmem>>, vector<1x1x16xf32>,
        %get3A_648 = vector.shape_cast %get3A_647 : vector<1x1x16xf32> to vector<16xf32>
        %add3A_649 = arith.constant 0 : i32
        %add3A_650 = arith.addi %add3A_649, %scan3A_340 : i32
        %get3A_651 = arith.index_cast %rem3A_227 : i32 to index
        %get3A_652 = arith.index_cast %add3A_650 : i32 to index
        %get3A_653 = arith.constant 80 : index
        %get3A_654 = tpu.vector_load %arg8[%get3A_651, %get3A_652, %get3A_653] {strides = array<i32>} : memref<3x32x1024xf32, #tpu.memory_space<vmem>>, vector<1x1x16xf32>,
        %get3A_655 = vector.shape_cast %get3A_654 : vector<1x1x16xf32> to vector<16xf32>
        %add3A_656 = arith.addf %get3A_655, %get3A_648 : vector<16xf32>
        %swap3A_657 = arith.index_cast %rem3A_227 : i32 to index
        %swap3A_658 = arith.index_cast %add3A_650 : i32 to index
        %swap3A_659 = arith.constant 80 : index
        %swap3A_660 = tpu.vector_load %arg8[%swap3A_657, %swap3A_658, %swap3A_659] {strides = array<i32>} : memref<3x32x1024xf32, #tpu.memory_space<vmem>>, vector<1x1x16xf32>,
        %swap3A_661 = vector.shape_cast %swap3A_660 : vector<1x1x16xf32> to vector<16xf32>
        %swap3A_662 = vector.shape_cast %add3A_656 : vector<16xf32> to vector<1x1x16xf32>
        tpu.vector_store %arg8[%swap3A_657, %swap3A_658, %swap3A_659], %swap3A_662 {strides = array<i32>} : memref<3x32x1024xf32, #tpu.memory_space<vmem>>, vector<1x1x16xf32>,
        %add3A_663 = arith.constant 8 : i32
        %add3A_664 = arith.addi %add3A_663, %scan3A_340 : i32
        %get3A_665 = arith.index_cast %rem3A_227 : i32 to index
        %get3A_666 = arith.index_cast %add3A_664 : i32 to index
        %get3A_667 = arith.constant 80 : index
        %get3A_668 = tpu.vector_load %arg8[%get3A_665, %get3A_666, %get3A_667] {strides = array<i32>} : memref<3x32x1024xf32, #tpu.memory_space<vmem>>, vector<1x1x16xf32>,
        %get3A_669 = vector.shape_cast %get3A_668 : vector<1x1x16xf32> to vector<16xf32>
        %add3A_670 = arith.addf %get3A_669, %get3A_648 : vector<16xf32>
        %swap3A_671 = arith.index_cast %rem3A_227 : i32 to index
        %swap3A_672 = arith.index_cast %add3A_664 : i32 to index
        %swap3A_673 = arith.constant 80 : index
        %swap3A_674 = tpu.vector_load %arg8[%swap3A_671, %swap3A_672, %swap3A_673] {strides = array<i32>} : memref<3x32x1024xf32, #tpu.memory_space<vmem>>, vector<1x1x16xf32>,
        %swap3A_675 = vector.shape_cast %swap3A_674 : vector<1x1x16xf32> to vector<16xf32>
        %swap3A_676 = vector.shape_cast %add3A_670 : vector<16xf32> to vector<1x1x16xf32>
        tpu.vector_store %arg8[%swap3A_671, %swap3A_672, %swap3A_673], %swap3A_676 {strides = array<i32>} : memref<3x32x1024xf32, #tpu.memory_space<vmem>>, vector<1x1x16xf32>,
        %add3A_677 = arith.constant 16 : i32
        %add3A_678 = arith.addi %add3A_677, %scan3A_340 : i32
        %get3A_679 = arith.index_cast %rem3A_227 : i32 to index
        %get3A_680 = arith.index_cast %add3A_678 : i32 to index
        %get3A_681 = arith.constant 80 : index
        %get3A_682 = tpu.vector_load %arg8[%get3A_679, %get3A_680, %get3A_681] {strides = array<i32>} : memref<3x32x1024xf32, #tpu.memory_space<vmem>>, vector<1x1x16xf32>,
        %get3A_683 = vector.shape_cast %get3A_682 : vector<1x1x16xf32> to vector<16xf32>
        %add3A_684 = arith.addf %get3A_683, %get3A_648 : vector<16xf32>
        %swap3A_685 = arith.index_cast %rem3A_227 : i32 to index
        %swap3A_686 = arith.index_cast %add3A_678 : i32 to index
        %swap3A_687 = arith.constant 80 : index
        %swap3A_688 = tpu.vector_load %arg8[%swap3A_685, %swap3A_686, %swap3A_687] {strides = array<i32>} : memref<3x32x1024xf32, #tpu.memory_space<vmem>>, vector<1x1x16xf32>,
        %swap3A_689 = vector.shape_cast %swap3A_688 : vector<1x1x16xf32> to vector<16xf32>
        %swap3A_690 = vector.shape_cast %add3A_684 : vector<16xf32> to vector<1x1x16xf32>
        tpu.vector_store %arg8[%swap3A_685, %swap3A_686, %swap3A_687], %swap3A_690 {strides = array<i32>} : memref<3x32x1024xf32, #tpu.memory_space<vmem>>, vector<1x1x16xf32>,
        %add3A_691 = arith.constant 24 : i32
        %add3A_692 = arith.addi %add3A_691, %scan3A_340 : i32
        %get3A_693 = arith.index_cast %rem3A_227 : i32 to index
        %get3A_694 = arith.index_cast %add3A_692 : i32 to index
        %get3A_695 = arith.constant 80 : index
        %get3A_696 = tpu.vector_load %arg8[%get3A_693, %get3A_694, %get3A_695] {strides = array<i32>} : memref<3x32x1024xf32, #tpu.memory_space<vmem>>, vector<1x1x16xf32>,
        %get3A_697 = vector.shape_cast %get3A_696 : vector<1x1x16xf32> to vector<16xf32>
        %add3A_698 = arith.addf %get3A_697, %get3A_648 : vector<16xf32>
        %swap3A_699 = arith.index_cast %rem3A_227 : i32 to index
        %swap3A_700 = arith.index_cast %add3A_692 : i32 to index
        %swap3A_701 = arith.constant 80 : index
        %swap3A_702 = tpu.vector_load %arg8[%swap3A_699, %swap3A_700, %swap3A_701] {strides = array<i32>} : memref<3x32x1024xf32, #tpu.memory_space<vmem>>, vector<1x1x16xf32>,
        %swap3A_703 = vector.shape_cast %swap3A_702 : vector<1x1x16xf32> to vector<16xf32>
        %swap3A_704 = vector.shape_cast %add3A_698 : vector<16xf32> to vector<1x1x16xf32>
        tpu.vector_store %arg8[%swap3A_699, %swap3A_700, %swap3A_701], %swap3A_704 {strides = array<i32>} : memref<3x32x1024xf32, #tpu.memory_space<vmem>>, vector<1x1x16xf32>,
        %get3A_705 = arith.index_cast %rem3A_227 : i32 to index
        %get3A_706 = arith.index_cast %scan3A_340 : i32 to index
        %get3A_707 = arith.constant 96 : index
        %get3A_708 = tpu.vector_load %arg7[%get3A_705, %get3A_706, %get3A_707] {strides = array<i32>} : memref<3x8x1024xf32, #tpu.memory_space<vmem>>, vector<1x1x16xf32>,
        %get3A_709 = vector.shape_cast %get3A_708 : vector<1x1x16xf32> to vector<16xf32>
        %add3A_710 = arith.constant 0 : i32
        %add3A_711 = arith.addi %add3A_710, %scan3A_340 : i32
        %get3A_712 = arith.index_cast %rem3A_227 : i32 to index
        %get3A_713 = arith.index_cast %add3A_711 : i32 to index
        %get3A_714 = arith.constant 96 : index
        %get3A_715 = tpu.vector_load %arg8[%get3A_712, %get3A_713, %get3A_714] {strides = array<i32>} : memref<3x32x1024xf32, #tpu.memory_space<vmem>>, vector<1x1x16xf32>,
        %get3A_716 = vector.shape_cast %get3A_715 : vector<1x1x16xf32> to vector<16xf32>
        %add3A_717 = arith.addf %get3A_716, %get3A_709 : vector<16xf32>
        %swap3A_718 = arith.index_cast %rem3A_227 : i32 to index
        %swap3A_719 = arith.index_cast %add3A_711 : i32 to index
        %swap3A_720 = arith.constant 96 : index
        %swap3A_721 = tpu.vector_load %arg8[%swap3A_718, %swap3A_719, %swap3A_720] {strides = array<i32>} : memref<3x32x1024xf32, #tpu.memory_space<vmem>>, vector<1x1x16xf32>,
        %swap3A_722 = vector.shape_cast %swap3A_721 : vector<1x1x16xf32> to vector<16xf32>
        %swap3A_723 = vector.shape_cast %add3A_717 : vector<16xf32> to vector<1x1x16xf32>
        tpu.vector_store %arg8[%swap3A_718, %swap3A_719, %swap3A_720], %swap3A_723 {strides = array<i32>} : memref<3x32x1024xf32, #tpu.memory_space<vmem>>, vector<1x1x16xf32>,
        %add3A_724 = arith.constant 8 : i32
        %add3A_725 = arith.addi %add3A_724, %scan3A_340 : i32
        %get3A_726 = arith.index_cast %rem3A_227 : i32 to index
        %get3A_727 = arith.index_cast %add3A_725 : i32 to index
        %get3A_728 = arith.constant 96 : index
        %get3A_729 = tpu.vector_load %arg8[%get3A_726, %get3A_727, %get3A_728] {strides = array<i32>} : memref<3x32x1024xf32, #tpu.memory_space<vmem>>, vector<1x1x16xf32>,
        %get3A_730 = vector.shape_cast %get3A_729 : vector<1x1x16xf32> to vector<16xf32>
        %add3A_731 = arith.addf %get3A_730, %get3A_709 : vector<16xf32>
        %swap3A_732 = arith.index_cast %rem3A_227 : i32 to index
        %swap3A_733 = arith.index_cast %add3A_725 : i32 to index
        %swap3A_734 = arith.constant 96 : index
        %swap3A_735 = tpu.vector_load %arg8[%swap3A_732, %swap3A_733, %swap3A_734] {strides = array<i32>} : memref<3x32x1024xf32, #tpu.memory_space<vmem>>, vector<1x1x16xf32>,
        %swap3A_736 = vector.shape_cast %swap3A_735 : vector<1x1x16xf32> to vector<16xf32>
        %swap3A_737 = vector.shape_cast %add3A_731 : vector<16xf32> to vector<1x1x16xf32>
        tpu.vector_store %arg8[%swap3A_732, %swap3A_733, %swap3A_734], %swap3A_737 {strides = array<i32>} : memref<3x32x1024xf32, #tpu.memory_space<vmem>>, vector<1x1x16xf32>,
        %add3A_738 = arith.constant 16 : i32
        %add3A_739 = arith.addi %add3A_738, %scan3A_340 : i32
        %get3A_740 = arith.index_cast %rem3A_227 : i32 to index
        %get3A_741 = arith.index_cast %add3A_739 : i32 to index
        %get3A_742 = arith.constant 96 : index
        %get3A_743 = tpu.vector_load %arg8[%get3A_740, %get3A_741, %get3A_742] {strides = array<i32>} : memref<3x32x1024xf32, #tpu.memory_space<vmem>>, vector<1x1x16xf32>,
        %get3A_744 = vector.shape_cast %get3A_743 : vector<1x1x16xf32> to vector<16xf32>
        %add3A_745 = arith.addf %get3A_744, %get3A_709 : vector<16xf32>
        %swap3A_746 = arith.index_cast %rem3A_227 : i32 to index
        %swap3A_747 = arith.index_cast %add3A_739 : i32 to index
        %swap3A_748 = arith.constant 96 : index
        %swap3A_749 = tpu.vector_load %arg8[%swap3A_746, %swap3A_747, %swap3A_748] {strides = array<i32>} : memref<3x32x1024xf32, #tpu.memory_space<vmem>>, vector<1x1x16xf32>,
        %swap3A_750 = vector.shape_cast %swap3A_749 : vector<1x1x16xf32> to vector<16xf32>
        %swap3A_751 = vector.shape_cast %add3A_745 : vector<16xf32> to vector<1x1x16xf32>
        tpu.vector_store %arg8[%swap3A_746, %swap3A_747, %swap3A_748], %swap3A_751 {strides = array<i32>} : memref<3x32x1024xf32, #tpu.memory_space<vmem>>, vector<1x1x16xf32>,
        %add3A_752 = arith.constant 24 : i32
        %add3A_753 = arith.addi %add3A_752, %scan3A_340 : i32
        %get3A_754 = arith.index_cast %rem3A_227 : i32 to index
        %get3A_755 = arith.index_cast %add3A_753 : i32 to index
        %get3A_756 = arith.constant 96 : index
        %get3A_757 = tpu.vector_load %arg8[%get3A_754, %get3A_755, %get3A_756] {strides = array<i32>} : memref<3x32x1024xf32, #tpu.memory_space<vmem>>, vector<1x1x16xf32>,
        %get3A_758 = vector.shape_cast %get3A_757 : vector<1x1x16xf32> to vector<16xf32>
        %add3A_759 = arith.addf %get3A_758, %get3A_709 : vector<16xf32>
        %swap3A_760 = arith.index_cast %rem3A_227 : i32 to index
        %swap3A_761 = arith.index_cast %add3A_753 : i32 to index
        %swap3A_762 = arith.constant 96 : index
        %swap3A_763 = tpu.vector_load %arg8[%swap3A_760, %swap3A_761, %swap3A_762] {strides = array<i32>} : memref<3x32x1024xf32, #tpu.memory_space<vmem>>, vector<1x1x16xf32>,
        %swap3A_764 = vector.shape_cast %swap3A_763 : vector<1x1x16xf32> to vector<16xf32>
        %swap3A_765 = vector.shape_cast %add3A_759 : vector<16xf32> to vector<1x1x16xf32>
        tpu.vector_store %arg8[%swap3A_760, %swap3A_761, %swap3A_762], %swap3A_765 {strides = array<i32>} : memref<3x32x1024xf32, #tpu.memory_space<vmem>>, vector<1x1x16xf32>,
        %get3A_766 = arith.index_cast %rem3A_227 : i32 to index
        %get3A_767 = arith.index_cast %scan3A_340 : i32 to index
        %get3A_768 = arith.constant 112 : index
        %get3A_769 = tpu.vector_load %arg7[%get3A_766, %get3A_767, %get3A_768] {strides = array<i32>} : memref<3x8x1024xf32, #tpu.memory_space<vmem>>, vector<1x1x16xf32>,
        %get3A_770 = vector.shape_cast %get3A_769 : vector<1x1x16xf32> to vector<16xf32>
        %add3A_771 = arith.constant 0 : i32
        %add3A_772 = arith.addi %add3A_771, %scan3A_340 : i32
        %get3A_773 = arith.index_cast %rem3A_227 : i32 to index
        %get3A_774 = arith.index_cast %add3A_772 : i32 to index
        %get3A_775 = arith.constant 112 : index
        %get3A_776 = tpu.vector_load %arg8[%get3A_773, %get3A_774, %get3A_775] {strides = array<i32>} : memref<3x32x1024xf32, #tpu.memory_space<vmem>>, vector<1x1x16xf32>,
        %get3A_777 = vector.shape_cast %get3A_776 : vector<1x1x16xf32> to vector<16xf32>
        %add3A_778 = arith.addf %get3A_777, %get3A_770 : vector<16xf32>
        %swap3A_779 = arith.index_cast %rem3A_227 : i32 to index
        %swap3A_780 = arith.index_cast %add3A_772 : i32 to index
        %swap3A_781 = arith.constant 112 : index
        %swap3A_782 = tpu.vector_load %arg8[%swap3A_779, %swap3A_780, %swap3A_781] {strides = array<i32>} : memref<3x32x1024xf32, #tpu.memory_space<vmem>>, vector<1x1x16xf32>,
        %swap3A_783 = vector.shape_cast %swap3A_782 : vector<1x1x16xf32> to vector<16xf32>
        %swap3A_784 = vector.shape_cast %add3A_778 : vector<16xf32> to vector<1x1x16xf32>
        tpu.vector_store %arg8[%swap3A_779, %swap3A_780, %swap3A_781], %swap3A_784 {strides = array<i32>} : memref<3x32x1024xf32, #tpu.memory_space<vmem>>, vector<1x1x16xf32>,
        %add3A_785 = arith.constant 8 : i32
        %add3A_786 = arith.addi %add3A_785, %scan3A_340 : i32
        %get3A_787 = arith.index_cast %rem3A_227 : i32 to index
        %get3A_788 = arith.index_cast %add3A_786 : i32 to index
        %get3A_789 = arith.constant 112 : index
        %get3A_790 = tpu.vector_load %arg8[%get3A_787, %get3A_788, %get3A_789] {strides = array<i32>} : memref<3x32x1024xf32, #tpu.memory_space<vmem>>, vector<1x1x16xf32>,
        %get3A_791 = vector.shape_cast %get3A_790 : vector<1x1x16xf32> to vector<16xf32>
        %add3A_792 = arith.addf %get3A_791, %get3A_770 : vector<16xf32>
        %swap3A_793 = arith.index_cast %rem3A_227 : i32 to index
        %swap3A_794 = arith.index_cast %add3A_786 : i32 to index
        %swap3A_795 = arith.constant 112 : index
        %swap3A_796 = tpu.vector_load %arg8[%swap3A_793, %swap3A_794, %swap3A_795] {strides = array<i32>} : memref<3x32x1024xf32, #tpu.memory_space<vmem>>, vector<1x1x16xf32>,
        %swap3A_797 = vector.shape_cast %swap3A_796 : vector<1x1x16xf32> to vector<16xf32>
        %swap3A_798 = vector.shape_cast %add3A_792 : vector<16xf32> to vector<1x1x16xf32>
        tpu.vector_store %arg8[%swap3A_793, %swap3A_794, %swap3A_795], %swap3A_798 {strides = array<i32>} : memref<3x32x1024xf32, #tpu.memory_space<vmem>>, vector<1x1x16xf32>,
        %add3A_799 = arith.constant 16 : i32
        %add3A_800 = arith.addi %add3A_799, %scan3A_340 : i32
        %get3A_801 = arith.index_cast %rem3A_227 : i32 to index
        %get3A_802 = arith.index_cast %add3A_800 : i32 to index
        %get3A_803 = arith.constant 112 : index
        %get3A_804 = tpu.vector_load %arg8[%get3A_801, %get3A_802, %get3A_803] {strides = array<i32>} : memref<3x32x1024xf32, #tpu.memory_space<vmem>>, vector<1x1x16xf32>,
        %get3A_805 = vector.shape_cast %get3A_804 : vector<1x1x16xf32> to vector<16xf32>
        %add3A_806 = arith.addf %get3A_805, %get3A_770 : vector<16xf32>
        %swap3A_807 = arith.index_cast %rem3A_227 : i32 to index
        %swap3A_808 = arith.index_cast %add3A_800 : i32 to index
        %swap3A_809 = arith.constant 112 : index
        %swap3A_810 = tpu.vector_load %arg8[%swap3A_807, %swap3A_808, %swap3A_809] {strides = array<i32>} : memref<3x32x1024xf32, #tpu.memory_space<vmem>>, vector<1x1x16xf32>,
        %swap3A_811 = vector.shape_cast %swap3A_810 : vector<1x1x16xf32> to vector<16xf32>
        %swap3A_812 = vector.shape_cast %add3A_806 : vector<16xf32> to vector<1x1x16xf32>
        tpu.vector_store %arg8[%swap3A_807, %swap3A_808, %swap3A_809], %swap3A_812 {strides = array<i32>} : memref<3x32x1024xf32, #tpu.memory_space<vmem>>, vector<1x1x16xf32>,
        %add3A_813 = arith.constant 24 : i32
        %add3A_814 = arith.addi %add3A_813, %scan3A_340 : i32
        %get3A_815 = arith.index_cast %rem3A_227 : i32 to index
        %get3A_816 = arith.index_cast %add3A_814 : i32 to index
        %get3A_817 = arith.constant 112 : index
        %get3A_818 = tpu.vector_load %arg8[%get3A_815, %get3A_816, %get3A_817] {strides = array<i32>} : memref<3x32x1024xf32, #tpu.memory_space<vmem>>, vector<1x1x16xf32>,
        %get3A_819 = vector.shape_cast %get3A_818 : vector<1x1x16xf32> to vector<16xf32>
        %add3A_820 = arith.addf %get3A_819, %get3A_770 : vector<16xf32>
        %swap3A_821 = arith.index_cast %rem3A_227 : i32 to index
        %swap3A_822 = arith.index_cast %add3A_814 : i32 to index
        %swap3A_823 = arith.constant 112 : index
        %swap3A_824 = tpu.vector_load %arg8[%swap3A_821, %swap3A_822, %swap3A_823] {strides = array<i32>} : memref<3x32x1024xf32, #tpu.memory_space<vmem>>, vector<1x1x16xf32>,
        %swap3A_825 = vector.shape_cast %swap3A_824 : vector<1x1x16xf32> to vector<16xf32>
        %swap3A_826 = vector.shape_cast %add3A_820 : vector<16xf32> to vector<1x1x16xf32>
        tpu.vector_store %arg8[%swap3A_821, %swap3A_822, %swap3A_823], %swap3A_826 {strides = array<i32>} : memref<3x32x1024xf32, #tpu.memory_space<vmem>>, vector<1x1x16xf32>,
        %get3A_827 = arith.index_cast %rem3A_227 : i32 to index
        %get3A_828 = arith.index_cast %scan3A_340 : i32 to index
        %get3A_829 = arith.constant 128 : index
        %get3A_830 = tpu.vector_load %arg7[%get3A_827, %get3A_828, %get3A_829] {strides = array<i32>} : memref<3x8x1024xf32, #tpu.memory_space<vmem>>, vector<1x1x16xf32>,
        %get3A_831 = vector.shape_cast %get3A_830 : vector<1x1x16xf32> to vector<16xf32>
        %add3A_832 = arith.constant 0 : i32
        %add3A_833 = arith.addi %add3A_832, %scan3A_340 : i32
        %get3A_834 = arith.index_cast %rem3A_227 : i32 to index
        %get3A_835 = arith.index_cast %add3A_833 : i32 to index
        %get3A_836 = arith.constant 128 : index
        %get3A_837 = tpu.vector_load %arg8[%get3A_834, %get3A_835, %get3A_836] {strides = array<i32>} : memref<3x32x1024xf32, #tpu.memory_space<vmem>>, vector<1x1x16xf32>,
        %get3A_838 = vector.shape_cast %get3A_837 : vector<1x1x16xf32> to vector<16xf32>
        %add3A_839 = arith.addf %get3A_838, %get3A_831 : vector<16xf32>
        %swap3A_840 = arith.index_cast %rem3A_227 : i32 to index
        %swap3A_841 = arith.index_cast %add3A_833 : i32 to index
        %swap3A_842 = arith.constant 128 : index
        %swap3A_843 = tpu.vector_load %arg8[%swap3A_840, %swap3A_841, %swap3A_842] {strides = array<i32>} : memref<3x32x1024xf32, #tpu.memory_space<vmem>>, vector<1x1x16xf32>,
        %swap3A_844 = vector.shape_cast %swap3A_843 : vector<1x1x16xf32> to vector<16xf32>
        %swap3A_845 = vector.shape_cast %add3A_839 : vector<16xf32> to vector<1x1x16xf32>
        tpu.vector_store %arg8[%swap3A_840, %swap3A_841, %swap3A_842], %swap3A_845 {strides = array<i32>} : memref<3x32x1024xf32, #tpu.memory_space<vmem>>, vector<1x1x16xf32>,
        %add3A_846 = arith.constant 8 : i32
        %add3A_847 = arith.addi %add3A_846, %scan3A_340 : i32
        %get3A_848 = arith.index_cast %rem3A_227 : i32 to index
        %get3A_849 = arith.index_cast %add3A_847 : i32 to index
        %get3A_850 = arith.constant 128 : index
        %get3A_851 = tpu.vector_load %arg8[%get3A_848, %get3A_849, %get3A_850] {strides = array<i32>} : memref<3x32x1024xf32, #tpu.memory_space<vmem>>, vector<1x1x16xf32>,
        %get3A_852 = vector.shape_cast %get3A_851 : vector<1x1x16xf32> to vector<16xf32>
        %add3A_853 = arith.addf %get3A_852, %get3A_831 : vector<16xf32>
        %swap3A_854 = arith.index_cast %rem3A_227 : i32 to index
        %swap3A_855 = arith.index_cast %add3A_847 : i32 to index
        %swap3A_856 = arith.constant 128 : index
        %swap3A_857 = tpu.vector_load %arg8[%swap3A_854, %swap3A_855, %swap3A_856] {strides = array<i32>} : memref<3x32x1024xf32, #tpu.memory_space<vmem>>, vector<1x1x16xf32>,
        %swap3A_858 = vector.shape_cast %swap3A_857 : vector<1x1x16xf32> to vector<16xf32>
        %swap3A_859 = vector.shape_cast %add3A_853 : vector<16xf32> to vector<1x1x16xf32>
        tpu.vector_store %arg8[%swap3A_854, %swap3A_855, %swap3A_856], %swap3A_859 {strides = array<i32>} : memref<3x32x1024xf32, #tpu.memory_space<vmem>>, vector<1x1x16xf32>,
        %add3A_860 = arith.constant 16 : i32
        %add3A_861 = arith.addi %add3A_860, %scan3A_340 : i32
        %get3A_862 = arith.index_cast %rem3A_227 : i32 to index
        %get3A_863 = arith.index_cast %add3A_861 : i32 to index
        %get3A_864 = arith.constant 128 : index
        %get3A_865 = tpu.vector_load %arg8[%get3A_862, %get3A_863, %get3A_864] {strides = array<i32>} : memref<3x32x1024xf32, #tpu.memory_space<vmem>>, vector<1x1x16xf32>,
        %get3A_866 = vector.shape_cast %get3A_865 : vector<1x1x16xf32> to vector<16xf32>
        %add3A_867 = arith.addf %get3A_866, %get3A_831 : vector<16xf32>
        %swap3A_868 = arith.index_cast %rem3A_227 : i32 to index
        %swap3A_869 = arith.index_cast %add3A_861 : i32 to index
        %swap3A_870 = arith.constant 128 : index
        %swap3A_871 = tpu.vector_load %arg8[%swap3A_868, %swap3A_869, %swap3A_870] {strides = array<i32>} : memref<3x32x1024xf32, #tpu.memory_space<vmem>>, vector<1x1x16xf32>,
        %swap3A_872 = vector.shape_cast %swap3A_871 : vector<1x1x16xf32> to vector<16xf32>
        %swap3A_873 = vector.shape_cast %add3A_867 : vector<16xf32> to vector<1x1x16xf32>
        tpu.vector_store %arg8[%swap3A_868, %swap3A_869, %swap3A_870], %swap3A_873 {strides = array<i32>} : memref<3x32x1024xf32, #tpu.memory_space<vmem>>, vector<1x1x16xf32>,
        %add3A_874 = arith.constant 24 : i32
        %add3A_875 = arith.addi %add3A_874, %scan3A_340 : i32
        %get3A_876 = arith.index_cast %rem3A_227 : i32 to index
        %get3A_877 = arith.index_cast %add3A_875 : i32 to index
        %get3A_878 = arith.constant 128 : index
        %get3A_879 = tpu.vector_load %arg8[%get3A_876, %get3A_877, %get3A_878] {strides = array<i32>} : memref<3x32x1024xf32, #tpu.memory_space<vmem>>, vector<1x1x16xf32>,
        %get3A_880 = vector.shape_cast %get3A_879 : vector<1x1x16xf32> to vector<16xf32>
        %add3A_881 = arith.addf %get3A_880, %get3A_831 : vector<16xf32>
        %swap3A_882 = arith.index_cast %rem3A_227 : i32 to index
        %swap3A_883 = arith.index_cast %add3A_875 : i32 to index
        %swap3A_884 = arith.constant 128 : index
        %swap3A_885 = tpu.vector_load %arg8[%swap3A_882, %swap3A_883, %swap3A_884] {strides = array<i32>} : memref<3x32x1024xf32, #tpu.memory_space<vmem>>, vector<1x1x16xf32>,
        %swap3A_886 = vector.shape_cast %swap3A_885 : vector<1x1x16xf32> to vector<16xf32>
        %swap3A_887 = vector.shape_cast %add3A_881 : vector<16xf32> to vector<1x1x16xf32>
        tpu.vector_store %arg8[%swap3A_882, %swap3A_883, %swap3A_884], %swap3A_887 {strides = array<i32>} : memref<3x32x1024xf32, #tpu.memory_space<vmem>>, vector<1x1x16xf32>,
        %get3A_888 = arith.index_cast %rem3A_227 : i32 to index
        %get3A_889 = arith.index_cast %scan3A_340 : i32 to index
        %get3A_890 = arith.constant 144 : index
        %get3A_891 = tpu.vector_load %arg7[%get3A_888, %get3A_889, %get3A_890] {strides = array<i32>} : memref<3x8x1024xf32, #tpu.memory_space<vmem>>, vector<1x1x16xf32>,
        %get3A_892 = vector.shape_cast %get3A_891 : vector<1x1x16xf32> to vector<16xf32>
        %add3A_893 = arith.constant 0 : i32
        %add3A_894 = arith.addi %add3A_893, %scan3A_340 : i32
        %get3A_895 = arith.index_cast %rem3A_227 : i32 to index
        %get3A_896 = arith.index_cast %add3A_894 : i32 to index
        %get3A_897 = arith.constant 144 : index
        %get3A_898 = tpu.vector_load %arg8[%get3A_895, %get3A_896, %get3A_897] {strides = array<i32>} : memref<3x32x1024xf32, #tpu.memory_space<vmem>>, vector<1x1x16xf32>,
        %get3A_899 = vector.shape_cast %get3A_898 : vector<1x1x16xf32> to vector<16xf32>
        %add3A_900 = arith.addf %get3A_899, %get3A_892 : vector<16xf32>
        %swap3A_901 = arith.index_cast %rem3A_227 : i32 to index
        %swap3A_902 = arith.index_cast %add3A_894 : i32 to index
        %swap3A_903 = arith.constant 144 : index
        %swap3A_904 = tpu.vector_load %arg8[%swap3A_901, %swap3A_902, %swap3A_903] {strides = array<i32>} : memref<3x32x1024xf32, #tpu.memory_space<vmem>>, vector<1x1x16xf32>,
        %swap3A_905 = vector.shape_cast %swap3A_904 : vector<1x1x16xf32> to vector<16xf32>
        %swap3A_906 = vector.shape_cast %add3A_900 : vector<16xf32> to vector<1x1x16xf32>
        tpu.vector_store %arg8[%swap3A_901, %swap3A_902, %swap3A_903], %swap3A_906 {strides = array<i32>} : memref<3x32x1024xf32, #tpu.memory_space<vmem>>, vector<1x1x16xf32>,
        %add3A_907 = arith.constant 8 : i32
        %add3A_908 = arith.addi %add3A_907, %scan3A_340 : i32
        %get3A_909 = arith.index_cast %rem3A_227 : i32 to index
        %get3A_910 = arith.index_cast %add3A_908 : i32 to index
        %get3A_911 = arith.constant 144 : index
        %get3A_912 = tpu.vector_load %arg8[%get3A_909, %get3A_910, %get3A_911] {strides = array<i32>} : memref<3x32x1024xf32, #tpu.memory_space<vmem>>, vector<1x1x16xf32>,
        %get3A_913 = vector.shape_cast %get3A_912 : vector<1x1x16xf32> to vector<16xf32>
        %add3A_914 = arith.addf %get3A_913, %get3A_892 : vector<16xf32>
        %swap3A_915 = arith.index_cast %rem3A_227 : i32 to index
        %swap3A_916 = arith.index_cast %add3A_908 : i32 to index
        %swap3A_917 = arith.constant 144 : index
        %swap3A_918 = tpu.vector_load %arg8[%swap3A_915, %swap3A_916, %swap3A_917] {strides = array<i32>} : memref<3x32x1024xf32, #tpu.memory_space<vmem>>, vector<1x1x16xf32>,
        %swap3A_919 = vector.shape_cast %swap3A_918 : vector<1x1x16xf32> to vector<16xf32>
        %swap3A_920 = vector.shape_cast %add3A_914 : vector<16xf32> to vector<1x1x16xf32>
        tpu.vector_store %arg8[%swap3A_915, %swap3A_916, %swap3A_917], %swap3A_920 {strides = array<i32>} : memref<3x32x1024xf32, #tpu.memory_space<vmem>>, vector<1x1x16xf32>,
        %add3A_921 = arith.constant 16 : i32
        %add3A_922 = arith.addi %add3A_921, %scan3A_340 : i32
        %get3A_923 = arith.index_cast %rem3A_227 : i32 to index
        %get3A_924 = arith.index_cast %add3A_922 : i32 to index
        %get3A_925 = arith.constant 144 : index
        %get3A_926 = tpu.vector_load %arg8[%get3A_923, %get3A_924, %get3A_925] {strides = array<i32>} : memref<3x32x1024xf32, #tpu.memory_space<vmem>>, vector<1x1x16xf32>,
        %get3A_927 = vector.shape_cast %get3A_926 : vector<1x1x16xf32> to vector<16xf32>
        %add3A_928 = arith.addf %get3A_927, %get3A_892 : vector<16xf32>
        %swap3A_929 = arith.index_cast %rem3A_227 : i32 to index
        %swap3A_930 = arith.index_cast %add3A_922 : i32 to index
        %swap3A_931 = arith.constant 144 : index
        %swap3A_932 = tpu.vector_load %arg8[%swap3A_929, %swap3A_930, %swap3A_931] {strides = array<i32>} : memref<3x32x1024xf32, #tpu.memory_space<vmem>>, vector<1x1x16xf32>,
        %swap3A_933 = vector.shape_cast %swap3A_932 : vector<1x1x16xf32> to vector<16xf32>
        %swap3A_934 = vector.shape_cast %add3A_928 : vector<16xf32> to vector<1x1x16xf32>
        tpu.vector_store %arg8[%swap3A_929, %swap3A_930, %swap3A_931], %swap3A_934 {strides = array<i32>} : memref<3x32x1024xf32, #tpu.memory_space<vmem>>, vector<1x1x16xf32>,
        %add3A_935 = arith.constant 24 : i32
        %add3A_936 = arith.addi %add3A_935, %scan3A_340 : i32
        %get3A_937 = arith.index_cast %rem3A_227 : i32 to index
        %get3A_938 = arith.index_cast %add3A_936 : i32 to index
        %get3A_939 = arith.constant 144 : index
        %get3A_940 = tpu.vector_load %arg8[%get3A_937, %get3A_938, %get3A_939] {strides = array<i32>} : memref<3x32x1024xf32, #tpu.memory_space<vmem>>, vector<1x1x16xf32>,
        %get3A_941 = vector.shape_cast %get3A_940 : vector<1x1x16xf32> to vector<16xf32>
        %add3A_942 = arith.addf %get3A_941, %get3A_892 : vector<16xf32>
        %swap3A_943 = arith.index_cast %rem3A_227 : i32 to index
        %swap3A_944 = arith.index_cast %add3A_936 : i32 to index
        %swap3A_945 = arith.constant 144 : index
        %swap3A_946 = tpu.vector_load %arg8[%swap3A_943, %swap3A_944, %swap3A_945] {strides = array<i32>} : memref<3x32x1024xf32, #tpu.memory_space<vmem>>, vector<1x1x16xf32>,
        %swap3A_947 = vector.shape_cast %swap3A_946 : vector<1x1x16xf32> to vector<16xf32>
        %swap3A_948 = vector.shape_cast %add3A_942 : vector<16xf32> to vector<1x1x16xf32>
        tpu.vector_store %arg8[%swap3A_943, %swap3A_944, %swap3A_945], %swap3A_948 {strides = array<i32>} : memref<3x32x1024xf32, #tpu.memory_space<vmem>>, vector<1x1x16xf32>,
        %get3A_949 = arith.index_cast %rem3A_227 : i32 to index
        %get3A_950 = arith.index_cast %scan3A_340 : i32 to index
        %get3A_951 = arith.constant 160 : index
        %get3A_952 = tpu.vector_load %arg7[%get3A_949, %get3A_950, %get3A_951] {strides = array<i32>} : memref<3x8x1024xf32, #tpu.memory_space<vmem>>, vector<1x1x16xf32>,
        %get3A_953 = vector.shape_cast %get3A_952 : vector<1x1x16xf32> to vector<16xf32>
        %add3A_954 = arith.constant 0 : i32
        %add3A_955 = arith.addi %add3A_954, %scan3A_340 : i32
        %get3A_956 = arith.index_cast %rem3A_227 : i32 to index
        %get3A_957 = arith.index_cast %add3A_955 : i32 to index
        %get3A_958 = arith.constant 160 : index
        %get3A_959 = tpu.vector_load %arg8[%get3A_956, %get3A_957, %get3A_958] {strides = array<i32>} : memref<3x32x1024xf32, #tpu.memory_space<vmem>>, vector<1x1x16xf32>,
        %get3A_960 = vector.shape_cast %get3A_959 : vector<1x1x16xf32> to vector<16xf32>
        %add3A_961 = arith.addf %get3A_960, %get3A_953 : vector<16xf32>
        %swap3A_962 = arith.index_cast %rem3A_227 : i32 to index
        %swap3A_963 = arith.index_cast %add3A_955 : i32 to index
        %swap3A_964 = arith.constant 160 : index
        %swap3A_965 = tpu.vector_load %arg8[%swap3A_962, %swap3A_963, %swap3A_964] {strides = array<i32>} : memref<3x32x1024xf32, #tpu.memory_space<vmem>>, vector<1x1x16xf32>,
        %swap3A_966 = vector.shape_cast %swap3A_965 : vector<1x1x16xf32> to vector<16xf32>
        %swap3A_967 = vector.shape_cast %add3A_961 : vector<16xf32> to vector<1x1x16xf32>
        tpu.vector_store %arg8[%swap3A_962, %swap3A_963, %swap3A_964], %swap3A_967 {strides = array<i32>} : memref<3x32x1024xf32, #tpu.memory_space<vmem>>, vector<1x1x16xf32>,
        %add3A_968 = arith.constant 8 : i32
        %add3A_969 = arith.addi %add3A_968, %scan3A_340 : i32
        %get3A_970 = arith.index_cast %rem3A_227 : i32 to index
        %get3A_971 = arith.index_cast %add3A_969 : i32 to index
        %get3A_972 = arith.constant 160 : index
        %get3A_973 = tpu.vector_load %arg8[%get3A_970, %get3A_971, %get3A_972] {strides = array<i32>} : memref<3x32x1024xf32, #tpu.memory_space<vmem>>, vector<1x1x16xf32>,
        %get3A_974 = vector.shape_cast %get3A_973 : vector<1x1x16xf32> to vector<16xf32>
        %add3A_975 = arith.addf %get3A_974, %get3A_953 : vector<16xf32>
        %swap3A_976 = arith.index_cast %rem3A_227 : i32 to index
        %swap3A_977 = arith.index_cast %add3A_969 : i32 to index
        %swap3A_978 = arith.constant 160 : index
        %swap3A_979 = tpu.vector_load %arg8[%swap3A_976, %swap3A_977, %swap3A_978] {strides = array<i32>} : memref<3x32x1024xf32, #tpu.memory_space<vmem>>, vector<1x1x16xf32>,
        %swap3A_980 = vector.shape_cast %swap3A_979 : vector<1x1x16xf32> to vector<16xf32>
        %swap3A_981 = vector.shape_cast %add3A_975 : vector<16xf32> to vector<1x1x16xf32>
        tpu.vector_store %arg8[%swap3A_976, %swap3A_977, %swap3A_978], %swap3A_981 {strides = array<i32>} : memref<3x32x1024xf32, #tpu.memory_space<vmem>>, vector<1x1x16xf32>,
        %add3A_982 = arith.constant 16 : i32
        %add3A_983 = arith.addi %add3A_982, %scan3A_340 : i32
        %get3A_984 = arith.index_cast %rem3A_227 : i32 to index
        %get3A_985 = arith.index_cast %add3A_983 : i32 to index
        %get3A_986 = arith.constant 160 : index
        %get3A_987 = tpu.vector_load %arg8[%get3A_984, %get3A_985, %get3A_986] {strides = array<i32>} : memref<3x32x1024xf32, #tpu.memory_space<vmem>>, vector<1x1x16xf32>,
        %get3A_988 = vector.shape_cast %get3A_987 : vector<1x1x16xf32> to vector<16xf32>
        %add3A_989 = arith.addf %get3A_988, %get3A_953 : vector<16xf32>
        %swap3A_990 = arith.index_cast %rem3A_227 : i32 to index
        %swap3A_991 = arith.index_cast %add3A_983 : i32 to index
        %swap3A_992 = arith.constant 160 : index
        %swap3A_993 = tpu.vector_load %arg8[%swap3A_990, %swap3A_991, %swap3A_992] {strides = array<i32>} : memref<3x32x1024xf32, #tpu.memory_space<vmem>>, vector<1x1x16xf32>,
        %swap3A_994 = vector.shape_cast %swap3A_993 : vector<1x1x16xf32> to vector<16xf32>
        %swap3A_995 = vector.shape_cast %add3A_989 : vector<16xf32> to vector<1x1x16xf32>
        tpu.vector_store %arg8[%swap3A_990, %swap3A_991, %swap3A_992], %swap3A_995 {strides = array<i32>} : memref<3x32x1024xf32, #tpu.memory_space<vmem>>, vector<1x1x16xf32>,
        %add3A_996 = arith.constant 24 : i32
        %add3A_997 = arith.addi %add3A_996, %scan3A_340 : i32
        %get3A_998 = arith.index_cast %rem3A_227 : i32 to index
        %get3A_999 = arith.index_cast %add3A_997 : i32 to index
        %get3A_1000 = arith.constant 160 : index
        %get3A_1001 = tpu.vector_load %arg8[%get3A_998, %get3A_999, %get3A_1000] {strides = array<i32>} : memref<3x32x1024xf32, #tpu.memory_space<vmem>>, vector<1x1x16xf32>,
        %get3A_1002 = vector.shape_cast %get3A_1001 : vector<1x1x16xf32> to vector<16xf32>
        %add3A_1003 = arith.addf %get3A_1002, %get3A_953 : vector<16xf32>
        %swap3A_1004 = arith.index_cast %rem3A_227 : i32 to index
        %swap3A_1005 = arith.index_cast %add3A_997 : i32 to index
        %swap3A_1006 = arith.constant 160 : index
        %swap3A_1007 = tpu.vector_load %arg8[%swap3A_1004, %swap3A_1005, %swap3A_1006] {strides = array<i32>} : memref<3x32x1024xf32, #tpu.memory_space<vmem>>, vector<1x1x16xf32>,
        %swap3A_1008 = vector.shape_cast %swap3A_1007 : vector<1x1x16xf32> to vector<16xf32>
        %swap3A_1009 = vector.shape_cast %add3A_1003 : vector<16xf32> to vector<1x1x16xf32>
        tpu.vector_store %arg8[%swap3A_1004, %swap3A_1005, %swap3A_1006], %swap3A_1009 {strides = array<i32>} : memref<3x32x1024xf32, #tpu.memory_space<vmem>>, vector<1x1x16xf32>,
        %get3A_1010 = arith.index_cast %rem3A_227 : i32 to index
        %get3A_1011 = arith.index_cast %scan3A_340 : i32 to index
        %get3A_1012 = arith.constant 176 : index
        %get3A_1013 = tpu.vector_load %arg7[%get3A_1010, %get3A_1011, %get3A_1012] {strides = array<i32>} : memref<3x8x1024xf32, #tpu.memory_space<vmem>>, vector<1x1x16xf32>,
        %get3A_1014 = vector.shape_cast %get3A_1013 : vector<1x1x16xf32> to vector<16xf32>
        %add3A_1015 = arith.constant 0 : i32
        %add3A_1016 = arith.addi %add3A_1015, %scan3A_340 : i32
        %get3A_1017 = arith.index_cast %rem3A_227 : i32 to index
        %get3A_1018 = arith.index_cast %add3A_1016 : i32 to index
        %get3A_1019 = arith.constant 176 : index
        %get3A_1020 = tpu.vector_load %arg8[%get3A_1017, %get3A_1018, %get3A_1019] {strides = array<i32>} : memref<3x32x1024xf32, #tpu.memory_space<vmem>>, vector<1x1x16xf32>,
        %get3A_1021 = vector.shape_cast %get3A_1020 : vector<1x1x16xf32> to vector<16xf32>
        %add3A_1022 = arith.addf %get3A_1021, %get3A_1014 : vector<16xf32>
        %swap3A_1023 = arith.index_cast %rem3A_227 : i32 to index
        %swap3A_1024 = arith.index_cast %add3A_1016 : i32 to index
        %swap3A_1025 = arith.constant 176 : index
        %swap3A_1026 = tpu.vector_load %arg8[%swap3A_1023, %swap3A_1024, %swap3A_1025] {strides = array<i32>} : memref<3x32x1024xf32, #tpu.memory_space<vmem>>, vector<1x1x16xf32>,
        %swap3A_1027 = vector.shape_cast %swap3A_1026 : vector<1x1x16xf32> to vector<16xf32>
        %swap3A_1028 = vector.shape_cast %add3A_1022 : vector<16xf32> to vector<1x1x16xf32>
        tpu.vector_store %arg8[%swap3A_1023, %swap3A_1024, %swap3A_1025], %swap3A_1028 {strides = array<i32>} : memref<3x32x1024xf32, #tpu.memory_space<vmem>>, vector<1x1x16xf32>,
        %add3A_1029 = arith.constant 8 : i32
        %add3A_1030 = arith.addi %add3A_1029, %scan3A_340 : i32
        %get3A_1031 = arith.index_cast %rem3A_227 : i32 to index
        %get3A_1032 = arith.index_cast %add3A_1030 : i32 to index
        %get3A_1033 = arith.constant 176 : index
        %get3A_1034 = tpu.vector_load %arg8[%get3A_1031, %get3A_1032, %get3A_1033] {strides = array<i32>} : memref<3x32x1024xf32, #tpu.memory_space<vmem>>, vector<1x1x16xf32>,
        %get3A_1035 = vector.shape_cast %get3A_1034 : vector<1x1x16xf32> to vector<16xf32>
        %add3A_1036 = arith.addf %get3A_1035, %get3A_1014 : vector<16xf32>
        %swap3A_1037 = arith.index_cast %rem3A_227 : i32 to index
        %swap3A_1038 = arith.index_cast %add3A_1030 : i32 to index
        %swap3A_1039 = arith.constant 176 : index
        %swap3A_1040 = tpu.vector_load %arg8[%swap3A_1037, %swap3A_1038, %swap3A_1039] {strides = array<i32>} : memref<3x32x1024xf32, #tpu.memory_space<vmem>>, vector<1x1x16xf32>,
        %swap3A_1041 = vector.shape_cast %swap3A_1040 : vector<1x1x16xf32> to vector<16xf32>
        %swap3A_1042 = vector.shape_cast %add3A_1036 : vector<16xf32> to vector<1x1x16xf32>
        tpu.vector_store %arg8[%swap3A_1037, %swap3A_1038, %swap3A_1039], %swap3A_1042 {strides = array<i32>} : memref<3x32x1024xf32, #tpu.memory_space<vmem>>, vector<1x1x16xf32>,
        %add3A_1043 = arith.constant 16 : i32
        %add3A_1044 = arith.addi %add3A_1043, %scan3A_340 : i32
        %get3A_1045 = arith.index_cast %rem3A_227 : i32 to index
        %get3A_1046 = arith.index_cast %add3A_1044 : i32 to index
        %get3A_1047 = arith.constant 176 : index
        %get3A_1048 = tpu.vector_load %arg8[%get3A_1045, %get3A_1046, %get3A_1047] {strides = array<i32>} : memref<3x32x1024xf32, #tpu.memory_space<vmem>>, vector<1x1x16xf32>,
        %get3A_1049 = vector.shape_cast %get3A_1048 : vector<1x1x16xf32> to vector<16xf32>
        %add3A_1050 = arith.addf %get3A_1049, %get3A_1014 : vector<16xf32>
        %swap3A_1051 = arith.index_cast %rem3A_227 : i32 to index
        %swap3A_1052 = arith.index_cast %add3A_1044 : i32 to index
        %swap3A_1053 = arith.constant 176 : index
        %swap3A_1054 = tpu.vector_load %arg8[%swap3A_1051, %swap3A_1052, %swap3A_1053] {strides = array<i32>} : memref<3x32x1024xf32, #tpu.memory_space<vmem>>, vector<1x1x16xf32>,
        %swap3A_1055 = vector.shape_cast %swap3A_1054 : vector<1x1x16xf32> to vector<16xf32>
        %swap3A_1056 = vector.shape_cast %add3A_1050 : vector<16xf32> to vector<1x1x16xf32>
        tpu.vector_store %arg8[%swap3A_1051, %swap3A_1052, %swap3A_1053], %swap3A_1056 {strides = array<i32>} : memref<3x32x1024xf32, #tpu.memory_space<vmem>>, vector<1x1x16xf32>,
        %add3A_1057 = arith.constant 24 : i32
        %add3A_1058 = arith.addi %add3A_1057, %scan3A_340 : i32
        %get3A_1059 = arith.index_cast %rem3A_227 : i32 to index
        %get3A_1060 = arith.index_cast %add3A_1058 : i32 to index
        %get3A_1061 = arith.constant 176 : index
        %get3A_1062 = tpu.vector_load %arg8[%get3A_1059, %get3A_1060, %get3A_1061] {strides = array<i32>} : memref<3x32x1024xf32, #tpu.memory_space<vmem>>, vector<1x1x16xf32>,
        %get3A_1063 = vector.shape_cast %get3A_1062 : vector<1x1x16xf32> to vector<16xf32>
        %add3A_1064 = arith.addf %get3A_1063, %get3A_1014 : vector<16xf32>
        %swap3A_1065 = arith.index_cast %rem3A_227 : i32 to index
        %swap3A_1066 = arith.index_cast %add3A_1058 : i32 to index
        %swap3A_1067 = arith.constant 176 : index
        %swap3A_1068 = tpu.vector_load %arg8[%swap3A_1065, %swap3A_1066, %swap3A_1067] {strides = array<i32>} : memref<3x32x1024xf32, #tpu.memory_space<vmem>>, vector<1x1x16xf32>,
        %swap3A_1069 = vector.shape_cast %swap3A_1068 : vector<1x1x16xf32> to vector<16xf32>
        %swap3A_1070 = vector.shape_cast %add3A_1064 : vector<16xf32> to vector<1x1x16xf32>
        tpu.vector_store %arg8[%swap3A_1065, %swap3A_1066, %swap3A_1067], %swap3A_1070 {strides = array<i32>} : memref<3x32x1024xf32, #tpu.memory_space<vmem>>, vector<1x1x16xf32>,
        %get3A_1071 = arith.index_cast %rem3A_227 : i32 to index
        %get3A_1072 = arith.index_cast %scan3A_340 : i32 to index
        %get3A_1073 = arith.constant 192 : index
        %get3A_1074 = tpu.vector_load %arg7[%get3A_1071, %get3A_1072, %get3A_1073] {strides = array<i32>} : memref<3x8x1024xf32, #tpu.memory_space<vmem>>, vector<1x1x16xf32>,
        %get3A_1075 = vector.shape_cast %get3A_1074 : vector<1x1x16xf32> to vector<16xf32>
        %add3A_1076 = arith.constant 0 : i32
        %add3A_1077 = arith.addi %add3A_1076, %scan3A_340 : i32
        %get3A_1078 = arith.index_cast %rem3A_227 : i32 to index
        %get3A_1079 = arith.index_cast %add3A_1077 : i32 to index
        %get3A_1080 = arith.constant 192 : index
        %get3A_1081 = tpu.vector_load %arg8[%get3A_1078, %get3A_1079, %get3A_1080] {strides = array<i32>} : memref<3x32x1024xf32, #tpu.memory_space<vmem>>, vector<1x1x16xf32>,
        %get3A_1082 = vector.shape_cast %get3A_1081 : vector<1x1x16xf32> to vector<16xf32>
        %add3A_1083 = arith.addf %get3A_1082, %get3A_1075 : vector<16xf32>
        %swap3A_1084 = arith.index_cast %rem3A_227 : i32 to index
        %swap3A_1085 = arith.index_cast %add3A_1077 : i32 to index
        %swap3A_1086 = arith.constant 192 : index
        %swap3A_1087 = tpu.vector_load %arg8[%swap3A_1084, %swap3A_1085, %swap3A_1086] {strides = array<i32>} : memref<3x32x1024xf32, #tpu.memory_space<vmem>>, vector<1x1x16xf32>,
        %swap3A_1088 = vector.shape_cast %swap3A_1087 : vector<1x1x16xf32> to vector<16xf32>
        %swap3A_1089 = vector.shape_cast %add3A_1083 : vector<16xf32> to vector<1x1x16xf32>
        tpu.vector_store %arg8[%swap3A_1084, %swap3A_1085, %swap3A_1086], %swap3A_1089 {strides = array<i32>} : memref<3x32x1024xf32, #tpu.memory_space<vmem>>, vector<1x1x16xf32>,
        %add3A_1090 = arith.constant 8 : i32
        %add3A_1091 = arith.addi %add3A_1090, %scan3A_340 : i32
        %get3A_1092 = arith.index_cast %rem3A_227 : i32 to index
        %get3A_1093 = arith.index_cast %add3A_1091 : i32 to index
        %get3A_1094 = arith.constant 192 : index
        %get3A_1095 = tpu.vector_load %arg8[%get3A_1092, %get3A_1093, %get3A_1094] {strides = array<i32>} : memref<3x32x1024xf32, #tpu.memory_space<vmem>>, vector<1x1x16xf32>,
        %get3A_1096 = vector.shape_cast %get3A_1095 : vector<1x1x16xf32> to vector<16xf32>
        %add3A_1097 = arith.addf %get3A_1096, %get3A_1075 : vector<16xf32>
        %swap3A_1098 = arith.index_cast %rem3A_227 : i32 to index
        %swap3A_1099 = arith.index_cast %add3A_1091 : i32 to index
        %swap3A_1100 = arith.constant 192 : index
        %swap3A_1101 = tpu.vector_load %arg8[%swap3A_1098, %swap3A_1099, %swap3A_1100] {strides = array<i32>} : memref<3x32x1024xf32, #tpu.memory_space<vmem>>, vector<1x1x16xf32>,
        %swap3A_1102 = vector.shape_cast %swap3A_1101 : vector<1x1x16xf32> to vector<16xf32>
        %swap3A_1103 = vector.shape_cast %add3A_1097 : vector<16xf32> to vector<1x1x16xf32>
        tpu.vector_store %arg8[%swap3A_1098, %swap3A_1099, %swap3A_1100], %swap3A_1103 {strides = array<i32>} : memref<3x32x1024xf32, #tpu.memory_space<vmem>>, vector<1x1x16xf32>,
        %add3A_1104 = arith.constant 16 : i32
        %add3A_1105 = arith.addi %add3A_1104, %scan3A_340 : i32
        %get3A_1106 = arith.index_cast %rem3A_227 : i32 to index
        %get3A_1107 = arith.index_cast %add3A_1105 : i32 to index
        %get3A_1108 = arith.constant 192 : index
        %get3A_1109 = tpu.vector_load %arg8[%get3A_1106, %get3A_1107, %get3A_1108] {strides = array<i32>} : memref<3x32x1024xf32, #tpu.memory_space<vmem>>, vector<1x1x16xf32>,
        %get3A_1110 = vector.shape_cast %get3A_1109 : vector<1x1x16xf32> to vector<16xf32>
        %add3A_1111 = arith.addf %get3A_1110, %get3A_1075 : vector<16xf32>
        %swap3A_1112 = arith.index_cast %rem3A_227 : i32 to index
        %swap3A_1113 = arith.index_cast %add3A_1105 : i32 to index
        %swap3A_1114 = arith.constant 192 : index
        %swap3A_1115 = tpu.vector_load %arg8[%swap3A_1112, %swap3A_1113, %swap3A_1114] {strides = array<i32>} : memref<3x32x1024xf32, #tpu.memory_space<vmem>>, vector<1x1x16xf32>,
        %swap3A_1116 = vector.shape_cast %swap3A_1115 : vector<1x1x16xf32> to vector<16xf32>
        %swap3A_1117 = vector.shape_cast %add3A_1111 : vector<16xf32> to vector<1x1x16xf32>
        tpu.vector_store %arg8[%swap3A_1112, %swap3A_1113, %swap3A_1114], %swap3A_1117 {strides = array<i32>} : memref<3x32x1024xf32, #tpu.memory_space<vmem>>, vector<1x1x16xf32>,
        %add3A_1118 = arith.constant 24 : i32
        %add3A_1119 = arith.addi %add3A_1118, %scan3A_340 : i32
        %get3A_1120 = arith.index_cast %rem3A_227 : i32 to index
        %get3A_1121 = arith.index_cast %add3A_1119 : i32 to index
        %get3A_1122 = arith.constant 192 : index
        %get3A_1123 = tpu.vector_load %arg8[%get3A_1120, %get3A_1121, %get3A_1122] {strides = array<i32>} : memref<3x32x1024xf32, #tpu.memory_space<vmem>>, vector<1x1x16xf32>,
        %get3A_1124 = vector.shape_cast %get3A_1123 : vector<1x1x16xf32> to vector<16xf32>
        %add3A_1125 = arith.addf %get3A_1124, %get3A_1075 : vector<16xf32>
        %swap3A_1126 = arith.index_cast %rem3A_227 : i32 to index
        %swap3A_1127 = arith.index_cast %add3A_1119 : i32 to index
        %swap3A_1128 = arith.constant 192 : index
        %swap3A_1129 = tpu.vector_load %arg8[%swap3A_1126, %swap3A_1127, %swap3A_1128] {strides = array<i32>} : memref<3x32x1024xf32, #tpu.memory_space<vmem>>, vector<1x1x16xf32>,
        %swap3A_1130 = vector.shape_cast %swap3A_1129 : vector<1x1x16xf32> to vector<16xf32>
        %swap3A_1131 = vector.shape_cast %add3A_1125 : vector<16xf32> to vector<1x1x16xf32>
        tpu.vector_store %arg8[%swap3A_1126, %swap3A_1127, %swap3A_1128], %swap3A_1131 {strides = array<i32>} : memref<3x32x1024xf32, #tpu.memory_space<vmem>>, vector<1x1x16xf32>,
        %get3A_1132 = arith.index_cast %rem3A_227 : i32 to index
        %get3A_1133 = arith.index_cast %scan3A_340 : i32 to index
        %get3A_1134 = arith.constant 208 : index
        %get3A_1135 = tpu.vector_load %arg7[%get3A_1132, %get3A_1133, %get3A_1134] {strides = array<i32>} : memref<3x8x1024xf32, #tpu.memory_space<vmem>>, vector<1x1x16xf32>,
        %get3A_1136 = vector.shape_cast %get3A_1135 : vector<1x1x16xf32> to vector<16xf32>
        %add3A_1137 = arith.constant 0 : i32
        %add3A_1138 = arith.addi %add3A_1137, %scan3A_340 : i32
        %get3A_1139 = arith.index_cast %rem3A_227 : i32 to index
        %get3A_1140 = arith.index_cast %add3A_1138 : i32 to index
        %get3A_1141 = arith.constant 208 : index
        %get3A_1142 = tpu.vector_load %arg8[%get3A_1139, %get3A_1140, %get3A_1141] {strides = array<i32>} : memref<3x32x1024xf32, #tpu.memory_space<vmem>>, vector<1x1x16xf32>,
        %get3A_1143 = vector.shape_cast %get3A_1142 : vector<1x1x16xf32> to vector<16xf32>
        %add3A_1144 = arith.addf %get3A_1143, %get3A_1136 : vector<16xf32>
        %swap3A_1145 = arith.index_cast %rem3A_227 : i32 to index
        %swap3A_1146 = arith.index_cast %add3A_1138 : i32 to index
        %swap3A_1147 = arith.constant 208 : index
        %swap3A_1148 = tpu.vector_load %arg8[%swap3A_1145, %swap3A_1146, %swap3A_1147] {strides = array<i32>} : memref<3x32x1024xf32, #tpu.memory_space<vmem>>, vector<1x1x16xf32>,
        %swap3A_1149 = vector.shape_cast %swap3A_1148 : vector<1x1x16xf32> to vector<16xf32>
        %swap3A_1150 = vector.shape_cast %add3A_1144 : vector<16xf32> to vector<1x1x16xf32>
        tpu.vector_store %arg8[%swap3A_1145, %swap3A_1146, %swap3A_1147], %swap3A_1150 {strides = array<i32>} : memref<3x32x1024xf32, #tpu.memory_space<vmem>>, vector<1x1x16xf32>,
        %add3A_1151 = arith.constant 8 : i32
        %add3A_1152 = arith.addi %add3A_1151, %scan3A_340 : i32
        %get3A_1153 = arith.index_cast %rem3A_227 : i32 to index
        %get3A_1154 = arith.index_cast %add3A_1152 : i32 to index
        %get3A_1155 = arith.constant 208 : index
        %get3A_1156 = tpu.vector_load %arg8[%get3A_1153, %get3A_1154, %get3A_1155] {strides = array<i32>} : memref<3x32x1024xf32, #tpu.memory_space<vmem>>, vector<1x1x16xf32>,
        %get3A_1157 = vector.shape_cast %get3A_1156 : vector<1x1x16xf32> to vector<16xf32>
        %add3A_1158 = arith.addf %get3A_1157, %get3A_1136 : vector<16xf32>
        %swap3A_1159 = arith.index_cast %rem3A_227 : i32 to index
        %swap3A_1160 = arith.index_cast %add3A_1152 : i32 to index
        %swap3A_1161 = arith.constant 208 : index
        %swap3A_1162 = tpu.vector_load %arg8[%swap3A_1159, %swap3A_1160, %swap3A_1161] {strides = array<i32>} : memref<3x32x1024xf32, #tpu.memory_space<vmem>>, vector<1x1x16xf32>,
        %swap3A_1163 = vector.shape_cast %swap3A_1162 : vector<1x1x16xf32> to vector<16xf32>
        %swap3A_1164 = vector.shape_cast %add3A_1158 : vector<16xf32> to vector<1x1x16xf32>
        tpu.vector_store %arg8[%swap3A_1159, %swap3A_1160, %swap3A_1161], %swap3A_1164 {strides = array<i32>} : memref<3x32x1024xf32, #tpu.memory_space<vmem>>, vector<1x1x16xf32>,
        %add3A_1165 = arith.constant 16 : i32
        %add3A_1166 = arith.addi %add3A_1165, %scan3A_340 : i32
        %get3A_1167 = arith.index_cast %rem3A_227 : i32 to index
        %get3A_1168 = arith.index_cast %add3A_1166 : i32 to index
        %get3A_1169 = arith.constant 208 : index
        %get3A_1170 = tpu.vector_load %arg8[%get3A_1167, %get3A_1168, %get3A_1169] {strides = array<i32>} : memref<3x32x1024xf32, #tpu.memory_space<vmem>>, vector<1x1x16xf32>,
        %get3A_1171 = vector.shape_cast %get3A_1170 : vector<1x1x16xf32> to vector<16xf32>
        %add3A_1172 = arith.addf %get3A_1171, %get3A_1136 : vector<16xf32>
        %swap3A_1173 = arith.index_cast %rem3A_227 : i32 to index
        %swap3A_1174 = arith.index_cast %add3A_1166 : i32 to index
        %swap3A_1175 = arith.constant 208 : index
        %swap3A_1176 = tpu.vector_load %arg8[%swap3A_1173, %swap3A_1174, %swap3A_1175] {strides = array<i32>} : memref<3x32x1024xf32, #tpu.memory_space<vmem>>, vector<1x1x16xf32>,
        %swap3A_1177 = vector.shape_cast %swap3A_1176 : vector<1x1x16xf32> to vector<16xf32>
        %swap3A_1178 = vector.shape_cast %add3A_1172 : vector<16xf32> to vector<1x1x16xf32>
        tpu.vector_store %arg8[%swap3A_1173, %swap3A_1174, %swap3A_1175], %swap3A_1178 {strides = array<i32>} : memref<3x32x1024xf32, #tpu.memory_space<vmem>>, vector<1x1x16xf32>,
        %add3A_1179 = arith.constant 24 : i32
        %add3A_1180 = arith.addi %add3A_1179, %scan3A_340 : i32
        %get3A_1181 = arith.index_cast %rem3A_227 : i32 to index
        %get3A_1182 = arith.index_cast %add3A_1180 : i32 to index
        %get3A_1183 = arith.constant 208 : index
        %get3A_1184 = tpu.vector_load %arg8[%get3A_1181, %get3A_1182, %get3A_1183] {strides = array<i32>} : memref<3x32x1024xf32, #tpu.memory_space<vmem>>, vector<1x1x16xf32>,
        %get3A_1185 = vector.shape_cast %get3A_1184 : vector<1x1x16xf32> to vector<16xf32>
        %add3A_1186 = arith.addf %get3A_1185, %get3A_1136 : vector<16xf32>
        %swap3A_1187 = arith.index_cast %rem3A_227 : i32 to index
        %swap3A_1188 = arith.index_cast %add3A_1180 : i32 to index
        %swap3A_1189 = arith.constant 208 : index
        %swap3A_1190 = tpu.vector_load %arg8[%swap3A_1187, %swap3A_1188, %swap3A_1189] {strides = array<i32>} : memref<3x32x1024xf32, #tpu.memory_space<vmem>>, vector<1x1x16xf32>,
        %swap3A_1191 = vector.shape_cast %swap3A_1190 : vector<1x1x16xf32> to vector<16xf32>
        %swap3A_1192 = vector.shape_cast %add3A_1186 : vector<16xf32> to vector<1x1x16xf32>
        tpu.vector_store %arg8[%swap3A_1187, %swap3A_1188, %swap3A_1189], %swap3A_1192 {strides = array<i32>} : memref<3x32x1024xf32, #tpu.memory_space<vmem>>, vector<1x1x16xf32>,
        %get3A_1193 = arith.index_cast %rem3A_227 : i32 to index
        %get3A_1194 = arith.index_cast %scan3A_340 : i32 to index
        %get3A_1195 = arith.constant 224 : index
        %get3A_1196 = tpu.vector_load %arg7[%get3A_1193, %get3A_1194, %get3A_1195] {strides = array<i32>} : memref<3x8x1024xf32, #tpu.memory_space<vmem>>, vector<1x1x16xf32>,
        %get3A_1197 = vector.shape_cast %get3A_1196 : vector<1x1x16xf32> to vector<16xf32>
        %add3A_1198 = arith.constant 0 : i32
        %add3A_1199 = arith.addi %add3A_1198, %scan3A_340 : i32
        %get3A_1200 = arith.index_cast %rem3A_227 : i32 to index
        %get3A_1201 = arith.index_cast %add3A_1199 : i32 to index
        %get3A_1202 = arith.constant 224 : index
        %get3A_1203 = tpu.vector_load %arg8[%get3A_1200, %get3A_1201, %get3A_1202] {strides = array<i32>} : memref<3x32x1024xf32, #tpu.memory_space<vmem>>, vector<1x1x16xf32>,
        %get3A_1204 = vector.shape_cast %get3A_1203 : vector<1x1x16xf32> to vector<16xf32>
        %add3A_1205 = arith.addf %get3A_1204, %get3A_1197 : vector<16xf32>
        %swap3A_1206 = arith.index_cast %rem3A_227 : i32 to index
        %swap3A_1207 = arith.index_cast %add3A_1199 : i32 to index
        %swap3A_1208 = arith.constant 224 : index
        %swap3A_1209 = tpu.vector_load %arg8[%swap3A_1206, %swap3A_1207, %swap3A_1208] {strides = array<i32>} : memref<3x32x1024xf32, #tpu.memory_space<vmem>>, vector<1x1x16xf32>,
        %swap3A_1210 = vector.shape_cast %swap3A_1209 : vector<1x1x16xf32> to vector<16xf32>
        %swap3A_1211 = vector.shape_cast %add3A_1205 : vector<16xf32> to vector<1x1x16xf32>
        tpu.vector_store %arg8[%swap3A_1206, %swap3A_1207, %swap3A_1208], %swap3A_1211 {strides = array<i32>} : memref<3x32x1024xf32, #tpu.memory_space<vmem>>, vector<1x1x16xf32>,
        %add3A_1212 = arith.constant 8 : i32
        %add3A_1213 = arith.addi %add3A_1212, %scan3A_340 : i32
        %get3A_1214 = arith.index_cast %rem3A_227 : i32 to index
        %get3A_1215 = arith.index_cast %add3A_1213 : i32 to index
        %get3A_1216 = arith.constant 224 : index
        %get3A_1217 = tpu.vector_load %arg8[%get3A_1214, %get3A_1215, %get3A_1216] {strides = array<i32>} : memref<3x32x1024xf32, #tpu.memory_space<vmem>>, vector<1x1x16xf32>,
        %get3A_1218 = vector.shape_cast %get3A_1217 : vector<1x1x16xf32> to vector<16xf32>
        %add3A_1219 = arith.addf %get3A_1218, %get3A_1197 : vector<16xf32>
        %swap3A_1220 = arith.index_cast %rem3A_227 : i32 to index
        %swap3A_1221 = arith.index_cast %add3A_1213 : i32 to index
        %swap3A_1222 = arith.constant 224 : index
        %swap3A_1223 = tpu.vector_load %arg8[%swap3A_1220, %swap3A_1221, %swap3A_1222] {strides = array<i32>} : memref<3x32x1024xf32, #tpu.memory_space<vmem>>, vector<1x1x16xf32>,
        %swap3A_1224 = vector.shape_cast %swap3A_1223 : vector<1x1x16xf32> to vector<16xf32>
        %swap3A_1225 = vector.shape_cast %add3A_1219 : vector<16xf32> to vector<1x1x16xf32>
        tpu.vector_store %arg8[%swap3A_1220, %swap3A_1221, %swap3A_1222], %swap3A_1225 {strides = array<i32>} : memref<3x32x1024xf32, #tpu.memory_space<vmem>>, vector<1x1x16xf32>,
        %add3A_1226 = arith.constant 16 : i32
        %add3A_1227 = arith.addi %add3A_1226, %scan3A_340 : i32
        %get3A_1228 = arith.index_cast %rem3A_227 : i32 to index
        %get3A_1229 = arith.index_cast %add3A_1227 : i32 to index
        %get3A_1230 = arith.constant 224 : index
        %get3A_1231 = tpu.vector_load %arg8[%get3A_1228, %get3A_1229, %get3A_1230] {strides = array<i32>} : memref<3x32x1024xf32, #tpu.memory_space<vmem>>, vector<1x1x16xf32>,
        %get3A_1232 = vector.shape_cast %get3A_1231 : vector<1x1x16xf32> to vector<16xf32>
        %add3A_1233 = arith.addf %get3A_1232, %get3A_1197 : vector<16xf32>
        %swap3A_1234 = arith.index_cast %rem3A_227 : i32 to index
        %swap3A_1235 = arith.index_cast %add3A_1227 : i32 to index
        %swap3A_1236 = arith.constant 224 : index
        %swap3A_1237 = tpu.vector_load %arg8[%swap3A_1234, %swap3A_1235, %swap3A_1236] {strides = array<i32>} : memref<3x32x1024xf32, #tpu.memory_space<vmem>>, vector<1x1x16xf32>,
        %swap3A_1238 = vector.shape_cast %swap3A_1237 : vector<1x1x16xf32> to vector<16xf32>
        %swap3A_1239 = vector.shape_cast %add3A_1233 : vector<16xf32> to vector<1x1x16xf32>
        tpu.vector_store %arg8[%swap3A_1234, %swap3A_1235, %swap3A_1236], %swap3A_1239 {strides = array<i32>} : memref<3x32x1024xf32, #tpu.memory_space<vmem>>, vector<1x1x16xf32>,
        %add3A_1240 = arith.constant 24 : i32
        %add3A_1241 = arith.addi %add3A_1240, %scan3A_340 : i32
        %get3A_1242 = arith.index_cast %rem3A_227 : i32 to index
        %get3A_1243 = arith.index_cast %add3A_1241 : i32 to index
        %get3A_1244 = arith.constant 224 : index
        %get3A_1245 = tpu.vector_load %arg8[%get3A_1242, %get3A_1243, %get3A_1244] {strides = array<i32>} : memref<3x32x1024xf32, #tpu.memory_space<vmem>>, vector<1x1x16xf32>,
        %get3A_1246 = vector.shape_cast %get3A_1245 : vector<1x1x16xf32> to vector<16xf32>
        %add3A_1247 = arith.addf %get3A_1246, %get3A_1197 : vector<16xf32>
        %swap3A_1248 = arith.index_cast %rem3A_227 : i32 to index
        %swap3A_1249 = arith.index_cast %add3A_1241 : i32 to index
        %swap3A_1250 = arith.constant 224 : index
        %swap3A_1251 = tpu.vector_load %arg8[%swap3A_1248, %swap3A_1249, %swap3A_1250] {strides = array<i32>} : memref<3x32x1024xf32, #tpu.memory_space<vmem>>, vector<1x1x16xf32>,
        %swap3A_1252 = vector.shape_cast %swap3A_1251 : vector<1x1x16xf32> to vector<16xf32>
        %swap3A_1253 = vector.shape_cast %add3A_1247 : vector<16xf32> to vector<1x1x16xf32>
        tpu.vector_store %arg8[%swap3A_1248, %swap3A_1249, %swap3A_1250], %swap3A_1253 {strides = array<i32>} : memref<3x32x1024xf32, #tpu.memory_space<vmem>>, vector<1x1x16xf32>,
        %get3A_1254 = arith.index_cast %rem3A_227 : i32 to index
        %get3A_1255 = arith.index_cast %scan3A_340 : i32 to index
        %get3A_1256 = arith.constant 240 : index
        %get3A_1257 = tpu.vector_load %arg7[%get3A_1254, %get3A_1255, %get3A_1256] {strides = array<i32>} : memref<3x8x1024xf32, #tpu.memory_space<vmem>>, vector<1x1x16xf32>,
        %get3A_1258 = vector.shape_cast %get3A_1257 : vector<1x1x16xf32> to vector<16xf32>
        %add3A_1259 = arith.constant 0 : i32
        %add3A_1260 = arith.addi %add3A_1259, %scan3A_340 : i32
        %get3A_1261 = arith.index_cast %rem3A_227 : i32 to index
        %get3A_1262 = arith.index_cast %add3A_1260 : i32 to index
        %get3A_1263 = arith.constant 240 : index
        %get3A_1264 = tpu.vector_load %arg8[%get3A_1261, %get3A_1262, %get3A_1263] {strides = array<i32>} : memref<3x32x1024xf32, #tpu.memory_space<vmem>>, vector<1x1x16xf32>,
        %get3A_1265 = vector.shape_cast %get3A_1264 : vector<1x1x16xf32> to vector<16xf32>
        %add3A_1266 = arith.addf %get3A_1265, %get3A_1258 : vector<16xf32>
        %swap3A_1267 = arith.index_cast %rem3A_227 : i32 to index
        %swap3A_1268 = arith.index_cast %add3A_1260 : i32 to index
        %swap3A_1269 = arith.constant 240 : index
        %swap3A_1270 = tpu.vector_load %arg8[%swap3A_1267, %swap3A_1268, %swap3A_1269] {strides = array<i32>} : memref<3x32x1024xf32, #tpu.memory_space<vmem>>, vector<1x1x16xf32>,
        %swap3A_1271 = vector.shape_cast %swap3A_1270 : vector<1x1x16xf32> to vector<16xf32>
        %swap3A_1272 = vector.shape_cast %add3A_1266 : vector<16xf32> to vector<1x1x16xf32>
        tpu.vector_store %arg8[%swap3A_1267, %swap3A_1268, %swap3A_1269], %swap3A_1272 {strides = array<i32>} : memref<3x32x1024xf32, #tpu.memory_space<vmem>>, vector<1x1x16xf32>,
        %add3A_1273 = arith.constant 8 : i32
        %add3A_1274 = arith.addi %add3A_1273, %scan3A_340 : i32
        %get3A_1275 = arith.index_cast %rem3A_227 : i32 to index
        %get3A_1276 = arith.index_cast %add3A_1274 : i32 to index
        %get3A_1277 = arith.constant 240 : index
        %get3A_1278 = tpu.vector_load %arg8[%get3A_1275, %get3A_1276, %get3A_1277] {strides = array<i32>} : memref<3x32x1024xf32, #tpu.memory_space<vmem>>, vector<1x1x16xf32>,
        %get3A_1279 = vector.shape_cast %get3A_1278 : vector<1x1x16xf32> to vector<16xf32>
        %add3A_1280 = arith.addf %get3A_1279, %get3A_1258 : vector<16xf32>
        %swap3A_1281 = arith.index_cast %rem3A_227 : i32 to index
        %swap3A_1282 = arith.index_cast %add3A_1274 : i32 to index
        %swap3A_1283 = arith.constant 240 : index
        %swap3A_1284 = tpu.vector_load %arg8[%swap3A_1281, %swap3A_1282, %swap3A_1283] {strides = array<i32>} : memref<3x32x1024xf32, #tpu.memory_space<vmem>>, vector<1x1x16xf32>,
        %swap3A_1285 = vector.shape_cast %swap3A_1284 : vector<1x1x16xf32> to vector<16xf32>
        %swap3A_1286 = vector.shape_cast %add3A_1280 : vector<16xf32> to vector<1x1x16xf32>
        tpu.vector_store %arg8[%swap3A_1281, %swap3A_1282, %swap3A_1283], %swap3A_1286 {strides = array<i32>} : memref<3x32x1024xf32, #tpu.memory_space<vmem>>, vector<1x1x16xf32>,
        %add3A_1287 = arith.constant 16 : i32
        %add3A_1288 = arith.addi %add3A_1287, %scan3A_340 : i32
        %get3A_1289 = arith.index_cast %rem3A_227 : i32 to index
        %get3A_1290 = arith.index_cast %add3A_1288 : i32 to index
        %get3A_1291 = arith.constant 240 : index
        %get3A_1292 = tpu.vector_load %arg8[%get3A_1289, %get3A_1290, %get3A_1291] {strides = array<i32>} : memref<3x32x1024xf32, #tpu.memory_space<vmem>>, vector<1x1x16xf32>,
        %get3A_1293 = vector.shape_cast %get3A_1292 : vector<1x1x16xf32> to vector<16xf32>
        %add3A_1294 = arith.addf %get3A_1293, %get3A_1258 : vector<16xf32>
        %swap3A_1295 = arith.index_cast %rem3A_227 : i32 to index
        %swap3A_1296 = arith.index_cast %add3A_1288 : i32 to index
        %swap3A_1297 = arith.constant 240 : index
        %swap3A_1298 = tpu.vector_load %arg8[%swap3A_1295, %swap3A_1296, %swap3A_1297] {strides = array<i32>} : memref<3x32x1024xf32, #tpu.memory_space<vmem>>, vector<1x1x16xf32>,
        %swap3A_1299 = vector.shape_cast %swap3A_1298 : vector<1x1x16xf32> to vector<16xf32>
        %swap3A_1300 = vector.shape_cast %add3A_1294 : vector<16xf32> to vector<1x1x16xf32>
        tpu.vector_store %arg8[%swap3A_1295, %swap3A_1296, %swap3A_1297], %swap3A_1300 {strides = array<i32>} : memref<3x32x1024xf32, #tpu.memory_space<vmem>>, vector<1x1x16xf32>,
        %add3A_1301 = arith.constant 24 : i32
        %add3A_1302 = arith.addi %add3A_1301, %scan3A_340 : i32
        %get3A_1303 = arith.index_cast %rem3A_227 : i32 to index
        %get3A_1304 = arith.index_cast %add3A_1302 : i32 to index
        %get3A_1305 = arith.constant 240 : index
        %get3A_1306 = tpu.vector_load %arg8[%get3A_1303, %get3A_1304, %get3A_1305] {strides = array<i32>} : memref<3x32x1024xf32, #tpu.memory_space<vmem>>, vector<1x1x16xf32>,
        %get3A_1307 = vector.shape_cast %get3A_1306 : vector<1x1x16xf32> to vector<16xf32>
        %add3A_1308 = arith.addf %get3A_1307, %get3A_1258 : vector<16xf32>
        %swap3A_1309 = arith.index_cast %rem3A_227 : i32 to index
        %swap3A_1310 = arith.index_cast %add3A_1302 : i32 to index
        %swap3A_1311 = arith.constant 240 : index
        %swap3A_1312 = tpu.vector_load %arg8[%swap3A_1309, %swap3A_1310, %swap3A_1311] {strides = array<i32>} : memref<3x32x1024xf32, #tpu.memory_space<vmem>>, vector<1x1x16xf32>,
        %swap3A_1313 = vector.shape_cast %swap3A_1312 : vector<1x1x16xf32> to vector<16xf32>
        %swap3A_1314 = vector.shape_cast %add3A_1308 : vector<16xf32> to vector<1x1x16xf32>
        tpu.vector_store %arg8[%swap3A_1309, %swap3A_1310, %swap3A_1311], %swap3A_1314 {strides = array<i32>} : memref<3x32x1024xf32, #tpu.memory_space<vmem>>, vector<1x1x16xf32>,
        %get3A_1315 = arith.index_cast %rem3A_227 : i32 to index
        %get3A_1316 = arith.index_cast %scan3A_340 : i32 to index
        %get3A_1317 = arith.constant 256 : index
        %get3A_1318 = tpu.vector_load %arg7[%get3A_1315, %get3A_1316, %get3A_1317] {strides = array<i32>} : memref<3x8x1024xf32, #tpu.memory_space<vmem>>, vector<1x1x16xf32>,
        %get3A_1319 = vector.shape_cast %get3A_1318 : vector<1x1x16xf32> to vector<16xf32>
        %add3A_1320 = arith.constant 0 : i32
        %add3A_1321 = arith.addi %add3A_1320, %scan3A_340 : i32
        %get3A_1322 = arith.index_cast %rem3A_227 : i32 to index
        %get3A_1323 = arith.index_cast %add3A_1321 : i32 to index
        %get3A_1324 = arith.constant 256 : index
        %get3A_1325 = tpu.vector_load %arg8[%get3A_1322, %get3A_1323, %get3A_1324] {strides = array<i32>} : memref<3x32x1024xf32, #tpu.memory_space<vmem>>, vector<1x1x16xf32>,
        %get3A_1326 = vector.shape_cast %get3A_1325 : vector<1x1x16xf32> to vector<16xf32>
        %add3A_1327 = arith.addf %get3A_1326, %get3A_1319 : vector<16xf32>
        %swap3A_1328 = arith.index_cast %rem3A_227 : i32 to index
        %swap3A_1329 = arith.index_cast %add3A_1321 : i32 to index
        %swap3A_1330 = arith.constant 256 : index
        %swap3A_1331 = tpu.vector_load %arg8[%swap3A_1328, %swap3A_1329, %swap3A_1330] {strides = array<i32>} : memref<3x32x1024xf32, #tpu.memory_space<vmem>>, vector<1x1x16xf32>,
        %swap3A_1332 = vector.shape_cast %swap3A_1331 : vector<1x1x16xf32> to vector<16xf32>
        %swap3A_1333 = vector.shape_cast %add3A_1327 : vector<16xf32> to vector<1x1x16xf32>
        tpu.vector_store %arg8[%swap3A_1328, %swap3A_1329, %swap3A_1330], %swap3A_1333 {strides = array<i32>} : memref<3x32x1024xf32, #tpu.memory_space<vmem>>, vector<1x1x16xf32>,
        %add3A_1334 = arith.constant 8 : i32
        %add3A_1335 = arith.addi %add3A_1334, %scan3A_340 : i32
        %get3A_1336 = arith.index_cast %rem3A_227 : i32 to index
        %get3A_1337 = arith.index_cast %add3A_1335 : i32 to index
        %get3A_1338 = arith.constant 256 : index
        %get3A_1339 = tpu.vector_load %arg8[%get3A_1336, %get3A_1337, %get3A_1338] {strides = array<i32>} : memref<3x32x1024xf32, #tpu.memory_space<vmem>>, vector<1x1x16xf32>,
        %get3A_1340 = vector.shape_cast %get3A_1339 : vector<1x1x16xf32> to vector<16xf32>
        %add3A_1341 = arith.addf %get3A_1340, %get3A_1319 : vector<16xf32>
        %swap3A_1342 = arith.index_cast %rem3A_227 : i32 to index
        %swap3A_1343 = arith.index_cast %add3A_1335 : i32 to index
        %swap3A_1344 = arith.constant 256 : index
        %swap3A_1345 = tpu.vector_load %arg8[%swap3A_1342, %swap3A_1343, %swap3A_1344] {strides = array<i32>} : memref<3x32x1024xf32, #tpu.memory_space<vmem>>, vector<1x1x16xf32>,
        %swap3A_1346 = vector.shape_cast %swap3A_1345 : vector<1x1x16xf32> to vector<16xf32>
        %swap3A_1347 = vector.shape_cast %add3A_1341 : vector<16xf32> to vector<1x1x16xf32>
        tpu.vector_store %arg8[%swap3A_1342, %swap3A_1343, %swap3A_1344], %swap3A_1347 {strides = array<i32>} : memref<3x32x1024xf32, #tpu.memory_space<vmem>>, vector<1x1x16xf32>,
        %add3A_1348 = arith.constant 16 : i32
        %add3A_1349 = arith.addi %add3A_1348, %scan3A_340 : i32
        %get3A_1350 = arith.index_cast %rem3A_227 : i32 to index
        %get3A_1351 = arith.index_cast %add3A_1349 : i32 to index
        %get3A_1352 = arith.constant 256 : index
        %get3A_1353 = tpu.vector_load %arg8[%get3A_1350, %get3A_1351, %get3A_1352] {strides = array<i32>} : memref<3x32x1024xf32, #tpu.memory_space<vmem>>, vector<1x1x16xf32>,
        %get3A_1354 = vector.shape_cast %get3A_1353 : vector<1x1x16xf32> to vector<16xf32>
        %add3A_1355 = arith.addf %get3A_1354, %get3A_1319 : vector<16xf32>
        %swap3A_1356 = arith.index_cast %rem3A_227 : i32 to index
        %swap3A_1357 = arith.index_cast %add3A_1349 : i32 to index
        %swap3A_1358 = arith.constant 256 : index
        %swap3A_1359 = tpu.vector_load %arg8[%swap3A_1356, %swap3A_1357, %swap3A_1358] {strides = array<i32>} : memref<3x32x1024xf32, #tpu.memory_space<vmem>>, vector<1x1x16xf32>,
        %swap3A_1360 = vector.shape_cast %swap3A_1359 : vector<1x1x16xf32> to vector<16xf32>
        %swap3A_1361 = vector.shape_cast %add3A_1355 : vector<16xf32> to vector<1x1x16xf32>
        tpu.vector_store %arg8[%swap3A_1356, %swap3A_1357, %swap3A_1358], %swap3A_1361 {strides = array<i32>} : memref<3x32x1024xf32, #tpu.memory_space<vmem>>, vector<1x1x16xf32>,
        %add3A_1362 = arith.constant 24 : i32
        %add3A_1363 = arith.addi %add3A_1362, %scan3A_340 : i32
        %get3A_1364 = arith.index_cast %rem3A_227 : i32 to index
        %get3A_1365 = arith.index_cast %add3A_1363 : i32 to index
        %get3A_1366 = arith.constant 256 : index
        %get3A_1367 = tpu.vector_load %arg8[%get3A_1364, %get3A_1365, %get3A_1366] {strides = array<i32>} : memref<3x32x1024xf32, #tpu.memory_space<vmem>>, vector<1x1x16xf32>,
        %get3A_1368 = vector.shape_cast %get3A_1367 : vector<1x1x16xf32> to vector<16xf32>
        %add3A_1369 = arith.addf %get3A_1368, %get3A_1319 : vector<16xf32>
        %swap3A_1370 = arith.index_cast %rem3A_227 : i32 to index
        %swap3A_1371 = arith.index_cast %add3A_1363 : i32 to index
        %swap3A_1372 = arith.constant 256 : index
        %swap3A_1373 = tpu.vector_load %arg8[%swap3A_1370, %swap3A_1371, %swap3A_1372] {strides = array<i32>} : memref<3x32x1024xf32, #tpu.memory_space<vmem>>, vector<1x1x16xf32>,
        %swap3A_1374 = vector.shape_cast %swap3A_1373 : vector<1x1x16xf32> to vector<16xf32>
        %swap3A_1375 = vector.shape_cast %add3A_1369 : vector<16xf32> to vector<1x1x16xf32>
        tpu.vector_store %arg8[%swap3A_1370, %swap3A_1371, %swap3A_1372], %swap3A_1375 {strides = array<i32>} : memref<3x32x1024xf32, #tpu.memory_space<vmem>>, vector<1x1x16xf32>,
        %get3A_1376 = arith.index_cast %rem3A_227 : i32 to index
        %get3A_1377 = arith.index_cast %scan3A_340 : i32 to index
        %get3A_1378 = arith.constant 272 : index
        %get3A_1379 = tpu.vector_load %arg7[%get3A_1376, %get3A_1377, %get3A_1378] {strides = array<i32>} : memref<3x8x1024xf32, #tpu.memory_space<vmem>>, vector<1x1x16xf32>,
        %get3A_1380 = vector.shape_cast %get3A_1379 : vector<1x1x16xf32> to vector<16xf32>
        %add3A_1381 = arith.constant 0 : i32
        %add3A_1382 = arith.addi %add3A_1381, %scan3A_340 : i32
        %get3A_1383 = arith.index_cast %rem3A_227 : i32 to index
        %get3A_1384 = arith.index_cast %add3A_1382 : i32 to index
        %get3A_1385 = arith.constant 272 : index
        %get3A_1386 = tpu.vector_load %arg8[%get3A_1383, %get3A_1384, %get3A_1385] {strides = array<i32>} : memref<3x32x1024xf32, #tpu.memory_space<vmem>>, vector<1x1x16xf32>,
        %get3A_1387 = vector.shape_cast %get3A_1386 : vector<1x1x16xf32> to vector<16xf32>
        %add3A_1388 = arith.addf %get3A_1387, %get3A_1380 : vector<16xf32>
        %swap3A_1389 = arith.index_cast %rem3A_227 : i32 to index
        %swap3A_1390 = arith.index_cast %add3A_1382 : i32 to index
        %swap3A_1391 = arith.constant 272 : index
        %swap3A_1392 = tpu.vector_load %arg8[%swap3A_1389, %swap3A_1390, %swap3A_1391] {strides = array<i32>} : memref<3x32x1024xf32, #tpu.memory_space<vmem>>, vector<1x1x16xf32>,
        %swap3A_1393 = vector.shape_cast %swap3A_1392 : vector<1x1x16xf32> to vector<16xf32>
        %swap3A_1394 = vector.shape_cast %add3A_1388 : vector<16xf32> to vector<1x1x16xf32>
        tpu.vector_store %arg8[%swap3A_1389, %swap3A_1390, %swap3A_1391], %swap3A_1394 {strides = array<i32>} : memref<3x32x1024xf32, #tpu.memory_space<vmem>>, vector<1x1x16xf32>,
        %add3A_1395 = arith.constant 8 : i32
        %add3A_1396 = arith.addi %add3A_1395, %scan3A_340 : i32
        %get3A_1397 = arith.index_cast %rem3A_227 : i32 to index
        %get3A_1398 = arith.index_cast %add3A_1396 : i32 to index
        %get3A_1399 = arith.constant 272 : index
        %get3A_1400 = tpu.vector_load %arg8[%get3A_1397, %get3A_1398, %get3A_1399] {strides = array<i32>} : memref<3x32x1024xf32, #tpu.memory_space<vmem>>, vector<1x1x16xf32>,
        %get3A_1401 = vector.shape_cast %get3A_1400 : vector<1x1x16xf32> to vector<16xf32>
        %add3A_1402 = arith.addf %get3A_1401, %get3A_1380 : vector<16xf32>
        %swap3A_1403 = arith.index_cast %rem3A_227 : i32 to index
        %swap3A_1404 = arith.index_cast %add3A_1396 : i32 to index
        %swap3A_1405 = arith.constant 272 : index
        %swap3A_1406 = tpu.vector_load %arg8[%swap3A_1403, %swap3A_1404, %swap3A_1405] {strides = array<i32>} : memref<3x32x1024xf32, #tpu.memory_space<vmem>>, vector<1x1x16xf32>,
        %swap3A_1407 = vector.shape_cast %swap3A_1406 : vector<1x1x16xf32> to vector<16xf32>
        %swap3A_1408 = vector.shape_cast %add3A_1402 : vector<16xf32> to vector<1x1x16xf32>
        tpu.vector_store %arg8[%swap3A_1403, %swap3A_1404, %swap3A_1405], %swap3A_1408 {strides = array<i32>} : memref<3x32x1024xf32, #tpu.memory_space<vmem>>, vector<1x1x16xf32>,
        %add3A_1409 = arith.constant 16 : i32
        %add3A_1410 = arith.addi %add3A_1409, %scan3A_340 : i32
        %get3A_1411 = arith.index_cast %rem3A_227 : i32 to index
        %get3A_1412 = arith.index_cast %add3A_1410 : i32 to index
        %get3A_1413 = arith.constant 272 : index
        %get3A_1414 = tpu.vector_load %arg8[%get3A_1411, %get3A_1412, %get3A_1413] {strides = array<i32>} : memref<3x32x1024xf32, #tpu.memory_space<vmem>>, vector<1x1x16xf32>,
        %get3A_1415 = vector.shape_cast %get3A_1414 : vector<1x1x16xf32> to vector<16xf32>
        %add3A_1416 = arith.addf %get3A_1415, %get3A_1380 : vector<16xf32>
        %swap3A_1417 = arith.index_cast %rem3A_227 : i32 to index
        %swap3A_1418 = arith.index_cast %add3A_1410 : i32 to index
        %swap3A_1419 = arith.constant 272 : index
        %swap3A_1420 = tpu.vector_load %arg8[%swap3A_1417, %swap3A_1418, %swap3A_1419] {strides = array<i32>} : memref<3x32x1024xf32, #tpu.memory_space<vmem>>, vector<1x1x16xf32>,
        %swap3A_1421 = vector.shape_cast %swap3A_1420 : vector<1x1x16xf32> to vector<16xf32>
        %swap3A_1422 = vector.shape_cast %add3A_1416 : vector<16xf32> to vector<1x1x16xf32>
        tpu.vector_store %arg8[%swap3A_1417, %swap3A_1418, %swap3A_1419], %swap3A_1422 {strides = array<i32>} : memref<3x32x1024xf32, #tpu.memory_space<vmem>>, vector<1x1x16xf32>,
        %add3A_1423 = arith.constant 24 : i32
        %add3A_1424 = arith.addi %add3A_1423, %scan3A_340 : i32
        %get3A_1425 = arith.index_cast %rem3A_227 : i32 to index
        %get3A_1426 = arith.index_cast %add3A_1424 : i32 to index
        %get3A_1427 = arith.constant 272 : index
        %get3A_1428 = tpu.vector_load %arg8[%get3A_1425, %get3A_1426, %get3A_1427] {strides = array<i32>} : memref<3x32x1024xf32, #tpu.memory_space<vmem>>, vector<1x1x16xf32>,
        %get3A_1429 = vector.shape_cast %get3A_1428 : vector<1x1x16xf32> to vector<16xf32>
        %add3A_1430 = arith.addf %get3A_1429, %get3A_1380 : vector<16xf32>
        %swap3A_1431 = arith.index_cast %rem3A_227 : i32 to index
        %swap3A_1432 = arith.index_cast %add3A_1424 : i32 to index
        %swap3A_1433 = arith.constant 272 : index
        %swap3A_1434 = tpu.vector_load %arg8[%swap3A_1431, %swap3A_1432, %swap3A_1433] {strides = array<i32>} : memref<3x32x1024xf32, #tpu.memory_space<vmem>>, vector<1x1x16xf32>,
        %swap3A_1435 = vector.shape_cast %swap3A_1434 : vector<1x1x16xf32> to vector<16xf32>
        %swap3A_1436 = vector.shape_cast %add3A_1430 : vector<16xf32> to vector<1x1x16xf32>
        tpu.vector_store %arg8[%swap3A_1431, %swap3A_1432, %swap3A_1433], %swap3A_1436 {strides = array<i32>} : memref<3x32x1024xf32, #tpu.memory_space<vmem>>, vector<1x1x16xf32>,
        %get3A_1437 = arith.index_cast %rem3A_227 : i32 to index
        %get3A_1438 = arith.index_cast %scan3A_340 : i32 to index
        %get3A_1439 = arith.constant 288 : index
        %get3A_1440 = tpu.vector_load %arg7[%get3A_1437, %get3A_1438, %get3A_1439] {strides = array<i32>} : memref<3x8x1024xf32, #tpu.memory_space<vmem>>, vector<1x1x16xf32>,
        %get3A_1441 = vector.shape_cast %get3A_1440 : vector<1x1x16xf32> to vector<16xf32>
        %add3A_1442 = arith.constant 0 : i32
        %add3A_1443 = arith.addi %add3A_1442, %scan3A_340 : i32
        %get3A_1444 = arith.index_cast %rem3A_227 : i32 to index
        %get3A_1445 = arith.index_cast %add3A_1443 : i32 to index
        %get3A_1446 = arith.constant 288 : index
        %get3A_1447 = tpu.vector_load %arg8[%get3A_1444, %get3A_1445, %get3A_1446] {strides = array<i32>} : memref<3x32x1024xf32, #tpu.memory_space<vmem>>, vector<1x1x16xf32>,
        %get3A_1448 = vector.shape_cast %get3A_1447 : vector<1x1x16xf32> to vector<16xf32>
        %add3A_1449 = arith.addf %get3A_1448, %get3A_1441 : vector<16xf32>
        %swap3A_1450 = arith.index_cast %rem3A_227 : i32 to index
        %swap3A_1451 = arith.index_cast %add3A_1443 : i32 to index
        %swap3A_1452 = arith.constant 288 : index
        %swap3A_1453 = tpu.vector_load %arg8[%swap3A_1450, %swap3A_1451, %swap3A_1452] {strides = array<i32>} : memref<3x32x1024xf32, #tpu.memory_space<vmem>>, vector<1x1x16xf32>,
        %swap3A_1454 = vector.shape_cast %swap3A_1453 : vector<1x1x16xf32> to vector<16xf32>
        %swap3A_1455 = vector.shape_cast %add3A_1449 : vector<16xf32> to vector<1x1x16xf32>
        tpu.vector_store %arg8[%swap3A_1450, %swap3A_1451, %swap3A_1452], %swap3A_1455 {strides = array<i32>} : memref<3x32x1024xf32, #tpu.memory_space<vmem>>, vector<1x1x16xf32>,
        %add3A_1456 = arith.constant 8 : i32
        %add3A_1457 = arith.addi %add3A_1456, %scan3A_340 : i32
        %get3A_1458 = arith.index_cast %rem3A_227 : i32 to index
        %get3A_1459 = arith.index_cast %add3A_1457 : i32 to index
        %get3A_1460 = arith.constant 288 : index
        %get3A_1461 = tpu.vector_load %arg8[%get3A_1458, %get3A_1459, %get3A_1460] {strides = array<i32>} : memref<3x32x1024xf32, #tpu.memory_space<vmem>>, vector<1x1x16xf32>,
        %get3A_1462 = vector.shape_cast %get3A_1461 : vector<1x1x16xf32> to vector<16xf32>
        %add3A_1463 = arith.addf %get3A_1462, %get3A_1441 : vector<16xf32>
        %swap3A_1464 = arith.index_cast %rem3A_227 : i32 to index
        %swap3A_1465 = arith.index_cast %add3A_1457 : i32 to index
        %swap3A_1466 = arith.constant 288 : index
        %swap3A_1467 = tpu.vector_load %arg8[%swap3A_1464, %swap3A_1465, %swap3A_1466] {strides = array<i32>} : memref<3x32x1024xf32, #tpu.memory_space<vmem>>, vector<1x1x16xf32>,
        %swap3A_1468 = vector.shape_cast %swap3A_1467 : vector<1x1x16xf32> to vector<16xf32>
        %swap3A_1469 = vector.shape_cast %add3A_1463 : vector<16xf32> to vector<1x1x16xf32>
        tpu.vector_store %arg8[%swap3A_1464, %swap3A_1465, %swap3A_1466], %swap3A_1469 {strides = array<i32>} : memref<3x32x1024xf32, #tpu.memory_space<vmem>>, vector<1x1x16xf32>,
        %add3A_1470 = arith.constant 16 : i32
        %add3A_1471 = arith.addi %add3A_1470, %scan3A_340 : i32
        %get3A_1472 = arith.index_cast %rem3A_227 : i32 to index
        %get3A_1473 = arith.index_cast %add3A_1471 : i32 to index
        %get3A_1474 = arith.constant 288 : index
        %get3A_1475 = tpu.vector_load %arg8[%get3A_1472, %get3A_1473, %get3A_1474] {strides = array<i32>} : memref<3x32x1024xf32, #tpu.memory_space<vmem>>, vector<1x1x16xf32>,
        %get3A_1476 = vector.shape_cast %get3A_1475 : vector<1x1x16xf32> to vector<16xf32>
        %add3A_1477 = arith.addf %get3A_1476, %get3A_1441 : vector<16xf32>
        %swap3A_1478 = arith.index_cast %rem3A_227 : i32 to index
        %swap3A_1479 = arith.index_cast %add3A_1471 : i32 to index
        %swap3A_1480 = arith.constant 288 : index
        %swap3A_1481 = tpu.vector_load %arg8[%swap3A_1478, %swap3A_1479, %swap3A_1480] {strides = array<i32>} : memref<3x32x1024xf32, #tpu.memory_space<vmem>>, vector<1x1x16xf32>,
        %swap3A_1482 = vector.shape_cast %swap3A_1481 : vector<1x1x16xf32> to vector<16xf32>
        %swap3A_1483 = vector.shape_cast %add3A_1477 : vector<16xf32> to vector<1x1x16xf32>
        tpu.vector_store %arg8[%swap3A_1478, %swap3A_1479, %swap3A_1480], %swap3A_1483 {strides = array<i32>} : memref<3x32x1024xf32, #tpu.memory_space<vmem>>, vector<1x1x16xf32>,
        %add3A_1484 = arith.constant 24 : i32
        %add3A_1485 = arith.addi %add3A_1484, %scan3A_340 : i32
        %get3A_1486 = arith.index_cast %rem3A_227 : i32 to index
        %get3A_1487 = arith.index_cast %add3A_1485 : i32 to index
        %get3A_1488 = arith.constant 288 : index
        %get3A_1489 = tpu.vector_load %arg8[%get3A_1486, %get3A_1487, %get3A_1488] {strides = array<i32>} : memref<3x32x1024xf32, #tpu.memory_space<vmem>>, vector<1x1x16xf32>,
        %get3A_1490 = vector.shape_cast %get3A_1489 : vector<1x1x16xf32> to vector<16xf32>
        %add3A_1491 = arith.addf %get3A_1490, %get3A_1441 : vector<16xf32>
        %swap3A_1492 = arith.index_cast %rem3A_227 : i32 to index
        %swap3A_1493 = arith.index_cast %add3A_1485 : i32 to index
        %swap3A_1494 = arith.constant 288 : index
        %swap3A_1495 = tpu.vector_load %arg8[%swap3A_1492, %swap3A_1493, %swap3A_1494] {strides = array<i32>} : memref<3x32x1024xf32, #tpu.memory_space<vmem>>, vector<1x1x16xf32>,
        %swap3A_1496 = vector.shape_cast %swap3A_1495 : vector<1x1x16xf32> to vector<16xf32>
        %swap3A_1497 = vector.shape_cast %add3A_1491 : vector<16xf32> to vector<1x1x16xf32>
        tpu.vector_store %arg8[%swap3A_1492, %swap3A_1493, %swap3A_1494], %swap3A_1497 {strides = array<i32>} : memref<3x32x1024xf32, #tpu.memory_space<vmem>>, vector<1x1x16xf32>,
        %get3A_1498 = arith.index_cast %rem3A_227 : i32 to index
        %get3A_1499 = arith.index_cast %scan3A_340 : i32 to index
        %get3A_1500 = arith.constant 304 : index
        %get3A_1501 = tpu.vector_load %arg7[%get3A_1498, %get3A_1499, %get3A_1500] {strides = array<i32>} : memref<3x8x1024xf32, #tpu.memory_space<vmem>>, vector<1x1x16xf32>,
        %get3A_1502 = vector.shape_cast %get3A_1501 : vector<1x1x16xf32> to vector<16xf32>
        %add3A_1503 = arith.constant 0 : i32
        %add3A_1504 = arith.addi %add3A_1503, %scan3A_340 : i32
        %get3A_1505 = arith.index_cast %rem3A_227 : i32 to index
        %get3A_1506 = arith.index_cast %add3A_1504 : i32 to index
        %get3A_1507 = arith.constant 304 : index
        %get3A_1508 = tpu.vector_load %arg8[%get3A_1505, %get3A_1506, %get3A_1507] {strides = array<i32>} : memref<3x32x1024xf32, #tpu.memory_space<vmem>>, vector<1x1x16xf32>,
        %get3A_1509 = vector.shape_cast %get3A_1508 : vector<1x1x16xf32> to vector<16xf32>
        %add3A_1510 = arith.addf %get3A_1509, %get3A_1502 : vector<16xf32>
        %swap3A_1511 = arith.index_cast %rem3A_227 : i32 to index
        %swap3A_1512 = arith.index_cast %add3A_1504 : i32 to index
        %swap3A_1513 = arith.constant 304 : index
        %swap3A_1514 = tpu.vector_load %arg8[%swap3A_1511, %swap3A_1512, %swap3A_1513] {strides = array<i32>} : memref<3x32x1024xf32, #tpu.memory_space<vmem>>, vector<1x1x16xf32>,
        %swap3A_1515 = vector.shape_cast %swap3A_1514 : vector<1x1x16xf32> to vector<16xf32>
        %swap3A_1516 = vector.shape_cast %add3A_1510 : vector<16xf32> to vector<1x1x16xf32>
        tpu.vector_store %arg8[%swap3A_1511, %swap3A_1512, %swap3A_1513], %swap3A_1516 {strides = array<i32>} : memref<3x32x1024xf32, #tpu.memory_space<vmem>>, vector<1x1x16xf32>,
        %add3A_1517 = arith.constant 8 : i32
        %add3A_1518 = arith.addi %add3A_1517, %scan3A_340 : i32
        %get3A_1519 = arith.index_cast %rem3A_227 : i32 to index
        %get3A_1520 = arith.index_cast %add3A_1518 : i32 to index
        %get3A_1521 = arith.constant 304 : index
        %get3A_1522 = tpu.vector_load %arg8[%get3A_1519, %get3A_1520, %get3A_1521] {strides = array<i32>} : memref<3x32x1024xf32, #tpu.memory_space<vmem>>, vector<1x1x16xf32>,
        %get3A_1523 = vector.shape_cast %get3A_1522 : vector<1x1x16xf32> to vector<16xf32>
        %add3A_1524 = arith.addf %get3A_1523, %get3A_1502 : vector<16xf32>
        %swap3A_1525 = arith.index_cast %rem3A_227 : i32 to index
        %swap3A_1526 = arith.index_cast %add3A_1518 : i32 to index
        %swap3A_1527 = arith.constant 304 : index
        %swap3A_1528 = tpu.vector_load %arg8[%swap3A_1525, %swap3A_1526, %swap3A_1527] {strides = array<i32>} : memref<3x32x1024xf32, #tpu.memory_space<vmem>>, vector<1x1x16xf32>,
        %swap3A_1529 = vector.shape_cast %swap3A_1528 : vector<1x1x16xf32> to vector<16xf32>
        %swap3A_1530 = vector.shape_cast %add3A_1524 : vector<16xf32> to vector<1x1x16xf32>
        tpu.vector_store %arg8[%swap3A_1525, %swap3A_1526, %swap3A_1527], %swap3A_1530 {strides = array<i32>} : memref<3x32x1024xf32, #tpu.memory_space<vmem>>, vector<1x1x16xf32>,
        %add3A_1531 = arith.constant 16 : i32
        %add3A_1532 = arith.addi %add3A_1531, %scan3A_340 : i32
        %get3A_1533 = arith.index_cast %rem3A_227 : i32 to index
        %get3A_1534 = arith.index_cast %add3A_1532 : i32 to index
        %get3A_1535 = arith.constant 304 : index
        %get3A_1536 = tpu.vector_load %arg8[%get3A_1533, %get3A_1534, %get3A_1535] {strides = array<i32>} : memref<3x32x1024xf32, #tpu.memory_space<vmem>>, vector<1x1x16xf32>,
        %get3A_1537 = vector.shape_cast %get3A_1536 : vector<1x1x16xf32> to vector<16xf32>
        %add3A_1538 = arith.addf %get3A_1537, %get3A_1502 : vector<16xf32>
        %swap3A_1539 = arith.index_cast %rem3A_227 : i32 to index
        %swap3A_1540 = arith.index_cast %add3A_1532 : i32 to index
        %swap3A_1541 = arith.constant 304 : index
        %swap3A_1542 = tpu.vector_load %arg8[%swap3A_1539, %swap3A_1540, %swap3A_1541] {strides = array<i32>} : memref<3x32x1024xf32, #tpu.memory_space<vmem>>, vector<1x1x16xf32>,
        %swap3A_1543 = vector.shape_cast %swap3A_1542 : vector<1x1x16xf32> to vector<16xf32>
        %swap3A_1544 = vector.shape_cast %add3A_1538 : vector<16xf32> to vector<1x1x16xf32>
        tpu.vector_store %arg8[%swap3A_1539, %swap3A_1540, %swap3A_1541], %swap3A_1544 {strides = array<i32>} : memref<3x32x1024xf32, #tpu.memory_space<vmem>>, vector<1x1x16xf32>,
        %add3A_1545 = arith.constant 24 : i32
        %add3A_1546 = arith.addi %add3A_1545, %scan3A_340 : i32
        %get3A_1547 = arith.index_cast %rem3A_227 : i32 to index
        %get3A_1548 = arith.index_cast %add3A_1546 : i32 to index
        %get3A_1549 = arith.constant 304 : index
        %get3A_1550 = tpu.vector_load %arg8[%get3A_1547, %get3A_1548, %get3A_1549] {strides = array<i32>} : memref<3x32x1024xf32, #tpu.memory_space<vmem>>, vector<1x1x16xf32>,
        %get3A_1551 = vector.shape_cast %get3A_1550 : vector<1x1x16xf32> to vector<16xf32>
        %add3A_1552 = arith.addf %get3A_1551, %get3A_1502 : vector<16xf32>
        %swap3A_1553 = arith.index_cast %rem3A_227 : i32 to index
        %swap3A_1554 = arith.index_cast %add3A_1546 : i32 to index
        %swap3A_1555 = arith.constant 304 : index
        %swap3A_1556 = tpu.vector_load %arg8[%swap3A_1553, %swap3A_1554, %swap3A_1555] {strides = array<i32>} : memref<3x32x1024xf32, #tpu.memory_space<vmem>>, vector<1x1x16xf32>,
        %swap3A_1557 = vector.shape_cast %swap3A_1556 : vector<1x1x16xf32> to vector<16xf32>
        %swap3A_1558 = vector.shape_cast %add3A_1552 : vector<16xf32> to vector<1x1x16xf32>
        tpu.vector_store %arg8[%swap3A_1553, %swap3A_1554, %swap3A_1555], %swap3A_1558 {strides = array<i32>} : memref<3x32x1024xf32, #tpu.memory_space<vmem>>, vector<1x1x16xf32>,
        %get3A_1559 = arith.index_cast %rem3A_227 : i32 to index
        %get3A_1560 = arith.index_cast %scan3A_340 : i32 to index
        %get3A_1561 = arith.constant 320 : index
        %get3A_1562 = tpu.vector_load %arg7[%get3A_1559, %get3A_1560, %get3A_1561] {strides = array<i32>} : memref<3x8x1024xf32, #tpu.memory_space<vmem>>, vector<1x1x16xf32>,
        %get3A_1563 = vector.shape_cast %get3A_1562 : vector<1x1x16xf32> to vector<16xf32>
        %add3A_1564 = arith.constant 0 : i32
        %add3A_1565 = arith.addi %add3A_1564, %scan3A_340 : i32
        %get3A_1566 = arith.index_cast %rem3A_227 : i32 to index
        %get3A_1567 = arith.index_cast %add3A_1565 : i32 to index
        %get3A_1568 = arith.constant 320 : index
        %get3A_1569 = tpu.vector_load %arg8[%get3A_1566, %get3A_1567, %get3A_1568] {strides = array<i32>} : memref<3x32x1024xf32, #tpu.memory_space<vmem>>, vector<1x1x16xf32>,
        %get3A_1570 = vector.shape_cast %get3A_1569 : vector<1x1x16xf32> to vector<16xf32>
        %add3A_1571 = arith.addf %get3A_1570, %get3A_1563 : vector<16xf32>
        %swap3A_1572 = arith.index_cast %rem3A_227 : i32 to index
        %swap3A_1573 = arith.index_cast %add3A_1565 : i32 to index
        %swap3A_1574 = arith.constant 320 : index
        %swap3A_1575 = tpu.vector_load %arg8[%swap3A_1572, %swap3A_1573, %swap3A_1574] {strides = array<i32>} : memref<3x32x1024xf32, #tpu.memory_space<vmem>>, vector<1x1x16xf32>,
        %swap3A_1576 = vector.shape_cast %swap3A_1575 : vector<1x1x16xf32> to vector<16xf32>
        %swap3A_1577 = vector.shape_cast %add3A_1571 : vector<16xf32> to vector<1x1x16xf32>
        tpu.vector_store %arg8[%swap3A_1572, %swap3A_1573, %swap3A_1574], %swap3A_1577 {strides = array<i32>} : memref<3x32x1024xf32, #tpu.memory_space<vmem>>, vector<1x1x16xf32>,
        %add3A_1578 = arith.constant 8 : i32
        %add3A_1579 = arith.addi %add3A_1578, %scan3A_340 : i32
        %get3A_1580 = arith.index_cast %rem3A_227 : i32 to index
        %get3A_1581 = arith.index_cast %add3A_1579 : i32 to index
        %get3A_1582 = arith.constant 320 : index
        %get3A_1583 = tpu.vector_load %arg8[%get3A_1580, %get3A_1581, %get3A_1582] {strides = array<i32>} : memref<3x32x1024xf32, #tpu.memory_space<vmem>>, vector<1x1x16xf32>,
        %get3A_1584 = vector.shape_cast %get3A_1583 : vector<1x1x16xf32> to vector<16xf32>
        %add3A_1585 = arith.addf %get3A_1584, %get3A_1563 : vector<16xf32>
        %swap3A_1586 = arith.index_cast %rem3A_227 : i32 to index
        %swap3A_1587 = arith.index_cast %add3A_1579 : i32 to index
        %swap3A_1588 = arith.constant 320 : index
        %swap3A_1589 = tpu.vector_load %arg8[%swap3A_1586, %swap3A_1587, %swap3A_1588] {strides = array<i32>} : memref<3x32x1024xf32, #tpu.memory_space<vmem>>, vector<1x1x16xf32>,
        %swap3A_1590 = vector.shape_cast %swap3A_1589 : vector<1x1x16xf32> to vector<16xf32>
        %swap3A_1591 = vector.shape_cast %add3A_1585 : vector<16xf32> to vector<1x1x16xf32>
        tpu.vector_store %arg8[%swap3A_1586, %swap3A_1587, %swap3A_1588], %swap3A_1591 {strides = array<i32>} : memref<3x32x1024xf32, #tpu.memory_space<vmem>>, vector<1x1x16xf32>,
        %add3A_1592 = arith.constant 16 : i32
        %add3A_1593 = arith.addi %add3A_1592, %scan3A_340 : i32
        %get3A_1594 = arith.index_cast %rem3A_227 : i32 to index
        %get3A_1595 = arith.index_cast %add3A_1593 : i32 to index
        %get3A_1596 = arith.constant 320 : index
        %get3A_1597 = tpu.vector_load %arg8[%get3A_1594, %get3A_1595, %get3A_1596] {strides = array<i32>} : memref<3x32x1024xf32, #tpu.memory_space<vmem>>, vector<1x1x16xf32>,
        %get3A_1598 = vector.shape_cast %get3A_1597 : vector<1x1x16xf32> to vector<16xf32>
        %add3A_1599 = arith.addf %get3A_1598, %get3A_1563 : vector<16xf32>
        %swap3A_1600 = arith.index_cast %rem3A_227 : i32 to index
        %swap3A_1601 = arith.index_cast %add3A_1593 : i32 to index
        %swap3A_1602 = arith.constant 320 : index
        %swap3A_1603 = tpu.vector_load %arg8[%swap3A_1600, %swap3A_1601, %swap3A_1602] {strides = array<i32>} : memref<3x32x1024xf32, #tpu.memory_space<vmem>>, vector<1x1x16xf32>,
        %swap3A_1604 = vector.shape_cast %swap3A_1603 : vector<1x1x16xf32> to vector<16xf32>
        %swap3A_1605 = vector.shape_cast %add3A_1599 : vector<16xf32> to vector<1x1x16xf32>
        tpu.vector_store %arg8[%swap3A_1600, %swap3A_1601, %swap3A_1602], %swap3A_1605 {strides = array<i32>} : memref<3x32x1024xf32, #tpu.memory_space<vmem>>, vector<1x1x16xf32>,
        %add3A_1606 = arith.constant 24 : i32
        %add3A_1607 = arith.addi %add3A_1606, %scan3A_340 : i32
        %get3A_1608 = arith.index_cast %rem3A_227 : i32 to index
        %get3A_1609 = arith.index_cast %add3A_1607 : i32 to index
        %get3A_1610 = arith.constant 320 : index
        %get3A_1611 = tpu.vector_load %arg8[%get3A_1608, %get3A_1609, %get3A_1610] {strides = array<i32>} : memref<3x32x1024xf32, #tpu.memory_space<vmem>>, vector<1x1x16xf32>,
        %get3A_1612 = vector.shape_cast %get3A_1611 : vector<1x1x16xf32> to vector<16xf32>
        %add3A_1613 = arith.addf %get3A_1612, %get3A_1563 : vector<16xf32>
        %swap3A_1614 = arith.index_cast %rem3A_227 : i32 to index
        %swap3A_1615 = arith.index_cast %add3A_1607 : i32 to index
        %swap3A_1616 = arith.constant 320 : index
        %swap3A_1617 = tpu.vector_load %arg8[%swap3A_1614, %swap3A_1615, %swap3A_1616] {strides = array<i32>} : memref<3x32x1024xf32, #tpu.memory_space<vmem>>, vector<1x1x16xf32>,
        %swap3A_1618 = vector.shape_cast %swap3A_1617 : vector<1x1x16xf32> to vector<16xf32>
        %swap3A_1619 = vector.shape_cast %add3A_1613 : vector<16xf32> to vector<1x1x16xf32>
        tpu.vector_store %arg8[%swap3A_1614, %swap3A_1615, %swap3A_1616], %swap3A_1619 {strides = array<i32>} : memref<3x32x1024xf32, #tpu.memory_space<vmem>>, vector<1x1x16xf32>,
        %get3A_1620 = arith.index_cast %rem3A_227 : i32 to index
        %get3A_1621 = arith.index_cast %scan3A_340 : i32 to index
        %get3A_1622 = arith.constant 336 : index
        %get3A_1623 = tpu.vector_load %arg7[%get3A_1620, %get3A_1621, %get3A_1622] {strides = array<i32>} : memref<3x8x1024xf32, #tpu.memory_space<vmem>>, vector<1x1x16xf32>,
        %get3A_1624 = vector.shape_cast %get3A_1623 : vector<1x1x16xf32> to vector<16xf32>
        %add3A_1625 = arith.constant 0 : i32
        %add3A_1626 = arith.addi %add3A_1625, %scan3A_340 : i32
        %get3A_1627 = arith.index_cast %rem3A_227 : i32 to index
        %get3A_1628 = arith.index_cast %add3A_1626 : i32 to index
        %get3A_1629 = arith.constant 336 : index
        %get3A_1630 = tpu.vector_load %arg8[%get3A_1627, %get3A_1628, %get3A_1629] {strides = array<i32>} : memref<3x32x1024xf32, #tpu.memory_space<vmem>>, vector<1x1x16xf32>,
        %get3A_1631 = vector.shape_cast %get3A_1630 : vector<1x1x16xf32> to vector<16xf32>
        %add3A_1632 = arith.addf %get3A_1631, %get3A_1624 : vector<16xf32>
        %swap3A_1633 = arith.index_cast %rem3A_227 : i32 to index
        %swap3A_1634 = arith.index_cast %add3A_1626 : i32 to index
        %swap3A_1635 = arith.constant 336 : index
        %swap3A_1636 = tpu.vector_load %arg8[%swap3A_1633, %swap3A_1634, %swap3A_1635] {strides = array<i32>} : memref<3x32x1024xf32, #tpu.memory_space<vmem>>, vector<1x1x16xf32>,
        %swap3A_1637 = vector.shape_cast %swap3A_1636 : vector<1x1x16xf32> to vector<16xf32>
        %swap3A_1638 = vector.shape_cast %add3A_1632 : vector<16xf32> to vector<1x1x16xf32>
        tpu.vector_store %arg8[%swap3A_1633, %swap3A_1634, %swap3A_1635], %swap3A_1638 {strides = array<i32>} : memref<3x32x1024xf32, #tpu.memory_space<vmem>>, vector<1x1x16xf32>,
        %add3A_1639 = arith.constant 8 : i32
        %add3A_1640 = arith.addi %add3A_1639, %scan3A_340 : i32
        %get3A_1641 = arith.index_cast %rem3A_227 : i32 to index
        %get3A_1642 = arith.index_cast %add3A_1640 : i32 to index
        %get3A_1643 = arith.constant 336 : index
        %get3A_1644 = tpu.vector_load %arg8[%get3A_1641, %get3A_1642, %get3A_1643] {strides = array<i32>} : memref<3x32x1024xf32, #tpu.memory_space<vmem>>, vector<1x1x16xf32>,
        %get3A_1645 = vector.shape_cast %get3A_1644 : vector<1x1x16xf32> to vector<16xf32>
        %add3A_1646 = arith.addf %get3A_1645, %get3A_1624 : vector<16xf32>
        %swap3A_1647 = arith.index_cast %rem3A_227 : i32 to index
        %swap3A_1648 = arith.index_cast %add3A_1640 : i32 to index
        %swap3A_1649 = arith.constant 336 : index
        %swap3A_1650 = tpu.vector_load %arg8[%swap3A_1647, %swap3A_1648, %swap3A_1649] {strides = array<i32>} : memref<3x32x1024xf32, #tpu.memory_space<vmem>>, vector<1x1x16xf32>,
        %swap3A_1651 = vector.shape_cast %swap3A_1650 : vector<1x1x16xf32> to vector<16xf32>
        %swap3A_1652 = vector.shape_cast %add3A_1646 : vector<16xf32> to vector<1x1x16xf32>
        tpu.vector_store %arg8[%swap3A_1647, %swap3A_1648, %swap3A_1649], %swap3A_1652 {strides = array<i32>} : memref<3x32x1024xf32, #tpu.memory_space<vmem>>, vector<1x1x16xf32>,
        %add3A_1653 = arith.constant 16 : i32
        %add3A_1654 = arith.addi %add3A_1653, %scan3A_340 : i32
        %get3A_1655 = arith.index_cast %rem3A_227 : i32 to index
        %get3A_1656 = arith.index_cast %add3A_1654 : i32 to index
        %get3A_1657 = arith.constant 336 : index
        %get3A_1658 = tpu.vector_load %arg8[%get3A_1655, %get3A_1656, %get3A_1657] {strides = array<i32>} : memref<3x32x1024xf32, #tpu.memory_space<vmem>>, vector<1x1x16xf32>,
        %get3A_1659 = vector.shape_cast %get3A_1658 : vector<1x1x16xf32> to vector<16xf32>
        %add3A_1660 = arith.addf %get3A_1659, %get3A_1624 : vector<16xf32>
        %swap3A_1661 = arith.index_cast %rem3A_227 : i32 to index
        %swap3A_1662 = arith.index_cast %add3A_1654 : i32 to index
        %swap3A_1663 = arith.constant 336 : index
        %swap3A_1664 = tpu.vector_load %arg8[%swap3A_1661, %swap3A_1662, %swap3A_1663] {strides = array<i32>} : memref<3x32x1024xf32, #tpu.memory_space<vmem>>, vector<1x1x16xf32>,
        %swap3A_1665 = vector.shape_cast %swap3A_1664 : vector<1x1x16xf32> to vector<16xf32>
        %swap3A_1666 = vector.shape_cast %add3A_1660 : vector<16xf32> to vector<1x1x16xf32>
        tpu.vector_store %arg8[%swap3A_1661, %swap3A_1662, %swap3A_1663], %swap3A_1666 {strides = array<i32>} : memref<3x32x1024xf32, #tpu.memory_space<vmem>>, vector<1x1x16xf32>,
        %add3A_1667 = arith.constant 24 : i32
        %add3A_1668 = arith.addi %add3A_1667, %scan3A_340 : i32
        %get3A_1669 = arith.index_cast %rem3A_227 : i32 to index
        %get3A_1670 = arith.index_cast %add3A_1668 : i32 to index
        %get3A_1671 = arith.constant 336 : index
        %get3A_1672 = tpu.vector_load %arg8[%get3A_1669, %get3A_1670, %get3A_1671] {strides = array<i32>} : memref<3x32x1024xf32, #tpu.memory_space<vmem>>, vector<1x1x16xf32>,
        %get3A_1673 = vector.shape_cast %get3A_1672 : vector<1x1x16xf32> to vector<16xf32>
        %add3A_1674 = arith.addf %get3A_1673, %get3A_1624 : vector<16xf32>
        %swap3A_1675 = arith.index_cast %rem3A_227 : i32 to index
        %swap3A_1676 = arith.index_cast %add3A_1668 : i32 to index
        %swap3A_1677 = arith.constant 336 : index
        %swap3A_1678 = tpu.vector_load %arg8[%swap3A_1675, %swap3A_1676, %swap3A_1677] {strides = array<i32>} : memref<3x32x1024xf32, #tpu.memory_space<vmem>>, vector<1x1x16xf32>,
        %swap3A_1679 = vector.shape_cast %swap3A_1678 : vector<1x1x16xf32> to vector<16xf32>
        %swap3A_1680 = vector.shape_cast %add3A_1674 : vector<16xf32> to vector<1x1x16xf32>
        tpu.vector_store %arg8[%swap3A_1675, %swap3A_1676, %swap3A_1677], %swap3A_1680 {strides = array<i32>} : memref<3x32x1024xf32, #tpu.memory_space<vmem>>, vector<1x1x16xf32>,
        %get3A_1681 = arith.index_cast %rem3A_227 : i32 to index
        %get3A_1682 = arith.index_cast %scan3A_340 : i32 to index
        %get3A_1683 = arith.constant 352 : index
        %get3A_1684 = tpu.vector_load %arg7[%get3A_1681, %get3A_1682, %get3A_1683] {strides = array<i32>} : memref<3x8x1024xf32, #tpu.memory_space<vmem>>, vector<1x1x16xf32>,
        %get3A_1685 = vector.shape_cast %get3A_1684 : vector<1x1x16xf32> to vector<16xf32>
        %add3A_1686 = arith.constant 0 : i32
        %add3A_1687 = arith.addi %add3A_1686, %scan3A_340 : i32
        %get3A_1688 = arith.index_cast %rem3A_227 : i32 to index
        %get3A_1689 = arith.index_cast %add3A_1687 : i32 to index
        %get3A_1690 = arith.constant 352 : index
        %get3A_1691 = tpu.vector_load %arg8[%get3A_1688, %get3A_1689, %get3A_1690] {strides = array<i32>} : memref<3x32x1024xf32, #tpu.memory_space<vmem>>, vector<1x1x16xf32>,
        %get3A_1692 = vector.shape_cast %get3A_1691 : vector<1x1x16xf32> to vector<16xf32>
        %add3A_1693 = arith.addf %get3A_1692, %get3A_1685 : vector<16xf32>
        %swap3A_1694 = arith.index_cast %rem3A_227 : i32 to index
        %swap3A_1695 = arith.index_cast %add3A_1687 : i32 to index
        %swap3A_1696 = arith.constant 352 : index
        %swap3A_1697 = tpu.vector_load %arg8[%swap3A_1694, %swap3A_1695, %swap3A_1696] {strides = array<i32>} : memref<3x32x1024xf32, #tpu.memory_space<vmem>>, vector<1x1x16xf32>,
        %swap3A_1698 = vector.shape_cast %swap3A_1697 : vector<1x1x16xf32> to vector<16xf32>
        %swap3A_1699 = vector.shape_cast %add3A_1693 : vector<16xf32> to vector<1x1x16xf32>
        tpu.vector_store %arg8[%swap3A_1694, %swap3A_1695, %swap3A_1696], %swap3A_1699 {strides = array<i32>} : memref<3x32x1024xf32, #tpu.memory_space<vmem>>, vector<1x1x16xf32>,
        %add3A_1700 = arith.constant 8 : i32
        %add3A_1701 = arith.addi %add3A_1700, %scan3A_340 : i32
        %get3A_1702 = arith.index_cast %rem3A_227 : i32 to index
        %get3A_1703 = arith.index_cast %add3A_1701 : i32 to index
        %get3A_1704 = arith.constant 352 : index
        %get3A_1705 = tpu.vector_load %arg8[%get3A_1702, %get3A_1703, %get3A_1704] {strides = array<i32>} : memref<3x32x1024xf32, #tpu.memory_space<vmem>>, vector<1x1x16xf32>,
        %get3A_1706 = vector.shape_cast %get3A_1705 : vector<1x1x16xf32> to vector<16xf32>
        %add3A_1707 = arith.addf %get3A_1706, %get3A_1685 : vector<16xf32>
        %swap3A_1708 = arith.index_cast %rem3A_227 : i32 to index
        %swap3A_1709 = arith.index_cast %add3A_1701 : i32 to index
        %swap3A_1710 = arith.constant 352 : index
        %swap3A_1711 = tpu.vector_load %arg8[%swap3A_1708, %swap3A_1709, %swap3A_1710] {strides = array<i32>} : memref<3x32x1024xf32, #tpu.memory_space<vmem>>, vector<1x1x16xf32>,
        %swap3A_1712 = vector.shape_cast %swap3A_1711 : vector<1x1x16xf32> to vector<16xf32>
        %swap3A_1713 = vector.shape_cast %add3A_1707 : vector<16xf32> to vector<1x1x16xf32>
        tpu.vector_store %arg8[%swap3A_1708, %swap3A_1709, %swap3A_1710], %swap3A_1713 {strides = array<i32>} : memref<3x32x1024xf32, #tpu.memory_space<vmem>>, vector<1x1x16xf32>,
        %add3A_1714 = arith.constant 16 : i32
        %add3A_1715 = arith.addi %add3A_1714, %scan3A_340 : i32
        %get3A_1716 = arith.index_cast %rem3A_227 : i32 to index
        %get3A_1717 = arith.index_cast %add3A_1715 : i32 to index
        %get3A_1718 = arith.constant 352 : index
        %get3A_1719 = tpu.vector_load %arg8[%get3A_1716, %get3A_1717, %get3A_1718] {strides = array<i32>} : memref<3x32x1024xf32, #tpu.memory_space<vmem>>, vector<1x1x16xf32>,
        %get3A_1720 = vector.shape_cast %get3A_1719 : vector<1x1x16xf32> to vector<16xf32>
        %add3A_1721 = arith.addf %get3A_1720, %get3A_1685 : vector<16xf32>
        %swap3A_1722 = arith.index_cast %rem3A_227 : i32 to index
        %swap3A_1723 = arith.index_cast %add3A_1715 : i32 to index
        %swap3A_1724 = arith.constant 352 : index
        %swap3A_1725 = tpu.vector_load %arg8[%swap3A_1722, %swap3A_1723, %swap3A_1724] {strides = array<i32>} : memref<3x32x1024xf32, #tpu.memory_space<vmem>>, vector<1x1x16xf32>,
        %swap3A_1726 = vector.shape_cast %swap3A_1725 : vector<1x1x16xf32> to vector<16xf32>
        %swap3A_1727 = vector.shape_cast %add3A_1721 : vector<16xf32> to vector<1x1x16xf32>
        tpu.vector_store %arg8[%swap3A_1722, %swap3A_1723, %swap3A_1724], %swap3A_1727 {strides = array<i32>} : memref<3x32x1024xf32, #tpu.memory_space<vmem>>, vector<1x1x16xf32>,
        %add3A_1728 = arith.constant 24 : i32
        %add3A_1729 = arith.addi %add3A_1728, %scan3A_340 : i32
        %get3A_1730 = arith.index_cast %rem3A_227 : i32 to index
        %get3A_1731 = arith.index_cast %add3A_1729 : i32 to index
        %get3A_1732 = arith.constant 352 : index
        %get3A_1733 = tpu.vector_load %arg8[%get3A_1730, %get3A_1731, %get3A_1732] {strides = array<i32>} : memref<3x32x1024xf32, #tpu.memory_space<vmem>>, vector<1x1x16xf32>,
        %get3A_1734 = vector.shape_cast %get3A_1733 : vector<1x1x16xf32> to vector<16xf32>
        %add3A_1735 = arith.addf %get3A_1734, %get3A_1685 : vector<16xf32>
        %swap3A_1736 = arith.index_cast %rem3A_227 : i32 to index
        %swap3A_1737 = arith.index_cast %add3A_1729 : i32 to index
        %swap3A_1738 = arith.constant 352 : index
        %swap3A_1739 = tpu.vector_load %arg8[%swap3A_1736, %swap3A_1737, %swap3A_1738] {strides = array<i32>} : memref<3x32x1024xf32, #tpu.memory_space<vmem>>, vector<1x1x16xf32>,
        %swap3A_1740 = vector.shape_cast %swap3A_1739 : vector<1x1x16xf32> to vector<16xf32>
        %swap3A_1741 = vector.shape_cast %add3A_1735 : vector<16xf32> to vector<1x1x16xf32>
        tpu.vector_store %arg8[%swap3A_1736, %swap3A_1737, %swap3A_1738], %swap3A_1741 {strides = array<i32>} : memref<3x32x1024xf32, #tpu.memory_space<vmem>>, vector<1x1x16xf32>,
        %get3A_1742 = arith.index_cast %rem3A_227 : i32 to index
        %get3A_1743 = arith.index_cast %scan3A_340 : i32 to index
        %get3A_1744 = arith.constant 368 : index
        %get3A_1745 = tpu.vector_load %arg7[%get3A_1742, %get3A_1743, %get3A_1744] {strides = array<i32>} : memref<3x8x1024xf32, #tpu.memory_space<vmem>>, vector<1x1x16xf32>,
        %get3A_1746 = vector.shape_cast %get3A_1745 : vector<1x1x16xf32> to vector<16xf32>
        %add3A_1747 = arith.constant 0 : i32
        %add3A_1748 = arith.addi %add3A_1747, %scan3A_340 : i32
        %get3A_1749 = arith.index_cast %rem3A_227 : i32 to index
        %get3A_1750 = arith.index_cast %add3A_1748 : i32 to index
        %get3A_1751 = arith.constant 368 : index
        %get3A_1752 = tpu.vector_load %arg8[%get3A_1749, %get3A_1750, %get3A_1751] {strides = array<i32>} : memref<3x32x1024xf32, #tpu.memory_space<vmem>>, vector<1x1x16xf32>,
        %get3A_1753 = vector.shape_cast %get3A_1752 : vector<1x1x16xf32> to vector<16xf32>
        %add3A_1754 = arith.addf %get3A_1753, %get3A_1746 : vector<16xf32>
        %swap3A_1755 = arith.index_cast %rem3A_227 : i32 to index
        %swap3A_1756 = arith.index_cast %add3A_1748 : i32 to index
        %swap3A_1757 = arith.constant 368 : index
        %swap3A_1758 = tpu.vector_load %arg8[%swap3A_1755, %swap3A_1756, %swap3A_1757] {strides = array<i32>} : memref<3x32x1024xf32, #tpu.memory_space<vmem>>, vector<1x1x16xf32>,
        %swap3A_1759 = vector.shape_cast %swap3A_1758 : vector<1x1x16xf32> to vector<16xf32>
        %swap3A_1760 = vector.shape_cast %add3A_1754 : vector<16xf32> to vector<1x1x16xf32>
        tpu.vector_store %arg8[%swap3A_1755, %swap3A_1756, %swap3A_1757], %swap3A_1760 {strides = array<i32>} : memref<3x32x1024xf32, #tpu.memory_space<vmem>>, vector<1x1x16xf32>,
        %add3A_1761 = arith.constant 8 : i32
        %add3A_1762 = arith.addi %add3A_1761, %scan3A_340 : i32
        %get3A_1763 = arith.index_cast %rem3A_227 : i32 to index
        %get3A_1764 = arith.index_cast %add3A_1762 : i32 to index
        %get3A_1765 = arith.constant 368 : index
        %get3A_1766 = tpu.vector_load %arg8[%get3A_1763, %get3A_1764, %get3A_1765] {strides = array<i32>} : memref<3x32x1024xf32, #tpu.memory_space<vmem>>, vector<1x1x16xf32>,
        %get3A_1767 = vector.shape_cast %get3A_1766 : vector<1x1x16xf32> to vector<16xf32>
        %add3A_1768 = arith.addf %get3A_1767, %get3A_1746 : vector<16xf32>
        %swap3A_1769 = arith.index_cast %rem3A_227 : i32 to index
        %swap3A_1770 = arith.index_cast %add3A_1762 : i32 to index
        %swap3A_1771 = arith.constant 368 : index
        %swap3A_1772 = tpu.vector_load %arg8[%swap3A_1769, %swap3A_1770, %swap3A_1771] {strides = array<i32>} : memref<3x32x1024xf32, #tpu.memory_space<vmem>>, vector<1x1x16xf32>,
        %swap3A_1773 = vector.shape_cast %swap3A_1772 : vector<1x1x16xf32> to vector<16xf32>
        %swap3A_1774 = vector.shape_cast %add3A_1768 : vector<16xf32> to vector<1x1x16xf32>
        tpu.vector_store %arg8[%swap3A_1769, %swap3A_1770, %swap3A_1771], %swap3A_1774 {strides = array<i32>} : memref<3x32x1024xf32, #tpu.memory_space<vmem>>, vector<1x1x16xf32>,
        %add3A_1775 = arith.constant 16 : i32
        %add3A_1776 = arith.addi %add3A_1775, %scan3A_340 : i32
        %get3A_1777 = arith.index_cast %rem3A_227 : i32 to index
        %get3A_1778 = arith.index_cast %add3A_1776 : i32 to index
        %get3A_1779 = arith.constant 368 : index
        %get3A_1780 = tpu.vector_load %arg8[%get3A_1777, %get3A_1778, %get3A_1779] {strides = array<i32>} : memref<3x32x1024xf32, #tpu.memory_space<vmem>>, vector<1x1x16xf32>,
        %get3A_1781 = vector.shape_cast %get3A_1780 : vector<1x1x16xf32> to vector<16xf32>
        %add3A_1782 = arith.addf %get3A_1781, %get3A_1746 : vector<16xf32>
        %swap3A_1783 = arith.index_cast %rem3A_227 : i32 to index
        %swap3A_1784 = arith.index_cast %add3A_1776 : i32 to index
        %swap3A_1785 = arith.constant 368 : index
        %swap3A_1786 = tpu.vector_load %arg8[%swap3A_1783, %swap3A_1784, %swap3A_1785] {strides = array<i32>} : memref<3x32x1024xf32, #tpu.memory_space<vmem>>, vector<1x1x16xf32>,
        %swap3A_1787 = vector.shape_cast %swap3A_1786 : vector<1x1x16xf32> to vector<16xf32>
        %swap3A_1788 = vector.shape_cast %add3A_1782 : vector<16xf32> to vector<1x1x16xf32>
        tpu.vector_store %arg8[%swap3A_1783, %swap3A_1784, %swap3A_1785], %swap3A_1788 {strides = array<i32>} : memref<3x32x1024xf32, #tpu.memory_space<vmem>>, vector<1x1x16xf32>,
        %add3A_1789 = arith.constant 24 : i32
        %add3A_1790 = arith.addi %add3A_1789, %scan3A_340 : i32
        %get3A_1791 = arith.index_cast %rem3A_227 : i32 to index
        %get3A_1792 = arith.index_cast %add3A_1790 : i32 to index
        %get3A_1793 = arith.constant 368 : index
        %get3A_1794 = tpu.vector_load %arg8[%get3A_1791, %get3A_1792, %get3A_1793] {strides = array<i32>} : memref<3x32x1024xf32, #tpu.memory_space<vmem>>, vector<1x1x16xf32>,
        %get3A_1795 = vector.shape_cast %get3A_1794 : vector<1x1x16xf32> to vector<16xf32>
        %add3A_1796 = arith.addf %get3A_1795, %get3A_1746 : vector<16xf32>
        %swap3A_1797 = arith.index_cast %rem3A_227 : i32 to index
        %swap3A_1798 = arith.index_cast %add3A_1790 : i32 to index
        %swap3A_1799 = arith.constant 368 : index
        %swap3A_1800 = tpu.vector_load %arg8[%swap3A_1797, %swap3A_1798, %swap3A_1799] {strides = array<i32>} : memref<3x32x1024xf32, #tpu.memory_space<vmem>>, vector<1x1x16xf32>,
        %swap3A_1801 = vector.shape_cast %swap3A_1800 : vector<1x1x16xf32> to vector<16xf32>
        %swap3A_1802 = vector.shape_cast %add3A_1796 : vector<16xf32> to vector<1x1x16xf32>
        tpu.vector_store %arg8[%swap3A_1797, %swap3A_1798, %swap3A_1799], %swap3A_1802 {strides = array<i32>} : memref<3x32x1024xf32, #tpu.memory_space<vmem>>, vector<1x1x16xf32>,
        %get3A_1803 = arith.index_cast %rem3A_227 : i32 to index
        %get3A_1804 = arith.index_cast %scan3A_340 : i32 to index
        %get3A_1805 = arith.constant 384 : index
        %get3A_1806 = tpu.vector_load %arg7[%get3A_1803, %get3A_1804, %get3A_1805] {strides = array<i32>} : memref<3x8x1024xf32, #tpu.memory_space<vmem>>, vector<1x1x16xf32>,
        %get3A_1807 = vector.shape_cast %get3A_1806 : vector<1x1x16xf32> to vector<16xf32>
        %add3A_1808 = arith.constant 0 : i32
        %add3A_1809 = arith.addi %add3A_1808, %scan3A_340 : i32
        %get3A_1810 = arith.index_cast %rem3A_227 : i32 to index
        %get3A_1811 = arith.index_cast %add3A_1809 : i32 to index
        %get3A_1812 = arith.constant 384 : index
        %get3A_1813 = tpu.vector_load %arg8[%get3A_1810, %get3A_1811, %get3A_1812] {strides = array<i32>} : memref<3x32x1024xf32, #tpu.memory_space<vmem>>, vector<1x1x16xf32>,
        %get3A_1814 = vector.shape_cast %get3A_1813 : vector<1x1x16xf32> to vector<16xf32>
        %add3A_1815 = arith.addf %get3A_1814, %get3A_1807 : vector<16xf32>
        %swap3A_1816 = arith.index_cast %rem3A_227 : i32 to index
        %swap3A_1817 = arith.index_cast %add3A_1809 : i32 to index
        %swap3A_1818 = arith.constant 384 : index
        %swap3A_1819 = tpu.vector_load %arg8[%swap3A_1816, %swap3A_1817, %swap3A_1818] {strides = array<i32>} : memref<3x32x1024xf32, #tpu.memory_space<vmem>>, vector<1x1x16xf32>,
        %swap3A_1820 = vector.shape_cast %swap3A_1819 : vector<1x1x16xf32> to vector<16xf32>
        %swap3A_1821 = vector.shape_cast %add3A_1815 : vector<16xf32> to vector<1x1x16xf32>
        tpu.vector_store %arg8[%swap3A_1816, %swap3A_1817, %swap3A_1818], %swap3A_1821 {strides = array<i32>} : memref<3x32x1024xf32, #tpu.memory_space<vmem>>, vector<1x1x16xf32>,
        %add3A_1822 = arith.constant 8 : i32
        %add3A_1823 = arith.addi %add3A_1822, %scan3A_340 : i32
        %get3A_1824 = arith.index_cast %rem3A_227 : i32 to index
        %get3A_1825 = arith.index_cast %add3A_1823 : i32 to index
        %get3A_1826 = arith.constant 384 : index
        %get3A_1827 = tpu.vector_load %arg8[%get3A_1824, %get3A_1825, %get3A_1826] {strides = array<i32>} : memref<3x32x1024xf32, #tpu.memory_space<vmem>>, vector<1x1x16xf32>,
        %get3A_1828 = vector.shape_cast %get3A_1827 : vector<1x1x16xf32> to vector<16xf32>
        %add3A_1829 = arith.addf %get3A_1828, %get3A_1807 : vector<16xf32>
        %swap3A_1830 = arith.index_cast %rem3A_227 : i32 to index
        %swap3A_1831 = arith.index_cast %add3A_1823 : i32 to index
        %swap3A_1832 = arith.constant 384 : index
        %swap3A_1833 = tpu.vector_load %arg8[%swap3A_1830, %swap3A_1831, %swap3A_1832] {strides = array<i32>} : memref<3x32x1024xf32, #tpu.memory_space<vmem>>, vector<1x1x16xf32>,
        %swap3A_1834 = vector.shape_cast %swap3A_1833 : vector<1x1x16xf32> to vector<16xf32>
        %swap3A_1835 = vector.shape_cast %add3A_1829 : vector<16xf32> to vector<1x1x16xf32>
        tpu.vector_store %arg8[%swap3A_1830, %swap3A_1831, %swap3A_1832], %swap3A_1835 {strides = array<i32>} : memref<3x32x1024xf32, #tpu.memory_space<vmem>>, vector<1x1x16xf32>,
        %add3A_1836 = arith.constant 16 : i32
        %add3A_1837 = arith.addi %add3A_1836, %scan3A_340 : i32
        %get3A_1838 = arith.index_cast %rem3A_227 : i32 to index
        %get3A_1839 = arith.index_cast %add3A_1837 : i32 to index
        %get3A_1840 = arith.constant 384 : index
        %get3A_1841 = tpu.vector_load %arg8[%get3A_1838, %get3A_1839, %get3A_1840] {strides = array<i32>} : memref<3x32x1024xf32, #tpu.memory_space<vmem>>, vector<1x1x16xf32>,
        %get3A_1842 = vector.shape_cast %get3A_1841 : vector<1x1x16xf32> to vector<16xf32>
        %add3A_1843 = arith.addf %get3A_1842, %get3A_1807 : vector<16xf32>
        %swap3A_1844 = arith.index_cast %rem3A_227 : i32 to index
        %swap3A_1845 = arith.index_cast %add3A_1837 : i32 to index
        %swap3A_1846 = arith.constant 384 : index
        %swap3A_1847 = tpu.vector_load %arg8[%swap3A_1844, %swap3A_1845, %swap3A_1846] {strides = array<i32>} : memref<3x32x1024xf32, #tpu.memory_space<vmem>>, vector<1x1x16xf32>,
        %swap3A_1848 = vector.shape_cast %swap3A_1847 : vector<1x1x16xf32> to vector<16xf32>
        %swap3A_1849 = vector.shape_cast %add3A_1843 : vector<16xf32> to vector<1x1x16xf32>
        tpu.vector_store %arg8[%swap3A_1844, %swap3A_1845, %swap3A_1846], %swap3A_1849 {strides = array<i32>} : memref<3x32x1024xf32, #tpu.memory_space<vmem>>, vector<1x1x16xf32>,
        %add3A_1850 = arith.constant 24 : i32
        %add3A_1851 = arith.addi %add3A_1850, %scan3A_340 : i32
        %get3A_1852 = arith.index_cast %rem3A_227 : i32 to index
        %get3A_1853 = arith.index_cast %add3A_1851 : i32 to index
        %get3A_1854 = arith.constant 384 : index
        %get3A_1855 = tpu.vector_load %arg8[%get3A_1852, %get3A_1853, %get3A_1854] {strides = array<i32>} : memref<3x32x1024xf32, #tpu.memory_space<vmem>>, vector<1x1x16xf32>,
        %get3A_1856 = vector.shape_cast %get3A_1855 : vector<1x1x16xf32> to vector<16xf32>
        %add3A_1857 = arith.addf %get3A_1856, %get3A_1807 : vector<16xf32>
        %swap3A_1858 = arith.index_cast %rem3A_227 : i32 to index
        %swap3A_1859 = arith.index_cast %add3A_1851 : i32 to index
        %swap3A_1860 = arith.constant 384 : index
        %swap3A_1861 = tpu.vector_load %arg8[%swap3A_1858, %swap3A_1859, %swap3A_1860] {strides = array<i32>} : memref<3x32x1024xf32, #tpu.memory_space<vmem>>, vector<1x1x16xf32>,
        %swap3A_1862 = vector.shape_cast %swap3A_1861 : vector<1x1x16xf32> to vector<16xf32>
        %swap3A_1863 = vector.shape_cast %add3A_1857 : vector<16xf32> to vector<1x1x16xf32>
        tpu.vector_store %arg8[%swap3A_1858, %swap3A_1859, %swap3A_1860], %swap3A_1863 {strides = array<i32>} : memref<3x32x1024xf32, #tpu.memory_space<vmem>>, vector<1x1x16xf32>,
        %get3A_1864 = arith.index_cast %rem3A_227 : i32 to index
        %get3A_1865 = arith.index_cast %scan3A_340 : i32 to index
        %get3A_1866 = arith.constant 400 : index
        %get3A_1867 = tpu.vector_load %arg7[%get3A_1864, %get3A_1865, %get3A_1866] {strides = array<i32>} : memref<3x8x1024xf32, #tpu.memory_space<vmem>>, vector<1x1x16xf32>,
        %get3A_1868 = vector.shape_cast %get3A_1867 : vector<1x1x16xf32> to vector<16xf32>
        %add3A_1869 = arith.constant 0 : i32
        %add3A_1870 = arith.addi %add3A_1869, %scan3A_340 : i32
        %get3A_1871 = arith.index_cast %rem3A_227 : i32 to index
        %get3A_1872 = arith.index_cast %add3A_1870 : i32 to index
        %get3A_1873 = arith.constant 400 : index
        %get3A_1874 = tpu.vector_load %arg8[%get3A_1871, %get3A_1872, %get3A_1873] {strides = array<i32>} : memref<3x32x1024xf32, #tpu.memory_space<vmem>>, vector<1x1x16xf32>,
        %get3A_1875 = vector.shape_cast %get3A_1874 : vector<1x1x16xf32> to vector<16xf32>
        %add3A_1876 = arith.addf %get3A_1875, %get3A_1868 : vector<16xf32>
        %swap3A_1877 = arith.index_cast %rem3A_227 : i32 to index
        %swap3A_1878 = arith.index_cast %add3A_1870 : i32 to index
        %swap3A_1879 = arith.constant 400 : index
        %swap3A_1880 = tpu.vector_load %arg8[%swap3A_1877, %swap3A_1878, %swap3A_1879] {strides = array<i32>} : memref<3x32x1024xf32, #tpu.memory_space<vmem>>, vector<1x1x16xf32>,
        %swap3A_1881 = vector.shape_cast %swap3A_1880 : vector<1x1x16xf32> to vector<16xf32>
        %swap3A_1882 = vector.shape_cast %add3A_1876 : vector<16xf32> to vector<1x1x16xf32>
        tpu.vector_store %arg8[%swap3A_1877, %swap3A_1878, %swap3A_1879], %swap3A_1882 {strides = array<i32>} : memref<3x32x1024xf32, #tpu.memory_space<vmem>>, vector<1x1x16xf32>,
        %add3A_1883 = arith.constant 8 : i32
        %add3A_1884 = arith.addi %add3A_1883, %scan3A_340 : i32
        %get3A_1885 = arith.index_cast %rem3A_227 : i32 to index
        %get3A_1886 = arith.index_cast %add3A_1884 : i32 to index
        %get3A_1887 = arith.constant 400 : index
        %get3A_1888 = tpu.vector_load %arg8[%get3A_1885, %get3A_1886, %get3A_1887] {strides = array<i32>} : memref<3x32x1024xf32, #tpu.memory_space<vmem>>, vector<1x1x16xf32>,
        %get3A_1889 = vector.shape_cast %get3A_1888 : vector<1x1x16xf32> to vector<16xf32>
        %add3A_1890 = arith.addf %get3A_1889, %get3A_1868 : vector<16xf32>
        %swap3A_1891 = arith.index_cast %rem3A_227 : i32 to index
        %swap3A_1892 = arith.index_cast %add3A_1884 : i32 to index
        %swap3A_1893 = arith.constant 400 : index
        %swap3A_1894 = tpu.vector_load %arg8[%swap3A_1891, %swap3A_1892, %swap3A_1893] {strides = array<i32>} : memref<3x32x1024xf32, #tpu.memory_space<vmem>>, vector<1x1x16xf32>,
        %swap3A_1895 = vector.shape_cast %swap3A_1894 : vector<1x1x16xf32> to vector<16xf32>
        %swap3A_1896 = vector.shape_cast %add3A_1890 : vector<16xf32> to vector<1x1x16xf32>
        tpu.vector_store %arg8[%swap3A_1891, %swap3A_1892, %swap3A_1893], %swap3A_1896 {strides = array<i32>} : memref<3x32x1024xf32, #tpu.memory_space<vmem>>, vector<1x1x16xf32>,
        %add3A_1897 = arith.constant 16 : i32
        %add3A_1898 = arith.addi %add3A_1897, %scan3A_340 : i32
        %get3A_1899 = arith.index_cast %rem3A_227 : i32 to index
        %get3A_1900 = arith.index_cast %add3A_1898 : i32 to index
        %get3A_1901 = arith.constant 400 : index
        %get3A_1902 = tpu.vector_load %arg8[%get3A_1899, %get3A_1900, %get3A_1901] {strides = array<i32>} : memref<3x32x1024xf32, #tpu.memory_space<vmem>>, vector<1x1x16xf32>,
        %get3A_1903 = vector.shape_cast %get3A_1902 : vector<1x1x16xf32> to vector<16xf32>
        %add3A_1904 = arith.addf %get3A_1903, %get3A_1868 : vector<16xf32>
        %swap3A_1905 = arith.index_cast %rem3A_227 : i32 to index
        %swap3A_1906 = arith.index_cast %add3A_1898 : i32 to index
        %swap3A_1907 = arith.constant 400 : index
        %swap3A_1908 = tpu.vector_load %arg8[%swap3A_1905, %swap3A_1906, %swap3A_1907] {strides = array<i32>} : memref<3x32x1024xf32, #tpu.memory_space<vmem>>, vector<1x1x16xf32>,
        %swap3A_1909 = vector.shape_cast %swap3A_1908 : vector<1x1x16xf32> to vector<16xf32>
        %swap3A_1910 = vector.shape_cast %add3A_1904 : vector<16xf32> to vector<1x1x16xf32>
        tpu.vector_store %arg8[%swap3A_1905, %swap3A_1906, %swap3A_1907], %swap3A_1910 {strides = array<i32>} : memref<3x32x1024xf32, #tpu.memory_space<vmem>>, vector<1x1x16xf32>,
        %add3A_1911 = arith.constant 24 : i32
        %add3A_1912 = arith.addi %add3A_1911, %scan3A_340 : i32
        %get3A_1913 = arith.index_cast %rem3A_227 : i32 to index
        %get3A_1914 = arith.index_cast %add3A_1912 : i32 to index
        %get3A_1915 = arith.constant 400 : index
        %get3A_1916 = tpu.vector_load %arg8[%get3A_1913, %get3A_1914, %get3A_1915] {strides = array<i32>} : memref<3x32x1024xf32, #tpu.memory_space<vmem>>, vector<1x1x16xf32>,
        %get3A_1917 = vector.shape_cast %get3A_1916 : vector<1x1x16xf32> to vector<16xf32>
        %add3A_1918 = arith.addf %get3A_1917, %get3A_1868 : vector<16xf32>
        %swap3A_1919 = arith.index_cast %rem3A_227 : i32 to index
        %swap3A_1920 = arith.index_cast %add3A_1912 : i32 to index
        %swap3A_1921 = arith.constant 400 : index
        %swap3A_1922 = tpu.vector_load %arg8[%swap3A_1919, %swap3A_1920, %swap3A_1921] {strides = array<i32>} : memref<3x32x1024xf32, #tpu.memory_space<vmem>>, vector<1x1x16xf32>,
        %swap3A_1923 = vector.shape_cast %swap3A_1922 : vector<1x1x16xf32> to vector<16xf32>
        %swap3A_1924 = vector.shape_cast %add3A_1918 : vector<16xf32> to vector<1x1x16xf32>
        tpu.vector_store %arg8[%swap3A_1919, %swap3A_1920, %swap3A_1921], %swap3A_1924 {strides = array<i32>} : memref<3x32x1024xf32, #tpu.memory_space<vmem>>, vector<1x1x16xf32>,
        %get3A_1925 = arith.index_cast %rem3A_227 : i32 to index
        %get3A_1926 = arith.index_cast %scan3A_340 : i32 to index
        %get3A_1927 = arith.constant 416 : index
        %get3A_1928 = tpu.vector_load %arg7[%get3A_1925, %get3A_1926, %get3A_1927] {strides = array<i32>} : memref<3x8x1024xf32, #tpu.memory_space<vmem>>, vector<1x1x16xf32>,
        %get3A_1929 = vector.shape_cast %get3A_1928 : vector<1x1x16xf32> to vector<16xf32>
        %add3A_1930 = arith.constant 0 : i32
        %add3A_1931 = arith.addi %add3A_1930, %scan3A_340 : i32
        %get3A_1932 = arith.index_cast %rem3A_227 : i32 to index
        %get3A_1933 = arith.index_cast %add3A_1931 : i32 to index
        %get3A_1934 = arith.constant 416 : index
        %get3A_1935 = tpu.vector_load %arg8[%get3A_1932, %get3A_1933, %get3A_1934] {strides = array<i32>} : memref<3x32x1024xf32, #tpu.memory_space<vmem>>, vector<1x1x16xf32>,
        %get3A_1936 = vector.shape_cast %get3A_1935 : vector<1x1x16xf32> to vector<16xf32>
        %add3A_1937 = arith.addf %get3A_1936, %get3A_1929 : vector<16xf32>
        %swap3A_1938 = arith.index_cast %rem3A_227 : i32 to index
        %swap3A_1939 = arith.index_cast %add3A_1931 : i32 to index
        %swap3A_1940 = arith.constant 416 : index
        %swap3A_1941 = tpu.vector_load %arg8[%swap3A_1938, %swap3A_1939, %swap3A_1940] {strides = array<i32>} : memref<3x32x1024xf32, #tpu.memory_space<vmem>>, vector<1x1x16xf32>,
        %swap3A_1942 = vector.shape_cast %swap3A_1941 : vector<1x1x16xf32> to vector<16xf32>
        %swap3A_1943 = vector.shape_cast %add3A_1937 : vector<16xf32> to vector<1x1x16xf32>
        tpu.vector_store %arg8[%swap3A_1938, %swap3A_1939, %swap3A_1940], %swap3A_1943 {strides = array<i32>} : memref<3x32x1024xf32, #tpu.memory_space<vmem>>, vector<1x1x16xf32>,
        %add3A_1944 = arith.constant 8 : i32
        %add3A_1945 = arith.addi %add3A_1944, %scan3A_340 : i32
        %get3A_1946 = arith.index_cast %rem3A_227 : i32 to index
        %get3A_1947 = arith.index_cast %add3A_1945 : i32 to index
        %get3A_1948 = arith.constant 416 : index
        %get3A_1949 = tpu.vector_load %arg8[%get3A_1946, %get3A_1947, %get3A_1948] {strides = array<i32>} : memref<3x32x1024xf32, #tpu.memory_space<vmem>>, vector<1x1x16xf32>,
        %get3A_1950 = vector.shape_cast %get3A_1949 : vector<1x1x16xf32> to vector<16xf32>
        %add3A_1951 = arith.addf %get3A_1950, %get3A_1929 : vector<16xf32>
        %swap3A_1952 = arith.index_cast %rem3A_227 : i32 to index
        %swap3A_1953 = arith.index_cast %add3A_1945 : i32 to index
        %swap3A_1954 = arith.constant 416 : index
        %swap3A_1955 = tpu.vector_load %arg8[%swap3A_1952, %swap3A_1953, %swap3A_1954] {strides = array<i32>} : memref<3x32x1024xf32, #tpu.memory_space<vmem>>, vector<1x1x16xf32>,
        %swap3A_1956 = vector.shape_cast %swap3A_1955 : vector<1x1x16xf32> to vector<16xf32>
        %swap3A_1957 = vector.shape_cast %add3A_1951 : vector<16xf32> to vector<1x1x16xf32>
        tpu.vector_store %arg8[%swap3A_1952, %swap3A_1953, %swap3A_1954], %swap3A_1957 {strides = array<i32>} : memref<3x32x1024xf32, #tpu.memory_space<vmem>>, vector<1x1x16xf32>,
        %add3A_1958 = arith.constant 16 : i32
        %add3A_1959 = arith.addi %add3A_1958, %scan3A_340 : i32
        %get3A_1960 = arith.index_cast %rem3A_227 : i32 to index
        %get3A_1961 = arith.index_cast %add3A_1959 : i32 to index
        %get3A_1962 = arith.constant 416 : index
        %get3A_1963 = tpu.vector_load %arg8[%get3A_1960, %get3A_1961, %get3A_1962] {strides = array<i32>} : memref<3x32x1024xf32, #tpu.memory_space<vmem>>, vector<1x1x16xf32>,
        %get3A_1964 = vector.shape_cast %get3A_1963 : vector<1x1x16xf32> to vector<16xf32>
        %add3A_1965 = arith.addf %get3A_1964, %get3A_1929 : vector<16xf32>
        %swap3A_1966 = arith.index_cast %rem3A_227 : i32 to index
        %swap3A_1967 = arith.index_cast %add3A_1959 : i32 to index
        %swap3A_1968 = arith.constant 416 : index
        %swap3A_1969 = tpu.vector_load %arg8[%swap3A_1966, %swap3A_1967, %swap3A_1968] {strides = array<i32>} : memref<3x32x1024xf32, #tpu.memory_space<vmem>>, vector<1x1x16xf32>,
        %swap3A_1970 = vector.shape_cast %swap3A_1969 : vector<1x1x16xf32> to vector<16xf32>
        %swap3A_1971 = vector.shape_cast %add3A_1965 : vector<16xf32> to vector<1x1x16xf32>
        tpu.vector_store %arg8[%swap3A_1966, %swap3A_1967, %swap3A_1968], %swap3A_1971 {strides = array<i32>} : memref<3x32x1024xf32, #tpu.memory_space<vmem>>, vector<1x1x16xf32>,
        %add3A_1972 = arith.constant 24 : i32
        %add3A_1973 = arith.addi %add3A_1972, %scan3A_340 : i32
        %get3A_1974 = arith.index_cast %rem3A_227 : i32 to index
        %get3A_1975 = arith.index_cast %add3A_1973 : i32 to index
        %get3A_1976 = arith.constant 416 : index
        %get3A_1977 = tpu.vector_load %arg8[%get3A_1974, %get3A_1975, %get3A_1976] {strides = array<i32>} : memref<3x32x1024xf32, #tpu.memory_space<vmem>>, vector<1x1x16xf32>,
        %get3A_1978 = vector.shape_cast %get3A_1977 : vector<1x1x16xf32> to vector<16xf32>
        %add3A_1979 = arith.addf %get3A_1978, %get3A_1929 : vector<16xf32>
        %swap3A_1980 = arith.index_cast %rem3A_227 : i32 to index
        %swap3A_1981 = arith.index_cast %add3A_1973 : i32 to index
        %swap3A_1982 = arith.constant 416 : index
        %swap3A_1983 = tpu.vector_load %arg8[%swap3A_1980, %swap3A_1981, %swap3A_1982] {strides = array<i32>} : memref<3x32x1024xf32, #tpu.memory_space<vmem>>, vector<1x1x16xf32>,
        %swap3A_1984 = vector.shape_cast %swap3A_1983 : vector<1x1x16xf32> to vector<16xf32>
        %swap3A_1985 = vector.shape_cast %add3A_1979 : vector<16xf32> to vector<1x1x16xf32>
        tpu.vector_store %arg8[%swap3A_1980, %swap3A_1981, %swap3A_1982], %swap3A_1985 {strides = array<i32>} : memref<3x32x1024xf32, #tpu.memory_space<vmem>>, vector<1x1x16xf32>,
        %get3A_1986 = arith.index_cast %rem3A_227 : i32 to index
        %get3A_1987 = arith.index_cast %scan3A_340 : i32 to index
        %get3A_1988 = arith.constant 432 : index
        %get3A_1989 = tpu.vector_load %arg7[%get3A_1986, %get3A_1987, %get3A_1988] {strides = array<i32>} : memref<3x8x1024xf32, #tpu.memory_space<vmem>>, vector<1x1x16xf32>,
        %get3A_1990 = vector.shape_cast %get3A_1989 : vector<1x1x16xf32> to vector<16xf32>
        %add3A_1991 = arith.constant 0 : i32
        %add3A_1992 = arith.addi %add3A_1991, %scan3A_340 : i32
        %get3A_1993 = arith.index_cast %rem3A_227 : i32 to index
        %get3A_1994 = arith.index_cast %add3A_1992 : i32 to index
        %get3A_1995 = arith.constant 432 : index
        %get3A_1996 = tpu.vector_load %arg8[%get3A_1993, %get3A_1994, %get3A_1995] {strides = array<i32>} : memref<3x32x1024xf32, #tpu.memory_space<vmem>>, vector<1x1x16xf32>,
        %get3A_1997 = vector.shape_cast %get3A_1996 : vector<1x1x16xf32> to vector<16xf32>
        %add3A_1998 = arith.addf %get3A_1997, %get3A_1990 : vector<16xf32>
        %swap3A_1999 = arith.index_cast %rem3A_227 : i32 to index
        %swap3A_2000 = arith.index_cast %add3A_1992 : i32 to index
        %swap3A_2001 = arith.constant 432 : index
        %swap3A_2002 = tpu.vector_load %arg8[%swap3A_1999, %swap3A_2000, %swap3A_2001] {strides = array<i32>} : memref<3x32x1024xf32, #tpu.memory_space<vmem>>, vector<1x1x16xf32>,
        %swap3A_2003 = vector.shape_cast %swap3A_2002 : vector<1x1x16xf32> to vector<16xf32>
        %swap3A_2004 = vector.shape_cast %add3A_1998 : vector<16xf32> to vector<1x1x16xf32>
        tpu.vector_store %arg8[%swap3A_1999, %swap3A_2000, %swap3A_2001], %swap3A_2004 {strides = array<i32>} : memref<3x32x1024xf32, #tpu.memory_space<vmem>>, vector<1x1x16xf32>,
        %add3A_2005 = arith.constant 8 : i32
        %add3A_2006 = arith.addi %add3A_2005, %scan3A_340 : i32
        %get3A_2007 = arith.index_cast %rem3A_227 : i32 to index
        %get3A_2008 = arith.index_cast %add3A_2006 : i32 to index
        %get3A_2009 = arith.constant 432 : index
        %get3A_2010 = tpu.vector_load %arg8[%get3A_2007, %get3A_2008, %get3A_2009] {strides = array<i32>} : memref<3x32x1024xf32, #tpu.memory_space<vmem>>, vector<1x1x16xf32>,
        %get3A_2011 = vector.shape_cast %get3A_2010 : vector<1x1x16xf32> to vector<16xf32>
        %add3A_2012 = arith.addf %get3A_2011, %get3A_1990 : vector<16xf32>
        %swap3A_2013 = arith.index_cast %rem3A_227 : i32 to index
        %swap3A_2014 = arith.index_cast %add3A_2006 : i32 to index
        %swap3A_2015 = arith.constant 432 : index
        %swap3A_2016 = tpu.vector_load %arg8[%swap3A_2013, %swap3A_2014, %swap3A_2015] {strides = array<i32>} : memref<3x32x1024xf32, #tpu.memory_space<vmem>>, vector<1x1x16xf32>,
        %swap3A_2017 = vector.shape_cast %swap3A_2016 : vector<1x1x16xf32> to vector<16xf32>
        %swap3A_2018 = vector.shape_cast %add3A_2012 : vector<16xf32> to vector<1x1x16xf32>
        tpu.vector_store %arg8[%swap3A_2013, %swap3A_2014, %swap3A_2015], %swap3A_2018 {strides = array<i32>} : memref<3x32x1024xf32, #tpu.memory_space<vmem>>, vector<1x1x16xf32>,
        %add3A_2019 = arith.constant 16 : i32
        %add3A_2020 = arith.addi %add3A_2019, %scan3A_340 : i32
        %get3A_2021 = arith.index_cast %rem3A_227 : i32 to index
        %get3A_2022 = arith.index_cast %add3A_2020 : i32 to index
        %get3A_2023 = arith.constant 432 : index
        %get3A_2024 = tpu.vector_load %arg8[%get3A_2021, %get3A_2022, %get3A_2023] {strides = array<i32>} : memref<3x32x1024xf32, #tpu.memory_space<vmem>>, vector<1x1x16xf32>,
        %get3A_2025 = vector.shape_cast %get3A_2024 : vector<1x1x16xf32> to vector<16xf32>
        %add3A_2026 = arith.addf %get3A_2025, %get3A_1990 : vector<16xf32>
        %swap3A_2027 = arith.index_cast %rem3A_227 : i32 to index
        %swap3A_2028 = arith.index_cast %add3A_2020 : i32 to index
        %swap3A_2029 = arith.constant 432 : index
        %swap3A_2030 = tpu.vector_load %arg8[%swap3A_2027, %swap3A_2028, %swap3A_2029] {strides = array<i32>} : memref<3x32x1024xf32, #tpu.memory_space<vmem>>, vector<1x1x16xf32>,
        %swap3A_2031 = vector.shape_cast %swap3A_2030 : vector<1x1x16xf32> to vector<16xf32>
        %swap3A_2032 = vector.shape_cast %add3A_2026 : vector<16xf32> to vector<1x1x16xf32>
        tpu.vector_store %arg8[%swap3A_2027, %swap3A_2028, %swap3A_2029], %swap3A_2032 {strides = array<i32>} : memref<3x32x1024xf32, #tpu.memory_space<vmem>>, vector<1x1x16xf32>,
        %add3A_2033 = arith.constant 24 : i32
        %add3A_2034 = arith.addi %add3A_2033, %scan3A_340 : i32
        %get3A_2035 = arith.index_cast %rem3A_227 : i32 to index
        %get3A_2036 = arith.index_cast %add3A_2034 : i32 to index
        %get3A_2037 = arith.constant 432 : index
        %get3A_2038 = tpu.vector_load %arg8[%get3A_2035, %get3A_2036, %get3A_2037] {strides = array<i32>} : memref<3x32x1024xf32, #tpu.memory_space<vmem>>, vector<1x1x16xf32>,
        %get3A_2039 = vector.shape_cast %get3A_2038 : vector<1x1x16xf32> to vector<16xf32>
        %add3A_2040 = arith.addf %get3A_2039, %get3A_1990 : vector<16xf32>
        %swap3A_2041 = arith.index_cast %rem3A_227 : i32 to index
        %swap3A_2042 = arith.index_cast %add3A_2034 : i32 to index
        %swap3A_2043 = arith.constant 432 : index
        %swap3A_2044 = tpu.vector_load %arg8[%swap3A_2041, %swap3A_2042, %swap3A_2043] {strides = array<i32>} : memref<3x32x1024xf32, #tpu.memory_space<vmem>>, vector<1x1x16xf32>,
        %swap3A_2045 = vector.shape_cast %swap3A_2044 : vector<1x1x16xf32> to vector<16xf32>
        %swap3A_2046 = vector.shape_cast %add3A_2040 : vector<16xf32> to vector<1x1x16xf32>
        tpu.vector_store %arg8[%swap3A_2041, %swap3A_2042, %swap3A_2043], %swap3A_2046 {strides = array<i32>} : memref<3x32x1024xf32, #tpu.memory_space<vmem>>, vector<1x1x16xf32>,
        %get3A_2047 = arith.index_cast %rem3A_227 : i32 to index
        %get3A_2048 = arith.index_cast %scan3A_340 : i32 to index
        %get3A_2049 = arith.constant 448 : index
        %get3A_2050 = tpu.vector_load %arg7[%get3A_2047, %get3A_2048, %get3A_2049] {strides = array<i32>} : memref<3x8x1024xf32, #tpu.memory_space<vmem>>, vector<1x1x16xf32>,
        %get3A_2051 = vector.shape_cast %get3A_2050 : vector<1x1x16xf32> to vector<16xf32>
        %add3A_2052 = arith.constant 0 : i32
        %add3A_2053 = arith.addi %add3A_2052, %scan3A_340 : i32
        %get3A_2054 = arith.index_cast %rem3A_227 : i32 to index
        %get3A_2055 = arith.index_cast %add3A_2053 : i32 to index
        %get3A_2056 = arith.constant 448 : index
        %get3A_2057 = tpu.vector_load %arg8[%get3A_2054, %get3A_2055, %get3A_2056] {strides = array<i32>} : memref<3x32x1024xf32, #tpu.memory_space<vmem>>, vector<1x1x16xf32>,
        %get3A_2058 = vector.shape_cast %get3A_2057 : vector<1x1x16xf32> to vector<16xf32>
        %add3A_2059 = arith.addf %get3A_2058, %get3A_2051 : vector<16xf32>
        %swap3A_2060 = arith.index_cast %rem3A_227 : i32 to index
        %swap3A_2061 = arith.index_cast %add3A_2053 : i32 to index
        %swap3A_2062 = arith.constant 448 : index
        %swap3A_2063 = tpu.vector_load %arg8[%swap3A_2060, %swap3A_2061, %swap3A_2062] {strides = array<i32>} : memref<3x32x1024xf32, #tpu.memory_space<vmem>>, vector<1x1x16xf32>,
        %swap3A_2064 = vector.shape_cast %swap3A_2063 : vector<1x1x16xf32> to vector<16xf32>
        %swap3A_2065 = vector.shape_cast %add3A_2059 : vector<16xf32> to vector<1x1x16xf32>
        tpu.vector_store %arg8[%swap3A_2060, %swap3A_2061, %swap3A_2062], %swap3A_2065 {strides = array<i32>} : memref<3x32x1024xf32, #tpu.memory_space<vmem>>, vector<1x1x16xf32>,
        %add3A_2066 = arith.constant 8 : i32
        %add3A_2067 = arith.addi %add3A_2066, %scan3A_340 : i32
        %get3A_2068 = arith.index_cast %rem3A_227 : i32 to index
        %get3A_2069 = arith.index_cast %add3A_2067 : i32 to index
        %get3A_2070 = arith.constant 448 : index
        %get3A_2071 = tpu.vector_load %arg8[%get3A_2068, %get3A_2069, %get3A_2070] {strides = array<i32>} : memref<3x32x1024xf32, #tpu.memory_space<vmem>>, vector<1x1x16xf32>,
        %get3A_2072 = vector.shape_cast %get3A_2071 : vector<1x1x16xf32> to vector<16xf32>
        %add3A_2073 = arith.addf %get3A_2072, %get3A_2051 : vector<16xf32>
        %swap3A_2074 = arith.index_cast %rem3A_227 : i32 to index
        %swap3A_2075 = arith.index_cast %add3A_2067 : i32 to index
        %swap3A_2076 = arith.constant 448 : index
        %swap3A_2077 = tpu.vector_load %arg8[%swap3A_2074, %swap3A_2075, %swap3A_2076] {strides = array<i32>} : memref<3x32x1024xf32, #tpu.memory_space<vmem>>, vector<1x1x16xf32>,
        %swap3A_2078 = vector.shape_cast %swap3A_2077 : vector<1x1x16xf32> to vector<16xf32>
        %swap3A_2079 = vector.shape_cast %add3A_2073 : vector<16xf32> to vector<1x1x16xf32>
        tpu.vector_store %arg8[%swap3A_2074, %swap3A_2075, %swap3A_2076], %swap3A_2079 {strides = array<i32>} : memref<3x32x1024xf32, #tpu.memory_space<vmem>>, vector<1x1x16xf32>,
        %add3A_2080 = arith.constant 16 : i32
        %add3A_2081 = arith.addi %add3A_2080, %scan3A_340 : i32
        %get3A_2082 = arith.index_cast %rem3A_227 : i32 to index
        %get3A_2083 = arith.index_cast %add3A_2081 : i32 to index
        %get3A_2084 = arith.constant 448 : index
        %get3A_2085 = tpu.vector_load %arg8[%get3A_2082, %get3A_2083, %get3A_2084] {strides = array<i32>} : memref<3x32x1024xf32, #tpu.memory_space<vmem>>, vector<1x1x16xf32>,
        %get3A_2086 = vector.shape_cast %get3A_2085 : vector<1x1x16xf32> to vector<16xf32>
        %add3A_2087 = arith.addf %get3A_2086, %get3A_2051 : vector<16xf32>
        %swap3A_2088 = arith.index_cast %rem3A_227 : i32 to index
        %swap3A_2089 = arith.index_cast %add3A_2081 : i32 to index
        %swap3A_2090 = arith.constant 448 : index
        %swap3A_2091 = tpu.vector_load %arg8[%swap3A_2088, %swap3A_2089, %swap3A_2090] {strides = array<i32>} : memref<3x32x1024xf32, #tpu.memory_space<vmem>>, vector<1x1x16xf32>,
        %swap3A_2092 = vector.shape_cast %swap3A_2091 : vector<1x1x16xf32> to vector<16xf32>
        %swap3A_2093 = vector.shape_cast %add3A_2087 : vector<16xf32> to vector<1x1x16xf32>
        tpu.vector_store %arg8[%swap3A_2088, %swap3A_2089, %swap3A_2090], %swap3A_2093 {strides = array<i32>} : memref<3x32x1024xf32, #tpu.memory_space<vmem>>, vector<1x1x16xf32>,
        %add3A_2094 = arith.constant 24 : i32
        %add3A_2095 = arith.addi %add3A_2094, %scan3A_340 : i32
        %get3A_2096 = arith.index_cast %rem3A_227 : i32 to index
        %get3A_2097 = arith.index_cast %add3A_2095 : i32 to index
        %get3A_2098 = arith.constant 448 : index
        %get3A_2099 = tpu.vector_load %arg8[%get3A_2096, %get3A_2097, %get3A_2098] {strides = array<i32>} : memref<3x32x1024xf32, #tpu.memory_space<vmem>>, vector<1x1x16xf32>,
        %get3A_2100 = vector.shape_cast %get3A_2099 : vector<1x1x16xf32> to vector<16xf32>
        %add3A_2101 = arith.addf %get3A_2100, %get3A_2051 : vector<16xf32>
        %swap3A_2102 = arith.index_cast %rem3A_227 : i32 to index
        %swap3A_2103 = arith.index_cast %add3A_2095 : i32 to index
        %swap3A_2104 = arith.constant 448 : index
        %swap3A_2105 = tpu.vector_load %arg8[%swap3A_2102, %swap3A_2103, %swap3A_2104] {strides = array<i32>} : memref<3x32x1024xf32, #tpu.memory_space<vmem>>, vector<1x1x16xf32>,
        %swap3A_2106 = vector.shape_cast %swap3A_2105 : vector<1x1x16xf32> to vector<16xf32>
        %swap3A_2107 = vector.shape_cast %add3A_2101 : vector<16xf32> to vector<1x1x16xf32>
        tpu.vector_store %arg8[%swap3A_2102, %swap3A_2103, %swap3A_2104], %swap3A_2107 {strides = array<i32>} : memref<3x32x1024xf32, #tpu.memory_space<vmem>>, vector<1x1x16xf32>,
        %get3A_2108 = arith.index_cast %rem3A_227 : i32 to index
        %get3A_2109 = arith.index_cast %scan3A_340 : i32 to index
        %get3A_2110 = arith.constant 464 : index
        %get3A_2111 = tpu.vector_load %arg7[%get3A_2108, %get3A_2109, %get3A_2110] {strides = array<i32>} : memref<3x8x1024xf32, #tpu.memory_space<vmem>>, vector<1x1x16xf32>,
        %get3A_2112 = vector.shape_cast %get3A_2111 : vector<1x1x16xf32> to vector<16xf32>
        %add3A_2113 = arith.constant 0 : i32
        %add3A_2114 = arith.addi %add3A_2113, %scan3A_340 : i32
        %get3A_2115 = arith.index_cast %rem3A_227 : i32 to index
        %get3A_2116 = arith.index_cast %add3A_2114 : i32 to index
        %get3A_2117 = arith.constant 464 : index
        %get3A_2118 = tpu.vector_load %arg8[%get3A_2115, %get3A_2116, %get3A_2117] {strides = array<i32>} : memref<3x32x1024xf32, #tpu.memory_space<vmem>>, vector<1x1x16xf32>,
        %get3A_2119 = vector.shape_cast %get3A_2118 : vector<1x1x16xf32> to vector<16xf32>
        %add3A_2120 = arith.addf %get3A_2119, %get3A_2112 : vector<16xf32>
        %swap3A_2121 = arith.index_cast %rem3A_227 : i32 to index
        %swap3A_2122 = arith.index_cast %add3A_2114 : i32 to index
        %swap3A_2123 = arith.constant 464 : index
        %swap3A_2124 = tpu.vector_load %arg8[%swap3A_2121, %swap3A_2122, %swap3A_2123] {strides = array<i32>} : memref<3x32x1024xf32, #tpu.memory_space<vmem>>, vector<1x1x16xf32>,
        %swap3A_2125 = vector.shape_cast %swap3A_2124 : vector<1x1x16xf32> to vector<16xf32>
        %swap3A_2126 = vector.shape_cast %add3A_2120 : vector<16xf32> to vector<1x1x16xf32>
        tpu.vector_store %arg8[%swap3A_2121, %swap3A_2122, %swap3A_2123], %swap3A_2126 {strides = array<i32>} : memref<3x32x1024xf32, #tpu.memory_space<vmem>>, vector<1x1x16xf32>,
        %add3A_2127 = arith.constant 8 : i32
        %add3A_2128 = arith.addi %add3A_2127, %scan3A_340 : i32
        %get3A_2129 = arith.index_cast %rem3A_227 : i32 to index
        %get3A_2130 = arith.index_cast %add3A_2128 : i32 to index
        %get3A_2131 = arith.constant 464 : index
        %get3A_2132 = tpu.vector_load %arg8[%get3A_2129, %get3A_2130, %get3A_2131] {strides = array<i32>} : memref<3x32x1024xf32, #tpu.memory_space<vmem>>, vector<1x1x16xf32>,
        %get3A_2133 = vector.shape_cast %get3A_2132 : vector<1x1x16xf32> to vector<16xf32>
        %add3A_2134 = arith.addf %get3A_2133, %get3A_2112 : vector<16xf32>
        %swap3A_2135 = arith.index_cast %rem3A_227 : i32 to index
        %swap3A_2136 = arith.index_cast %add3A_2128 : i32 to index
        %swap3A_2137 = arith.constant 464 : index
        %swap3A_2138 = tpu.vector_load %arg8[%swap3A_2135, %swap3A_2136, %swap3A_2137] {strides = array<i32>} : memref<3x32x1024xf32, #tpu.memory_space<vmem>>, vector<1x1x16xf32>,
        %swap3A_2139 = vector.shape_cast %swap3A_2138 : vector<1x1x16xf32> to vector<16xf32>
        %swap3A_2140 = vector.shape_cast %add3A_2134 : vector<16xf32> to vector<1x1x16xf32>
        tpu.vector_store %arg8[%swap3A_2135, %swap3A_2136, %swap3A_2137], %swap3A_2140 {strides = array<i32>} : memref<3x32x1024xf32, #tpu.memory_space<vmem>>, vector<1x1x16xf32>,
        %add3A_2141 = arith.constant 16 : i32
        %add3A_2142 = arith.addi %add3A_2141, %scan3A_340 : i32
        %get3A_2143 = arith.index_cast %rem3A_227 : i32 to index
        %get3A_2144 = arith.index_cast %add3A_2142 : i32 to index
        %get3A_2145 = arith.constant 464 : index
        %get3A_2146 = tpu.vector_load %arg8[%get3A_2143, %get3A_2144, %get3A_2145] {strides = array<i32>} : memref<3x32x1024xf32, #tpu.memory_space<vmem>>, vector<1x1x16xf32>,
        %get3A_2147 = vector.shape_cast %get3A_2146 : vector<1x1x16xf32> to vector<16xf32>
        %add3A_2148 = arith.addf %get3A_2147, %get3A_2112 : vector<16xf32>
        %swap3A_2149 = arith.index_cast %rem3A_227 : i32 to index
        %swap3A_2150 = arith.index_cast %add3A_2142 : i32 to index
        %swap3A_2151 = arith.constant 464 : index
        %swap3A_2152 = tpu.vector_load %arg8[%swap3A_2149, %swap3A_2150, %swap3A_2151] {strides = array<i32>} : memref<3x32x1024xf32, #tpu.memory_space<vmem>>, vector<1x1x16xf32>,
        %swap3A_2153 = vector.shape_cast %swap3A_2152 : vector<1x1x16xf32> to vector<16xf32>
        %swap3A_2154 = vector.shape_cast %add3A_2148 : vector<16xf32> to vector<1x1x16xf32>
        tpu.vector_store %arg8[%swap3A_2149, %swap3A_2150, %swap3A_2151], %swap3A_2154 {strides = array<i32>} : memref<3x32x1024xf32, #tpu.memory_space<vmem>>, vector<1x1x16xf32>,
        %add3A_2155 = arith.constant 24 : i32
        %add3A_2156 = arith.addi %add3A_2155, %scan3A_340 : i32
        %get3A_2157 = arith.index_cast %rem3A_227 : i32 to index
        %get3A_2158 = arith.index_cast %add3A_2156 : i32 to index
        %get3A_2159 = arith.constant 464 : index
        %get3A_2160 = tpu.vector_load %arg8[%get3A_2157, %get3A_2158, %get3A_2159] {strides = array<i32>} : memref<3x32x1024xf32, #tpu.memory_space<vmem>>, vector<1x1x16xf32>,
        %get3A_2161 = vector.shape_cast %get3A_2160 : vector<1x1x16xf32> to vector<16xf32>
        %add3A_2162 = arith.addf %get3A_2161, %get3A_2112 : vector<16xf32>
        %swap3A_2163 = arith.index_cast %rem3A_227 : i32 to index
        %swap3A_2164 = arith.index_cast %add3A_2156 : i32 to index
        %swap3A_2165 = arith.constant 464 : index
        %swap3A_2166 = tpu.vector_load %arg8[%swap3A_2163, %swap3A_2164, %swap3A_2165] {strides = array<i32>} : memref<3x32x1024xf32, #tpu.memory_space<vmem>>, vector<1x1x16xf32>,
        %swap3A_2167 = vector.shape_cast %swap3A_2166 : vector<1x1x16xf32> to vector<16xf32>
        %swap3A_2168 = vector.shape_cast %add3A_2162 : vector<16xf32> to vector<1x1x16xf32>
        tpu.vector_store %arg8[%swap3A_2163, %swap3A_2164, %swap3A_2165], %swap3A_2168 {strides = array<i32>} : memref<3x32x1024xf32, #tpu.memory_space<vmem>>, vector<1x1x16xf32>,
        %get3A_2169 = arith.index_cast %rem3A_227 : i32 to index
        %get3A_2170 = arith.index_cast %scan3A_340 : i32 to index
        %get3A_2171 = arith.constant 480 : index
        %get3A_2172 = tpu.vector_load %arg7[%get3A_2169, %get3A_2170, %get3A_2171] {strides = array<i32>} : memref<3x8x1024xf32, #tpu.memory_space<vmem>>, vector<1x1x16xf32>,
        %get3A_2173 = vector.shape_cast %get3A_2172 : vector<1x1x16xf32> to vector<16xf32>
        %add3A_2174 = arith.constant 0 : i32
        %add3A_2175 = arith.addi %add3A_2174, %scan3A_340 : i32
        %get3A_2176 = arith.index_cast %rem3A_227 : i32 to index
        %get3A_2177 = arith.index_cast %add3A_2175 : i32 to index
        %get3A_2178 = arith.constant 480 : index
        %get3A_2179 = tpu.vector_load %arg8[%get3A_2176, %get3A_2177, %get3A_2178] {strides = array<i32>} : memref<3x32x1024xf32, #tpu.memory_space<vmem>>, vector<1x1x16xf32>,
        %get3A_2180 = vector.shape_cast %get3A_2179 : vector<1x1x16xf32> to vector<16xf32>
        %add3A_2181 = arith.addf %get3A_2180, %get3A_2173 : vector<16xf32>
        %swap3A_2182 = arith.index_cast %rem3A_227 : i32 to index
        %swap3A_2183 = arith.index_cast %add3A_2175 : i32 to index
        %swap3A_2184 = arith.constant 480 : index
        %swap3A_2185 = tpu.vector_load %arg8[%swap3A_2182, %swap3A_2183, %swap3A_2184] {strides = array<i32>} : memref<3x32x1024xf32, #tpu.memory_space<vmem>>, vector<1x1x16xf32>,
        %swap3A_2186 = vector.shape_cast %swap3A_2185 : vector<1x1x16xf32> to vector<16xf32>
        %swap3A_2187 = vector.shape_cast %add3A_2181 : vector<16xf32> to vector<1x1x16xf32>
        tpu.vector_store %arg8[%swap3A_2182, %swap3A_2183, %swap3A_2184], %swap3A_2187 {strides = array<i32>} : memref<3x32x1024xf32, #tpu.memory_space<vmem>>, vector<1x1x16xf32>,
        %add3A_2188 = arith.constant 8 : i32
        %add3A_2189 = arith.addi %add3A_2188, %scan3A_340 : i32
        %get3A_2190 = arith.index_cast %rem3A_227 : i32 to index
        %get3A_2191 = arith.index_cast %add3A_2189 : i32 to index
        %get3A_2192 = arith.constant 480 : index
        %get3A_2193 = tpu.vector_load %arg8[%get3A_2190, %get3A_2191, %get3A_2192] {strides = array<i32>} : memref<3x32x1024xf32, #tpu.memory_space<vmem>>, vector<1x1x16xf32>,
        %get3A_2194 = vector.shape_cast %get3A_2193 : vector<1x1x16xf32> to vector<16xf32>
        %add3A_2195 = arith.addf %get3A_2194, %get3A_2173 : vector<16xf32>
        %swap3A_2196 = arith.index_cast %rem3A_227 : i32 to index
        %swap3A_2197 = arith.index_cast %add3A_2189 : i32 to index
        %swap3A_2198 = arith.constant 480 : index
        %swap3A_2199 = tpu.vector_load %arg8[%swap3A_2196, %swap3A_2197, %swap3A_2198] {strides = array<i32>} : memref<3x32x1024xf32, #tpu.memory_space<vmem>>, vector<1x1x16xf32>,
        %swap3A_2200 = vector.shape_cast %swap3A_2199 : vector<1x1x16xf32> to vector<16xf32>
        %swap3A_2201 = vector.shape_cast %add3A_2195 : vector<16xf32> to vector<1x1x16xf32>
        tpu.vector_store %arg8[%swap3A_2196, %swap3A_2197, %swap3A_2198], %swap3A_2201 {strides = array<i32>} : memref<3x32x1024xf32, #tpu.memory_space<vmem>>, vector<1x1x16xf32>,
        %add3A_2202 = arith.constant 16 : i32
        %add3A_2203 = arith.addi %add3A_2202, %scan3A_340 : i32
        %get3A_2204 = arith.index_cast %rem3A_227 : i32 to index
        %get3A_2205 = arith.index_cast %add3A_2203 : i32 to index
        %get3A_2206 = arith.constant 480 : index
        %get3A_2207 = tpu.vector_load %arg8[%get3A_2204, %get3A_2205, %get3A_2206] {strides = array<i32>} : memref<3x32x1024xf32, #tpu.memory_space<vmem>>, vector<1x1x16xf32>,
        %get3A_2208 = vector.shape_cast %get3A_2207 : vector<1x1x16xf32> to vector<16xf32>
        %add3A_2209 = arith.addf %get3A_2208, %get3A_2173 : vector<16xf32>
        %swap3A_2210 = arith.index_cast %rem3A_227 : i32 to index
        %swap3A_2211 = arith.index_cast %add3A_2203 : i32 to index
        %swap3A_2212 = arith.constant 480 : index
        %swap3A_2213 = tpu.vector_load %arg8[%swap3A_2210, %swap3A_2211, %swap3A_2212] {strides = array<i32>} : memref<3x32x1024xf32, #tpu.memory_space<vmem>>, vector<1x1x16xf32>,
        %swap3A_2214 = vector.shape_cast %swap3A_2213 : vector<1x1x16xf32> to vector<16xf32>
        %swap3A_2215 = vector.shape_cast %add3A_2209 : vector<16xf32> to vector<1x1x16xf32>
        tpu.vector_store %arg8[%swap3A_2210, %swap3A_2211, %swap3A_2212], %swap3A_2215 {strides = array<i32>} : memref<3x32x1024xf32, #tpu.memory_space<vmem>>, vector<1x1x16xf32>,
        %add3A_2216 = arith.constant 24 : i32
        %add3A_2217 = arith.addi %add3A_2216, %scan3A_340 : i32
        %get3A_2218 = arith.index_cast %rem3A_227 : i32 to index
        %get3A_2219 = arith.index_cast %add3A_2217 : i32 to index
        %get3A_2220 = arith.constant 480 : index
        %get3A_2221 = tpu.vector_load %arg8[%get3A_2218, %get3A_2219, %get3A_2220] {strides = array<i32>} : memref<3x32x1024xf32, #tpu.memory_space<vmem>>, vector<1x1x16xf32>,
        %get3A_2222 = vector.shape_cast %get3A_2221 : vector<1x1x16xf32> to vector<16xf32>
        %add3A_2223 = arith.addf %get3A_2222, %get3A_2173 : vector<16xf32>
        %swap3A_2224 = arith.index_cast %rem3A_227 : i32 to index
        %swap3A_2225 = arith.index_cast %add3A_2217 : i32 to index
        %swap3A_2226 = arith.constant 480 : index
        %swap3A_2227 = tpu.vector_load %arg8[%swap3A_2224, %swap3A_2225, %swap3A_2226] {strides = array<i32>} : memref<3x32x1024xf32, #tpu.memory_space<vmem>>, vector<1x1x16xf32>,
        %swap3A_2228 = vector.shape_cast %swap3A_2227 : vector<1x1x16xf32> to vector<16xf32>
        %swap3A_2229 = vector.shape_cast %add3A_2223 : vector<16xf32> to vector<1x1x16xf32>
        tpu.vector_store %arg8[%swap3A_2224, %swap3A_2225, %swap3A_2226], %swap3A_2229 {strides = array<i32>} : memref<3x32x1024xf32, #tpu.memory_space<vmem>>, vector<1x1x16xf32>,
        %get3A_2230 = arith.index_cast %rem3A_227 : i32 to index
        %get3A_2231 = arith.index_cast %scan3A_340 : i32 to index
        %get3A_2232 = arith.constant 496 : index
        %get3A_2233 = tpu.vector_load %arg7[%get3A_2230, %get3A_2231, %get3A_2232] {strides = array<i32>} : memref<3x8x1024xf32, #tpu.memory_space<vmem>>, vector<1x1x16xf32>,
        %get3A_2234 = vector.shape_cast %get3A_2233 : vector<1x1x16xf32> to vector<16xf32>
        %add3A_2235 = arith.constant 0 : i32
        %add3A_2236 = arith.addi %add3A_2235, %scan3A_340 : i32
        %get3A_2237 = arith.index_cast %rem3A_227 : i32 to index
        %get3A_2238 = arith.index_cast %add3A_2236 : i32 to index
        %get3A_2239 = arith.constant 496 : index
        %get3A_2240 = tpu.vector_load %arg8[%get3A_2237, %get3A_2238, %get3A_2239] {strides = array<i32>} : memref<3x32x1024xf32, #tpu.memory_space<vmem>>, vector<1x1x16xf32>,
        %get3A_2241 = vector.shape_cast %get3A_2240 : vector<1x1x16xf32> to vector<16xf32>
        %add3A_2242 = arith.addf %get3A_2241, %get3A_2234 : vector<16xf32>
        %swap3A_2243 = arith.index_cast %rem3A_227 : i32 to index
        %swap3A_2244 = arith.index_cast %add3A_2236 : i32 to index
        %swap3A_2245 = arith.constant 496 : index
        %swap3A_2246 = tpu.vector_load %arg8[%swap3A_2243, %swap3A_2244, %swap3A_2245] {strides = array<i32>} : memref<3x32x1024xf32, #tpu.memory_space<vmem>>, vector<1x1x16xf32>,
        %swap3A_2247 = vector.shape_cast %swap3A_2246 : vector<1x1x16xf32> to vector<16xf32>
        %swap3A_2248 = vector.shape_cast %add3A_2242 : vector<16xf32> to vector<1x1x16xf32>
        tpu.vector_store %arg8[%swap3A_2243, %swap3A_2244, %swap3A_2245], %swap3A_2248 {strides = array<i32>} : memref<3x32x1024xf32, #tpu.memory_space<vmem>>, vector<1x1x16xf32>,
        %add3A_2249 = arith.constant 8 : i32
        %add3A_2250 = arith.addi %add3A_2249, %scan3A_340 : i32
        %get3A_2251 = arith.index_cast %rem3A_227 : i32 to index
        %get3A_2252 = arith.index_cast %add3A_2250 : i32 to index
        %get3A_2253 = arith.constant 496 : index
        %get3A_2254 = tpu.vector_load %arg8[%get3A_2251, %get3A_2252, %get3A_2253] {strides = array<i32>} : memref<3x32x1024xf32, #tpu.memory_space<vmem>>, vector<1x1x16xf32>,
        %get3A_2255 = vector.shape_cast %get3A_2254 : vector<1x1x16xf32> to vector<16xf32>
        %add3A_2256 = arith.addf %get3A_2255, %get3A_2234 : vector<16xf32>
        %swap3A_2257 = arith.index_cast %rem3A_227 : i32 to index
        %swap3A_2258 = arith.index_cast %add3A_2250 : i32 to index
        %swap3A_2259 = arith.constant 496 : index
        %swap3A_2260 = tpu.vector_load %arg8[%swap3A_2257, %swap3A_2258, %swap3A_2259] {strides = array<i32>} : memref<3x32x1024xf32, #tpu.memory_space<vmem>>, vector<1x1x16xf32>,
        %swap3A_2261 = vector.shape_cast %swap3A_2260 : vector<1x1x16xf32> to vector<16xf32>
        %swap3A_2262 = vector.shape_cast %add3A_2256 : vector<16xf32> to vector<1x1x16xf32>
        tpu.vector_store %arg8[%swap3A_2257, %swap3A_2258, %swap3A_2259], %swap3A_2262 {strides = array<i32>} : memref<3x32x1024xf32, #tpu.memory_space<vmem>>, vector<1x1x16xf32>,
        %add3A_2263 = arith.constant 16 : i32
        %add3A_2264 = arith.addi %add3A_2263, %scan3A_340 : i32
        %get3A_2265 = arith.index_cast %rem3A_227 : i32 to index
        %get3A_2266 = arith.index_cast %add3A_2264 : i32 to index
        %get3A_2267 = arith.constant 496 : index
        %get3A_2268 = tpu.vector_load %arg8[%get3A_2265, %get3A_2266, %get3A_2267] {strides = array<i32>} : memref<3x32x1024xf32, #tpu.memory_space<vmem>>, vector<1x1x16xf32>,
        %get3A_2269 = vector.shape_cast %get3A_2268 : vector<1x1x16xf32> to vector<16xf32>
        %add3A_2270 = arith.addf %get3A_2269, %get3A_2234 : vector<16xf32>
        %swap3A_2271 = arith.index_cast %rem3A_227 : i32 to index
        %swap3A_2272 = arith.index_cast %add3A_2264 : i32 to index
        %swap3A_2273 = arith.constant 496 : index
        %swap3A_2274 = tpu.vector_load %arg8[%swap3A_2271, %swap3A_2272, %swap3A_2273] {strides = array<i32>} : memref<3x32x1024xf32, #tpu.memory_space<vmem>>, vector<1x1x16xf32>,
        %swap3A_2275 = vector.shape_cast %swap3A_2274 : vector<1x1x16xf32> to vector<16xf32>
        %swap3A_2276 = vector.shape_cast %add3A_2270 : vector<16xf32> to vector<1x1x16xf32>
        tpu.vector_store %arg8[%swap3A_2271, %swap3A_2272, %swap3A_2273], %swap3A_2276 {strides = array<i32>} : memref<3x32x1024xf32, #tpu.memory_space<vmem>>, vector<1x1x16xf32>,
        %add3A_2277 = arith.constant 24 : i32
        %add3A_2278 = arith.addi %add3A_2277, %scan3A_340 : i32
        %get3A_2279 = arith.index_cast %rem3A_227 : i32 to index
        %get3A_2280 = arith.index_cast %add3A_2278 : i32 to index
        %get3A_2281 = arith.constant 496 : index
        %get3A_2282 = tpu.vector_load %arg8[%get3A_2279, %get3A_2280, %get3A_2281] {strides = array<i32>} : memref<3x32x1024xf32, #tpu.memory_space<vmem>>, vector<1x1x16xf32>,
        %get3A_2283 = vector.shape_cast %get3A_2282 : vector<1x1x16xf32> to vector<16xf32>
        %add3A_2284 = arith.addf %get3A_2283, %get3A_2234 : vector<16xf32>
        %swap3A_2285 = arith.index_cast %rem3A_227 : i32 to index
        %swap3A_2286 = arith.index_cast %add3A_2278 : i32 to index
        %swap3A_2287 = arith.constant 496 : index
        %swap3A_2288 = tpu.vector_load %arg8[%swap3A_2285, %swap3A_2286, %swap3A_2287] {strides = array<i32>} : memref<3x32x1024xf32, #tpu.memory_space<vmem>>, vector<1x1x16xf32>,
        %swap3A_2289 = vector.shape_cast %swap3A_2288 : vector<1x1x16xf32> to vector<16xf32>
        %swap3A_2290 = vector.shape_cast %add3A_2284 : vector<16xf32> to vector<1x1x16xf32>
        tpu.vector_store %arg8[%swap3A_2285, %swap3A_2286, %swap3A_2287], %swap3A_2290 {strides = array<i32>} : memref<3x32x1024xf32, #tpu.memory_space<vmem>>, vector<1x1x16xf32>,
        %get3A_2291 = arith.index_cast %rem3A_227 : i32 to index
        %get3A_2292 = arith.index_cast %scan3A_340 : i32 to index
        %get3A_2293 = arith.constant 512 : index
        %get3A_2294 = tpu.vector_load %arg7[%get3A_2291, %get3A_2292, %get3A_2293] {strides = array<i32>} : memref<3x8x1024xf32, #tpu.memory_space<vmem>>, vector<1x1x16xf32>,
        %get3A_2295 = vector.shape_cast %get3A_2294 : vector<1x1x16xf32> to vector<16xf32>
        %add3A_2296 = arith.constant 0 : i32
        %add3A_2297 = arith.addi %add3A_2296, %scan3A_340 : i32
        %get3A_2298 = arith.index_cast %rem3A_227 : i32 to index
        %get3A_2299 = arith.index_cast %add3A_2297 : i32 to index
        %get3A_2300 = arith.constant 512 : index
        %get3A_2301 = tpu.vector_load %arg8[%get3A_2298, %get3A_2299, %get3A_2300] {strides = array<i32>} : memref<3x32x1024xf32, #tpu.memory_space<vmem>>, vector<1x1x16xf32>,
        %get3A_2302 = vector.shape_cast %get3A_2301 : vector<1x1x16xf32> to vector<16xf32>
        %add3A_2303 = arith.addf %get3A_2302, %get3A_2295 : vector<16xf32>
        %swap3A_2304 = arith.index_cast %rem3A_227 : i32 to index
        %swap3A_2305 = arith.index_cast %add3A_2297 : i32 to index
        %swap3A_2306 = arith.constant 512 : index
        %swap3A_2307 = tpu.vector_load %arg8[%swap3A_2304, %swap3A_2305, %swap3A_2306] {strides = array<i32>} : memref<3x32x1024xf32, #tpu.memory_space<vmem>>, vector<1x1x16xf32>,
        %swap3A_2308 = vector.shape_cast %swap3A_2307 : vector<1x1x16xf32> to vector<16xf32>
        %swap3A_2309 = vector.shape_cast %add3A_2303 : vector<16xf32> to vector<1x1x16xf32>
        tpu.vector_store %arg8[%swap3A_2304, %swap3A_2305, %swap3A_2306], %swap3A_2309 {strides = array<i32>} : memref<3x32x1024xf32, #tpu.memory_space<vmem>>, vector<1x1x16xf32>,
        %add3A_2310 = arith.constant 8 : i32
        %add3A_2311 = arith.addi %add3A_2310, %scan3A_340 : i32
        %get3A_2312 = arith.index_cast %rem3A_227 : i32 to index
        %get3A_2313 = arith.index_cast %add3A_2311 : i32 to index
        %get3A_2314 = arith.constant 512 : index
        %get3A_2315 = tpu.vector_load %arg8[%get3A_2312, %get3A_2313, %get3A_2314] {strides = array<i32>} : memref<3x32x1024xf32, #tpu.memory_space<vmem>>, vector<1x1x16xf32>,
        %get3A_2316 = vector.shape_cast %get3A_2315 : vector<1x1x16xf32> to vector<16xf32>
        %add3A_2317 = arith.addf %get3A_2316, %get3A_2295 : vector<16xf32>
        %swap3A_2318 = arith.index_cast %rem3A_227 : i32 to index
        %swap3A_2319 = arith.index_cast %add3A_2311 : i32 to index
        %swap3A_2320 = arith.constant 512 : index
        %swap3A_2321 = tpu.vector_load %arg8[%swap3A_2318, %swap3A_2319, %swap3A_2320] {strides = array<i32>} : memref<3x32x1024xf32, #tpu.memory_space<vmem>>, vector<1x1x16xf32>,
        %swap3A_2322 = vector.shape_cast %swap3A_2321 : vector<1x1x16xf32> to vector<16xf32>
        %swap3A_2323 = vector.shape_cast %add3A_2317 : vector<16xf32> to vector<1x1x16xf32>
        tpu.vector_store %arg8[%swap3A_2318, %swap3A_2319, %swap3A_2320], %swap3A_2323 {strides = array<i32>} : memref<3x32x1024xf32, #tpu.memory_space<vmem>>, vector<1x1x16xf32>,
        %add3A_2324 = arith.constant 16 : i32
        %add3A_2325 = arith.addi %add3A_2324, %scan3A_340 : i32
        %get3A_2326 = arith.index_cast %rem3A_227 : i32 to index
        %get3A_2327 = arith.index_cast %add3A_2325 : i32 to index
        %get3A_2328 = arith.constant 512 : index
        %get3A_2329 = tpu.vector_load %arg8[%get3A_2326, %get3A_2327, %get3A_2328] {strides = array<i32>} : memref<3x32x1024xf32, #tpu.memory_space<vmem>>, vector<1x1x16xf32>,
        %get3A_2330 = vector.shape_cast %get3A_2329 : vector<1x1x16xf32> to vector<16xf32>
        %add3A_2331 = arith.addf %get3A_2330, %get3A_2295 : vector<16xf32>
        %swap3A_2332 = arith.index_cast %rem3A_227 : i32 to index
        %swap3A_2333 = arith.index_cast %add3A_2325 : i32 to index
        %swap3A_2334 = arith.constant 512 : index
        %swap3A_2335 = tpu.vector_load %arg8[%swap3A_2332, %swap3A_2333, %swap3A_2334] {strides = array<i32>} : memref<3x32x1024xf32, #tpu.memory_space<vmem>>, vector<1x1x16xf32>,
        %swap3A_2336 = vector.shape_cast %swap3A_2335 : vector<1x1x16xf32> to vector<16xf32>
        %swap3A_2337 = vector.shape_cast %add3A_2331 : vector<16xf32> to vector<1x1x16xf32>
        tpu.vector_store %arg8[%swap3A_2332, %swap3A_2333, %swap3A_2334], %swap3A_2337 {strides = array<i32>} : memref<3x32x1024xf32, #tpu.memory_space<vmem>>, vector<1x1x16xf32>,
        %add3A_2338 = arith.constant 24 : i32
        %add3A_2339 = arith.addi %add3A_2338, %scan3A_340 : i32
        %get3A_2340 = arith.index_cast %rem3A_227 : i32 to index
        %get3A_2341 = arith.index_cast %add3A_2339 : i32 to index
        %get3A_2342 = arith.constant 512 : index
        %get3A_2343 = tpu.vector_load %arg8[%get3A_2340, %get3A_2341, %get3A_2342] {strides = array<i32>} : memref<3x32x1024xf32, #tpu.memory_space<vmem>>, vector<1x1x16xf32>,
        %get3A_2344 = vector.shape_cast %get3A_2343 : vector<1x1x16xf32> to vector<16xf32>
        %add3A_2345 = arith.addf %get3A_2344, %get3A_2295 : vector<16xf32>
        %swap3A_2346 = arith.index_cast %rem3A_227 : i32 to index
        %swap3A_2347 = arith.index_cast %add3A_2339 : i32 to index
        %swap3A_2348 = arith.constant 512 : index
        %swap3A_2349 = tpu.vector_load %arg8[%swap3A_2346, %swap3A_2347, %swap3A_2348] {strides = array<i32>} : memref<3x32x1024xf32, #tpu.memory_space<vmem>>, vector<1x1x16xf32>,
        %swap3A_2350 = vector.shape_cast %swap3A_2349 : vector<1x1x16xf32> to vector<16xf32>
        %swap3A_2351 = vector.shape_cast %add3A_2345 : vector<16xf32> to vector<1x1x16xf32>
        tpu.vector_store %arg8[%swap3A_2346, %swap3A_2347, %swap3A_2348], %swap3A_2351 {strides = array<i32>} : memref<3x32x1024xf32, #tpu.memory_space<vmem>>, vector<1x1x16xf32>,
        %get3A_2352 = arith.index_cast %rem3A_227 : i32 to index
        %get3A_2353 = arith.index_cast %scan3A_340 : i32 to index
        %get3A_2354 = arith.constant 528 : index
        %get3A_2355 = tpu.vector_load %arg7[%get3A_2352, %get3A_2353, %get3A_2354] {strides = array<i32>} : memref<3x8x1024xf32, #tpu.memory_space<vmem>>, vector<1x1x16xf32>,
        %get3A_2356 = vector.shape_cast %get3A_2355 : vector<1x1x16xf32> to vector<16xf32>
        %add3A_2357 = arith.constant 0 : i32
        %add3A_2358 = arith.addi %add3A_2357, %scan3A_340 : i32
        %get3A_2359 = arith.index_cast %rem3A_227 : i32 to index
        %get3A_2360 = arith.index_cast %add3A_2358 : i32 to index
        %get3A_2361 = arith.constant 528 : index
        %get3A_2362 = tpu.vector_load %arg8[%get3A_2359, %get3A_2360, %get3A_2361] {strides = array<i32>} : memref<3x32x1024xf32, #tpu.memory_space<vmem>>, vector<1x1x16xf32>,
        %get3A_2363 = vector.shape_cast %get3A_2362 : vector<1x1x16xf32> to vector<16xf32>
        %add3A_2364 = arith.addf %get3A_2363, %get3A_2356 : vector<16xf32>
        %swap3A_2365 = arith.index_cast %rem3A_227 : i32 to index
        %swap3A_2366 = arith.index_cast %add3A_2358 : i32 to index
        %swap3A_2367 = arith.constant 528 : index
        %swap3A_2368 = tpu.vector_load %arg8[%swap3A_2365, %swap3A_2366, %swap3A_2367] {strides = array<i32>} : memref<3x32x1024xf32, #tpu.memory_space<vmem>>, vector<1x1x16xf32>,
        %swap3A_2369 = vector.shape_cast %swap3A_2368 : vector<1x1x16xf32> to vector<16xf32>
        %swap3A_2370 = vector.shape_cast %add3A_2364 : vector<16xf32> to vector<1x1x16xf32>
        tpu.vector_store %arg8[%swap3A_2365, %swap3A_2366, %swap3A_2367], %swap3A_2370 {strides = array<i32>} : memref<3x32x1024xf32, #tpu.memory_space<vmem>>, vector<1x1x16xf32>,
        %add3A_2371 = arith.constant 8 : i32
        %add3A_2372 = arith.addi %add3A_2371, %scan3A_340 : i32
        %get3A_2373 = arith.index_cast %rem3A_227 : i32 to index
        %get3A_2374 = arith.index_cast %add3A_2372 : i32 to index
        %get3A_2375 = arith.constant 528 : index
        %get3A_2376 = tpu.vector_load %arg8[%get3A_2373, %get3A_2374, %get3A_2375] {strides = array<i32>} : memref<3x32x1024xf32, #tpu.memory_space<vmem>>, vector<1x1x16xf32>,
        %get3A_2377 = vector.shape_cast %get3A_2376 : vector<1x1x16xf32> to vector<16xf32>
        %add3A_2378 = arith.addf %get3A_2377, %get3A_2356 : vector<16xf32>
        %swap3A_2379 = arith.index_cast %rem3A_227 : i32 to index
        %swap3A_2380 = arith.index_cast %add3A_2372 : i32 to index
        %swap3A_2381 = arith.constant 528 : index
        %swap3A_2382 = tpu.vector_load %arg8[%swap3A_2379, %swap3A_2380, %swap3A_2381] {strides = array<i32>} : memref<3x32x1024xf32, #tpu.memory_space<vmem>>, vector<1x1x16xf32>,
        %swap3A_2383 = vector.shape_cast %swap3A_2382 : vector<1x1x16xf32> to vector<16xf32>
        %swap3A_2384 = vector.shape_cast %add3A_2378 : vector<16xf32> to vector<1x1x16xf32>
        tpu.vector_store %arg8[%swap3A_2379, %swap3A_2380, %swap3A_2381], %swap3A_2384 {strides = array<i32>} : memref<3x32x1024xf32, #tpu.memory_space<vmem>>, vector<1x1x16xf32>,
        %add3A_2385 = arith.constant 16 : i32
        %add3A_2386 = arith.addi %add3A_2385, %scan3A_340 : i32
        %get3A_2387 = arith.index_cast %rem3A_227 : i32 to index
        %get3A_2388 = arith.index_cast %add3A_2386 : i32 to index
        %get3A_2389 = arith.constant 528 : index
        %get3A_2390 = tpu.vector_load %arg8[%get3A_2387, %get3A_2388, %get3A_2389] {strides = array<i32>} : memref<3x32x1024xf32, #tpu.memory_space<vmem>>, vector<1x1x16xf32>,
        %get3A_2391 = vector.shape_cast %get3A_2390 : vector<1x1x16xf32> to vector<16xf32>
        %add3A_2392 = arith.addf %get3A_2391, %get3A_2356 : vector<16xf32>
        %swap3A_2393 = arith.index_cast %rem3A_227 : i32 to index
        %swap3A_2394 = arith.index_cast %add3A_2386 : i32 to index
        %swap3A_2395 = arith.constant 528 : index
        %swap3A_2396 = tpu.vector_load %arg8[%swap3A_2393, %swap3A_2394, %swap3A_2395] {strides = array<i32>} : memref<3x32x1024xf32, #tpu.memory_space<vmem>>, vector<1x1x16xf32>,
        %swap3A_2397 = vector.shape_cast %swap3A_2396 : vector<1x1x16xf32> to vector<16xf32>
        %swap3A_2398 = vector.shape_cast %add3A_2392 : vector<16xf32> to vector<1x1x16xf32>
        tpu.vector_store %arg8[%swap3A_2393, %swap3A_2394, %swap3A_2395], %swap3A_2398 {strides = array<i32>} : memref<3x32x1024xf32, #tpu.memory_space<vmem>>, vector<1x1x16xf32>,
        %add3A_2399 = arith.constant 24 : i32
        %add3A_2400 = arith.addi %add3A_2399, %scan3A_340 : i32
        %get3A_2401 = arith.index_cast %rem3A_227 : i32 to index
        %get3A_2402 = arith.index_cast %add3A_2400 : i32 to index
        %get3A_2403 = arith.constant 528 : index
        %get3A_2404 = tpu.vector_load %arg8[%get3A_2401, %get3A_2402, %get3A_2403] {strides = array<i32>} : memref<3x32x1024xf32, #tpu.memory_space<vmem>>, vector<1x1x16xf32>,
        %get3A_2405 = vector.shape_cast %get3A_2404 : vector<1x1x16xf32> to vector<16xf32>
        %add3A_2406 = arith.addf %get3A_2405, %get3A_2356 : vector<16xf32>
        %swap3A_2407 = arith.index_cast %rem3A_227 : i32 to index
        %swap3A_2408 = arith.index_cast %add3A_2400 : i32 to index
        %swap3A_2409 = arith.constant 528 : index
        %swap3A_2410 = tpu.vector_load %arg8[%swap3A_2407, %swap3A_2408, %swap3A_2409] {strides = array<i32>} : memref<3x32x1024xf32, #tpu.memory_space<vmem>>, vector<1x1x16xf32>,
        %swap3A_2411 = vector.shape_cast %swap3A_2410 : vector<1x1x16xf32> to vector<16xf32>
        %swap3A_2412 = vector.shape_cast %add3A_2406 : vector<16xf32> to vector<1x1x16xf32>
        tpu.vector_store %arg8[%swap3A_2407, %swap3A_2408, %swap3A_2409], %swap3A_2412 {strides = array<i32>} : memref<3x32x1024xf32, #tpu.memory_space<vmem>>, vector<1x1x16xf32>,
        %get3A_2413 = arith.index_cast %rem3A_227 : i32 to index
        %get3A_2414 = arith.index_cast %scan3A_340 : i32 to index
        %get3A_2415 = arith.constant 544 : index
        %get3A_2416 = tpu.vector_load %arg7[%get3A_2413, %get3A_2414, %get3A_2415] {strides = array<i32>} : memref<3x8x1024xf32, #tpu.memory_space<vmem>>, vector<1x1x16xf32>,
        %get3A_2417 = vector.shape_cast %get3A_2416 : vector<1x1x16xf32> to vector<16xf32>
        %add3A_2418 = arith.constant 0 : i32
        %add3A_2419 = arith.addi %add3A_2418, %scan3A_340 : i32
        %get3A_2420 = arith.index_cast %rem3A_227 : i32 to index
        %get3A_2421 = arith.index_cast %add3A_2419 : i32 to index
        %get3A_2422 = arith.constant 544 : index
        %get3A_2423 = tpu.vector_load %arg8[%get3A_2420, %get3A_2421, %get3A_2422] {strides = array<i32>} : memref<3x32x1024xf32, #tpu.memory_space<vmem>>, vector<1x1x16xf32>,
        %get3A_2424 = vector.shape_cast %get3A_2423 : vector<1x1x16xf32> to vector<16xf32>
        %add3A_2425 = arith.addf %get3A_2424, %get3A_2417 : vector<16xf32>
        %swap3A_2426 = arith.index_cast %rem3A_227 : i32 to index
        %swap3A_2427 = arith.index_cast %add3A_2419 : i32 to index
        %swap3A_2428 = arith.constant 544 : index
        %swap3A_2429 = tpu.vector_load %arg8[%swap3A_2426, %swap3A_2427, %swap3A_2428] {strides = array<i32>} : memref<3x32x1024xf32, #tpu.memory_space<vmem>>, vector<1x1x16xf32>,
        %swap3A_2430 = vector.shape_cast %swap3A_2429 : vector<1x1x16xf32> to vector<16xf32>
        %swap3A_2431 = vector.shape_cast %add3A_2425 : vector<16xf32> to vector<1x1x16xf32>
        tpu.vector_store %arg8[%swap3A_2426, %swap3A_2427, %swap3A_2428], %swap3A_2431 {strides = array<i32>} : memref<3x32x1024xf32, #tpu.memory_space<vmem>>, vector<1x1x16xf32>,
        %add3A_2432 = arith.constant 8 : i32
        %add3A_2433 = arith.addi %add3A_2432, %scan3A_340 : i32
        %get3A_2434 = arith.index_cast %rem3A_227 : i32 to index
        %get3A_2435 = arith.index_cast %add3A_2433 : i32 to index
        %get3A_2436 = arith.constant 544 : index
        %get3A_2437 = tpu.vector_load %arg8[%get3A_2434, %get3A_2435, %get3A_2436] {strides = array<i32>} : memref<3x32x1024xf32, #tpu.memory_space<vmem>>, vector<1x1x16xf32>,
        %get3A_2438 = vector.shape_cast %get3A_2437 : vector<1x1x16xf32> to vector<16xf32>
        %add3A_2439 = arith.addf %get3A_2438, %get3A_2417 : vector<16xf32>
        %swap3A_2440 = arith.index_cast %rem3A_227 : i32 to index
        %swap3A_2441 = arith.index_cast %add3A_2433 : i32 to index
        %swap3A_2442 = arith.constant 544 : index
        %swap3A_2443 = tpu.vector_load %arg8[%swap3A_2440, %swap3A_2441, %swap3A_2442] {strides = array<i32>} : memref<3x32x1024xf32, #tpu.memory_space<vmem>>, vector<1x1x16xf32>,
        %swap3A_2444 = vector.shape_cast %swap3A_2443 : vector<1x1x16xf32> to vector<16xf32>
        %swap3A_2445 = vector.shape_cast %add3A_2439 : vector<16xf32> to vector<1x1x16xf32>
        tpu.vector_store %arg8[%swap3A_2440, %swap3A_2441, %swap3A_2442], %swap3A_2445 {strides = array<i32>} : memref<3x32x1024xf32, #tpu.memory_space<vmem>>, vector<1x1x16xf32>,
        %add3A_2446 = arith.constant 16 : i32
        %add3A_2447 = arith.addi %add3A_2446, %scan3A_340 : i32
        %get3A_2448 = arith.index_cast %rem3A_227 : i32 to index
        %get3A_2449 = arith.index_cast %add3A_2447 : i32 to index
        %get3A_2450 = arith.constant 544 : index
        %get3A_2451 = tpu.vector_load %arg8[%get3A_2448, %get3A_2449, %get3A_2450] {strides = array<i32>} : memref<3x32x1024xf32, #tpu.memory_space<vmem>>, vector<1x1x16xf32>,
        %get3A_2452 = vector.shape_cast %get3A_2451 : vector<1x1x16xf32> to vector<16xf32>
        %add3A_2453 = arith.addf %get3A_2452, %get3A_2417 : vector<16xf32>
        %swap3A_2454 = arith.index_cast %rem3A_227 : i32 to index
        %swap3A_2455 = arith.index_cast %add3A_2447 : i32 to index
        %swap3A_2456 = arith.constant 544 : index
        %swap3A_2457 = tpu.vector_load %arg8[%swap3A_2454, %swap3A_2455, %swap3A_2456] {strides = array<i32>} : memref<3x32x1024xf32, #tpu.memory_space<vmem>>, vector<1x1x16xf32>,
        %swap3A_2458 = vector.shape_cast %swap3A_2457 : vector<1x1x16xf32> to vector<16xf32>
        %swap3A_2459 = vector.shape_cast %add3A_2453 : vector<16xf32> to vector<1x1x16xf32>
        tpu.vector_store %arg8[%swap3A_2454, %swap3A_2455, %swap3A_2456], %swap3A_2459 {strides = array<i32>} : memref<3x32x1024xf32, #tpu.memory_space<vmem>>, vector<1x1x16xf32>,
        %add3A_2460 = arith.constant 24 : i32
        %add3A_2461 = arith.addi %add3A_2460, %scan3A_340 : i32
        %get3A_2462 = arith.index_cast %rem3A_227 : i32 to index
        %get3A_2463 = arith.index_cast %add3A_2461 : i32 to index
        %get3A_2464 = arith.constant 544 : index
        %get3A_2465 = tpu.vector_load %arg8[%get3A_2462, %get3A_2463, %get3A_2464] {strides = array<i32>} : memref<3x32x1024xf32, #tpu.memory_space<vmem>>, vector<1x1x16xf32>,
        %get3A_2466 = vector.shape_cast %get3A_2465 : vector<1x1x16xf32> to vector<16xf32>
        %add3A_2467 = arith.addf %get3A_2466, %get3A_2417 : vector<16xf32>
        %swap3A_2468 = arith.index_cast %rem3A_227 : i32 to index
        %swap3A_2469 = arith.index_cast %add3A_2461 : i32 to index
        %swap3A_2470 = arith.constant 544 : index
        %swap3A_2471 = tpu.vector_load %arg8[%swap3A_2468, %swap3A_2469, %swap3A_2470] {strides = array<i32>} : memref<3x32x1024xf32, #tpu.memory_space<vmem>>, vector<1x1x16xf32>,
        %swap3A_2472 = vector.shape_cast %swap3A_2471 : vector<1x1x16xf32> to vector<16xf32>
        %swap3A_2473 = vector.shape_cast %add3A_2467 : vector<16xf32> to vector<1x1x16xf32>
        tpu.vector_store %arg8[%swap3A_2468, %swap3A_2469, %swap3A_2470], %swap3A_2473 {strides = array<i32>} : memref<3x32x1024xf32, #tpu.memory_space<vmem>>, vector<1x1x16xf32>,
        %get3A_2474 = arith.index_cast %rem3A_227 : i32 to index
        %get3A_2475 = arith.index_cast %scan3A_340 : i32 to index
        %get3A_2476 = arith.constant 560 : index
        %get3A_2477 = tpu.vector_load %arg7[%get3A_2474, %get3A_2475, %get3A_2476] {strides = array<i32>} : memref<3x8x1024xf32, #tpu.memory_space<vmem>>, vector<1x1x16xf32>,
        %get3A_2478 = vector.shape_cast %get3A_2477 : vector<1x1x16xf32> to vector<16xf32>
        %add3A_2479 = arith.constant 0 : i32
        %add3A_2480 = arith.addi %add3A_2479, %scan3A_340 : i32
        %get3A_2481 = arith.index_cast %rem3A_227 : i32 to index
        %get3A_2482 = arith.index_cast %add3A_2480 : i32 to index
        %get3A_2483 = arith.constant 560 : index
        %get3A_2484 = tpu.vector_load %arg8[%get3A_2481, %get3A_2482, %get3A_2483] {strides = array<i32>} : memref<3x32x1024xf32, #tpu.memory_space<vmem>>, vector<1x1x16xf32>,
        %get3A_2485 = vector.shape_cast %get3A_2484 : vector<1x1x16xf32> to vector<16xf32>
        %add3A_2486 = arith.addf %get3A_2485, %get3A_2478 : vector<16xf32>
        %swap3A_2487 = arith.index_cast %rem3A_227 : i32 to index
        %swap3A_2488 = arith.index_cast %add3A_2480 : i32 to index
        %swap3A_2489 = arith.constant 560 : index
        %swap3A_2490 = tpu.vector_load %arg8[%swap3A_2487, %swap3A_2488, %swap3A_2489] {strides = array<i32>} : memref<3x32x1024xf32, #tpu.memory_space<vmem>>, vector<1x1x16xf32>,
        %swap3A_2491 = vector.shape_cast %swap3A_2490 : vector<1x1x16xf32> to vector<16xf32>
        %swap3A_2492 = vector.shape_cast %add3A_2486 : vector<16xf32> to vector<1x1x16xf32>
        tpu.vector_store %arg8[%swap3A_2487, %swap3A_2488, %swap3A_2489], %swap3A_2492 {strides = array<i32>} : memref<3x32x1024xf32, #tpu.memory_space<vmem>>, vector<1x1x16xf32>,
        %add3A_2493 = arith.constant 8 : i32
        %add3A_2494 = arith.addi %add3A_2493, %scan3A_340 : i32
        %get3A_2495 = arith.index_cast %rem3A_227 : i32 to index
        %get3A_2496 = arith.index_cast %add3A_2494 : i32 to index
        %get3A_2497 = arith.constant 560 : index
        %get3A_2498 = tpu.vector_load %arg8[%get3A_2495, %get3A_2496, %get3A_2497] {strides = array<i32>} : memref<3x32x1024xf32, #tpu.memory_space<vmem>>, vector<1x1x16xf32>,
        %get3A_2499 = vector.shape_cast %get3A_2498 : vector<1x1x16xf32> to vector<16xf32>
        %add3A_2500 = arith.addf %get3A_2499, %get3A_2478 : vector<16xf32>
        %swap3A_2501 = arith.index_cast %rem3A_227 : i32 to index
        %swap3A_2502 = arith.index_cast %add3A_2494 : i32 to index
        %swap3A_2503 = arith.constant 560 : index
        %swap3A_2504 = tpu.vector_load %arg8[%swap3A_2501, %swap3A_2502, %swap3A_2503] {strides = array<i32>} : memref<3x32x1024xf32, #tpu.memory_space<vmem>>, vector<1x1x16xf32>,
        %swap3A_2505 = vector.shape_cast %swap3A_2504 : vector<1x1x16xf32> to vector<16xf32>
        %swap3A_2506 = vector.shape_cast %add3A_2500 : vector<16xf32> to vector<1x1x16xf32>
        tpu.vector_store %arg8[%swap3A_2501, %swap3A_2502, %swap3A_2503], %swap3A_2506 {strides = array<i32>} : memref<3x32x1024xf32, #tpu.memory_space<vmem>>, vector<1x1x16xf32>,
        %add3A_2507 = arith.constant 16 : i32
        %add3A_2508 = arith.addi %add3A_2507, %scan3A_340 : i32
        %get3A_2509 = arith.index_cast %rem3A_227 : i32 to index
        %get3A_2510 = arith.index_cast %add3A_2508 : i32 to index
        %get3A_2511 = arith.constant 560 : index
        %get3A_2512 = tpu.vector_load %arg8[%get3A_2509, %get3A_2510, %get3A_2511] {strides = array<i32>} : memref<3x32x1024xf32, #tpu.memory_space<vmem>>, vector<1x1x16xf32>,
        %get3A_2513 = vector.shape_cast %get3A_2512 : vector<1x1x16xf32> to vector<16xf32>
        %add3A_2514 = arith.addf %get3A_2513, %get3A_2478 : vector<16xf32>
        %swap3A_2515 = arith.index_cast %rem3A_227 : i32 to index
        %swap3A_2516 = arith.index_cast %add3A_2508 : i32 to index
        %swap3A_2517 = arith.constant 560 : index
        %swap3A_2518 = tpu.vector_load %arg8[%swap3A_2515, %swap3A_2516, %swap3A_2517] {strides = array<i32>} : memref<3x32x1024xf32, #tpu.memory_space<vmem>>, vector<1x1x16xf32>,
        %swap3A_2519 = vector.shape_cast %swap3A_2518 : vector<1x1x16xf32> to vector<16xf32>
        %swap3A_2520 = vector.shape_cast %add3A_2514 : vector<16xf32> to vector<1x1x16xf32>
        tpu.vector_store %arg8[%swap3A_2515, %swap3A_2516, %swap3A_2517], %swap3A_2520 {strides = array<i32>} : memref<3x32x1024xf32, #tpu.memory_space<vmem>>, vector<1x1x16xf32>,
        %add3A_2521 = arith.constant 24 : i32
        %add3A_2522 = arith.addi %add3A_2521, %scan3A_340 : i32
        %get3A_2523 = arith.index_cast %rem3A_227 : i32 to index
        %get3A_2524 = arith.index_cast %add3A_2522 : i32 to index
        %get3A_2525 = arith.constant 560 : index
        %get3A_2526 = tpu.vector_load %arg8[%get3A_2523, %get3A_2524, %get3A_2525] {strides = array<i32>} : memref<3x32x1024xf32, #tpu.memory_space<vmem>>, vector<1x1x16xf32>,
        %get3A_2527 = vector.shape_cast %get3A_2526 : vector<1x1x16xf32> to vector<16xf32>
        %add3A_2528 = arith.addf %get3A_2527, %get3A_2478 : vector<16xf32>
        %swap3A_2529 = arith.index_cast %rem3A_227 : i32 to index
        %swap3A_2530 = arith.index_cast %add3A_2522 : i32 to index
        %swap3A_2531 = arith.constant 560 : index
        %swap3A_2532 = tpu.vector_load %arg8[%swap3A_2529, %swap3A_2530, %swap3A_2531] {strides = array<i32>} : memref<3x32x1024xf32, #tpu.memory_space<vmem>>, vector<1x1x16xf32>,
        %swap3A_2533 = vector.shape_cast %swap3A_2532 : vector<1x1x16xf32> to vector<16xf32>
        %swap3A_2534 = vector.shape_cast %add3A_2528 : vector<16xf32> to vector<1x1x16xf32>
        tpu.vector_store %arg8[%swap3A_2529, %swap3A_2530, %swap3A_2531], %swap3A_2534 {strides = array<i32>} : memref<3x32x1024xf32, #tpu.memory_space<vmem>>, vector<1x1x16xf32>,
        %get3A_2535 = arith.index_cast %rem3A_227 : i32 to index
        %get3A_2536 = arith.index_cast %scan3A_340 : i32 to index
        %get3A_2537 = arith.constant 576 : index
        %get3A_2538 = tpu.vector_load %arg7[%get3A_2535, %get3A_2536, %get3A_2537] {strides = array<i32>} : memref<3x8x1024xf32, #tpu.memory_space<vmem>>, vector<1x1x16xf32>,
        %get3A_2539 = vector.shape_cast %get3A_2538 : vector<1x1x16xf32> to vector<16xf32>
        %add3A_2540 = arith.constant 0 : i32
        %add3A_2541 = arith.addi %add3A_2540, %scan3A_340 : i32
        %get3A_2542 = arith.index_cast %rem3A_227 : i32 to index
        %get3A_2543 = arith.index_cast %add3A_2541 : i32 to index
        %get3A_2544 = arith.constant 576 : index
        %get3A_2545 = tpu.vector_load %arg8[%get3A_2542, %get3A_2543, %get3A_2544] {strides = array<i32>} : memref<3x32x1024xf32, #tpu.memory_space<vmem>>, vector<1x1x16xf32>,
        %get3A_2546 = vector.shape_cast %get3A_2545 : vector<1x1x16xf32> to vector<16xf32>
        %add3A_2547 = arith.addf %get3A_2546, %get3A_2539 : vector<16xf32>
        %swap3A_2548 = arith.index_cast %rem3A_227 : i32 to index
        %swap3A_2549 = arith.index_cast %add3A_2541 : i32 to index
        %swap3A_2550 = arith.constant 576 : index
        %swap3A_2551 = tpu.vector_load %arg8[%swap3A_2548, %swap3A_2549, %swap3A_2550] {strides = array<i32>} : memref<3x32x1024xf32, #tpu.memory_space<vmem>>, vector<1x1x16xf32>,
        %swap3A_2552 = vector.shape_cast %swap3A_2551 : vector<1x1x16xf32> to vector<16xf32>
        %swap3A_2553 = vector.shape_cast %add3A_2547 : vector<16xf32> to vector<1x1x16xf32>
        tpu.vector_store %arg8[%swap3A_2548, %swap3A_2549, %swap3A_2550], %swap3A_2553 {strides = array<i32>} : memref<3x32x1024xf32, #tpu.memory_space<vmem>>, vector<1x1x16xf32>,
        %add3A_2554 = arith.constant 8 : i32
        %add3A_2555 = arith.addi %add3A_2554, %scan3A_340 : i32
        %get3A_2556 = arith.index_cast %rem3A_227 : i32 to index
        %get3A_2557 = arith.index_cast %add3A_2555 : i32 to index
        %get3A_2558 = arith.constant 576 : index
        %get3A_2559 = tpu.vector_load %arg8[%get3A_2556, %get3A_2557, %get3A_2558] {strides = array<i32>} : memref<3x32x1024xf32, #tpu.memory_space<vmem>>, vector<1x1x16xf32>,
        %get3A_2560 = vector.shape_cast %get3A_2559 : vector<1x1x16xf32> to vector<16xf32>
        %add3A_2561 = arith.addf %get3A_2560, %get3A_2539 : vector<16xf32>
        %swap3A_2562 = arith.index_cast %rem3A_227 : i32 to index
        %swap3A_2563 = arith.index_cast %add3A_2555 : i32 to index
        %swap3A_2564 = arith.constant 576 : index
        %swap3A_2565 = tpu.vector_load %arg8[%swap3A_2562, %swap3A_2563, %swap3A_2564] {strides = array<i32>} : memref<3x32x1024xf32, #tpu.memory_space<vmem>>, vector<1x1x16xf32>,
        %swap3A_2566 = vector.shape_cast %swap3A_2565 : vector<1x1x16xf32> to vector<16xf32>
        %swap3A_2567 = vector.shape_cast %add3A_2561 : vector<16xf32> to vector<1x1x16xf32>
        tpu.vector_store %arg8[%swap3A_2562, %swap3A_2563, %swap3A_2564], %swap3A_2567 {strides = array<i32>} : memref<3x32x1024xf32, #tpu.memory_space<vmem>>, vector<1x1x16xf32>,
        %add3A_2568 = arith.constant 16 : i32
        %add3A_2569 = arith.addi %add3A_2568, %scan3A_340 : i32
        %get3A_2570 = arith.index_cast %rem3A_227 : i32 to index
        %get3A_2571 = arith.index_cast %add3A_2569 : i32 to index
        %get3A_2572 = arith.constant 576 : index
        %get3A_2573 = tpu.vector_load %arg8[%get3A_2570, %get3A_2571, %get3A_2572] {strides = array<i32>} : memref<3x32x1024xf32, #tpu.memory_space<vmem>>, vector<1x1x16xf32>,
        %get3A_2574 = vector.shape_cast %get3A_2573 : vector<1x1x16xf32> to vector<16xf32>
        %add3A_2575 = arith.addf %get3A_2574, %get3A_2539 : vector<16xf32>
        %swap3A_2576 = arith.index_cast %rem3A_227 : i32 to index
        %swap3A_2577 = arith.index_cast %add3A_2569 : i32 to index
        %swap3A_2578 = arith.constant 576 : index
        %swap3A_2579 = tpu.vector_load %arg8[%swap3A_2576, %swap3A_2577, %swap3A_2578] {strides = array<i32>} : memref<3x32x1024xf32, #tpu.memory_space<vmem>>, vector<1x1x16xf32>,
        %swap3A_2580 = vector.shape_cast %swap3A_2579 : vector<1x1x16xf32> to vector<16xf32>
        %swap3A_2581 = vector.shape_cast %add3A_2575 : vector<16xf32> to vector<1x1x16xf32>
        tpu.vector_store %arg8[%swap3A_2576, %swap3A_2577, %swap3A_2578], %swap3A_2581 {strides = array<i32>} : memref<3x32x1024xf32, #tpu.memory_space<vmem>>, vector<1x1x16xf32>,
        %add3A_2582 = arith.constant 24 : i32
        %add3A_2583 = arith.addi %add3A_2582, %scan3A_340 : i32
        %get3A_2584 = arith.index_cast %rem3A_227 : i32 to index
        %get3A_2585 = arith.index_cast %add3A_2583 : i32 to index
        %get3A_2586 = arith.constant 576 : index
        %get3A_2587 = tpu.vector_load %arg8[%get3A_2584, %get3A_2585, %get3A_2586] {strides = array<i32>} : memref<3x32x1024xf32, #tpu.memory_space<vmem>>, vector<1x1x16xf32>,
        %get3A_2588 = vector.shape_cast %get3A_2587 : vector<1x1x16xf32> to vector<16xf32>
        %add3A_2589 = arith.addf %get3A_2588, %get3A_2539 : vector<16xf32>
        %swap3A_2590 = arith.index_cast %rem3A_227 : i32 to index
        %swap3A_2591 = arith.index_cast %add3A_2583 : i32 to index
        %swap3A_2592 = arith.constant 576 : index
        %swap3A_2593 = tpu.vector_load %arg8[%swap3A_2590, %swap3A_2591, %swap3A_2592] {strides = array<i32>} : memref<3x32x1024xf32, #tpu.memory_space<vmem>>, vector<1x1x16xf32>,
        %swap3A_2594 = vector.shape_cast %swap3A_2593 : vector<1x1x16xf32> to vector<16xf32>
        %swap3A_2595 = vector.shape_cast %add3A_2589 : vector<16xf32> to vector<1x1x16xf32>
        tpu.vector_store %arg8[%swap3A_2590, %swap3A_2591, %swap3A_2592], %swap3A_2595 {strides = array<i32>} : memref<3x32x1024xf32, #tpu.memory_space<vmem>>, vector<1x1x16xf32>,
        %get3A_2596 = arith.index_cast %rem3A_227 : i32 to index
        %get3A_2597 = arith.index_cast %scan3A_340 : i32 to index
        %get3A_2598 = arith.constant 592 : index
        %get3A_2599 = tpu.vector_load %arg7[%get3A_2596, %get3A_2597, %get3A_2598] {strides = array<i32>} : memref<3x8x1024xf32, #tpu.memory_space<vmem>>, vector<1x1x16xf32>,
        %get3A_2600 = vector.shape_cast %get3A_2599 : vector<1x1x16xf32> to vector<16xf32>
        %add3A_2601 = arith.constant 0 : i32
        %add3A_2602 = arith.addi %add3A_2601, %scan3A_340 : i32
        %get3A_2603 = arith.index_cast %rem3A_227 : i32 to index
        %get3A_2604 = arith.index_cast %add3A_2602 : i32 to index
        %get3A_2605 = arith.constant 592 : index
        %get3A_2606 = tpu.vector_load %arg8[%get3A_2603, %get3A_2604, %get3A_2605] {strides = array<i32>} : memref<3x32x1024xf32, #tpu.memory_space<vmem>>, vector<1x1x16xf32>,
        %get3A_2607 = vector.shape_cast %get3A_2606 : vector<1x1x16xf32> to vector<16xf32>
        %add3A_2608 = arith.addf %get3A_2607, %get3A_2600 : vector<16xf32>
        %swap3A_2609 = arith.index_cast %rem3A_227 : i32 to index
        %swap3A_2610 = arith.index_cast %add3A_2602 : i32 to index
        %swap3A_2611 = arith.constant 592 : index
        %swap3A_2612 = tpu.vector_load %arg8[%swap3A_2609, %swap3A_2610, %swap3A_2611] {strides = array<i32>} : memref<3x32x1024xf32, #tpu.memory_space<vmem>>, vector<1x1x16xf32>,
        %swap3A_2613 = vector.shape_cast %swap3A_2612 : vector<1x1x16xf32> to vector<16xf32>
        %swap3A_2614 = vector.shape_cast %add3A_2608 : vector<16xf32> to vector<1x1x16xf32>
        tpu.vector_store %arg8[%swap3A_2609, %swap3A_2610, %swap3A_2611], %swap3A_2614 {strides = array<i32>} : memref<3x32x1024xf32, #tpu.memory_space<vmem>>, vector<1x1x16xf32>,
        %add3A_2615 = arith.constant 8 : i32
        %add3A_2616 = arith.addi %add3A_2615, %scan3A_340 : i32
        %get3A_2617 = arith.index_cast %rem3A_227 : i32 to index
        %get3A_2618 = arith.index_cast %add3A_2616 : i32 to index
        %get3A_2619 = arith.constant 592 : index
        %get3A_2620 = tpu.vector_load %arg8[%get3A_2617, %get3A_2618, %get3A_2619] {strides = array<i32>} : memref<3x32x1024xf32, #tpu.memory_space<vmem>>, vector<1x1x16xf32>,
        %get3A_2621 = vector.shape_cast %get3A_2620 : vector<1x1x16xf32> to vector<16xf32>
        %add3A_2622 = arith.addf %get3A_2621, %get3A_2600 : vector<16xf32>
        %swap3A_2623 = arith.index_cast %rem3A_227 : i32 to index
        %swap3A_2624 = arith.index_cast %add3A_2616 : i32 to index
        %swap3A_2625 = arith.constant 592 : index
        %swap3A_2626 = tpu.vector_load %arg8[%swap3A_2623, %swap3A_2624, %swap3A_2625] {strides = array<i32>} : memref<3x32x1024xf32, #tpu.memory_space<vmem>>, vector<1x1x16xf32>,
        %swap3A_2627 = vector.shape_cast %swap3A_2626 : vector<1x1x16xf32> to vector<16xf32>
        %swap3A_2628 = vector.shape_cast %add3A_2622 : vector<16xf32> to vector<1x1x16xf32>
        tpu.vector_store %arg8[%swap3A_2623, %swap3A_2624, %swap3A_2625], %swap3A_2628 {strides = array<i32>} : memref<3x32x1024xf32, #tpu.memory_space<vmem>>, vector<1x1x16xf32>,
        %add3A_2629 = arith.constant 16 : i32
        %add3A_2630 = arith.addi %add3A_2629, %scan3A_340 : i32
        %get3A_2631 = arith.index_cast %rem3A_227 : i32 to index
        %get3A_2632 = arith.index_cast %add3A_2630 : i32 to index
        %get3A_2633 = arith.constant 592 : index
        %get3A_2634 = tpu.vector_load %arg8[%get3A_2631, %get3A_2632, %get3A_2633] {strides = array<i32>} : memref<3x32x1024xf32, #tpu.memory_space<vmem>>, vector<1x1x16xf32>,
        %get3A_2635 = vector.shape_cast %get3A_2634 : vector<1x1x16xf32> to vector<16xf32>
        %add3A_2636 = arith.addf %get3A_2635, %get3A_2600 : vector<16xf32>
        %swap3A_2637 = arith.index_cast %rem3A_227 : i32 to index
        %swap3A_2638 = arith.index_cast %add3A_2630 : i32 to index
        %swap3A_2639 = arith.constant 592 : index
        %swap3A_2640 = tpu.vector_load %arg8[%swap3A_2637, %swap3A_2638, %swap3A_2639] {strides = array<i32>} : memref<3x32x1024xf32, #tpu.memory_space<vmem>>, vector<1x1x16xf32>,
        %swap3A_2641 = vector.shape_cast %swap3A_2640 : vector<1x1x16xf32> to vector<16xf32>
        %swap3A_2642 = vector.shape_cast %add3A_2636 : vector<16xf32> to vector<1x1x16xf32>
        tpu.vector_store %arg8[%swap3A_2637, %swap3A_2638, %swap3A_2639], %swap3A_2642 {strides = array<i32>} : memref<3x32x1024xf32, #tpu.memory_space<vmem>>, vector<1x1x16xf32>,
        %add3A_2643 = arith.constant 24 : i32
        %add3A_2644 = arith.addi %add3A_2643, %scan3A_340 : i32
        %get3A_2645 = arith.index_cast %rem3A_227 : i32 to index
        %get3A_2646 = arith.index_cast %add3A_2644 : i32 to index
        %get3A_2647 = arith.constant 592 : index
        %get3A_2648 = tpu.vector_load %arg8[%get3A_2645, %get3A_2646, %get3A_2647] {strides = array<i32>} : memref<3x32x1024xf32, #tpu.memory_space<vmem>>, vector<1x1x16xf32>,
        %get3A_2649 = vector.shape_cast %get3A_2648 : vector<1x1x16xf32> to vector<16xf32>
        %add3A_2650 = arith.addf %get3A_2649, %get3A_2600 : vector<16xf32>
        %swap3A_2651 = arith.index_cast %rem3A_227 : i32 to index
        %swap3A_2652 = arith.index_cast %add3A_2644 : i32 to index
        %swap3A_2653 = arith.constant 592 : index
        %swap3A_2654 = tpu.vector_load %arg8[%swap3A_2651, %swap3A_2652, %swap3A_2653] {strides = array<i32>} : memref<3x32x1024xf32, #tpu.memory_space<vmem>>, vector<1x1x16xf32>,
        %swap3A_2655 = vector.shape_cast %swap3A_2654 : vector<1x1x16xf32> to vector<16xf32>
        %swap3A_2656 = vector.shape_cast %add3A_2650 : vector<16xf32> to vector<1x1x16xf32>
        tpu.vector_store %arg8[%swap3A_2651, %swap3A_2652, %swap3A_2653], %swap3A_2656 {strides = array<i32>} : memref<3x32x1024xf32, #tpu.memory_space<vmem>>, vector<1x1x16xf32>,
        %get3A_2657 = arith.index_cast %rem3A_227 : i32 to index
        %get3A_2658 = arith.index_cast %scan3A_340 : i32 to index
        %get3A_2659 = arith.constant 608 : index
        %get3A_2660 = tpu.vector_load %arg7[%get3A_2657, %get3A_2658, %get3A_2659] {strides = array<i32>} : memref<3x8x1024xf32, #tpu.memory_space<vmem>>, vector<1x1x16xf32>,
        %get3A_2661 = vector.shape_cast %get3A_2660 : vector<1x1x16xf32> to vector<16xf32>
        %add3A_2662 = arith.constant 0 : i32
        %add3A_2663 = arith.addi %add3A_2662, %scan3A_340 : i32
        %get3A_2664 = arith.index_cast %rem3A_227 : i32 to index
        %get3A_2665 = arith.index_cast %add3A_2663 : i32 to index
        %get3A_2666 = arith.constant 608 : index
        %get3A_2667 = tpu.vector_load %arg8[%get3A_2664, %get3A_2665, %get3A_2666] {strides = array<i32>} : memref<3x32x1024xf32, #tpu.memory_space<vmem>>, vector<1x1x16xf32>,
        %get3A_2668 = vector.shape_cast %get3A_2667 : vector<1x1x16xf32> to vector<16xf32>
        %add3A_2669 = arith.addf %get3A_2668, %get3A_2661 : vector<16xf32>
        %swap3A_2670 = arith.index_cast %rem3A_227 : i32 to index
        %swap3A_2671 = arith.index_cast %add3A_2663 : i32 to index
        %swap3A_2672 = arith.constant 608 : index
        %swap3A_2673 = tpu.vector_load %arg8[%swap3A_2670, %swap3A_2671, %swap3A_2672] {strides = array<i32>} : memref<3x32x1024xf32, #tpu.memory_space<vmem>>, vector<1x1x16xf32>,
        %swap3A_2674 = vector.shape_cast %swap3A_2673 : vector<1x1x16xf32> to vector<16xf32>
        %swap3A_2675 = vector.shape_cast %add3A_2669 : vector<16xf32> to vector<1x1x16xf32>
        tpu.vector_store %arg8[%swap3A_2670, %swap3A_2671, %swap3A_2672], %swap3A_2675 {strides = array<i32>} : memref<3x32x1024xf32, #tpu.memory_space<vmem>>, vector<1x1x16xf32>,
        %add3A_2676 = arith.constant 8 : i32
        %add3A_2677 = arith.addi %add3A_2676, %scan3A_340 : i32
        %get3A_2678 = arith.index_cast %rem3A_227 : i32 to index
        %get3A_2679 = arith.index_cast %add3A_2677 : i32 to index
        %get3A_2680 = arith.constant 608 : index
        %get3A_2681 = tpu.vector_load %arg8[%get3A_2678, %get3A_2679, %get3A_2680] {strides = array<i32>} : memref<3x32x1024xf32, #tpu.memory_space<vmem>>, vector<1x1x16xf32>,
        %get3A_2682 = vector.shape_cast %get3A_2681 : vector<1x1x16xf32> to vector<16xf32>
        %add3A_2683 = arith.addf %get3A_2682, %get3A_2661 : vector<16xf32>
        %swap3A_2684 = arith.index_cast %rem3A_227 : i32 to index
        %swap3A_2685 = arith.index_cast %add3A_2677 : i32 to index
        %swap3A_2686 = arith.constant 608 : index
        %swap3A_2687 = tpu.vector_load %arg8[%swap3A_2684, %swap3A_2685, %swap3A_2686] {strides = array<i32>} : memref<3x32x1024xf32, #tpu.memory_space<vmem>>, vector<1x1x16xf32>,
        %swap3A_2688 = vector.shape_cast %swap3A_2687 : vector<1x1x16xf32> to vector<16xf32>
        %swap3A_2689 = vector.shape_cast %add3A_2683 : vector<16xf32> to vector<1x1x16xf32>
        tpu.vector_store %arg8[%swap3A_2684, %swap3A_2685, %swap3A_2686], %swap3A_2689 {strides = array<i32>} : memref<3x32x1024xf32, #tpu.memory_space<vmem>>, vector<1x1x16xf32>,
        %add3A_2690 = arith.constant 16 : i32
        %add3A_2691 = arith.addi %add3A_2690, %scan3A_340 : i32
        %get3A_2692 = arith.index_cast %rem3A_227 : i32 to index
        %get3A_2693 = arith.index_cast %add3A_2691 : i32 to index
        %get3A_2694 = arith.constant 608 : index
        %get3A_2695 = tpu.vector_load %arg8[%get3A_2692, %get3A_2693, %get3A_2694] {strides = array<i32>} : memref<3x32x1024xf32, #tpu.memory_space<vmem>>, vector<1x1x16xf32>,
        %get3A_2696 = vector.shape_cast %get3A_2695 : vector<1x1x16xf32> to vector<16xf32>
        %add3A_2697 = arith.addf %get3A_2696, %get3A_2661 : vector<16xf32>
        %swap3A_2698 = arith.index_cast %rem3A_227 : i32 to index
        %swap3A_2699 = arith.index_cast %add3A_2691 : i32 to index
        %swap3A_2700 = arith.constant 608 : index
        %swap3A_2701 = tpu.vector_load %arg8[%swap3A_2698, %swap3A_2699, %swap3A_2700] {strides = array<i32>} : memref<3x32x1024xf32, #tpu.memory_space<vmem>>, vector<1x1x16xf32>,
        %swap3A_2702 = vector.shape_cast %swap3A_2701 : vector<1x1x16xf32> to vector<16xf32>
        %swap3A_2703 = vector.shape_cast %add3A_2697 : vector<16xf32> to vector<1x1x16xf32>
        tpu.vector_store %arg8[%swap3A_2698, %swap3A_2699, %swap3A_2700], %swap3A_2703 {strides = array<i32>} : memref<3x32x1024xf32, #tpu.memory_space<vmem>>, vector<1x1x16xf32>,
        %add3A_2704 = arith.constant 24 : i32
        %add3A_2705 = arith.addi %add3A_2704, %scan3A_340 : i32
        %get3A_2706 = arith.index_cast %rem3A_227 : i32 to index
        %get3A_2707 = arith.index_cast %add3A_2705 : i32 to index
        %get3A_2708 = arith.constant 608 : index
        %get3A_2709 = tpu.vector_load %arg8[%get3A_2706, %get3A_2707, %get3A_2708] {strides = array<i32>} : memref<3x32x1024xf32, #tpu.memory_space<vmem>>, vector<1x1x16xf32>,
        %get3A_2710 = vector.shape_cast %get3A_2709 : vector<1x1x16xf32> to vector<16xf32>
        %add3A_2711 = arith.addf %get3A_2710, %get3A_2661 : vector<16xf32>
        %swap3A_2712 = arith.index_cast %rem3A_227 : i32 to index
        %swap3A_2713 = arith.index_cast %add3A_2705 : i32 to index
        %swap3A_2714 = arith.constant 608 : index
        %swap3A_2715 = tpu.vector_load %arg8[%swap3A_2712, %swap3A_2713, %swap3A_2714] {strides = array<i32>} : memref<3x32x1024xf32, #tpu.memory_space<vmem>>, vector<1x1x16xf32>,
        %swap3A_2716 = vector.shape_cast %swap3A_2715 : vector<1x1x16xf32> to vector<16xf32>
        %swap3A_2717 = vector.shape_cast %add3A_2711 : vector<16xf32> to vector<1x1x16xf32>
        tpu.vector_store %arg8[%swap3A_2712, %swap3A_2713, %swap3A_2714], %swap3A_2717 {strides = array<i32>} : memref<3x32x1024xf32, #tpu.memory_space<vmem>>, vector<1x1x16xf32>,
        %get3A_2718 = arith.index_cast %rem3A_227 : i32 to index
        %get3A_2719 = arith.index_cast %scan3A_340 : i32 to index
        %get3A_2720 = arith.constant 624 : index
        %get3A_2721 = tpu.vector_load %arg7[%get3A_2718, %get3A_2719, %get3A_2720] {strides = array<i32>} : memref<3x8x1024xf32, #tpu.memory_space<vmem>>, vector<1x1x16xf32>,
        %get3A_2722 = vector.shape_cast %get3A_2721 : vector<1x1x16xf32> to vector<16xf32>
        %add3A_2723 = arith.constant 0 : i32
        %add3A_2724 = arith.addi %add3A_2723, %scan3A_340 : i32
        %get3A_2725 = arith.index_cast %rem3A_227 : i32 to index
        %get3A_2726 = arith.index_cast %add3A_2724 : i32 to index
        %get3A_2727 = arith.constant 624 : index
        %get3A_2728 = tpu.vector_load %arg8[%get3A_2725, %get3A_2726, %get3A_2727] {strides = array<i32>} : memref<3x32x1024xf32, #tpu.memory_space<vmem>>, vector<1x1x16xf32>,
        %get3A_2729 = vector.shape_cast %get3A_2728 : vector<1x1x16xf32> to vector<16xf32>
        %add3A_2730 = arith.addf %get3A_2729, %get3A_2722 : vector<16xf32>
        %swap3A_2731 = arith.index_cast %rem3A_227 : i32 to index
        %swap3A_2732 = arith.index_cast %add3A_2724 : i32 to index
        %swap3A_2733 = arith.constant 624 : index
        %swap3A_2734 = tpu.vector_load %arg8[%swap3A_2731, %swap3A_2732, %swap3A_2733] {strides = array<i32>} : memref<3x32x1024xf32, #tpu.memory_space<vmem>>, vector<1x1x16xf32>,
        %swap3A_2735 = vector.shape_cast %swap3A_2734 : vector<1x1x16xf32> to vector<16xf32>
        %swap3A_2736 = vector.shape_cast %add3A_2730 : vector<16xf32> to vector<1x1x16xf32>
        tpu.vector_store %arg8[%swap3A_2731, %swap3A_2732, %swap3A_2733], %swap3A_2736 {strides = array<i32>} : memref<3x32x1024xf32, #tpu.memory_space<vmem>>, vector<1x1x16xf32>,
        %add3A_2737 = arith.constant 8 : i32
        %add3A_2738 = arith.addi %add3A_2737, %scan3A_340 : i32
        %get3A_2739 = arith.index_cast %rem3A_227 : i32 to index
        %get3A_2740 = arith.index_cast %add3A_2738 : i32 to index
        %get3A_2741 = arith.constant 624 : index
        %get3A_2742 = tpu.vector_load %arg8[%get3A_2739, %get3A_2740, %get3A_2741] {strides = array<i32>} : memref<3x32x1024xf32, #tpu.memory_space<vmem>>, vector<1x1x16xf32>,
        %get3A_2743 = vector.shape_cast %get3A_2742 : vector<1x1x16xf32> to vector<16xf32>
        %add3A_2744 = arith.addf %get3A_2743, %get3A_2722 : vector<16xf32>
        %swap3A_2745 = arith.index_cast %rem3A_227 : i32 to index
        %swap3A_2746 = arith.index_cast %add3A_2738 : i32 to index
        %swap3A_2747 = arith.constant 624 : index
        %swap3A_2748 = tpu.vector_load %arg8[%swap3A_2745, %swap3A_2746, %swap3A_2747] {strides = array<i32>} : memref<3x32x1024xf32, #tpu.memory_space<vmem>>, vector<1x1x16xf32>,
        %swap3A_2749 = vector.shape_cast %swap3A_2748 : vector<1x1x16xf32> to vector<16xf32>
        %swap3A_2750 = vector.shape_cast %add3A_2744 : vector<16xf32> to vector<1x1x16xf32>
        tpu.vector_store %arg8[%swap3A_2745, %swap3A_2746, %swap3A_2747], %swap3A_2750 {strides = array<i32>} : memref<3x32x1024xf32, #tpu.memory_space<vmem>>, vector<1x1x16xf32>,
        %add3A_2751 = arith.constant 16 : i32
        %add3A_2752 = arith.addi %add3A_2751, %scan3A_340 : i32
        %get3A_2753 = arith.index_cast %rem3A_227 : i32 to index
        %get3A_2754 = arith.index_cast %add3A_2752 : i32 to index
        %get3A_2755 = arith.constant 624 : index
        %get3A_2756 = tpu.vector_load %arg8[%get3A_2753, %get3A_2754, %get3A_2755] {strides = array<i32>} : memref<3x32x1024xf32, #tpu.memory_space<vmem>>, vector<1x1x16xf32>,
        %get3A_2757 = vector.shape_cast %get3A_2756 : vector<1x1x16xf32> to vector<16xf32>
        %add3A_2758 = arith.addf %get3A_2757, %get3A_2722 : vector<16xf32>
        %swap3A_2759 = arith.index_cast %rem3A_227 : i32 to index
        %swap3A_2760 = arith.index_cast %add3A_2752 : i32 to index
        %swap3A_2761 = arith.constant 624 : index
        %swap3A_2762 = tpu.vector_load %arg8[%swap3A_2759, %swap3A_2760, %swap3A_2761] {strides = array<i32>} : memref<3x32x1024xf32, #tpu.memory_space<vmem>>, vector<1x1x16xf32>,
        %swap3A_2763 = vector.shape_cast %swap3A_2762 : vector<1x1x16xf32> to vector<16xf32>
        %swap3A_2764 = vector.shape_cast %add3A_2758 : vector<16xf32> to vector<1x1x16xf32>
        tpu.vector_store %arg8[%swap3A_2759, %swap3A_2760, %swap3A_2761], %swap3A_2764 {strides = array<i32>} : memref<3x32x1024xf32, #tpu.memory_space<vmem>>, vector<1x1x16xf32>,
        %add3A_2765 = arith.constant 24 : i32
        %add3A_2766 = arith.addi %add3A_2765, %scan3A_340 : i32
        %get3A_2767 = arith.index_cast %rem3A_227 : i32 to index
        %get3A_2768 = arith.index_cast %add3A_2766 : i32 to index
        %get3A_2769 = arith.constant 624 : index
        %get3A_2770 = tpu.vector_load %arg8[%get3A_2767, %get3A_2768, %get3A_2769] {strides = array<i32>} : memref<3x32x1024xf32, #tpu.memory_space<vmem>>, vector<1x1x16xf32>,
        %get3A_2771 = vector.shape_cast %get3A_2770 : vector<1x1x16xf32> to vector<16xf32>
        %add3A_2772 = arith.addf %get3A_2771, %get3A_2722 : vector<16xf32>
        %swap3A_2773 = arith.index_cast %rem3A_227 : i32 to index
        %swap3A_2774 = arith.index_cast %add3A_2766 : i32 to index
        %swap3A_2775 = arith.constant 624 : index
        %swap3A_2776 = tpu.vector_load %arg8[%swap3A_2773, %swap3A_2774, %swap3A_2775] {strides = array<i32>} : memref<3x32x1024xf32, #tpu.memory_space<vmem>>, vector<1x1x16xf32>,
        %swap3A_2777 = vector.shape_cast %swap3A_2776 : vector<1x1x16xf32> to vector<16xf32>
        %swap3A_2778 = vector.shape_cast %add3A_2772 : vector<16xf32> to vector<1x1x16xf32>
        tpu.vector_store %arg8[%swap3A_2773, %swap3A_2774, %swap3A_2775], %swap3A_2778 {strides = array<i32>} : memref<3x32x1024xf32, #tpu.memory_space<vmem>>, vector<1x1x16xf32>,
        %get3A_2779 = arith.index_cast %rem3A_227 : i32 to index
        %get3A_2780 = arith.index_cast %scan3A_340 : i32 to index
        %get3A_2781 = arith.constant 640 : index
        %get3A_2782 = tpu.vector_load %arg7[%get3A_2779, %get3A_2780, %get3A_2781] {strides = array<i32>} : memref<3x8x1024xf32, #tpu.memory_space<vmem>>, vector<1x1x16xf32>,
        %get3A_2783 = vector.shape_cast %get3A_2782 : vector<1x1x16xf32> to vector<16xf32>
        %add3A_2784 = arith.constant 0 : i32
        %add3A_2785 = arith.addi %add3A_2784, %scan3A_340 : i32
        %get3A_2786 = arith.index_cast %rem3A_227 : i32 to index
        %get3A_2787 = arith.index_cast %add3A_2785 : i32 to index
        %get3A_2788 = arith.constant 640 : index
        %get3A_2789 = tpu.vector_load %arg8[%get3A_2786, %get3A_2787, %get3A_2788] {strides = array<i32>} : memref<3x32x1024xf32, #tpu.memory_space<vmem>>, vector<1x1x16xf32>,
        %get3A_2790 = vector.shape_cast %get3A_2789 : vector<1x1x16xf32> to vector<16xf32>
        %add3A_2791 = arith.addf %get3A_2790, %get3A_2783 : vector<16xf32>
        %swap3A_2792 = arith.index_cast %rem3A_227 : i32 to index
        %swap3A_2793 = arith.index_cast %add3A_2785 : i32 to index
        %swap3A_2794 = arith.constant 640 : index
        %swap3A_2795 = tpu.vector_load %arg8[%swap3A_2792, %swap3A_2793, %swap3A_2794] {strides = array<i32>} : memref<3x32x1024xf32, #tpu.memory_space<vmem>>, vector<1x1x16xf32>,
        %swap3A_2796 = vector.shape_cast %swap3A_2795 : vector<1x1x16xf32> to vector<16xf32>
        %swap3A_2797 = vector.shape_cast %add3A_2791 : vector<16xf32> to vector<1x1x16xf32>
        tpu.vector_store %arg8[%swap3A_2792, %swap3A_2793, %swap3A_2794], %swap3A_2797 {strides = array<i32>} : memref<3x32x1024xf32, #tpu.memory_space<vmem>>, vector<1x1x16xf32>,
        %add3A_2798 = arith.constant 8 : i32
        %add3A_2799 = arith.addi %add3A_2798, %scan3A_340 : i32
        %get3A_2800 = arith.index_cast %rem3A_227 : i32 to index
        %get3A_2801 = arith.index_cast %add3A_2799 : i32 to index
        %get3A_2802 = arith.constant 640 : index
        %get3A_2803 = tpu.vector_load %arg8[%get3A_2800, %get3A_2801, %get3A_2802] {strides = array<i32>} : memref<3x32x1024xf32, #tpu.memory_space<vmem>>, vector<1x1x16xf32>,
        %get3A_2804 = vector.shape_cast %get3A_2803 : vector<1x1x16xf32> to vector<16xf32>
        %add3A_2805 = arith.addf %get3A_2804, %get3A_2783 : vector<16xf32>
        %swap3A_2806 = arith.index_cast %rem3A_227 : i32 to index
        %swap3A_2807 = arith.index_cast %add3A_2799 : i32 to index
        %swap3A_2808 = arith.constant 640 : index
        %swap3A_2809 = tpu.vector_load %arg8[%swap3A_2806, %swap3A_2807, %swap3A_2808] {strides = array<i32>} : memref<3x32x1024xf32, #tpu.memory_space<vmem>>, vector<1x1x16xf32>,
        %swap3A_2810 = vector.shape_cast %swap3A_2809 : vector<1x1x16xf32> to vector<16xf32>
        %swap3A_2811 = vector.shape_cast %add3A_2805 : vector<16xf32> to vector<1x1x16xf32>
        tpu.vector_store %arg8[%swap3A_2806, %swap3A_2807, %swap3A_2808], %swap3A_2811 {strides = array<i32>} : memref<3x32x1024xf32, #tpu.memory_space<vmem>>, vector<1x1x16xf32>,
        %add3A_2812 = arith.constant 16 : i32
        %add3A_2813 = arith.addi %add3A_2812, %scan3A_340 : i32
        %get3A_2814 = arith.index_cast %rem3A_227 : i32 to index
        %get3A_2815 = arith.index_cast %add3A_2813 : i32 to index
        %get3A_2816 = arith.constant 640 : index
        %get3A_2817 = tpu.vector_load %arg8[%get3A_2814, %get3A_2815, %get3A_2816] {strides = array<i32>} : memref<3x32x1024xf32, #tpu.memory_space<vmem>>, vector<1x1x16xf32>,
        %get3A_2818 = vector.shape_cast %get3A_2817 : vector<1x1x16xf32> to vector<16xf32>
        %add3A_2819 = arith.addf %get3A_2818, %get3A_2783 : vector<16xf32>
        %swap3A_2820 = arith.index_cast %rem3A_227 : i32 to index
        %swap3A_2821 = arith.index_cast %add3A_2813 : i32 to index
        %swap3A_2822 = arith.constant 640 : index
        %swap3A_2823 = tpu.vector_load %arg8[%swap3A_2820, %swap3A_2821, %swap3A_2822] {strides = array<i32>} : memref<3x32x1024xf32, #tpu.memory_space<vmem>>, vector<1x1x16xf32>,
        %swap3A_2824 = vector.shape_cast %swap3A_2823 : vector<1x1x16xf32> to vector<16xf32>
        %swap3A_2825 = vector.shape_cast %add3A_2819 : vector<16xf32> to vector<1x1x16xf32>
        tpu.vector_store %arg8[%swap3A_2820, %swap3A_2821, %swap3A_2822], %swap3A_2825 {strides = array<i32>} : memref<3x32x1024xf32, #tpu.memory_space<vmem>>, vector<1x1x16xf32>,
        %add3A_2826 = arith.constant 24 : i32
        %add3A_2827 = arith.addi %add3A_2826, %scan3A_340 : i32
        %get3A_2828 = arith.index_cast %rem3A_227 : i32 to index
        %get3A_2829 = arith.index_cast %add3A_2827 : i32 to index
        %get3A_2830 = arith.constant 640 : index
        %get3A_2831 = tpu.vector_load %arg8[%get3A_2828, %get3A_2829, %get3A_2830] {strides = array<i32>} : memref<3x32x1024xf32, #tpu.memory_space<vmem>>, vector<1x1x16xf32>,
        %get3A_2832 = vector.shape_cast %get3A_2831 : vector<1x1x16xf32> to vector<16xf32>
        %add3A_2833 = arith.addf %get3A_2832, %get3A_2783 : vector<16xf32>
        %swap3A_2834 = arith.index_cast %rem3A_227 : i32 to index
        %swap3A_2835 = arith.index_cast %add3A_2827 : i32 to index
        %swap3A_2836 = arith.constant 640 : index
        %swap3A_2837 = tpu.vector_load %arg8[%swap3A_2834, %swap3A_2835, %swap3A_2836] {strides = array<i32>} : memref<3x32x1024xf32, #tpu.memory_space<vmem>>, vector<1x1x16xf32>,
        %swap3A_2838 = vector.shape_cast %swap3A_2837 : vector<1x1x16xf32> to vector<16xf32>
        %swap3A_2839 = vector.shape_cast %add3A_2833 : vector<16xf32> to vector<1x1x16xf32>
        tpu.vector_store %arg8[%swap3A_2834, %swap3A_2835, %swap3A_2836], %swap3A_2839 {strides = array<i32>} : memref<3x32x1024xf32, #tpu.memory_space<vmem>>, vector<1x1x16xf32>,
        %get3A_2840 = arith.index_cast %rem3A_227 : i32 to index
        %get3A_2841 = arith.index_cast %scan3A_340 : i32 to index
        %get3A_2842 = arith.constant 656 : index
        %get3A_2843 = tpu.vector_load %arg7[%get3A_2840, %get3A_2841, %get3A_2842] {strides = array<i32>} : memref<3x8x1024xf32, #tpu.memory_space<vmem>>, vector<1x1x16xf32>,
        %get3A_2844 = vector.shape_cast %get3A_2843 : vector<1x1x16xf32> to vector<16xf32>
        %add3A_2845 = arith.constant 0 : i32
        %add3A_2846 = arith.addi %add3A_2845, %scan3A_340 : i32
        %get3A_2847 = arith.index_cast %rem3A_227 : i32 to index
        %get3A_2848 = arith.index_cast %add3A_2846 : i32 to index
        %get3A_2849 = arith.constant 656 : index
        %get3A_2850 = tpu.vector_load %arg8[%get3A_2847, %get3A_2848, %get3A_2849] {strides = array<i32>} : memref<3x32x1024xf32, #tpu.memory_space<vmem>>, vector<1x1x16xf32>,
        %get3A_2851 = vector.shape_cast %get3A_2850 : vector<1x1x16xf32> to vector<16xf32>
        %add3A_2852 = arith.addf %get3A_2851, %get3A_2844 : vector<16xf32>
        %swap3A_2853 = arith.index_cast %rem3A_227 : i32 to index
        %swap3A_2854 = arith.index_cast %add3A_2846 : i32 to index
        %swap3A_2855 = arith.constant 656 : index
        %swap3A_2856 = tpu.vector_load %arg8[%swap3A_2853, %swap3A_2854, %swap3A_2855] {strides = array<i32>} : memref<3x32x1024xf32, #tpu.memory_space<vmem>>, vector<1x1x16xf32>,
        %swap3A_2857 = vector.shape_cast %swap3A_2856 : vector<1x1x16xf32> to vector<16xf32>
        %swap3A_2858 = vector.shape_cast %add3A_2852 : vector<16xf32> to vector<1x1x16xf32>
        tpu.vector_store %arg8[%swap3A_2853, %swap3A_2854, %swap3A_2855], %swap3A_2858 {strides = array<i32>} : memref<3x32x1024xf32, #tpu.memory_space<vmem>>, vector<1x1x16xf32>,
        %add3A_2859 = arith.constant 8 : i32
        %add3A_2860 = arith.addi %add3A_2859, %scan3A_340 : i32
        %get3A_2861 = arith.index_cast %rem3A_227 : i32 to index
        %get3A_2862 = arith.index_cast %add3A_2860 : i32 to index
        %get3A_2863 = arith.constant 656 : index
        %get3A_2864 = tpu.vector_load %arg8[%get3A_2861, %get3A_2862, %get3A_2863] {strides = array<i32>} : memref<3x32x1024xf32, #tpu.memory_space<vmem>>, vector<1x1x16xf32>,
        %get3A_2865 = vector.shape_cast %get3A_2864 : vector<1x1x16xf32> to vector<16xf32>
        %add3A_2866 = arith.addf %get3A_2865, %get3A_2844 : vector<16xf32>
        %swap3A_2867 = arith.index_cast %rem3A_227 : i32 to index
        %swap3A_2868 = arith.index_cast %add3A_2860 : i32 to index
        %swap3A_2869 = arith.constant 656 : index
        %swap3A_2870 = tpu.vector_load %arg8[%swap3A_2867, %swap3A_2868, %swap3A_2869] {strides = array<i32>} : memref<3x32x1024xf32, #tpu.memory_space<vmem>>, vector<1x1x16xf32>,
        %swap3A_2871 = vector.shape_cast %swap3A_2870 : vector<1x1x16xf32> to vector<16xf32>
        %swap3A_2872 = vector.shape_cast %add3A_2866 : vector<16xf32> to vector<1x1x16xf32>
        tpu.vector_store %arg8[%swap3A_2867, %swap3A_2868, %swap3A_2869], %swap3A_2872 {strides = array<i32>} : memref<3x32x1024xf32, #tpu.memory_space<vmem>>, vector<1x1x16xf32>,
        %add3A_2873 = arith.constant 16 : i32
        %add3A_2874 = arith.addi %add3A_2873, %scan3A_340 : i32
        %get3A_2875 = arith.index_cast %rem3A_227 : i32 to index
        %get3A_2876 = arith.index_cast %add3A_2874 : i32 to index
        %get3A_2877 = arith.constant 656 : index
        %get3A_2878 = tpu.vector_load %arg8[%get3A_2875, %get3A_2876, %get3A_2877] {strides = array<i32>} : memref<3x32x1024xf32, #tpu.memory_space<vmem>>, vector<1x1x16xf32>,
        %get3A_2879 = vector.shape_cast %get3A_2878 : vector<1x1x16xf32> to vector<16xf32>
        %add3A_2880 = arith.addf %get3A_2879, %get3A_2844 : vector<16xf32>
        %swap3A_2881 = arith.index_cast %rem3A_227 : i32 to index
        %swap3A_2882 = arith.index_cast %add3A_2874 : i32 to index
        %swap3A_2883 = arith.constant 656 : index
        %swap3A_2884 = tpu.vector_load %arg8[%swap3A_2881, %swap3A_2882, %swap3A_2883] {strides = array<i32>} : memref<3x32x1024xf32, #tpu.memory_space<vmem>>, vector<1x1x16xf32>,
        %swap3A_2885 = vector.shape_cast %swap3A_2884 : vector<1x1x16xf32> to vector<16xf32>
        %swap3A_2886 = vector.shape_cast %add3A_2880 : vector<16xf32> to vector<1x1x16xf32>
        tpu.vector_store %arg8[%swap3A_2881, %swap3A_2882, %swap3A_2883], %swap3A_2886 {strides = array<i32>} : memref<3x32x1024xf32, #tpu.memory_space<vmem>>, vector<1x1x16xf32>,
        %add3A_2887 = arith.constant 24 : i32
        %add3A_2888 = arith.addi %add3A_2887, %scan3A_340 : i32
        %get3A_2889 = arith.index_cast %rem3A_227 : i32 to index
        %get3A_2890 = arith.index_cast %add3A_2888 : i32 to index
        %get3A_2891 = arith.constant 656 : index
        %get3A_2892 = tpu.vector_load %arg8[%get3A_2889, %get3A_2890, %get3A_2891] {strides = array<i32>} : memref<3x32x1024xf32, #tpu.memory_space<vmem>>, vector<1x1x16xf32>,
        %get3A_2893 = vector.shape_cast %get3A_2892 : vector<1x1x16xf32> to vector<16xf32>
        %add3A_2894 = arith.addf %get3A_2893, %get3A_2844 : vector<16xf32>
        %swap3A_2895 = arith.index_cast %rem3A_227 : i32 to index
        %swap3A_2896 = arith.index_cast %add3A_2888 : i32 to index
        %swap3A_2897 = arith.constant 656 : index
        %swap3A_2898 = tpu.vector_load %arg8[%swap3A_2895, %swap3A_2896, %swap3A_2897] {strides = array<i32>} : memref<3x32x1024xf32, #tpu.memory_space<vmem>>, vector<1x1x16xf32>,
        %swap3A_2899 = vector.shape_cast %swap3A_2898 : vector<1x1x16xf32> to vector<16xf32>
        %swap3A_2900 = vector.shape_cast %add3A_2894 : vector<16xf32> to vector<1x1x16xf32>
        tpu.vector_store %arg8[%swap3A_2895, %swap3A_2896, %swap3A_2897], %swap3A_2900 {strides = array<i32>} : memref<3x32x1024xf32, #tpu.memory_space<vmem>>, vector<1x1x16xf32>,
        %get3A_2901 = arith.index_cast %rem3A_227 : i32 to index
        %get3A_2902 = arith.index_cast %scan3A_340 : i32 to index
        %get3A_2903 = arith.constant 672 : index
        %get3A_2904 = tpu.vector_load %arg7[%get3A_2901, %get3A_2902, %get3A_2903] {strides = array<i32>} : memref<3x8x1024xf32, #tpu.memory_space<vmem>>, vector<1x1x16xf32>,
        %get3A_2905 = vector.shape_cast %get3A_2904 : vector<1x1x16xf32> to vector<16xf32>
        %add3A_2906 = arith.constant 0 : i32
        %add3A_2907 = arith.addi %add3A_2906, %scan3A_340 : i32
        %get3A_2908 = arith.index_cast %rem3A_227 : i32 to index
        %get3A_2909 = arith.index_cast %add3A_2907 : i32 to index
        %get3A_2910 = arith.constant 672 : index
        %get3A_2911 = tpu.vector_load %arg8[%get3A_2908, %get3A_2909, %get3A_2910] {strides = array<i32>} : memref<3x32x1024xf32, #tpu.memory_space<vmem>>, vector<1x1x16xf32>,
        %get3A_2912 = vector.shape_cast %get3A_2911 : vector<1x1x16xf32> to vector<16xf32>
        %add3A_2913 = arith.addf %get3A_2912, %get3A_2905 : vector<16xf32>
        %swap3A_2914 = arith.index_cast %rem3A_227 : i32 to index
        %swap3A_2915 = arith.index_cast %add3A_2907 : i32 to index
        %swap3A_2916 = arith.constant 672 : index
        %swap3A_2917 = tpu.vector_load %arg8[%swap3A_2914, %swap3A_2915, %swap3A_2916] {strides = array<i32>} : memref<3x32x1024xf32, #tpu.memory_space<vmem>>, vector<1x1x16xf32>,
        %swap3A_2918 = vector.shape_cast %swap3A_2917 : vector<1x1x16xf32> to vector<16xf32>
        %swap3A_2919 = vector.shape_cast %add3A_2913 : vector<16xf32> to vector<1x1x16xf32>
        tpu.vector_store %arg8[%swap3A_2914, %swap3A_2915, %swap3A_2916], %swap3A_2919 {strides = array<i32>} : memref<3x32x1024xf32, #tpu.memory_space<vmem>>, vector<1x1x16xf32>,
        %add3A_2920 = arith.constant 8 : i32
        %add3A_2921 = arith.addi %add3A_2920, %scan3A_340 : i32
        %get3A_2922 = arith.index_cast %rem3A_227 : i32 to index
        %get3A_2923 = arith.index_cast %add3A_2921 : i32 to index
        %get3A_2924 = arith.constant 672 : index
        %get3A_2925 = tpu.vector_load %arg8[%get3A_2922, %get3A_2923, %get3A_2924] {strides = array<i32>} : memref<3x32x1024xf32, #tpu.memory_space<vmem>>, vector<1x1x16xf32>,
        %get3A_2926 = vector.shape_cast %get3A_2925 : vector<1x1x16xf32> to vector<16xf32>
        %add3A_2927 = arith.addf %get3A_2926, %get3A_2905 : vector<16xf32>
        %swap3A_2928 = arith.index_cast %rem3A_227 : i32 to index
        %swap3A_2929 = arith.index_cast %add3A_2921 : i32 to index
        %swap3A_2930 = arith.constant 672 : index
        %swap3A_2931 = tpu.vector_load %arg8[%swap3A_2928, %swap3A_2929, %swap3A_2930] {strides = array<i32>} : memref<3x32x1024xf32, #tpu.memory_space<vmem>>, vector<1x1x16xf32>,
        %swap3A_2932 = vector.shape_cast %swap3A_2931 : vector<1x1x16xf32> to vector<16xf32>
        %swap3A_2933 = vector.shape_cast %add3A_2927 : vector<16xf32> to vector<1x1x16xf32>
        tpu.vector_store %arg8[%swap3A_2928, %swap3A_2929, %swap3A_2930], %swap3A_2933 {strides = array<i32>} : memref<3x32x1024xf32, #tpu.memory_space<vmem>>, vector<1x1x16xf32>,
        %add3A_2934 = arith.constant 16 : i32
        %add3A_2935 = arith.addi %add3A_2934, %scan3A_340 : i32
        %get3A_2936 = arith.index_cast %rem3A_227 : i32 to index
        %get3A_2937 = arith.index_cast %add3A_2935 : i32 to index
        %get3A_2938 = arith.constant 672 : index
        %get3A_2939 = tpu.vector_load %arg8[%get3A_2936, %get3A_2937, %get3A_2938] {strides = array<i32>} : memref<3x32x1024xf32, #tpu.memory_space<vmem>>, vector<1x1x16xf32>,
        %get3A_2940 = vector.shape_cast %get3A_2939 : vector<1x1x16xf32> to vector<16xf32>
        %add3A_2941 = arith.addf %get3A_2940, %get3A_2905 : vector<16xf32>
        %swap3A_2942 = arith.index_cast %rem3A_227 : i32 to index
        %swap3A_2943 = arith.index_cast %add3A_2935 : i32 to index
        %swap3A_2944 = arith.constant 672 : index
        %swap3A_2945 = tpu.vector_load %arg8[%swap3A_2942, %swap3A_2943, %swap3A_2944] {strides = array<i32>} : memref<3x32x1024xf32, #tpu.memory_space<vmem>>, vector<1x1x16xf32>,
        %swap3A_2946 = vector.shape_cast %swap3A_2945 : vector<1x1x16xf32> to vector<16xf32>
        %swap3A_2947 = vector.shape_cast %add3A_2941 : vector<16xf32> to vector<1x1x16xf32>
        tpu.vector_store %arg8[%swap3A_2942, %swap3A_2943, %swap3A_2944], %swap3A_2947 {strides = array<i32>} : memref<3x32x1024xf32, #tpu.memory_space<vmem>>, vector<1x1x16xf32>,
        %add3A_2948 = arith.constant 24 : i32
        %add3A_2949 = arith.addi %add3A_2948, %scan3A_340 : i32
        %get3A_2950 = arith.index_cast %rem3A_227 : i32 to index
        %get3A_2951 = arith.index_cast %add3A_2949 : i32 to index
        %get3A_2952 = arith.constant 672 : index
        %get3A_2953 = tpu.vector_load %arg8[%get3A_2950, %get3A_2951, %get3A_2952] {strides = array<i32>} : memref<3x32x1024xf32, #tpu.memory_space<vmem>>, vector<1x1x16xf32>,
        %get3A_2954 = vector.shape_cast %get3A_2953 : vector<1x1x16xf32> to vector<16xf32>
        %add3A_2955 = arith.addf %get3A_2954, %get3A_2905 : vector<16xf32>
        %swap3A_2956 = arith.index_cast %rem3A_227 : i32 to index
        %swap3A_2957 = arith.index_cast %add3A_2949 : i32 to index
        %swap3A_2958 = arith.constant 672 : index
        %swap3A_2959 = tpu.vector_load %arg8[%swap3A_2956, %swap3A_2957, %swap3A_2958] {strides = array<i32>} : memref<3x32x1024xf32, #tpu.memory_space<vmem>>, vector<1x1x16xf32>,
        %swap3A_2960 = vector.shape_cast %swap3A_2959 : vector<1x1x16xf32> to vector<16xf32>
        %swap3A_2961 = vector.shape_cast %add3A_2955 : vector<16xf32> to vector<1x1x16xf32>
        tpu.vector_store %arg8[%swap3A_2956, %swap3A_2957, %swap3A_2958], %swap3A_2961 {strides = array<i32>} : memref<3x32x1024xf32, #tpu.memory_space<vmem>>, vector<1x1x16xf32>,
        %get3A_2962 = arith.index_cast %rem3A_227 : i32 to index
        %get3A_2963 = arith.index_cast %scan3A_340 : i32 to index
        %get3A_2964 = arith.constant 688 : index
        %get3A_2965 = tpu.vector_load %arg7[%get3A_2962, %get3A_2963, %get3A_2964] {strides = array<i32>} : memref<3x8x1024xf32, #tpu.memory_space<vmem>>, vector<1x1x16xf32>,
        %get3A_2966 = vector.shape_cast %get3A_2965 : vector<1x1x16xf32> to vector<16xf32>
        %add3A_2967 = arith.constant 0 : i32
        %add3A_2968 = arith.addi %add3A_2967, %scan3A_340 : i32
        %get3A_2969 = arith.index_cast %rem3A_227 : i32 to index
        %get3A_2970 = arith.index_cast %add3A_2968 : i32 to index
        %get3A_2971 = arith.constant 688 : index
        %get3A_2972 = tpu.vector_load %arg8[%get3A_2969, %get3A_2970, %get3A_2971] {strides = array<i32>} : memref<3x32x1024xf32, #tpu.memory_space<vmem>>, vector<1x1x16xf32>,
        %get3A_2973 = vector.shape_cast %get3A_2972 : vector<1x1x16xf32> to vector<16xf32>
        %add3A_2974 = arith.addf %get3A_2973, %get3A_2966 : vector<16xf32>
        %swap3A_2975 = arith.index_cast %rem3A_227 : i32 to index
        %swap3A_2976 = arith.index_cast %add3A_2968 : i32 to index
        %swap3A_2977 = arith.constant 688 : index
        %swap3A_2978 = tpu.vector_load %arg8[%swap3A_2975, %swap3A_2976, %swap3A_2977] {strides = array<i32>} : memref<3x32x1024xf32, #tpu.memory_space<vmem>>, vector<1x1x16xf32>,
        %swap3A_2979 = vector.shape_cast %swap3A_2978 : vector<1x1x16xf32> to vector<16xf32>
        %swap3A_2980 = vector.shape_cast %add3A_2974 : vector<16xf32> to vector<1x1x16xf32>
        tpu.vector_store %arg8[%swap3A_2975, %swap3A_2976, %swap3A_2977], %swap3A_2980 {strides = array<i32>} : memref<3x32x1024xf32, #tpu.memory_space<vmem>>, vector<1x1x16xf32>,
        %add3A_2981 = arith.constant 8 : i32
        %add3A_2982 = arith.addi %add3A_2981, %scan3A_340 : i32
        %get3A_2983 = arith.index_cast %rem3A_227 : i32 to index
        %get3A_2984 = arith.index_cast %add3A_2982 : i32 to index
        %get3A_2985 = arith.constant 688 : index
        %get3A_2986 = tpu.vector_load %arg8[%get3A_2983, %get3A_2984, %get3A_2985] {strides = array<i32>} : memref<3x32x1024xf32, #tpu.memory_space<vmem>>, vector<1x1x16xf32>,
        %get3A_2987 = vector.shape_cast %get3A_2986 : vector<1x1x16xf32> to vector<16xf32>
        %add3A_2988 = arith.addf %get3A_2987, %get3A_2966 : vector<16xf32>
        %swap3A_2989 = arith.index_cast %rem3A_227 : i32 to index
        %swap3A_2990 = arith.index_cast %add3A_2982 : i32 to index
        %swap3A_2991 = arith.constant 688 : index
        %swap3A_2992 = tpu.vector_load %arg8[%swap3A_2989, %swap3A_2990, %swap3A_2991] {strides = array<i32>} : memref<3x32x1024xf32, #tpu.memory_space<vmem>>, vector<1x1x16xf32>,
        %swap3A_2993 = vector.shape_cast %swap3A_2992 : vector<1x1x16xf32> to vector<16xf32>
        %swap3A_2994 = vector.shape_cast %add3A_2988 : vector<16xf32> to vector<1x1x16xf32>
        tpu.vector_store %arg8[%swap3A_2989, %swap3A_2990, %swap3A_2991], %swap3A_2994 {strides = array<i32>} : memref<3x32x1024xf32, #tpu.memory_space<vmem>>, vector<1x1x16xf32>,
        %add3A_2995 = arith.constant 16 : i32
        %add3A_2996 = arith.addi %add3A_2995, %scan3A_340 : i32
        %get3A_2997 = arith.index_cast %rem3A_227 : i32 to index
        %get3A_2998 = arith.index_cast %add3A_2996 : i32 to index
        %get3A_2999 = arith.constant 688 : index
        %get3A_3000 = tpu.vector_load %arg8[%get3A_2997, %get3A_2998, %get3A_2999] {strides = array<i32>} : memref<3x32x1024xf32, #tpu.memory_space<vmem>>, vector<1x1x16xf32>,
        %get3A_3001 = vector.shape_cast %get3A_3000 : vector<1x1x16xf32> to vector<16xf32>
        %add3A_3002 = arith.addf %get3A_3001, %get3A_2966 : vector<16xf32>
        %swap3A_3003 = arith.index_cast %rem3A_227 : i32 to index
        %swap3A_3004 = arith.index_cast %add3A_2996 : i32 to index
        %swap3A_3005 = arith.constant 688 : index
        %swap3A_3006 = tpu.vector_load %arg8[%swap3A_3003, %swap3A_3004, %swap3A_3005] {strides = array<i32>} : memref<3x32x1024xf32, #tpu.memory_space<vmem>>, vector<1x1x16xf32>,
        %swap3A_3007 = vector.shape_cast %swap3A_3006 : vector<1x1x16xf32> to vector<16xf32>
        %swap3A_3008 = vector.shape_cast %add3A_3002 : vector<16xf32> to vector<1x1x16xf32>
        tpu.vector_store %arg8[%swap3A_3003, %swap3A_3004, %swap3A_3005], %swap3A_3008 {strides = array<i32>} : memref<3x32x1024xf32, #tpu.memory_space<vmem>>, vector<1x1x16xf32>,
        %add3A_3009 = arith.constant 24 : i32
        %add3A_3010 = arith.addi %add3A_3009, %scan3A_340 : i32
        %get3A_3011 = arith.index_cast %rem3A_227 : i32 to index
        %get3A_3012 = arith.index_cast %add3A_3010 : i32 to index
        %get3A_3013 = arith.constant 688 : index
        %get3A_3014 = tpu.vector_load %arg8[%get3A_3011, %get3A_3012, %get3A_3013] {strides = array<i32>} : memref<3x32x1024xf32, #tpu.memory_space<vmem>>, vector<1x1x16xf32>,
        %get3A_3015 = vector.shape_cast %get3A_3014 : vector<1x1x16xf32> to vector<16xf32>
        %add3A_3016 = arith.addf %get3A_3015, %get3A_2966 : vector<16xf32>
        %swap3A_3017 = arith.index_cast %rem3A_227 : i32 to index
        %swap3A_3018 = arith.index_cast %add3A_3010 : i32 to index
        %swap3A_3019 = arith.constant 688 : index
        %swap3A_3020 = tpu.vector_load %arg8[%swap3A_3017, %swap3A_3018, %swap3A_3019] {strides = array<i32>} : memref<3x32x1024xf32, #tpu.memory_space<vmem>>, vector<1x1x16xf32>,
        %swap3A_3021 = vector.shape_cast %swap3A_3020 : vector<1x1x16xf32> to vector<16xf32>
        %swap3A_3022 = vector.shape_cast %add3A_3016 : vector<16xf32> to vector<1x1x16xf32>
        tpu.vector_store %arg8[%swap3A_3017, %swap3A_3018, %swap3A_3019], %swap3A_3022 {strides = array<i32>} : memref<3x32x1024xf32, #tpu.memory_space<vmem>>, vector<1x1x16xf32>,
        %get3A_3023 = arith.index_cast %rem3A_227 : i32 to index
        %get3A_3024 = arith.index_cast %scan3A_340 : i32 to index
        %get3A_3025 = arith.constant 704 : index
        %get3A_3026 = tpu.vector_load %arg7[%get3A_3023, %get3A_3024, %get3A_3025] {strides = array<i32>} : memref<3x8x1024xf32, #tpu.memory_space<vmem>>, vector<1x1x16xf32>,
        %get3A_3027 = vector.shape_cast %get3A_3026 : vector<1x1x16xf32> to vector<16xf32>
        %add3A_3028 = arith.constant 0 : i32
        %add3A_3029 = arith.addi %add3A_3028, %scan3A_340 : i32
        %get3A_3030 = arith.index_cast %rem3A_227 : i32 to index
        %get3A_3031 = arith.index_cast %add3A_3029 : i32 to index
        %get3A_3032 = arith.constant 704 : index
        %get3A_3033 = tpu.vector_load %arg8[%get3A_3030, %get3A_3031, %get3A_3032] {strides = array<i32>} : memref<3x32x1024xf32, #tpu.memory_space<vmem>>, vector<1x1x16xf32>,
        %get3A_3034 = vector.shape_cast %get3A_3033 : vector<1x1x16xf32> to vector<16xf32>
        %add3A_3035 = arith.addf %get3A_3034, %get3A_3027 : vector<16xf32>
        %swap3A_3036 = arith.index_cast %rem3A_227 : i32 to index
        %swap3A_3037 = arith.index_cast %add3A_3029 : i32 to index
        %swap3A_3038 = arith.constant 704 : index
        %swap3A_3039 = tpu.vector_load %arg8[%swap3A_3036, %swap3A_3037, %swap3A_3038] {strides = array<i32>} : memref<3x32x1024xf32, #tpu.memory_space<vmem>>, vector<1x1x16xf32>,
        %swap3A_3040 = vector.shape_cast %swap3A_3039 : vector<1x1x16xf32> to vector<16xf32>
        %swap3A_3041 = vector.shape_cast %add3A_3035 : vector<16xf32> to vector<1x1x16xf32>
        tpu.vector_store %arg8[%swap3A_3036, %swap3A_3037, %swap3A_3038], %swap3A_3041 {strides = array<i32>} : memref<3x32x1024xf32, #tpu.memory_space<vmem>>, vector<1x1x16xf32>,
        %add3A_3042 = arith.constant 8 : i32
        %add3A_3043 = arith.addi %add3A_3042, %scan3A_340 : i32
        %get3A_3044 = arith.index_cast %rem3A_227 : i32 to index
        %get3A_3045 = arith.index_cast %add3A_3043 : i32 to index
        %get3A_3046 = arith.constant 704 : index
        %get3A_3047 = tpu.vector_load %arg8[%get3A_3044, %get3A_3045, %get3A_3046] {strides = array<i32>} : memref<3x32x1024xf32, #tpu.memory_space<vmem>>, vector<1x1x16xf32>,
        %get3A_3048 = vector.shape_cast %get3A_3047 : vector<1x1x16xf32> to vector<16xf32>
        %add3A_3049 = arith.addf %get3A_3048, %get3A_3027 : vector<16xf32>
        %swap3A_3050 = arith.index_cast %rem3A_227 : i32 to index
        %swap3A_3051 = arith.index_cast %add3A_3043 : i32 to index
        %swap3A_3052 = arith.constant 704 : index
        %swap3A_3053 = tpu.vector_load %arg8[%swap3A_3050, %swap3A_3051, %swap3A_3052] {strides = array<i32>} : memref<3x32x1024xf32, #tpu.memory_space<vmem>>, vector<1x1x16xf32>,
        %swap3A_3054 = vector.shape_cast %swap3A_3053 : vector<1x1x16xf32> to vector<16xf32>
        %swap3A_3055 = vector.shape_cast %add3A_3049 : vector<16xf32> to vector<1x1x16xf32>
        tpu.vector_store %arg8[%swap3A_3050, %swap3A_3051, %swap3A_3052], %swap3A_3055 {strides = array<i32>} : memref<3x32x1024xf32, #tpu.memory_space<vmem>>, vector<1x1x16xf32>,
        %add3A_3056 = arith.constant 16 : i32
        %add3A_3057 = arith.addi %add3A_3056, %scan3A_340 : i32
        %get3A_3058 = arith.index_cast %rem3A_227 : i32 to index
        %get3A_3059 = arith.index_cast %add3A_3057 : i32 to index
        %get3A_3060 = arith.constant 704 : index
        %get3A_3061 = tpu.vector_load %arg8[%get3A_3058, %get3A_3059, %get3A_3060] {strides = array<i32>} : memref<3x32x1024xf32, #tpu.memory_space<vmem>>, vector<1x1x16xf32>,
        %get3A_3062 = vector.shape_cast %get3A_3061 : vector<1x1x16xf32> to vector<16xf32>
        %add3A_3063 = arith.addf %get3A_3062, %get3A_3027 : vector<16xf32>
        %swap3A_3064 = arith.index_cast %rem3A_227 : i32 to index
        %swap3A_3065 = arith.index_cast %add3A_3057 : i32 to index
        %swap3A_3066 = arith.constant 704 : index
        %swap3A_3067 = tpu.vector_load %arg8[%swap3A_3064, %swap3A_3065, %swap3A_3066] {strides = array<i32>} : memref<3x32x1024xf32, #tpu.memory_space<vmem>>, vector<1x1x16xf32>,
        %swap3A_3068 = vector.shape_cast %swap3A_3067 : vector<1x1x16xf32> to vector<16xf32>
        %swap3A_3069 = vector.shape_cast %add3A_3063 : vector<16xf32> to vector<1x1x16xf32>
        tpu.vector_store %arg8[%swap3A_3064, %swap3A_3065, %swap3A_3066], %swap3A_3069 {strides = array<i32>} : memref<3x32x1024xf32, #tpu.memory_space<vmem>>, vector<1x1x16xf32>,
        %add3A_3070 = arith.constant 24 : i32
        %add3A_3071 = arith.addi %add3A_3070, %scan3A_340 : i32
        %get3A_3072 = arith.index_cast %rem3A_227 : i32 to index
        %get3A_3073 = arith.index_cast %add3A_3071 : i32 to index
        %get3A_3074 = arith.constant 704 : index
        %get3A_3075 = tpu.vector_load %arg8[%get3A_3072, %get3A_3073, %get3A_3074] {strides = array<i32>} : memref<3x32x1024xf32, #tpu.memory_space<vmem>>, vector<1x1x16xf32>,
        %get3A_3076 = vector.shape_cast %get3A_3075 : vector<1x1x16xf32> to vector<16xf32>
        %add3A_3077 = arith.addf %get3A_3076, %get3A_3027 : vector<16xf32>
        %swap3A_3078 = arith.index_cast %rem3A_227 : i32 to index
        %swap3A_3079 = arith.index_cast %add3A_3071 : i32 to index
        %swap3A_3080 = arith.constant 704 : index
        %swap3A_3081 = tpu.vector_load %arg8[%swap3A_3078, %swap3A_3079, %swap3A_3080] {strides = array<i32>} : memref<3x32x1024xf32, #tpu.memory_space<vmem>>, vector<1x1x16xf32>,
        %swap3A_3082 = vector.shape_cast %swap3A_3081 : vector<1x1x16xf32> to vector<16xf32>
        %swap3A_3083 = vector.shape_cast %add3A_3077 : vector<16xf32> to vector<1x1x16xf32>
        tpu.vector_store %arg8[%swap3A_3078, %swap3A_3079, %swap3A_3080], %swap3A_3083 {strides = array<i32>} : memref<3x32x1024xf32, #tpu.memory_space<vmem>>, vector<1x1x16xf32>,
        %get3A_3084 = arith.index_cast %rem3A_227 : i32 to index
        %get3A_3085 = arith.index_cast %scan3A_340 : i32 to index
        %get3A_3086 = arith.constant 720 : index
        %get3A_3087 = tpu.vector_load %arg7[%get3A_3084, %get3A_3085, %get3A_3086] {strides = array<i32>} : memref<3x8x1024xf32, #tpu.memory_space<vmem>>, vector<1x1x16xf32>,
        %get3A_3088 = vector.shape_cast %get3A_3087 : vector<1x1x16xf32> to vector<16xf32>
        %add3A_3089 = arith.constant 0 : i32
        %add3A_3090 = arith.addi %add3A_3089, %scan3A_340 : i32
        %get3A_3091 = arith.index_cast %rem3A_227 : i32 to index
        %get3A_3092 = arith.index_cast %add3A_3090 : i32 to index
        %get3A_3093 = arith.constant 720 : index
        %get3A_3094 = tpu.vector_load %arg8[%get3A_3091, %get3A_3092, %get3A_3093] {strides = array<i32>} : memref<3x32x1024xf32, #tpu.memory_space<vmem>>, vector<1x1x16xf32>,
        %get3A_3095 = vector.shape_cast %get3A_3094 : vector<1x1x16xf32> to vector<16xf32>
        %add3A_3096 = arith.addf %get3A_3095, %get3A_3088 : vector<16xf32>
        %swap3A_3097 = arith.index_cast %rem3A_227 : i32 to index
        %swap3A_3098 = arith.index_cast %add3A_3090 : i32 to index
        %swap3A_3099 = arith.constant 720 : index
        %swap3A_3100 = tpu.vector_load %arg8[%swap3A_3097, %swap3A_3098, %swap3A_3099] {strides = array<i32>} : memref<3x32x1024xf32, #tpu.memory_space<vmem>>, vector<1x1x16xf32>,
        %swap3A_3101 = vector.shape_cast %swap3A_3100 : vector<1x1x16xf32> to vector<16xf32>
        %swap3A_3102 = vector.shape_cast %add3A_3096 : vector<16xf32> to vector<1x1x16xf32>
        tpu.vector_store %arg8[%swap3A_3097, %swap3A_3098, %swap3A_3099], %swap3A_3102 {strides = array<i32>} : memref<3x32x1024xf32, #tpu.memory_space<vmem>>, vector<1x1x16xf32>,
        %add3A_3103 = arith.constant 8 : i32
        %add3A_3104 = arith.addi %add3A_3103, %scan3A_340 : i32
        %get3A_3105 = arith.index_cast %rem3A_227 : i32 to index
        %get3A_3106 = arith.index_cast %add3A_3104 : i32 to index
        %get3A_3107 = arith.constant 720 : index
        %get3A_3108 = tpu.vector_load %arg8[%get3A_3105, %get3A_3106, %get3A_3107] {strides = array<i32>} : memref<3x32x1024xf32, #tpu.memory_space<vmem>>, vector<1x1x16xf32>,
        %get3A_3109 = vector.shape_cast %get3A_3108 : vector<1x1x16xf32> to vector<16xf32>
        %add3A_3110 = arith.addf %get3A_3109, %get3A_3088 : vector<16xf32>
        %swap3A_3111 = arith.index_cast %rem3A_227 : i32 to index
        %swap3A_3112 = arith.index_cast %add3A_3104 : i32 to index
        %swap3A_3113 = arith.constant 720 : index
        %swap3A_3114 = tpu.vector_load %arg8[%swap3A_3111, %swap3A_3112, %swap3A_3113] {strides = array<i32>} : memref<3x32x1024xf32, #tpu.memory_space<vmem>>, vector<1x1x16xf32>,
        %swap3A_3115 = vector.shape_cast %swap3A_3114 : vector<1x1x16xf32> to vector<16xf32>
        %swap3A_3116 = vector.shape_cast %add3A_3110 : vector<16xf32> to vector<1x1x16xf32>
        tpu.vector_store %arg8[%swap3A_3111, %swap3A_3112, %swap3A_3113], %swap3A_3116 {strides = array<i32>} : memref<3x32x1024xf32, #tpu.memory_space<vmem>>, vector<1x1x16xf32>,
        %add3A_3117 = arith.constant 16 : i32
        %add3A_3118 = arith.addi %add3A_3117, %scan3A_340 : i32
        %get3A_3119 = arith.index_cast %rem3A_227 : i32 to index
        %get3A_3120 = arith.index_cast %add3A_3118 : i32 to index
        %get3A_3121 = arith.constant 720 : index
        %get3A_3122 = tpu.vector_load %arg8[%get3A_3119, %get3A_3120, %get3A_3121] {strides = array<i32>} : memref<3x32x1024xf32, #tpu.memory_space<vmem>>, vector<1x1x16xf32>,
        %get3A_3123 = vector.shape_cast %get3A_3122 : vector<1x1x16xf32> to vector<16xf32>
        %add3A_3124 = arith.addf %get3A_3123, %get3A_3088 : vector<16xf32>
        %swap3A_3125 = arith.index_cast %rem3A_227 : i32 to index
        %swap3A_3126 = arith.index_cast %add3A_3118 : i32 to index
        %swap3A_3127 = arith.constant 720 : index
        %swap3A_3128 = tpu.vector_load %arg8[%swap3A_3125, %swap3A_3126, %swap3A_3127] {strides = array<i32>} : memref<3x32x1024xf32, #tpu.memory_space<vmem>>, vector<1x1x16xf32>,
        %swap3A_3129 = vector.shape_cast %swap3A_3128 : vector<1x1x16xf32> to vector<16xf32>
        %swap3A_3130 = vector.shape_cast %add3A_3124 : vector<16xf32> to vector<1x1x16xf32>
        tpu.vector_store %arg8[%swap3A_3125, %swap3A_3126, %swap3A_3127], %swap3A_3130 {strides = array<i32>} : memref<3x32x1024xf32, #tpu.memory_space<vmem>>, vector<1x1x16xf32>,
        %add3A_3131 = arith.constant 24 : i32
        %add3A_3132 = arith.addi %add3A_3131, %scan3A_340 : i32
        %get3A_3133 = arith.index_cast %rem3A_227 : i32 to index
        %get3A_3134 = arith.index_cast %add3A_3132 : i32 to index
        %get3A_3135 = arith.constant 720 : index
        %get3A_3136 = tpu.vector_load %arg8[%get3A_3133, %get3A_3134, %get3A_3135] {strides = array<i32>} : memref<3x32x1024xf32, #tpu.memory_space<vmem>>, vector<1x1x16xf32>,
        %get3A_3137 = vector.shape_cast %get3A_3136 : vector<1x1x16xf32> to vector<16xf32>
        %add3A_3138 = arith.addf %get3A_3137, %get3A_3088 : vector<16xf32>
        %swap3A_3139 = arith.index_cast %rem3A_227 : i32 to index
        %swap3A_3140 = arith.index_cast %add3A_3132 : i32 to index
        %swap3A_3141 = arith.constant 720 : index
        %swap3A_3142 = tpu.vector_load %arg8[%swap3A_3139, %swap3A_3140, %swap3A_3141] {strides = array<i32>} : memref<3x32x1024xf32, #tpu.memory_space<vmem>>, vector<1x1x16xf32>,
        %swap3A_3143 = vector.shape_cast %swap3A_3142 : vector<1x1x16xf32> to vector<16xf32>
        %swap3A_3144 = vector.shape_cast %add3A_3138 : vector<16xf32> to vector<1x1x16xf32>
        tpu.vector_store %arg8[%swap3A_3139, %swap3A_3140, %swap3A_3141], %swap3A_3144 {strides = array<i32>} : memref<3x32x1024xf32, #tpu.memory_space<vmem>>, vector<1x1x16xf32>,
        %get3A_3145 = arith.index_cast %rem3A_227 : i32 to index
        %get3A_3146 = arith.index_cast %scan3A_340 : i32 to index
        %get3A_3147 = arith.constant 736 : index
        %get3A_3148 = tpu.vector_load %arg7[%get3A_3145, %get3A_3146, %get3A_3147] {strides = array<i32>} : memref<3x8x1024xf32, #tpu.memory_space<vmem>>, vector<1x1x16xf32>,
        %get3A_3149 = vector.shape_cast %get3A_3148 : vector<1x1x16xf32> to vector<16xf32>
        %add3A_3150 = arith.constant 0 : i32
        %add3A_3151 = arith.addi %add3A_3150, %scan3A_340 : i32
        %get3A_3152 = arith.index_cast %rem3A_227 : i32 to index
        %get3A_3153 = arith.index_cast %add3A_3151 : i32 to index
        %get3A_3154 = arith.constant 736 : index
        %get3A_3155 = tpu.vector_load %arg8[%get3A_3152, %get3A_3153, %get3A_3154] {strides = array<i32>} : memref<3x32x1024xf32, #tpu.memory_space<vmem>>, vector<1x1x16xf32>,
        %get3A_3156 = vector.shape_cast %get3A_3155 : vector<1x1x16xf32> to vector<16xf32>
        %add3A_3157 = arith.addf %get3A_3156, %get3A_3149 : vector<16xf32>
        %swap3A_3158 = arith.index_cast %rem3A_227 : i32 to index
        %swap3A_3159 = arith.index_cast %add3A_3151 : i32 to index
        %swap3A_3160 = arith.constant 736 : index
        %swap3A_3161 = tpu.vector_load %arg8[%swap3A_3158, %swap3A_3159, %swap3A_3160] {strides = array<i32>} : memref<3x32x1024xf32, #tpu.memory_space<vmem>>, vector<1x1x16xf32>,
        %swap3A_3162 = vector.shape_cast %swap3A_3161 : vector<1x1x16xf32> to vector<16xf32>
        %swap3A_3163 = vector.shape_cast %add3A_3157 : vector<16xf32> to vector<1x1x16xf32>
        tpu.vector_store %arg8[%swap3A_3158, %swap3A_3159, %swap3A_3160], %swap3A_3163 {strides = array<i32>} : memref<3x32x1024xf32, #tpu.memory_space<vmem>>, vector<1x1x16xf32>,
        %add3A_3164 = arith.constant 8 : i32
        %add3A_3165 = arith.addi %add3A_3164, %scan3A_340 : i32
        %get3A_3166 = arith.index_cast %rem3A_227 : i32 to index
        %get3A_3167 = arith.index_cast %add3A_3165 : i32 to index
        %get3A_3168 = arith.constant 736 : index
        %get3A_3169 = tpu.vector_load %arg8[%get3A_3166, %get3A_3167, %get3A_3168] {strides = array<i32>} : memref<3x32x1024xf32, #tpu.memory_space<vmem>>, vector<1x1x16xf32>,
        %get3A_3170 = vector.shape_cast %get3A_3169 : vector<1x1x16xf32> to vector<16xf32>
        %add3A_3171 = arith.addf %get3A_3170, %get3A_3149 : vector<16xf32>
        %swap3A_3172 = arith.index_cast %rem3A_227 : i32 to index
        %swap3A_3173 = arith.index_cast %add3A_3165 : i32 to index
        %swap3A_3174 = arith.constant 736 : index
        %swap3A_3175 = tpu.vector_load %arg8[%swap3A_3172, %swap3A_3173, %swap3A_3174] {strides = array<i32>} : memref<3x32x1024xf32, #tpu.memory_space<vmem>>, vector<1x1x16xf32>,
        %swap3A_3176 = vector.shape_cast %swap3A_3175 : vector<1x1x16xf32> to vector<16xf32>
        %swap3A_3177 = vector.shape_cast %add3A_3171 : vector<16xf32> to vector<1x1x16xf32>
        tpu.vector_store %arg8[%swap3A_3172, %swap3A_3173, %swap3A_3174], %swap3A_3177 {strides = array<i32>} : memref<3x32x1024xf32, #tpu.memory_space<vmem>>, vector<1x1x16xf32>,
        %add3A_3178 = arith.constant 16 : i32
        %add3A_3179 = arith.addi %add3A_3178, %scan3A_340 : i32
        %get3A_3180 = arith.index_cast %rem3A_227 : i32 to index
        %get3A_3181 = arith.index_cast %add3A_3179 : i32 to index
        %get3A_3182 = arith.constant 736 : index
        %get3A_3183 = tpu.vector_load %arg8[%get3A_3180, %get3A_3181, %get3A_3182] {strides = array<i32>} : memref<3x32x1024xf32, #tpu.memory_space<vmem>>, vector<1x1x16xf32>,
        %get3A_3184 = vector.shape_cast %get3A_3183 : vector<1x1x16xf32> to vector<16xf32>
        %add3A_3185 = arith.addf %get3A_3184, %get3A_3149 : vector<16xf32>
        %swap3A_3186 = arith.index_cast %rem3A_227 : i32 to index
        %swap3A_3187 = arith.index_cast %add3A_3179 : i32 to index
        %swap3A_3188 = arith.constant 736 : index
        %swap3A_3189 = tpu.vector_load %arg8[%swap3A_3186, %swap3A_3187, %swap3A_3188] {strides = array<i32>} : memref<3x32x1024xf32, #tpu.memory_space<vmem>>, vector<1x1x16xf32>,
        %swap3A_3190 = vector.shape_cast %swap3A_3189 : vector<1x1x16xf32> to vector<16xf32>
        %swap3A_3191 = vector.shape_cast %add3A_3185 : vector<16xf32> to vector<1x1x16xf32>
        tpu.vector_store %arg8[%swap3A_3186, %swap3A_3187, %swap3A_3188], %swap3A_3191 {strides = array<i32>} : memref<3x32x1024xf32, #tpu.memory_space<vmem>>, vector<1x1x16xf32>,
        %add3A_3192 = arith.constant 24 : i32
        %add3A_3193 = arith.addi %add3A_3192, %scan3A_340 : i32
        %get3A_3194 = arith.index_cast %rem3A_227 : i32 to index
        %get3A_3195 = arith.index_cast %add3A_3193 : i32 to index
        %get3A_3196 = arith.constant 736 : index
        %get3A_3197 = tpu.vector_load %arg8[%get3A_3194, %get3A_3195, %get3A_3196] {strides = array<i32>} : memref<3x32x1024xf32, #tpu.memory_space<vmem>>, vector<1x1x16xf32>,
        %get3A_3198 = vector.shape_cast %get3A_3197 : vector<1x1x16xf32> to vector<16xf32>
        %add3A_3199 = arith.addf %get3A_3198, %get3A_3149 : vector<16xf32>
        %swap3A_3200 = arith.index_cast %rem3A_227 : i32 to index
        %swap3A_3201 = arith.index_cast %add3A_3193 : i32 to index
        %swap3A_3202 = arith.constant 736 : index
        %swap3A_3203 = tpu.vector_load %arg8[%swap3A_3200, %swap3A_3201, %swap3A_3202] {strides = array<i32>} : memref<3x32x1024xf32, #tpu.memory_space<vmem>>, vector<1x1x16xf32>,
        %swap3A_3204 = vector.shape_cast %swap3A_3203 : vector<1x1x16xf32> to vector<16xf32>
        %swap3A_3205 = vector.shape_cast %add3A_3199 : vector<16xf32> to vector<1x1x16xf32>
        tpu.vector_store %arg8[%swap3A_3200, %swap3A_3201, %swap3A_3202], %swap3A_3205 {strides = array<i32>} : memref<3x32x1024xf32, #tpu.memory_space<vmem>>, vector<1x1x16xf32>,
        %get3A_3206 = arith.index_cast %rem3A_227 : i32 to index
        %get3A_3207 = arith.index_cast %scan3A_340 : i32 to index
        %get3A_3208 = arith.constant 752 : index
        %get3A_3209 = tpu.vector_load %arg7[%get3A_3206, %get3A_3207, %get3A_3208] {strides = array<i32>} : memref<3x8x1024xf32, #tpu.memory_space<vmem>>, vector<1x1x16xf32>,
        %get3A_3210 = vector.shape_cast %get3A_3209 : vector<1x1x16xf32> to vector<16xf32>
        %add3A_3211 = arith.constant 0 : i32
        %add3A_3212 = arith.addi %add3A_3211, %scan3A_340 : i32
        %get3A_3213 = arith.index_cast %rem3A_227 : i32 to index
        %get3A_3214 = arith.index_cast %add3A_3212 : i32 to index
        %get3A_3215 = arith.constant 752 : index
        %get3A_3216 = tpu.vector_load %arg8[%get3A_3213, %get3A_3214, %get3A_3215] {strides = array<i32>} : memref<3x32x1024xf32, #tpu.memory_space<vmem>>, vector<1x1x16xf32>,
        %get3A_3217 = vector.shape_cast %get3A_3216 : vector<1x1x16xf32> to vector<16xf32>
        %add3A_3218 = arith.addf %get3A_3217, %get3A_3210 : vector<16xf32>
        %swap3A_3219 = arith.index_cast %rem3A_227 : i32 to index
        %swap3A_3220 = arith.index_cast %add3A_3212 : i32 to index
        %swap3A_3221 = arith.constant 752 : index
        %swap3A_3222 = tpu.vector_load %arg8[%swap3A_3219, %swap3A_3220, %swap3A_3221] {strides = array<i32>} : memref<3x32x1024xf32, #tpu.memory_space<vmem>>, vector<1x1x16xf32>,
        %swap3A_3223 = vector.shape_cast %swap3A_3222 : vector<1x1x16xf32> to vector<16xf32>
        %swap3A_3224 = vector.shape_cast %add3A_3218 : vector<16xf32> to vector<1x1x16xf32>
        tpu.vector_store %arg8[%swap3A_3219, %swap3A_3220, %swap3A_3221], %swap3A_3224 {strides = array<i32>} : memref<3x32x1024xf32, #tpu.memory_space<vmem>>, vector<1x1x16xf32>,
        %add3A_3225 = arith.constant 8 : i32
        %add3A_3226 = arith.addi %add3A_3225, %scan3A_340 : i32
        %get3A_3227 = arith.index_cast %rem3A_227 : i32 to index
        %get3A_3228 = arith.index_cast %add3A_3226 : i32 to index
        %get3A_3229 = arith.constant 752 : index
        %get3A_3230 = tpu.vector_load %arg8[%get3A_3227, %get3A_3228, %get3A_3229] {strides = array<i32>} : memref<3x32x1024xf32, #tpu.memory_space<vmem>>, vector<1x1x16xf32>,
        %get3A_3231 = vector.shape_cast %get3A_3230 : vector<1x1x16xf32> to vector<16xf32>
        %add3A_3232 = arith.addf %get3A_3231, %get3A_3210 : vector<16xf32>
        %swap3A_3233 = arith.index_cast %rem3A_227 : i32 to index
        %swap3A_3234 = arith.index_cast %add3A_3226 : i32 to index
        %swap3A_3235 = arith.constant 752 : index
        %swap3A_3236 = tpu.vector_load %arg8[%swap3A_3233, %swap3A_3234, %swap3A_3235] {strides = array<i32>} : memref<3x32x1024xf32, #tpu.memory_space<vmem>>, vector<1x1x16xf32>,
        %swap3A_3237 = vector.shape_cast %swap3A_3236 : vector<1x1x16xf32> to vector<16xf32>
        %swap3A_3238 = vector.shape_cast %add3A_3232 : vector<16xf32> to vector<1x1x16xf32>
        tpu.vector_store %arg8[%swap3A_3233, %swap3A_3234, %swap3A_3235], %swap3A_3238 {strides = array<i32>} : memref<3x32x1024xf32, #tpu.memory_space<vmem>>, vector<1x1x16xf32>,
        %add3A_3239 = arith.constant 16 : i32
        %add3A_3240 = arith.addi %add3A_3239, %scan3A_340 : i32
        %get3A_3241 = arith.index_cast %rem3A_227 : i32 to index
        %get3A_3242 = arith.index_cast %add3A_3240 : i32 to index
        %get3A_3243 = arith.constant 752 : index
        %get3A_3244 = tpu.vector_load %arg8[%get3A_3241, %get3A_3242, %get3A_3243] {strides = array<i32>} : memref<3x32x1024xf32, #tpu.memory_space<vmem>>, vector<1x1x16xf32>,
        %get3A_3245 = vector.shape_cast %get3A_3244 : vector<1x1x16xf32> to vector<16xf32>
        %add3A_3246 = arith.addf %get3A_3245, %get3A_3210 : vector<16xf32>
        %swap3A_3247 = arith.index_cast %rem3A_227 : i32 to index
        %swap3A_3248 = arith.index_cast %add3A_3240 : i32 to index
        %swap3A_3249 = arith.constant 752 : index
        %swap3A_3250 = tpu.vector_load %arg8[%swap3A_3247, %swap3A_3248, %swap3A_3249] {strides = array<i32>} : memref<3x32x1024xf32, #tpu.memory_space<vmem>>, vector<1x1x16xf32>,
        %swap3A_3251 = vector.shape_cast %swap3A_3250 : vector<1x1x16xf32> to vector<16xf32>
        %swap3A_3252 = vector.shape_cast %add3A_3246 : vector<16xf32> to vector<1x1x16xf32>
        tpu.vector_store %arg8[%swap3A_3247, %swap3A_3248, %swap3A_3249], %swap3A_3252 {strides = array<i32>} : memref<3x32x1024xf32, #tpu.memory_space<vmem>>, vector<1x1x16xf32>,
        %add3A_3253 = arith.constant 24 : i32
        %add3A_3254 = arith.addi %add3A_3253, %scan3A_340 : i32
        %get3A_3255 = arith.index_cast %rem3A_227 : i32 to index
        %get3A_3256 = arith.index_cast %add3A_3254 : i32 to index
        %get3A_3257 = arith.constant 752 : index
        %get3A_3258 = tpu.vector_load %arg8[%get3A_3255, %get3A_3256, %get3A_3257] {strides = array<i32>} : memref<3x32x1024xf32, #tpu.memory_space<vmem>>, vector<1x1x16xf32>,
        %get3A_3259 = vector.shape_cast %get3A_3258 : vector<1x1x16xf32> to vector<16xf32>
        %add3A_3260 = arith.addf %get3A_3259, %get3A_3210 : vector<16xf32>
        %swap3A_3261 = arith.index_cast %rem3A_227 : i32 to index
        %swap3A_3262 = arith.index_cast %add3A_3254 : i32 to index
        %swap3A_3263 = arith.constant 752 : index
        %swap3A_3264 = tpu.vector_load %arg8[%swap3A_3261, %swap3A_3262, %swap3A_3263] {strides = array<i32>} : memref<3x32x1024xf32, #tpu.memory_space<vmem>>, vector<1x1x16xf32>,
        %swap3A_3265 = vector.shape_cast %swap3A_3264 : vector<1x1x16xf32> to vector<16xf32>
        %swap3A_3266 = vector.shape_cast %add3A_3260 : vector<16xf32> to vector<1x1x16xf32>
        tpu.vector_store %arg8[%swap3A_3261, %swap3A_3262, %swap3A_3263], %swap3A_3266 {strides = array<i32>} : memref<3x32x1024xf32, #tpu.memory_space<vmem>>, vector<1x1x16xf32>,
        %get3A_3267 = arith.index_cast %rem3A_227 : i32 to index
        %get3A_3268 = arith.index_cast %scan3A_340 : i32 to index
        %get3A_3269 = arith.constant 768 : index
        %get3A_3270 = tpu.vector_load %arg7[%get3A_3267, %get3A_3268, %get3A_3269] {strides = array<i32>} : memref<3x8x1024xf32, #tpu.memory_space<vmem>>, vector<1x1x16xf32>,
        %get3A_3271 = vector.shape_cast %get3A_3270 : vector<1x1x16xf32> to vector<16xf32>
        %add3A_3272 = arith.constant 0 : i32
        %add3A_3273 = arith.addi %add3A_3272, %scan3A_340 : i32
        %get3A_3274 = arith.index_cast %rem3A_227 : i32 to index
        %get3A_3275 = arith.index_cast %add3A_3273 : i32 to index
        %get3A_3276 = arith.constant 768 : index
        %get3A_3277 = tpu.vector_load %arg8[%get3A_3274, %get3A_3275, %get3A_3276] {strides = array<i32>} : memref<3x32x1024xf32, #tpu.memory_space<vmem>>, vector<1x1x16xf32>,
        %get3A_3278 = vector.shape_cast %get3A_3277 : vector<1x1x16xf32> to vector<16xf32>
        %add3A_3279 = arith.addf %get3A_3278, %get3A_3271 : vector<16xf32>
        %swap3A_3280 = arith.index_cast %rem3A_227 : i32 to index
        %swap3A_3281 = arith.index_cast %add3A_3273 : i32 to index
        %swap3A_3282 = arith.constant 768 : index
        %swap3A_3283 = tpu.vector_load %arg8[%swap3A_3280, %swap3A_3281, %swap3A_3282] {strides = array<i32>} : memref<3x32x1024xf32, #tpu.memory_space<vmem>>, vector<1x1x16xf32>,
        %swap3A_3284 = vector.shape_cast %swap3A_3283 : vector<1x1x16xf32> to vector<16xf32>
        %swap3A_3285 = vector.shape_cast %add3A_3279 : vector<16xf32> to vector<1x1x16xf32>
        tpu.vector_store %arg8[%swap3A_3280, %swap3A_3281, %swap3A_3282], %swap3A_3285 {strides = array<i32>} : memref<3x32x1024xf32, #tpu.memory_space<vmem>>, vector<1x1x16xf32>,
        %add3A_3286 = arith.constant 8 : i32
        %add3A_3287 = arith.addi %add3A_3286, %scan3A_340 : i32
        %get3A_3288 = arith.index_cast %rem3A_227 : i32 to index
        %get3A_3289 = arith.index_cast %add3A_3287 : i32 to index
        %get3A_3290 = arith.constant 768 : index
        %get3A_3291 = tpu.vector_load %arg8[%get3A_3288, %get3A_3289, %get3A_3290] {strides = array<i32>} : memref<3x32x1024xf32, #tpu.memory_space<vmem>>, vector<1x1x16xf32>,
        %get3A_3292 = vector.shape_cast %get3A_3291 : vector<1x1x16xf32> to vector<16xf32>
        %add3A_3293 = arith.addf %get3A_3292, %get3A_3271 : vector<16xf32>
        %swap3A_3294 = arith.index_cast %rem3A_227 : i32 to index
        %swap3A_3295 = arith.index_cast %add3A_3287 : i32 to index
        %swap3A_3296 = arith.constant 768 : index
        %swap3A_3297 = tpu.vector_load %arg8[%swap3A_3294, %swap3A_3295, %swap3A_3296] {strides = array<i32>} : memref<3x32x1024xf32, #tpu.memory_space<vmem>>, vector<1x1x16xf32>,
        %swap3A_3298 = vector.shape_cast %swap3A_3297 : vector<1x1x16xf32> to vector<16xf32>
        %swap3A_3299 = vector.shape_cast %add3A_3293 : vector<16xf32> to vector<1x1x16xf32>
        tpu.vector_store %arg8[%swap3A_3294, %swap3A_3295, %swap3A_3296], %swap3A_3299 {strides = array<i32>} : memref<3x32x1024xf32, #tpu.memory_space<vmem>>, vector<1x1x16xf32>,
        %add3A_3300 = arith.constant 16 : i32
        %add3A_3301 = arith.addi %add3A_3300, %scan3A_340 : i32
        %get3A_3302 = arith.index_cast %rem3A_227 : i32 to index
        %get3A_3303 = arith.index_cast %add3A_3301 : i32 to index
        %get3A_3304 = arith.constant 768 : index
        %get3A_3305 = tpu.vector_load %arg8[%get3A_3302, %get3A_3303, %get3A_3304] {strides = array<i32>} : memref<3x32x1024xf32, #tpu.memory_space<vmem>>, vector<1x1x16xf32>,
        %get3A_3306 = vector.shape_cast %get3A_3305 : vector<1x1x16xf32> to vector<16xf32>
        %add3A_3307 = arith.addf %get3A_3306, %get3A_3271 : vector<16xf32>
        %swap3A_3308 = arith.index_cast %rem3A_227 : i32 to index
        %swap3A_3309 = arith.index_cast %add3A_3301 : i32 to index
        %swap3A_3310 = arith.constant 768 : index
        %swap3A_3311 = tpu.vector_load %arg8[%swap3A_3308, %swap3A_3309, %swap3A_3310] {strides = array<i32>} : memref<3x32x1024xf32, #tpu.memory_space<vmem>>, vector<1x1x16xf32>,
        %swap3A_3312 = vector.shape_cast %swap3A_3311 : vector<1x1x16xf32> to vector<16xf32>
        %swap3A_3313 = vector.shape_cast %add3A_3307 : vector<16xf32> to vector<1x1x16xf32>
        tpu.vector_store %arg8[%swap3A_3308, %swap3A_3309, %swap3A_3310], %swap3A_3313 {strides = array<i32>} : memref<3x32x1024xf32, #tpu.memory_space<vmem>>, vector<1x1x16xf32>,
        %add3A_3314 = arith.constant 24 : i32
        %add3A_3315 = arith.addi %add3A_3314, %scan3A_340 : i32
        %get3A_3316 = arith.index_cast %rem3A_227 : i32 to index
        %get3A_3317 = arith.index_cast %add3A_3315 : i32 to index
        %get3A_3318 = arith.constant 768 : index
        %get3A_3319 = tpu.vector_load %arg8[%get3A_3316, %get3A_3317, %get3A_3318] {strides = array<i32>} : memref<3x32x1024xf32, #tpu.memory_space<vmem>>, vector<1x1x16xf32>,
        %get3A_3320 = vector.shape_cast %get3A_3319 : vector<1x1x16xf32> to vector<16xf32>
        %add3A_3321 = arith.addf %get3A_3320, %get3A_3271 : vector<16xf32>
        %swap3A_3322 = arith.index_cast %rem3A_227 : i32 to index
        %swap3A_3323 = arith.index_cast %add3A_3315 : i32 to index
        %swap3A_3324 = arith.constant 768 : index
        %swap3A_3325 = tpu.vector_load %arg8[%swap3A_3322, %swap3A_3323, %swap3A_3324] {strides = array<i32>} : memref<3x32x1024xf32, #tpu.memory_space<vmem>>, vector<1x1x16xf32>,
        %swap3A_3326 = vector.shape_cast %swap3A_3325 : vector<1x1x16xf32> to vector<16xf32>
        %swap3A_3327 = vector.shape_cast %add3A_3321 : vector<16xf32> to vector<1x1x16xf32>
        tpu.vector_store %arg8[%swap3A_3322, %swap3A_3323, %swap3A_3324], %swap3A_3327 {strides = array<i32>} : memref<3x32x1024xf32, #tpu.memory_space<vmem>>, vector<1x1x16xf32>,
        %get3A_3328 = arith.index_cast %rem3A_227 : i32 to index
        %get3A_3329 = arith.index_cast %scan3A_340 : i32 to index
        %get3A_3330 = arith.constant 784 : index
        %get3A_3331 = tpu.vector_load %arg7[%get3A_3328, %get3A_3329, %get3A_3330] {strides = array<i32>} : memref<3x8x1024xf32, #tpu.memory_space<vmem>>, vector<1x1x16xf32>,
        %get3A_3332 = vector.shape_cast %get3A_3331 : vector<1x1x16xf32> to vector<16xf32>
        %add3A_3333 = arith.constant 0 : i32
        %add3A_3334 = arith.addi %add3A_3333, %scan3A_340 : i32
        %get3A_3335 = arith.index_cast %rem3A_227 : i32 to index
        %get3A_3336 = arith.index_cast %add3A_3334 : i32 to index
        %get3A_3337 = arith.constant 784 : index
        %get3A_3338 = tpu.vector_load %arg8[%get3A_3335, %get3A_3336, %get3A_3337] {strides = array<i32>} : memref<3x32x1024xf32, #tpu.memory_space<vmem>>, vector<1x1x16xf32>,
        %get3A_3339 = vector.shape_cast %get3A_3338 : vector<1x1x16xf32> to vector<16xf32>
        %add3A_3340 = arith.addf %get3A_3339, %get3A_3332 : vector<16xf32>
        %swap3A_3341 = arith.index_cast %rem3A_227 : i32 to index
        %swap3A_3342 = arith.index_cast %add3A_3334 : i32 to index
        %swap3A_3343 = arith.constant 784 : index
        %swap3A_3344 = tpu.vector_load %arg8[%swap3A_3341, %swap3A_3342, %swap3A_3343] {strides = array<i32>} : memref<3x32x1024xf32, #tpu.memory_space<vmem>>, vector<1x1x16xf32>,
        %swap3A_3345 = vector.shape_cast %swap3A_3344 : vector<1x1x16xf32> to vector<16xf32>
        %swap3A_3346 = vector.shape_cast %add3A_3340 : vector<16xf32> to vector<1x1x16xf32>
        tpu.vector_store %arg8[%swap3A_3341, %swap3A_3342, %swap3A_3343], %swap3A_3346 {strides = array<i32>} : memref<3x32x1024xf32, #tpu.memory_space<vmem>>, vector<1x1x16xf32>,
        %add3A_3347 = arith.constant 8 : i32
        %add3A_3348 = arith.addi %add3A_3347, %scan3A_340 : i32
        %get3A_3349 = arith.index_cast %rem3A_227 : i32 to index
        %get3A_3350 = arith.index_cast %add3A_3348 : i32 to index
        %get3A_3351 = arith.constant 784 : index
        %get3A_3352 = tpu.vector_load %arg8[%get3A_3349, %get3A_3350, %get3A_3351] {strides = array<i32>} : memref<3x32x1024xf32, #tpu.memory_space<vmem>>, vector<1x1x16xf32>,
        %get3A_3353 = vector.shape_cast %get3A_3352 : vector<1x1x16xf32> to vector<16xf32>
        %add3A_3354 = arith.addf %get3A_3353, %get3A_3332 : vector<16xf32>
        %swap3A_3355 = arith.index_cast %rem3A_227 : i32 to index
        %swap3A_3356 = arith.index_cast %add3A_3348 : i32 to index
        %swap3A_3357 = arith.constant 784 : index
        %swap3A_3358 = tpu.vector_load %arg8[%swap3A_3355, %swap3A_3356, %swap3A_3357] {strides = array<i32>} : memref<3x32x1024xf32, #tpu.memory_space<vmem>>, vector<1x1x16xf32>,
        %swap3A_3359 = vector.shape_cast %swap3A_3358 : vector<1x1x16xf32> to vector<16xf32>
        %swap3A_3360 = vector.shape_cast %add3A_3354 : vector<16xf32> to vector<1x1x16xf32>
        tpu.vector_store %arg8[%swap3A_3355, %swap3A_3356, %swap3A_3357], %swap3A_3360 {strides = array<i32>} : memref<3x32x1024xf32, #tpu.memory_space<vmem>>, vector<1x1x16xf32>,
        %add3A_3361 = arith.constant 16 : i32
        %add3A_3362 = arith.addi %add3A_3361, %scan3A_340 : i32
        %get3A_3363 = arith.index_cast %rem3A_227 : i32 to index
        %get3A_3364 = arith.index_cast %add3A_3362 : i32 to index
        %get3A_3365 = arith.constant 784 : index
        %get3A_3366 = tpu.vector_load %arg8[%get3A_3363, %get3A_3364, %get3A_3365] {strides = array<i32>} : memref<3x32x1024xf32, #tpu.memory_space<vmem>>, vector<1x1x16xf32>,
        %get3A_3367 = vector.shape_cast %get3A_3366 : vector<1x1x16xf32> to vector<16xf32>
        %add3A_3368 = arith.addf %get3A_3367, %get3A_3332 : vector<16xf32>
        %swap3A_3369 = arith.index_cast %rem3A_227 : i32 to index
        %swap3A_3370 = arith.index_cast %add3A_3362 : i32 to index
        %swap3A_3371 = arith.constant 784 : index
        %swap3A_3372 = tpu.vector_load %arg8[%swap3A_3369, %swap3A_3370, %swap3A_3371] {strides = array<i32>} : memref<3x32x1024xf32, #tpu.memory_space<vmem>>, vector<1x1x16xf32>,
        %swap3A_3373 = vector.shape_cast %swap3A_3372 : vector<1x1x16xf32> to vector<16xf32>
        %swap3A_3374 = vector.shape_cast %add3A_3368 : vector<16xf32> to vector<1x1x16xf32>
        tpu.vector_store %arg8[%swap3A_3369, %swap3A_3370, %swap3A_3371], %swap3A_3374 {strides = array<i32>} : memref<3x32x1024xf32, #tpu.memory_space<vmem>>, vector<1x1x16xf32>,
        %add3A_3375 = arith.constant 24 : i32
        %add3A_3376 = arith.addi %add3A_3375, %scan3A_340 : i32
        %get3A_3377 = arith.index_cast %rem3A_227 : i32 to index
        %get3A_3378 = arith.index_cast %add3A_3376 : i32 to index
        %get3A_3379 = arith.constant 784 : index
        %get3A_3380 = tpu.vector_load %arg8[%get3A_3377, %get3A_3378, %get3A_3379] {strides = array<i32>} : memref<3x32x1024xf32, #tpu.memory_space<vmem>>, vector<1x1x16xf32>,
        %get3A_3381 = vector.shape_cast %get3A_3380 : vector<1x1x16xf32> to vector<16xf32>
        %add3A_3382 = arith.addf %get3A_3381, %get3A_3332 : vector<16xf32>
        %swap3A_3383 = arith.index_cast %rem3A_227 : i32 to index
        %swap3A_3384 = arith.index_cast %add3A_3376 : i32 to index
        %swap3A_3385 = arith.constant 784 : index
        %swap3A_3386 = tpu.vector_load %arg8[%swap3A_3383, %swap3A_3384, %swap3A_3385] {strides = array<i32>} : memref<3x32x1024xf32, #tpu.memory_space<vmem>>, vector<1x1x16xf32>,
        %swap3A_3387 = vector.shape_cast %swap3A_3386 : vector<1x1x16xf32> to vector<16xf32>
        %swap3A_3388 = vector.shape_cast %add3A_3382 : vector<16xf32> to vector<1x1x16xf32>
        tpu.vector_store %arg8[%swap3A_3383, %swap3A_3384, %swap3A_3385], %swap3A_3388 {strides = array<i32>} : memref<3x32x1024xf32, #tpu.memory_space<vmem>>, vector<1x1x16xf32>,
        %get3A_3389 = arith.index_cast %rem3A_227 : i32 to index
        %get3A_3390 = arith.index_cast %scan3A_340 : i32 to index
        %get3A_3391 = arith.constant 800 : index
        %get3A_3392 = tpu.vector_load %arg7[%get3A_3389, %get3A_3390, %get3A_3391] {strides = array<i32>} : memref<3x8x1024xf32, #tpu.memory_space<vmem>>, vector<1x1x16xf32>,
        %get3A_3393 = vector.shape_cast %get3A_3392 : vector<1x1x16xf32> to vector<16xf32>
        %add3A_3394 = arith.constant 0 : i32
        %add3A_3395 = arith.addi %add3A_3394, %scan3A_340 : i32
        %get3A_3396 = arith.index_cast %rem3A_227 : i32 to index
        %get3A_3397 = arith.index_cast %add3A_3395 : i32 to index
        %get3A_3398 = arith.constant 800 : index
        %get3A_3399 = tpu.vector_load %arg8[%get3A_3396, %get3A_3397, %get3A_3398] {strides = array<i32>} : memref<3x32x1024xf32, #tpu.memory_space<vmem>>, vector<1x1x16xf32>,
        %get3A_3400 = vector.shape_cast %get3A_3399 : vector<1x1x16xf32> to vector<16xf32>
        %add3A_3401 = arith.addf %get3A_3400, %get3A_3393 : vector<16xf32>
        %swap3A_3402 = arith.index_cast %rem3A_227 : i32 to index
        %swap3A_3403 = arith.index_cast %add3A_3395 : i32 to index
        %swap3A_3404 = arith.constant 800 : index
        %swap3A_3405 = tpu.vector_load %arg8[%swap3A_3402, %swap3A_3403, %swap3A_3404] {strides = array<i32>} : memref<3x32x1024xf32, #tpu.memory_space<vmem>>, vector<1x1x16xf32>,
        %swap3A_3406 = vector.shape_cast %swap3A_3405 : vector<1x1x16xf32> to vector<16xf32>
        %swap3A_3407 = vector.shape_cast %add3A_3401 : vector<16xf32> to vector<1x1x16xf32>
        tpu.vector_store %arg8[%swap3A_3402, %swap3A_3403, %swap3A_3404], %swap3A_3407 {strides = array<i32>} : memref<3x32x1024xf32, #tpu.memory_space<vmem>>, vector<1x1x16xf32>,
        %add3A_3408 = arith.constant 8 : i32
        %add3A_3409 = arith.addi %add3A_3408, %scan3A_340 : i32
        %get3A_3410 = arith.index_cast %rem3A_227 : i32 to index
        %get3A_3411 = arith.index_cast %add3A_3409 : i32 to index
        %get3A_3412 = arith.constant 800 : index
        %get3A_3413 = tpu.vector_load %arg8[%get3A_3410, %get3A_3411, %get3A_3412] {strides = array<i32>} : memref<3x32x1024xf32, #tpu.memory_space<vmem>>, vector<1x1x16xf32>,
        %get3A_3414 = vector.shape_cast %get3A_3413 : vector<1x1x16xf32> to vector<16xf32>
        %add3A_3415 = arith.addf %get3A_3414, %get3A_3393 : vector<16xf32>
        %swap3A_3416 = arith.index_cast %rem3A_227 : i32 to index
        %swap3A_3417 = arith.index_cast %add3A_3409 : i32 to index
        %swap3A_3418 = arith.constant 800 : index
        %swap3A_3419 = tpu.vector_load %arg8[%swap3A_3416, %swap3A_3417, %swap3A_3418] {strides = array<i32>} : memref<3x32x1024xf32, #tpu.memory_space<vmem>>, vector<1x1x16xf32>,
        %swap3A_3420 = vector.shape_cast %swap3A_3419 : vector<1x1x16xf32> to vector<16xf32>
        %swap3A_3421 = vector.shape_cast %add3A_3415 : vector<16xf32> to vector<1x1x16xf32>
        tpu.vector_store %arg8[%swap3A_3416, %swap3A_3417, %swap3A_3418], %swap3A_3421 {strides = array<i32>} : memref<3x32x1024xf32, #tpu.memory_space<vmem>>, vector<1x1x16xf32>,
        %add3A_3422 = arith.constant 16 : i32
        %add3A_3423 = arith.addi %add3A_3422, %scan3A_340 : i32
        %get3A_3424 = arith.index_cast %rem3A_227 : i32 to index
        %get3A_3425 = arith.index_cast %add3A_3423 : i32 to index
        %get3A_3426 = arith.constant 800 : index
        %get3A_3427 = tpu.vector_load %arg8[%get3A_3424, %get3A_3425, %get3A_3426] {strides = array<i32>} : memref<3x32x1024xf32, #tpu.memory_space<vmem>>, vector<1x1x16xf32>,
        %get3A_3428 = vector.shape_cast %get3A_3427 : vector<1x1x16xf32> to vector<16xf32>
        %add3A_3429 = arith.addf %get3A_3428, %get3A_3393 : vector<16xf32>
        %swap3A_3430 = arith.index_cast %rem3A_227 : i32 to index
        %swap3A_3431 = arith.index_cast %add3A_3423 : i32 to index
        %swap3A_3432 = arith.constant 800 : index
        %swap3A_3433 = tpu.vector_load %arg8[%swap3A_3430, %swap3A_3431, %swap3A_3432] {strides = array<i32>} : memref<3x32x1024xf32, #tpu.memory_space<vmem>>, vector<1x1x16xf32>,
        %swap3A_3434 = vector.shape_cast %swap3A_3433 : vector<1x1x16xf32> to vector<16xf32>
        %swap3A_3435 = vector.shape_cast %add3A_3429 : vector<16xf32> to vector<1x1x16xf32>
        tpu.vector_store %arg8[%swap3A_3430, %swap3A_3431, %swap3A_3432], %swap3A_3435 {strides = array<i32>} : memref<3x32x1024xf32, #tpu.memory_space<vmem>>, vector<1x1x16xf32>,
        %add3A_3436 = arith.constant 24 : i32
        %add3A_3437 = arith.addi %add3A_3436, %scan3A_340 : i32
        %get3A_3438 = arith.index_cast %rem3A_227 : i32 to index
        %get3A_3439 = arith.index_cast %add3A_3437 : i32 to index
        %get3A_3440 = arith.constant 800 : index
        %get3A_3441 = tpu.vector_load %arg8[%get3A_3438, %get3A_3439, %get3A_3440] {strides = array<i32>} : memref<3x32x1024xf32, #tpu.memory_space<vmem>>, vector<1x1x16xf32>,
        %get3A_3442 = vector.shape_cast %get3A_3441 : vector<1x1x16xf32> to vector<16xf32>
        %add3A_3443 = arith.addf %get3A_3442, %get3A_3393 : vector<16xf32>
        %swap3A_3444 = arith.index_cast %rem3A_227 : i32 to index
        %swap3A_3445 = arith.index_cast %add3A_3437 : i32 to index
        %swap3A_3446 = arith.constant 800 : index
        %swap3A_3447 = tpu.vector_load %arg8[%swap3A_3444, %swap3A_3445, %swap3A_3446] {strides = array<i32>} : memref<3x32x1024xf32, #tpu.memory_space<vmem>>, vector<1x1x16xf32>,
        %swap3A_3448 = vector.shape_cast %swap3A_3447 : vector<1x1x16xf32> to vector<16xf32>
        %swap3A_3449 = vector.shape_cast %add3A_3443 : vector<16xf32> to vector<1x1x16xf32>
        tpu.vector_store %arg8[%swap3A_3444, %swap3A_3445, %swap3A_3446], %swap3A_3449 {strides = array<i32>} : memref<3x32x1024xf32, #tpu.memory_space<vmem>>, vector<1x1x16xf32>,
        %get3A_3450 = arith.index_cast %rem3A_227 : i32 to index
        %get3A_3451 = arith.index_cast %scan3A_340 : i32 to index
        %get3A_3452 = arith.constant 816 : index
        %get3A_3453 = tpu.vector_load %arg7[%get3A_3450, %get3A_3451, %get3A_3452] {strides = array<i32>} : memref<3x8x1024xf32, #tpu.memory_space<vmem>>, vector<1x1x16xf32>,
        %get3A_3454 = vector.shape_cast %get3A_3453 : vector<1x1x16xf32> to vector<16xf32>
        %add3A_3455 = arith.constant 0 : i32
        %add3A_3456 = arith.addi %add3A_3455, %scan3A_340 : i32
        %get3A_3457 = arith.index_cast %rem3A_227 : i32 to index
        %get3A_3458 = arith.index_cast %add3A_3456 : i32 to index
        %get3A_3459 = arith.constant 816 : index
        %get3A_3460 = tpu.vector_load %arg8[%get3A_3457, %get3A_3458, %get3A_3459] {strides = array<i32>} : memref<3x32x1024xf32, #tpu.memory_space<vmem>>, vector<1x1x16xf32>,
        %get3A_3461 = vector.shape_cast %get3A_3460 : vector<1x1x16xf32> to vector<16xf32>
        %add3A_3462 = arith.addf %get3A_3461, %get3A_3454 : vector<16xf32>
        %swap3A_3463 = arith.index_cast %rem3A_227 : i32 to index
        %swap3A_3464 = arith.index_cast %add3A_3456 : i32 to index
        %swap3A_3465 = arith.constant 816 : index
        %swap3A_3466 = tpu.vector_load %arg8[%swap3A_3463, %swap3A_3464, %swap3A_3465] {strides = array<i32>} : memref<3x32x1024xf32, #tpu.memory_space<vmem>>, vector<1x1x16xf32>,
        %swap3A_3467 = vector.shape_cast %swap3A_3466 : vector<1x1x16xf32> to vector<16xf32>
        %swap3A_3468 = vector.shape_cast %add3A_3462 : vector<16xf32> to vector<1x1x16xf32>
        tpu.vector_store %arg8[%swap3A_3463, %swap3A_3464, %swap3A_3465], %swap3A_3468 {strides = array<i32>} : memref<3x32x1024xf32, #tpu.memory_space<vmem>>, vector<1x1x16xf32>,
        %add3A_3469 = arith.constant 8 : i32
        %add3A_3470 = arith.addi %add3A_3469, %scan3A_340 : i32
        %get3A_3471 = arith.index_cast %rem3A_227 : i32 to index
        %get3A_3472 = arith.index_cast %add3A_3470 : i32 to index
        %get3A_3473 = arith.constant 816 : index
        %get3A_3474 = tpu.vector_load %arg8[%get3A_3471, %get3A_3472, %get3A_3473] {strides = array<i32>} : memref<3x32x1024xf32, #tpu.memory_space<vmem>>, vector<1x1x16xf32>,
        %get3A_3475 = vector.shape_cast %get3A_3474 : vector<1x1x16xf32> to vector<16xf32>
        %add3A_3476 = arith.addf %get3A_3475, %get3A_3454 : vector<16xf32>
        %swap3A_3477 = arith.index_cast %rem3A_227 : i32 to index
        %swap3A_3478 = arith.index_cast %add3A_3470 : i32 to index
        %swap3A_3479 = arith.constant 816 : index
        %swap3A_3480 = tpu.vector_load %arg8[%swap3A_3477, %swap3A_3478, %swap3A_3479] {strides = array<i32>} : memref<3x32x1024xf32, #tpu.memory_space<vmem>>, vector<1x1x16xf32>,
        %swap3A_3481 = vector.shape_cast %swap3A_3480 : vector<1x1x16xf32> to vector<16xf32>
        %swap3A_3482 = vector.shape_cast %add3A_3476 : vector<16xf32> to vector<1x1x16xf32>
        tpu.vector_store %arg8[%swap3A_3477, %swap3A_3478, %swap3A_3479], %swap3A_3482 {strides = array<i32>} : memref<3x32x1024xf32, #tpu.memory_space<vmem>>, vector<1x1x16xf32>,
        %add3A_3483 = arith.constant 16 : i32
        %add3A_3484 = arith.addi %add3A_3483, %scan3A_340 : i32
        %get3A_3485 = arith.index_cast %rem3A_227 : i32 to index
        %get3A_3486 = arith.index_cast %add3A_3484 : i32 to index
        %get3A_3487 = arith.constant 816 : index
        %get3A_3488 = tpu.vector_load %arg8[%get3A_3485, %get3A_3486, %get3A_3487] {strides = array<i32>} : memref<3x32x1024xf32, #tpu.memory_space<vmem>>, vector<1x1x16xf32>,
        %get3A_3489 = vector.shape_cast %get3A_3488 : vector<1x1x16xf32> to vector<16xf32>
        %add3A_3490 = arith.addf %get3A_3489, %get3A_3454 : vector<16xf32>
        %swap3A_3491 = arith.index_cast %rem3A_227 : i32 to index
        %swap3A_3492 = arith.index_cast %add3A_3484 : i32 to index
        %swap3A_3493 = arith.constant 816 : index
        %swap3A_3494 = tpu.vector_load %arg8[%swap3A_3491, %swap3A_3492, %swap3A_3493] {strides = array<i32>} : memref<3x32x1024xf32, #tpu.memory_space<vmem>>, vector<1x1x16xf32>,
        %swap3A_3495 = vector.shape_cast %swap3A_3494 : vector<1x1x16xf32> to vector<16xf32>
        %swap3A_3496 = vector.shape_cast %add3A_3490 : vector<16xf32> to vector<1x1x16xf32>
        tpu.vector_store %arg8[%swap3A_3491, %swap3A_3492, %swap3A_3493], %swap3A_3496 {strides = array<i32>} : memref<3x32x1024xf32, #tpu.memory_space<vmem>>, vector<1x1x16xf32>,
        %add3A_3497 = arith.constant 24 : i32
        %add3A_3498 = arith.addi %add3A_3497, %scan3A_340 : i32
        %get3A_3499 = arith.index_cast %rem3A_227 : i32 to index
        %get3A_3500 = arith.index_cast %add3A_3498 : i32 to index
        %get3A_3501 = arith.constant 816 : index
        %get3A_3502 = tpu.vector_load %arg8[%get3A_3499, %get3A_3500, %get3A_3501] {strides = array<i32>} : memref<3x32x1024xf32, #tpu.memory_space<vmem>>, vector<1x1x16xf32>,
        %get3A_3503 = vector.shape_cast %get3A_3502 : vector<1x1x16xf32> to vector<16xf32>
        %add3A_3504 = arith.addf %get3A_3503, %get3A_3454 : vector<16xf32>
        %swap3A_3505 = arith.index_cast %rem3A_227 : i32 to index
        %swap3A_3506 = arith.index_cast %add3A_3498 : i32 to index
        %swap3A_3507 = arith.constant 816 : index
        %swap3A_3508 = tpu.vector_load %arg8[%swap3A_3505, %swap3A_3506, %swap3A_3507] {strides = array<i32>} : memref<3x32x1024xf32, #tpu.memory_space<vmem>>, vector<1x1x16xf32>,
        %swap3A_3509 = vector.shape_cast %swap3A_3508 : vector<1x1x16xf32> to vector<16xf32>
        %swap3A_3510 = vector.shape_cast %add3A_3504 : vector<16xf32> to vector<1x1x16xf32>
        tpu.vector_store %arg8[%swap3A_3505, %swap3A_3506, %swap3A_3507], %swap3A_3510 {strides = array<i32>} : memref<3x32x1024xf32, #tpu.memory_space<vmem>>, vector<1x1x16xf32>,
        %get3A_3511 = arith.index_cast %rem3A_227 : i32 to index
        %get3A_3512 = arith.index_cast %scan3A_340 : i32 to index
        %get3A_3513 = arith.constant 832 : index
        %get3A_3514 = tpu.vector_load %arg7[%get3A_3511, %get3A_3512, %get3A_3513] {strides = array<i32>} : memref<3x8x1024xf32, #tpu.memory_space<vmem>>, vector<1x1x16xf32>,
        %get3A_3515 = vector.shape_cast %get3A_3514 : vector<1x1x16xf32> to vector<16xf32>
        %add3A_3516 = arith.constant 0 : i32
        %add3A_3517 = arith.addi %add3A_3516, %scan3A_340 : i32
        %get3A_3518 = arith.index_cast %rem3A_227 : i32 to index
        %get3A_3519 = arith.index_cast %add3A_3517 : i32 to index
        %get3A_3520 = arith.constant 832 : index
        %get3A_3521 = tpu.vector_load %arg8[%get3A_3518, %get3A_3519, %get3A_3520] {strides = array<i32>} : memref<3x32x1024xf32, #tpu.memory_space<vmem>>, vector<1x1x16xf32>,
        %get3A_3522 = vector.shape_cast %get3A_3521 : vector<1x1x16xf32> to vector<16xf32>
        %add3A_3523 = arith.addf %get3A_3522, %get3A_3515 : vector<16xf32>
        %swap3A_3524 = arith.index_cast %rem3A_227 : i32 to index
        %swap3A_3525 = arith.index_cast %add3A_3517 : i32 to index
        %swap3A_3526 = arith.constant 832 : index
        %swap3A_3527 = tpu.vector_load %arg8[%swap3A_3524, %swap3A_3525, %swap3A_3526] {strides = array<i32>} : memref<3x32x1024xf32, #tpu.memory_space<vmem>>, vector<1x1x16xf32>,
        %swap3A_3528 = vector.shape_cast %swap3A_3527 : vector<1x1x16xf32> to vector<16xf32>
        %swap3A_3529 = vector.shape_cast %add3A_3523 : vector<16xf32> to vector<1x1x16xf32>
        tpu.vector_store %arg8[%swap3A_3524, %swap3A_3525, %swap3A_3526], %swap3A_3529 {strides = array<i32>} : memref<3x32x1024xf32, #tpu.memory_space<vmem>>, vector<1x1x16xf32>,
        %add3A_3530 = arith.constant 8 : i32
        %add3A_3531 = arith.addi %add3A_3530, %scan3A_340 : i32
        %get3A_3532 = arith.index_cast %rem3A_227 : i32 to index
        %get3A_3533 = arith.index_cast %add3A_3531 : i32 to index
        %get3A_3534 = arith.constant 832 : index
        %get3A_3535 = tpu.vector_load %arg8[%get3A_3532, %get3A_3533, %get3A_3534] {strides = array<i32>} : memref<3x32x1024xf32, #tpu.memory_space<vmem>>, vector<1x1x16xf32>,
        %get3A_3536 = vector.shape_cast %get3A_3535 : vector<1x1x16xf32> to vector<16xf32>
        %add3A_3537 = arith.addf %get3A_3536, %get3A_3515 : vector<16xf32>
        %swap3A_3538 = arith.index_cast %rem3A_227 : i32 to index
        %swap3A_3539 = arith.index_cast %add3A_3531 : i32 to index
        %swap3A_3540 = arith.constant 832 : index
        %swap3A_3541 = tpu.vector_load %arg8[%swap3A_3538, %swap3A_3539, %swap3A_3540] {strides = array<i32>} : memref<3x32x1024xf32, #tpu.memory_space<vmem>>, vector<1x1x16xf32>,
        %swap3A_3542 = vector.shape_cast %swap3A_3541 : vector<1x1x16xf32> to vector<16xf32>
        %swap3A_3543 = vector.shape_cast %add3A_3537 : vector<16xf32> to vector<1x1x16xf32>
        tpu.vector_store %arg8[%swap3A_3538, %swap3A_3539, %swap3A_3540], %swap3A_3543 {strides = array<i32>} : memref<3x32x1024xf32, #tpu.memory_space<vmem>>, vector<1x1x16xf32>,
        %add3A_3544 = arith.constant 16 : i32
        %add3A_3545 = arith.addi %add3A_3544, %scan3A_340 : i32
        %get3A_3546 = arith.index_cast %rem3A_227 : i32 to index
        %get3A_3547 = arith.index_cast %add3A_3545 : i32 to index
        %get3A_3548 = arith.constant 832 : index
        %get3A_3549 = tpu.vector_load %arg8[%get3A_3546, %get3A_3547, %get3A_3548] {strides = array<i32>} : memref<3x32x1024xf32, #tpu.memory_space<vmem>>, vector<1x1x16xf32>,
        %get3A_3550 = vector.shape_cast %get3A_3549 : vector<1x1x16xf32> to vector<16xf32>
        %add3A_3551 = arith.addf %get3A_3550, %get3A_3515 : vector<16xf32>
        %swap3A_3552 = arith.index_cast %rem3A_227 : i32 to index
        %swap3A_3553 = arith.index_cast %add3A_3545 : i32 to index
        %swap3A_3554 = arith.constant 832 : index
        %swap3A_3555 = tpu.vector_load %arg8[%swap3A_3552, %swap3A_3553, %swap3A_3554] {strides = array<i32>} : memref<3x32x1024xf32, #tpu.memory_space<vmem>>, vector<1x1x16xf32>,
        %swap3A_3556 = vector.shape_cast %swap3A_3555 : vector<1x1x16xf32> to vector<16xf32>
        %swap3A_3557 = vector.shape_cast %add3A_3551 : vector<16xf32> to vector<1x1x16xf32>
        tpu.vector_store %arg8[%swap3A_3552, %swap3A_3553, %swap3A_3554], %swap3A_3557 {strides = array<i32>} : memref<3x32x1024xf32, #tpu.memory_space<vmem>>, vector<1x1x16xf32>,
        %add3A_3558 = arith.constant 24 : i32
        %add3A_3559 = arith.addi %add3A_3558, %scan3A_340 : i32
        %get3A_3560 = arith.index_cast %rem3A_227 : i32 to index
        %get3A_3561 = arith.index_cast %add3A_3559 : i32 to index
        %get3A_3562 = arith.constant 832 : index
        %get3A_3563 = tpu.vector_load %arg8[%get3A_3560, %get3A_3561, %get3A_3562] {strides = array<i32>} : memref<3x32x1024xf32, #tpu.memory_space<vmem>>, vector<1x1x16xf32>,
        %get3A_3564 = vector.shape_cast %get3A_3563 : vector<1x1x16xf32> to vector<16xf32>
        %add3A_3565 = arith.addf %get3A_3564, %get3A_3515 : vector<16xf32>
        %swap3A_3566 = arith.index_cast %rem3A_227 : i32 to index
        %swap3A_3567 = arith.index_cast %add3A_3559 : i32 to index
        %swap3A_3568 = arith.constant 832 : index
        %swap3A_3569 = tpu.vector_load %arg8[%swap3A_3566, %swap3A_3567, %swap3A_3568] {strides = array<i32>} : memref<3x32x1024xf32, #tpu.memory_space<vmem>>, vector<1x1x16xf32>,
        %swap3A_3570 = vector.shape_cast %swap3A_3569 : vector<1x1x16xf32> to vector<16xf32>
        %swap3A_3571 = vector.shape_cast %add3A_3565 : vector<16xf32> to vector<1x1x16xf32>
        tpu.vector_store %arg8[%swap3A_3566, %swap3A_3567, %swap3A_3568], %swap3A_3571 {strides = array<i32>} : memref<3x32x1024xf32, #tpu.memory_space<vmem>>, vector<1x1x16xf32>,
        %get3A_3572 = arith.index_cast %rem3A_227 : i32 to index
        %get3A_3573 = arith.index_cast %scan3A_340 : i32 to index
        %get3A_3574 = arith.constant 848 : index
        %get3A_3575 = tpu.vector_load %arg7[%get3A_3572, %get3A_3573, %get3A_3574] {strides = array<i32>} : memref<3x8x1024xf32, #tpu.memory_space<vmem>>, vector<1x1x16xf32>,
        %get3A_3576 = vector.shape_cast %get3A_3575 : vector<1x1x16xf32> to vector<16xf32>
        %add3A_3577 = arith.constant 0 : i32
        %add3A_3578 = arith.addi %add3A_3577, %scan3A_340 : i32
        %get3A_3579 = arith.index_cast %rem3A_227 : i32 to index
        %get3A_3580 = arith.index_cast %add3A_3578 : i32 to index
        %get3A_3581 = arith.constant 848 : index
        %get3A_3582 = tpu.vector_load %arg8[%get3A_3579, %get3A_3580, %get3A_3581] {strides = array<i32>} : memref<3x32x1024xf32, #tpu.memory_space<vmem>>, vector<1x1x16xf32>,
        %get3A_3583 = vector.shape_cast %get3A_3582 : vector<1x1x16xf32> to vector<16xf32>
        %add3A_3584 = arith.addf %get3A_3583, %get3A_3576 : vector<16xf32>
        %swap3A_3585 = arith.index_cast %rem3A_227 : i32 to index
        %swap3A_3586 = arith.index_cast %add3A_3578 : i32 to index
        %swap3A_3587 = arith.constant 848 : index
        %swap3A_3588 = tpu.vector_load %arg8[%swap3A_3585, %swap3A_3586, %swap3A_3587] {strides = array<i32>} : memref<3x32x1024xf32, #tpu.memory_space<vmem>>, vector<1x1x16xf32>,
        %swap3A_3589 = vector.shape_cast %swap3A_3588 : vector<1x1x16xf32> to vector<16xf32>
        %swap3A_3590 = vector.shape_cast %add3A_3584 : vector<16xf32> to vector<1x1x16xf32>
        tpu.vector_store %arg8[%swap3A_3585, %swap3A_3586, %swap3A_3587], %swap3A_3590 {strides = array<i32>} : memref<3x32x1024xf32, #tpu.memory_space<vmem>>, vector<1x1x16xf32>,
        %add3A_3591 = arith.constant 8 : i32
        %add3A_3592 = arith.addi %add3A_3591, %scan3A_340 : i32
        %get3A_3593 = arith.index_cast %rem3A_227 : i32 to index
        %get3A_3594 = arith.index_cast %add3A_3592 : i32 to index
        %get3A_3595 = arith.constant 848 : index
        %get3A_3596 = tpu.vector_load %arg8[%get3A_3593, %get3A_3594, %get3A_3595] {strides = array<i32>} : memref<3x32x1024xf32, #tpu.memory_space<vmem>>, vector<1x1x16xf32>,
        %get3A_3597 = vector.shape_cast %get3A_3596 : vector<1x1x16xf32> to vector<16xf32>
        %add3A_3598 = arith.addf %get3A_3597, %get3A_3576 : vector<16xf32>
        %swap3A_3599 = arith.index_cast %rem3A_227 : i32 to index
        %swap3A_3600 = arith.index_cast %add3A_3592 : i32 to index
        %swap3A_3601 = arith.constant 848 : index
        %swap3A_3602 = tpu.vector_load %arg8[%swap3A_3599, %swap3A_3600, %swap3A_3601] {strides = array<i32>} : memref<3x32x1024xf32, #tpu.memory_space<vmem>>, vector<1x1x16xf32>,
        %swap3A_3603 = vector.shape_cast %swap3A_3602 : vector<1x1x16xf32> to vector<16xf32>
        %swap3A_3604 = vector.shape_cast %add3A_3598 : vector<16xf32> to vector<1x1x16xf32>
        tpu.vector_store %arg8[%swap3A_3599, %swap3A_3600, %swap3A_3601], %swap3A_3604 {strides = array<i32>} : memref<3x32x1024xf32, #tpu.memory_space<vmem>>, vector<1x1x16xf32>,
        %add3A_3605 = arith.constant 16 : i32
        %add3A_3606 = arith.addi %add3A_3605, %scan3A_340 : i32
        %get3A_3607 = arith.index_cast %rem3A_227 : i32 to index
        %get3A_3608 = arith.index_cast %add3A_3606 : i32 to index
        %get3A_3609 = arith.constant 848 : index
        %get3A_3610 = tpu.vector_load %arg8[%get3A_3607, %get3A_3608, %get3A_3609] {strides = array<i32>} : memref<3x32x1024xf32, #tpu.memory_space<vmem>>, vector<1x1x16xf32>,
        %get3A_3611 = vector.shape_cast %get3A_3610 : vector<1x1x16xf32> to vector<16xf32>
        %add3A_3612 = arith.addf %get3A_3611, %get3A_3576 : vector<16xf32>
        %swap3A_3613 = arith.index_cast %rem3A_227 : i32 to index
        %swap3A_3614 = arith.index_cast %add3A_3606 : i32 to index
        %swap3A_3615 = arith.constant 848 : index
        %swap3A_3616 = tpu.vector_load %arg8[%swap3A_3613, %swap3A_3614, %swap3A_3615] {strides = array<i32>} : memref<3x32x1024xf32, #tpu.memory_space<vmem>>, vector<1x1x16xf32>,
        %swap3A_3617 = vector.shape_cast %swap3A_3616 : vector<1x1x16xf32> to vector<16xf32>
        %swap3A_3618 = vector.shape_cast %add3A_3612 : vector<16xf32> to vector<1x1x16xf32>
        tpu.vector_store %arg8[%swap3A_3613, %swap3A_3614, %swap3A_3615], %swap3A_3618 {strides = array<i32>} : memref<3x32x1024xf32, #tpu.memory_space<vmem>>, vector<1x1x16xf32>,
        %add3A_3619 = arith.constant 24 : i32
        %add3A_3620 = arith.addi %add3A_3619, %scan3A_340 : i32
        %get3A_3621 = arith.index_cast %rem3A_227 : i32 to index
        %get3A_3622 = arith.index_cast %add3A_3620 : i32 to index
        %get3A_3623 = arith.constant 848 : index
        %get3A_3624 = tpu.vector_load %arg8[%get3A_3621, %get3A_3622, %get3A_3623] {strides = array<i32>} : memref<3x32x1024xf32, #tpu.memory_space<vmem>>, vector<1x1x16xf32>,
        %get3A_3625 = vector.shape_cast %get3A_3624 : vector<1x1x16xf32> to vector<16xf32>
        %add3A_3626 = arith.addf %get3A_3625, %get3A_3576 : vector<16xf32>
        %swap3A_3627 = arith.index_cast %rem3A_227 : i32 to index
        %swap3A_3628 = arith.index_cast %add3A_3620 : i32 to index
        %swap3A_3629 = arith.constant 848 : index
        %swap3A_3630 = tpu.vector_load %arg8[%swap3A_3627, %swap3A_3628, %swap3A_3629] {strides = array<i32>} : memref<3x32x1024xf32, #tpu.memory_space<vmem>>, vector<1x1x16xf32>,
        %swap3A_3631 = vector.shape_cast %swap3A_3630 : vector<1x1x16xf32> to vector<16xf32>
        %swap3A_3632 = vector.shape_cast %add3A_3626 : vector<16xf32> to vector<1x1x16xf32>
        tpu.vector_store %arg8[%swap3A_3627, %swap3A_3628, %swap3A_3629], %swap3A_3632 {strides = array<i32>} : memref<3x32x1024xf32, #tpu.memory_space<vmem>>, vector<1x1x16xf32>,
        %get3A_3633 = arith.index_cast %rem3A_227 : i32 to index
        %get3A_3634 = arith.index_cast %scan3A_340 : i32 to index
        %get3A_3635 = arith.constant 864 : index
        %get3A_3636 = tpu.vector_load %arg7[%get3A_3633, %get3A_3634, %get3A_3635] {strides = array<i32>} : memref<3x8x1024xf32, #tpu.memory_space<vmem>>, vector<1x1x16xf32>,
        %get3A_3637 = vector.shape_cast %get3A_3636 : vector<1x1x16xf32> to vector<16xf32>
        %add3A_3638 = arith.constant 0 : i32
        %add3A_3639 = arith.addi %add3A_3638, %scan3A_340 : i32
        %get3A_3640 = arith.index_cast %rem3A_227 : i32 to index
        %get3A_3641 = arith.index_cast %add3A_3639 : i32 to index
        %get3A_3642 = arith.constant 864 : index
        %get3A_3643 = tpu.vector_load %arg8[%get3A_3640, %get3A_3641, %get3A_3642] {strides = array<i32>} : memref<3x32x1024xf32, #tpu.memory_space<vmem>>, vector<1x1x16xf32>,
        %get3A_3644 = vector.shape_cast %get3A_3643 : vector<1x1x16xf32> to vector<16xf32>
        %add3A_3645 = arith.addf %get3A_3644, %get3A_3637 : vector<16xf32>
        %swap3A_3646 = arith.index_cast %rem3A_227 : i32 to index
        %swap3A_3647 = arith.index_cast %add3A_3639 : i32 to index
        %swap3A_3648 = arith.constant 864 : index
        %swap3A_3649 = tpu.vector_load %arg8[%swap3A_3646, %swap3A_3647, %swap3A_3648] {strides = array<i32>} : memref<3x32x1024xf32, #tpu.memory_space<vmem>>, vector<1x1x16xf32>,
        %swap3A_3650 = vector.shape_cast %swap3A_3649 : vector<1x1x16xf32> to vector<16xf32>
        %swap3A_3651 = vector.shape_cast %add3A_3645 : vector<16xf32> to vector<1x1x16xf32>
        tpu.vector_store %arg8[%swap3A_3646, %swap3A_3647, %swap3A_3648], %swap3A_3651 {strides = array<i32>} : memref<3x32x1024xf32, #tpu.memory_space<vmem>>, vector<1x1x16xf32>,
        %add3A_3652 = arith.constant 8 : i32
        %add3A_3653 = arith.addi %add3A_3652, %scan3A_340 : i32
        %get3A_3654 = arith.index_cast %rem3A_227 : i32 to index
        %get3A_3655 = arith.index_cast %add3A_3653 : i32 to index
        %get3A_3656 = arith.constant 864 : index
        %get3A_3657 = tpu.vector_load %arg8[%get3A_3654, %get3A_3655, %get3A_3656] {strides = array<i32>} : memref<3x32x1024xf32, #tpu.memory_space<vmem>>, vector<1x1x16xf32>,
        %get3A_3658 = vector.shape_cast %get3A_3657 : vector<1x1x16xf32> to vector<16xf32>
        %add3A_3659 = arith.addf %get3A_3658, %get3A_3637 : vector<16xf32>
        %swap3A_3660 = arith.index_cast %rem3A_227 : i32 to index
        %swap3A_3661 = arith.index_cast %add3A_3653 : i32 to index
        %swap3A_3662 = arith.constant 864 : index
        %swap3A_3663 = tpu.vector_load %arg8[%swap3A_3660, %swap3A_3661, %swap3A_3662] {strides = array<i32>} : memref<3x32x1024xf32, #tpu.memory_space<vmem>>, vector<1x1x16xf32>,
        %swap3A_3664 = vector.shape_cast %swap3A_3663 : vector<1x1x16xf32> to vector<16xf32>
        %swap3A_3665 = vector.shape_cast %add3A_3659 : vector<16xf32> to vector<1x1x16xf32>
        tpu.vector_store %arg8[%swap3A_3660, %swap3A_3661, %swap3A_3662], %swap3A_3665 {strides = array<i32>} : memref<3x32x1024xf32, #tpu.memory_space<vmem>>, vector<1x1x16xf32>,
        %add3A_3666 = arith.constant 16 : i32
        %add3A_3667 = arith.addi %add3A_3666, %scan3A_340 : i32
        %get3A_3668 = arith.index_cast %rem3A_227 : i32 to index
        %get3A_3669 = arith.index_cast %add3A_3667 : i32 to index
        %get3A_3670 = arith.constant 864 : index
        %get3A_3671 = tpu.vector_load %arg8[%get3A_3668, %get3A_3669, %get3A_3670] {strides = array<i32>} : memref<3x32x1024xf32, #tpu.memory_space<vmem>>, vector<1x1x16xf32>,
        %get3A_3672 = vector.shape_cast %get3A_3671 : vector<1x1x16xf32> to vector<16xf32>
        %add3A_3673 = arith.addf %get3A_3672, %get3A_3637 : vector<16xf32>
        %swap3A_3674 = arith.index_cast %rem3A_227 : i32 to index
        %swap3A_3675 = arith.index_cast %add3A_3667 : i32 to index
        %swap3A_3676 = arith.constant 864 : index
        %swap3A_3677 = tpu.vector_load %arg8[%swap3A_3674, %swap3A_3675, %swap3A_3676] {strides = array<i32>} : memref<3x32x1024xf32, #tpu.memory_space<vmem>>, vector<1x1x16xf32>,
        %swap3A_3678 = vector.shape_cast %swap3A_3677 : vector<1x1x16xf32> to vector<16xf32>
        %swap3A_3679 = vector.shape_cast %add3A_3673 : vector<16xf32> to vector<1x1x16xf32>
        tpu.vector_store %arg8[%swap3A_3674, %swap3A_3675, %swap3A_3676], %swap3A_3679 {strides = array<i32>} : memref<3x32x1024xf32, #tpu.memory_space<vmem>>, vector<1x1x16xf32>,
        %add3A_3680 = arith.constant 24 : i32
        %add3A_3681 = arith.addi %add3A_3680, %scan3A_340 : i32
        %get3A_3682 = arith.index_cast %rem3A_227 : i32 to index
        %get3A_3683 = arith.index_cast %add3A_3681 : i32 to index
        %get3A_3684 = arith.constant 864 : index
        %get3A_3685 = tpu.vector_load %arg8[%get3A_3682, %get3A_3683, %get3A_3684] {strides = array<i32>} : memref<3x32x1024xf32, #tpu.memory_space<vmem>>, vector<1x1x16xf32>,
        %get3A_3686 = vector.shape_cast %get3A_3685 : vector<1x1x16xf32> to vector<16xf32>
        %add3A_3687 = arith.addf %get3A_3686, %get3A_3637 : vector<16xf32>
        %swap3A_3688 = arith.index_cast %rem3A_227 : i32 to index
        %swap3A_3689 = arith.index_cast %add3A_3681 : i32 to index
        %swap3A_3690 = arith.constant 864 : index
        %swap3A_3691 = tpu.vector_load %arg8[%swap3A_3688, %swap3A_3689, %swap3A_3690] {strides = array<i32>} : memref<3x32x1024xf32, #tpu.memory_space<vmem>>, vector<1x1x16xf32>,
        %swap3A_3692 = vector.shape_cast %swap3A_3691 : vector<1x1x16xf32> to vector<16xf32>
        %swap3A_3693 = vector.shape_cast %add3A_3687 : vector<16xf32> to vector<1x1x16xf32>
        tpu.vector_store %arg8[%swap3A_3688, %swap3A_3689, %swap3A_3690], %swap3A_3693 {strides = array<i32>} : memref<3x32x1024xf32, #tpu.memory_space<vmem>>, vector<1x1x16xf32>,
        %get3A_3694 = arith.index_cast %rem3A_227 : i32 to index
        %get3A_3695 = arith.index_cast %scan3A_340 : i32 to index
        %get3A_3696 = arith.constant 880 : index
        %get3A_3697 = tpu.vector_load %arg7[%get3A_3694, %get3A_3695, %get3A_3696] {strides = array<i32>} : memref<3x8x1024xf32, #tpu.memory_space<vmem>>, vector<1x1x16xf32>,
        %get3A_3698 = vector.shape_cast %get3A_3697 : vector<1x1x16xf32> to vector<16xf32>
        %add3A_3699 = arith.constant 0 : i32
        %add3A_3700 = arith.addi %add3A_3699, %scan3A_340 : i32
        %get3A_3701 = arith.index_cast %rem3A_227 : i32 to index
        %get3A_3702 = arith.index_cast %add3A_3700 : i32 to index
        %get3A_3703 = arith.constant 880 : index
        %get3A_3704 = tpu.vector_load %arg8[%get3A_3701, %get3A_3702, %get3A_3703] {strides = array<i32>} : memref<3x32x1024xf32, #tpu.memory_space<vmem>>, vector<1x1x16xf32>,
        %get3A_3705 = vector.shape_cast %get3A_3704 : vector<1x1x16xf32> to vector<16xf32>
        %add3A_3706 = arith.addf %get3A_3705, %get3A_3698 : vector<16xf32>
        %swap3A_3707 = arith.index_cast %rem3A_227 : i32 to index
        %swap3A_3708 = arith.index_cast %add3A_3700 : i32 to index
        %swap3A_3709 = arith.constant 880 : index
        %swap3A_3710 = tpu.vector_load %arg8[%swap3A_3707, %swap3A_3708, %swap3A_3709] {strides = array<i32>} : memref<3x32x1024xf32, #tpu.memory_space<vmem>>, vector<1x1x16xf32>,
        %swap3A_3711 = vector.shape_cast %swap3A_3710 : vector<1x1x16xf32> to vector<16xf32>
        %swap3A_3712 = vector.shape_cast %add3A_3706 : vector<16xf32> to vector<1x1x16xf32>
        tpu.vector_store %arg8[%swap3A_3707, %swap3A_3708, %swap3A_3709], %swap3A_3712 {strides = array<i32>} : memref<3x32x1024xf32, #tpu.memory_space<vmem>>, vector<1x1x16xf32>,
        %add3A_3713 = arith.constant 8 : i32
        %add3A_3714 = arith.addi %add3A_3713, %scan3A_340 : i32
        %get3A_3715 = arith.index_cast %rem3A_227 : i32 to index
        %get3A_3716 = arith.index_cast %add3A_3714 : i32 to index
        %get3A_3717 = arith.constant 880 : index
        %get3A_3718 = tpu.vector_load %arg8[%get3A_3715, %get3A_3716, %get3A_3717] {strides = array<i32>} : memref<3x32x1024xf32, #tpu.memory_space<vmem>>, vector<1x1x16xf32>,
        %get3A_3719 = vector.shape_cast %get3A_3718 : vector<1x1x16xf32> to vector<16xf32>
        %add3A_3720 = arith.addf %get3A_3719, %get3A_3698 : vector<16xf32>
        %swap3A_3721 = arith.index_cast %rem3A_227 : i32 to index
        %swap3A_3722 = arith.index_cast %add3A_3714 : i32 to index
        %swap3A_3723 = arith.constant 880 : index
        %swap3A_3724 = tpu.vector_load %arg8[%swap3A_3721, %swap3A_3722, %swap3A_3723] {strides = array<i32>} : memref<3x32x1024xf32, #tpu.memory_space<vmem>>, vector<1x1x16xf32>,
        %swap3A_3725 = vector.shape_cast %swap3A_3724 : vector<1x1x16xf32> to vector<16xf32>
        %swap3A_3726 = vector.shape_cast %add3A_3720 : vector<16xf32> to vector<1x1x16xf32>
        tpu.vector_store %arg8[%swap3A_3721, %swap3A_3722, %swap3A_3723], %swap3A_3726 {strides = array<i32>} : memref<3x32x1024xf32, #tpu.memory_space<vmem>>, vector<1x1x16xf32>,
        %add3A_3727 = arith.constant 16 : i32
        %add3A_3728 = arith.addi %add3A_3727, %scan3A_340 : i32
        %get3A_3729 = arith.index_cast %rem3A_227 : i32 to index
        %get3A_3730 = arith.index_cast %add3A_3728 : i32 to index
        %get3A_3731 = arith.constant 880 : index
        %get3A_3732 = tpu.vector_load %arg8[%get3A_3729, %get3A_3730, %get3A_3731] {strides = array<i32>} : memref<3x32x1024xf32, #tpu.memory_space<vmem>>, vector<1x1x16xf32>,
        %get3A_3733 = vector.shape_cast %get3A_3732 : vector<1x1x16xf32> to vector<16xf32>
        %add3A_3734 = arith.addf %get3A_3733, %get3A_3698 : vector<16xf32>
        %swap3A_3735 = arith.index_cast %rem3A_227 : i32 to index
        %swap3A_3736 = arith.index_cast %add3A_3728 : i32 to index
        %swap3A_3737 = arith.constant 880 : index
        %swap3A_3738 = tpu.vector_load %arg8[%swap3A_3735, %swap3A_3736, %swap3A_3737] {strides = array<i32>} : memref<3x32x1024xf32, #tpu.memory_space<vmem>>, vector<1x1x16xf32>,
        %swap3A_3739 = vector.shape_cast %swap3A_3738 : vector<1x1x16xf32> to vector<16xf32>
        %swap3A_3740 = vector.shape_cast %add3A_3734 : vector<16xf32> to vector<1x1x16xf32>
        tpu.vector_store %arg8[%swap3A_3735, %swap3A_3736, %swap3A_3737], %swap3A_3740 {strides = array<i32>} : memref<3x32x1024xf32, #tpu.memory_space<vmem>>, vector<1x1x16xf32>,
        %add3A_3741 = arith.constant 24 : i32
        %add3A_3742 = arith.addi %add3A_3741, %scan3A_340 : i32
        %get3A_3743 = arith.index_cast %rem3A_227 : i32 to index
        %get3A_3744 = arith.index_cast %add3A_3742 : i32 to index
        %get3A_3745 = arith.constant 880 : index
        %get3A_3746 = tpu.vector_load %arg8[%get3A_3743, %get3A_3744, %get3A_3745] {strides = array<i32>} : memref<3x32x1024xf32, #tpu.memory_space<vmem>>, vector<1x1x16xf32>,
        %get3A_3747 = vector.shape_cast %get3A_3746 : vector<1x1x16xf32> to vector<16xf32>
        %add3A_3748 = arith.addf %get3A_3747, %get3A_3698 : vector<16xf32>
        %swap3A_3749 = arith.index_cast %rem3A_227 : i32 to index
        %swap3A_3750 = arith.index_cast %add3A_3742 : i32 to index
        %swap3A_3751 = arith.constant 880 : index
        %swap3A_3752 = tpu.vector_load %arg8[%swap3A_3749, %swap3A_3750, %swap3A_3751] {strides = array<i32>} : memref<3x32x1024xf32, #tpu.memory_space<vmem>>, vector<1x1x16xf32>,
        %swap3A_3753 = vector.shape_cast %swap3A_3752 : vector<1x1x16xf32> to vector<16xf32>
        %swap3A_3754 = vector.shape_cast %add3A_3748 : vector<16xf32> to vector<1x1x16xf32>
        tpu.vector_store %arg8[%swap3A_3749, %swap3A_3750, %swap3A_3751], %swap3A_3754 {strides = array<i32>} : memref<3x32x1024xf32, #tpu.memory_space<vmem>>, vector<1x1x16xf32>,
        %get3A_3755 = arith.index_cast %rem3A_227 : i32 to index
        %get3A_3756 = arith.index_cast %scan3A_340 : i32 to index
        %get3A_3757 = arith.constant 896 : index
        %get3A_3758 = tpu.vector_load %arg7[%get3A_3755, %get3A_3756, %get3A_3757] {strides = array<i32>} : memref<3x8x1024xf32, #tpu.memory_space<vmem>>, vector<1x1x16xf32>,
        %get3A_3759 = vector.shape_cast %get3A_3758 : vector<1x1x16xf32> to vector<16xf32>
        %add3A_3760 = arith.constant 0 : i32
        %add3A_3761 = arith.addi %add3A_3760, %scan3A_340 : i32
        %get3A_3762 = arith.index_cast %rem3A_227 : i32 to index
        %get3A_3763 = arith.index_cast %add3A_3761 : i32 to index
        %get3A_3764 = arith.constant 896 : index
        %get3A_3765 = tpu.vector_load %arg8[%get3A_3762, %get3A_3763, %get3A_3764] {strides = array<i32>} : memref<3x32x1024xf32, #tpu.memory_space<vmem>>, vector<1x1x16xf32>,
        %get3A_3766 = vector.shape_cast %get3A_3765 : vector<1x1x16xf32> to vector<16xf32>
        %add3A_3767 = arith.addf %get3A_3766, %get3A_3759 : vector<16xf32>
        %swap3A_3768 = arith.index_cast %rem3A_227 : i32 to index
        %swap3A_3769 = arith.index_cast %add3A_3761 : i32 to index
        %swap3A_3770 = arith.constant 896 : index
        %swap3A_3771 = tpu.vector_load %arg8[%swap3A_3768, %swap3A_3769, %swap3A_3770] {strides = array<i32>} : memref<3x32x1024xf32, #tpu.memory_space<vmem>>, vector<1x1x16xf32>,
        %swap3A_3772 = vector.shape_cast %swap3A_3771 : vector<1x1x16xf32> to vector<16xf32>
        %swap3A_3773 = vector.shape_cast %add3A_3767 : vector<16xf32> to vector<1x1x16xf32>
        tpu.vector_store %arg8[%swap3A_3768, %swap3A_3769, %swap3A_3770], %swap3A_3773 {strides = array<i32>} : memref<3x32x1024xf32, #tpu.memory_space<vmem>>, vector<1x1x16xf32>,
        %add3A_3774 = arith.constant 8 : i32
        %add3A_3775 = arith.addi %add3A_3774, %scan3A_340 : i32
        %get3A_3776 = arith.index_cast %rem3A_227 : i32 to index
        %get3A_3777 = arith.index_cast %add3A_3775 : i32 to index
        %get3A_3778 = arith.constant 896 : index
        %get3A_3779 = tpu.vector_load %arg8[%get3A_3776, %get3A_3777, %get3A_3778] {strides = array<i32>} : memref<3x32x1024xf32, #tpu.memory_space<vmem>>, vector<1x1x16xf32>,
        %get3A_3780 = vector.shape_cast %get3A_3779 : vector<1x1x16xf32> to vector<16xf32>
        %add3A_3781 = arith.addf %get3A_3780, %get3A_3759 : vector<16xf32>
        %swap3A_3782 = arith.index_cast %rem3A_227 : i32 to index
        %swap3A_3783 = arith.index_cast %add3A_3775 : i32 to index
        %swap3A_3784 = arith.constant 896 : index
        %swap3A_3785 = tpu.vector_load %arg8[%swap3A_3782, %swap3A_3783, %swap3A_3784] {strides = array<i32>} : memref<3x32x1024xf32, #tpu.memory_space<vmem>>, vector<1x1x16xf32>,
        %swap3A_3786 = vector.shape_cast %swap3A_3785 : vector<1x1x16xf32> to vector<16xf32>
        %swap3A_3787 = vector.shape_cast %add3A_3781 : vector<16xf32> to vector<1x1x16xf32>
        tpu.vector_store %arg8[%swap3A_3782, %swap3A_3783, %swap3A_3784], %swap3A_3787 {strides = array<i32>} : memref<3x32x1024xf32, #tpu.memory_space<vmem>>, vector<1x1x16xf32>,
        %add3A_3788 = arith.constant 16 : i32
        %add3A_3789 = arith.addi %add3A_3788, %scan3A_340 : i32
        %get3A_3790 = arith.index_cast %rem3A_227 : i32 to index
        %get3A_3791 = arith.index_cast %add3A_3789 : i32 to index
        %get3A_3792 = arith.constant 896 : index
        %get3A_3793 = tpu.vector_load %arg8[%get3A_3790, %get3A_3791, %get3A_3792] {strides = array<i32>} : memref<3x32x1024xf32, #tpu.memory_space<vmem>>, vector<1x1x16xf32>,
        %get3A_3794 = vector.shape_cast %get3A_3793 : vector<1x1x16xf32> to vector<16xf32>
        %add3A_3795 = arith.addf %get3A_3794, %get3A_3759 : vector<16xf32>
        %swap3A_3796 = arith.index_cast %rem3A_227 : i32 to index
        %swap3A_3797 = arith.index_cast %add3A_3789 : i32 to index
        %swap3A_3798 = arith.constant 896 : index
        %swap3A_3799 = tpu.vector_load %arg8[%swap3A_3796, %swap3A_3797, %swap3A_3798] {strides = array<i32>} : memref<3x32x1024xf32, #tpu.memory_space<vmem>>, vector<1x1x16xf32>,
        %swap3A_3800 = vector.shape_cast %swap3A_3799 : vector<1x1x16xf32> to vector<16xf32>
        %swap3A_3801 = vector.shape_cast %add3A_3795 : vector<16xf32> to vector<1x1x16xf32>
        tpu.vector_store %arg8[%swap3A_3796, %swap3A_3797, %swap3A_3798], %swap3A_3801 {strides = array<i32>} : memref<3x32x1024xf32, #tpu.memory_space<vmem>>, vector<1x1x16xf32>,
        %add3A_3802 = arith.constant 24 : i32
        %add3A_3803 = arith.addi %add3A_3802, %scan3A_340 : i32
        %get3A_3804 = arith.index_cast %rem3A_227 : i32 to index
        %get3A_3805 = arith.index_cast %add3A_3803 : i32 to index
        %get3A_3806 = arith.constant 896 : index
        %get3A_3807 = tpu.vector_load %arg8[%get3A_3804, %get3A_3805, %get3A_3806] {strides = array<i32>} : memref<3x32x1024xf32, #tpu.memory_space<vmem>>, vector<1x1x16xf32>,
        %get3A_3808 = vector.shape_cast %get3A_3807 : vector<1x1x16xf32> to vector<16xf32>
        %add3A_3809 = arith.addf %get3A_3808, %get3A_3759 : vector<16xf32>
        %swap3A_3810 = arith.index_cast %rem3A_227 : i32 to index
        %swap3A_3811 = arith.index_cast %add3A_3803 : i32 to index
        %swap3A_3812 = arith.constant 896 : index
        %swap3A_3813 = tpu.vector_load %arg8[%swap3A_3810, %swap3A_3811, %swap3A_3812] {strides = array<i32>} : memref<3x32x1024xf32, #tpu.memory_space<vmem>>, vector<1x1x16xf32>,
        %swap3A_3814 = vector.shape_cast %swap3A_3813 : vector<1x1x16xf32> to vector<16xf32>
        %swap3A_3815 = vector.shape_cast %add3A_3809 : vector<16xf32> to vector<1x1x16xf32>
        tpu.vector_store %arg8[%swap3A_3810, %swap3A_3811, %swap3A_3812], %swap3A_3815 {strides = array<i32>} : memref<3x32x1024xf32, #tpu.memory_space<vmem>>, vector<1x1x16xf32>,
        %get3A_3816 = arith.index_cast %rem3A_227 : i32 to index
        %get3A_3817 = arith.index_cast %scan3A_340 : i32 to index
        %get3A_3818 = arith.constant 912 : index
        %get3A_3819 = tpu.vector_load %arg7[%get3A_3816, %get3A_3817, %get3A_3818] {strides = array<i32>} : memref<3x8x1024xf32, #tpu.memory_space<vmem>>, vector<1x1x16xf32>,
        %get3A_3820 = vector.shape_cast %get3A_3819 : vector<1x1x16xf32> to vector<16xf32>
        %add3A_3821 = arith.constant 0 : i32
        %add3A_3822 = arith.addi %add3A_3821, %scan3A_340 : i32
        %get3A_3823 = arith.index_cast %rem3A_227 : i32 to index
        %get3A_3824 = arith.index_cast %add3A_3822 : i32 to index
        %get3A_3825 = arith.constant 912 : index
        %get3A_3826 = tpu.vector_load %arg8[%get3A_3823, %get3A_3824, %get3A_3825] {strides = array<i32>} : memref<3x32x1024xf32, #tpu.memory_space<vmem>>, vector<1x1x16xf32>,
        %get3A_3827 = vector.shape_cast %get3A_3826 : vector<1x1x16xf32> to vector<16xf32>
        %add3A_3828 = arith.addf %get3A_3827, %get3A_3820 : vector<16xf32>
        %swap3A_3829 = arith.index_cast %rem3A_227 : i32 to index
        %swap3A_3830 = arith.index_cast %add3A_3822 : i32 to index
        %swap3A_3831 = arith.constant 912 : index
        %swap3A_3832 = tpu.vector_load %arg8[%swap3A_3829, %swap3A_3830, %swap3A_3831] {strides = array<i32>} : memref<3x32x1024xf32, #tpu.memory_space<vmem>>, vector<1x1x16xf32>,
        %swap3A_3833 = vector.shape_cast %swap3A_3832 : vector<1x1x16xf32> to vector<16xf32>
        %swap3A_3834 = vector.shape_cast %add3A_3828 : vector<16xf32> to vector<1x1x16xf32>
        tpu.vector_store %arg8[%swap3A_3829, %swap3A_3830, %swap3A_3831], %swap3A_3834 {strides = array<i32>} : memref<3x32x1024xf32, #tpu.memory_space<vmem>>, vector<1x1x16xf32>,
        %add3A_3835 = arith.constant 8 : i32
        %add3A_3836 = arith.addi %add3A_3835, %scan3A_340 : i32
        %get3A_3837 = arith.index_cast %rem3A_227 : i32 to index
        %get3A_3838 = arith.index_cast %add3A_3836 : i32 to index
        %get3A_3839 = arith.constant 912 : index
        %get3A_3840 = tpu.vector_load %arg8[%get3A_3837, %get3A_3838, %get3A_3839] {strides = array<i32>} : memref<3x32x1024xf32, #tpu.memory_space<vmem>>, vector<1x1x16xf32>,
        %get3A_3841 = vector.shape_cast %get3A_3840 : vector<1x1x16xf32> to vector<16xf32>
        %add3A_3842 = arith.addf %get3A_3841, %get3A_3820 : vector<16xf32>
        %swap3A_3843 = arith.index_cast %rem3A_227 : i32 to index
        %swap3A_3844 = arith.index_cast %add3A_3836 : i32 to index
        %swap3A_3845 = arith.constant 912 : index
        %swap3A_3846 = tpu.vector_load %arg8[%swap3A_3843, %swap3A_3844, %swap3A_3845] {strides = array<i32>} : memref<3x32x1024xf32, #tpu.memory_space<vmem>>, vector<1x1x16xf32>,
        %swap3A_3847 = vector.shape_cast %swap3A_3846 : vector<1x1x16xf32> to vector<16xf32>
        %swap3A_3848 = vector.shape_cast %add3A_3842 : vector<16xf32> to vector<1x1x16xf32>
        tpu.vector_store %arg8[%swap3A_3843, %swap3A_3844, %swap3A_3845], %swap3A_3848 {strides = array<i32>} : memref<3x32x1024xf32, #tpu.memory_space<vmem>>, vector<1x1x16xf32>,
        %add3A_3849 = arith.constant 16 : i32
        %add3A_3850 = arith.addi %add3A_3849, %scan3A_340 : i32
        %get3A_3851 = arith.index_cast %rem3A_227 : i32 to index
        %get3A_3852 = arith.index_cast %add3A_3850 : i32 to index
        %get3A_3853 = arith.constant 912 : index
        %get3A_3854 = tpu.vector_load %arg8[%get3A_3851, %get3A_3852, %get3A_3853] {strides = array<i32>} : memref<3x32x1024xf32, #tpu.memory_space<vmem>>, vector<1x1x16xf32>,
        %get3A_3855 = vector.shape_cast %get3A_3854 : vector<1x1x16xf32> to vector<16xf32>
        %add3A_3856 = arith.addf %get3A_3855, %get3A_3820 : vector<16xf32>
        %swap3A_3857 = arith.index_cast %rem3A_227 : i32 to index
        %swap3A_3858 = arith.index_cast %add3A_3850 : i32 to index
        %swap3A_3859 = arith.constant 912 : index
        %swap3A_3860 = tpu.vector_load %arg8[%swap3A_3857, %swap3A_3858, %swap3A_3859] {strides = array<i32>} : memref<3x32x1024xf32, #tpu.memory_space<vmem>>, vector<1x1x16xf32>,
        %swap3A_3861 = vector.shape_cast %swap3A_3860 : vector<1x1x16xf32> to vector<16xf32>
        %swap3A_3862 = vector.shape_cast %add3A_3856 : vector<16xf32> to vector<1x1x16xf32>
        tpu.vector_store %arg8[%swap3A_3857, %swap3A_3858, %swap3A_3859], %swap3A_3862 {strides = array<i32>} : memref<3x32x1024xf32, #tpu.memory_space<vmem>>, vector<1x1x16xf32>,
        %add3A_3863 = arith.constant 24 : i32
        %add3A_3864 = arith.addi %add3A_3863, %scan3A_340 : i32
        %get3A_3865 = arith.index_cast %rem3A_227 : i32 to index
        %get3A_3866 = arith.index_cast %add3A_3864 : i32 to index
        %get3A_3867 = arith.constant 912 : index
        %get3A_3868 = tpu.vector_load %arg8[%get3A_3865, %get3A_3866, %get3A_3867] {strides = array<i32>} : memref<3x32x1024xf32, #tpu.memory_space<vmem>>, vector<1x1x16xf32>,
        %get3A_3869 = vector.shape_cast %get3A_3868 : vector<1x1x16xf32> to vector<16xf32>
        %add3A_3870 = arith.addf %get3A_3869, %get3A_3820 : vector<16xf32>
        %swap3A_3871 = arith.index_cast %rem3A_227 : i32 to index
        %swap3A_3872 = arith.index_cast %add3A_3864 : i32 to index
        %swap3A_3873 = arith.constant 912 : index
        %swap3A_3874 = tpu.vector_load %arg8[%swap3A_3871, %swap3A_3872, %swap3A_3873] {strides = array<i32>} : memref<3x32x1024xf32, #tpu.memory_space<vmem>>, vector<1x1x16xf32>,
        %swap3A_3875 = vector.shape_cast %swap3A_3874 : vector<1x1x16xf32> to vector<16xf32>
        %swap3A_3876 = vector.shape_cast %add3A_3870 : vector<16xf32> to vector<1x1x16xf32>
        tpu.vector_store %arg8[%swap3A_3871, %swap3A_3872, %swap3A_3873], %swap3A_3876 {strides = array<i32>} : memref<3x32x1024xf32, #tpu.memory_space<vmem>>, vector<1x1x16xf32>,
        %get3A_3877 = arith.index_cast %rem3A_227 : i32 to index
        %get3A_3878 = arith.index_cast %scan3A_340 : i32 to index
        %get3A_3879 = arith.constant 928 : index
        %get3A_3880 = tpu.vector_load %arg7[%get3A_3877, %get3A_3878, %get3A_3879] {strides = array<i32>} : memref<3x8x1024xf32, #tpu.memory_space<vmem>>, vector<1x1x16xf32>,
        %get3A_3881 = vector.shape_cast %get3A_3880 : vector<1x1x16xf32> to vector<16xf32>
        %add3A_3882 = arith.constant 0 : i32
        %add3A_3883 = arith.addi %add3A_3882, %scan3A_340 : i32
        %get3A_3884 = arith.index_cast %rem3A_227 : i32 to index
        %get3A_3885 = arith.index_cast %add3A_3883 : i32 to index
        %get3A_3886 = arith.constant 928 : index
        %get3A_3887 = tpu.vector_load %arg8[%get3A_3884, %get3A_3885, %get3A_3886] {strides = array<i32>} : memref<3x32x1024xf32, #tpu.memory_space<vmem>>, vector<1x1x16xf32>,
        %get3A_3888 = vector.shape_cast %get3A_3887 : vector<1x1x16xf32> to vector<16xf32>
        %add3A_3889 = arith.addf %get3A_3888, %get3A_3881 : vector<16xf32>
        %swap3A_3890 = arith.index_cast %rem3A_227 : i32 to index
        %swap3A_3891 = arith.index_cast %add3A_3883 : i32 to index
        %swap3A_3892 = arith.constant 928 : index
        %swap3A_3893 = tpu.vector_load %arg8[%swap3A_3890, %swap3A_3891, %swap3A_3892] {strides = array<i32>} : memref<3x32x1024xf32, #tpu.memory_space<vmem>>, vector<1x1x16xf32>,
        %swap3A_3894 = vector.shape_cast %swap3A_3893 : vector<1x1x16xf32> to vector<16xf32>
        %swap3A_3895 = vector.shape_cast %add3A_3889 : vector<16xf32> to vector<1x1x16xf32>
        tpu.vector_store %arg8[%swap3A_3890, %swap3A_3891, %swap3A_3892], %swap3A_3895 {strides = array<i32>} : memref<3x32x1024xf32, #tpu.memory_space<vmem>>, vector<1x1x16xf32>,
        %add3A_3896 = arith.constant 8 : i32
        %add3A_3897 = arith.addi %add3A_3896, %scan3A_340 : i32
        %get3A_3898 = arith.index_cast %rem3A_227 : i32 to index
        %get3A_3899 = arith.index_cast %add3A_3897 : i32 to index
        %get3A_3900 = arith.constant 928 : index
        %get3A_3901 = tpu.vector_load %arg8[%get3A_3898, %get3A_3899, %get3A_3900] {strides = array<i32>} : memref<3x32x1024xf32, #tpu.memory_space<vmem>>, vector<1x1x16xf32>,
        %get3A_3902 = vector.shape_cast %get3A_3901 : vector<1x1x16xf32> to vector<16xf32>
        %add3A_3903 = arith.addf %get3A_3902, %get3A_3881 : vector<16xf32>
        %swap3A_3904 = arith.index_cast %rem3A_227 : i32 to index
        %swap3A_3905 = arith.index_cast %add3A_3897 : i32 to index
        %swap3A_3906 = arith.constant 928 : index
        %swap3A_3907 = tpu.vector_load %arg8[%swap3A_3904, %swap3A_3905, %swap3A_3906] {strides = array<i32>} : memref<3x32x1024xf32, #tpu.memory_space<vmem>>, vector<1x1x16xf32>,
        %swap3A_3908 = vector.shape_cast %swap3A_3907 : vector<1x1x16xf32> to vector<16xf32>
        %swap3A_3909 = vector.shape_cast %add3A_3903 : vector<16xf32> to vector<1x1x16xf32>
        tpu.vector_store %arg8[%swap3A_3904, %swap3A_3905, %swap3A_3906], %swap3A_3909 {strides = array<i32>} : memref<3x32x1024xf32, #tpu.memory_space<vmem>>, vector<1x1x16xf32>,
        %add3A_3910 = arith.constant 16 : i32
        %add3A_3911 = arith.addi %add3A_3910, %scan3A_340 : i32
        %get3A_3912 = arith.index_cast %rem3A_227 : i32 to index
        %get3A_3913 = arith.index_cast %add3A_3911 : i32 to index
        %get3A_3914 = arith.constant 928 : index
        %get3A_3915 = tpu.vector_load %arg8[%get3A_3912, %get3A_3913, %get3A_3914] {strides = array<i32>} : memref<3x32x1024xf32, #tpu.memory_space<vmem>>, vector<1x1x16xf32>,
        %get3A_3916 = vector.shape_cast %get3A_3915 : vector<1x1x16xf32> to vector<16xf32>
        %add3A_3917 = arith.addf %get3A_3916, %get3A_3881 : vector<16xf32>
        %swap3A_3918 = arith.index_cast %rem3A_227 : i32 to index
        %swap3A_3919 = arith.index_cast %add3A_3911 : i32 to index
        %swap3A_3920 = arith.constant 928 : index
        %swap3A_3921 = tpu.vector_load %arg8[%swap3A_3918, %swap3A_3919, %swap3A_3920] {strides = array<i32>} : memref<3x32x1024xf32, #tpu.memory_space<vmem>>, vector<1x1x16xf32>,
        %swap3A_3922 = vector.shape_cast %swap3A_3921 : vector<1x1x16xf32> to vector<16xf32>
        %swap3A_3923 = vector.shape_cast %add3A_3917 : vector<16xf32> to vector<1x1x16xf32>
        tpu.vector_store %arg8[%swap3A_3918, %swap3A_3919, %swap3A_3920], %swap3A_3923 {strides = array<i32>} : memref<3x32x1024xf32, #tpu.memory_space<vmem>>, vector<1x1x16xf32>,
        %add3A_3924 = arith.constant 24 : i32
        %add3A_3925 = arith.addi %add3A_3924, %scan3A_340 : i32
        %get3A_3926 = arith.index_cast %rem3A_227 : i32 to index
        %get3A_3927 = arith.index_cast %add3A_3925 : i32 to index
        %get3A_3928 = arith.constant 928 : index
        %get3A_3929 = tpu.vector_load %arg8[%get3A_3926, %get3A_3927, %get3A_3928] {strides = array<i32>} : memref<3x32x1024xf32, #tpu.memory_space<vmem>>, vector<1x1x16xf32>,
        %get3A_3930 = vector.shape_cast %get3A_3929 : vector<1x1x16xf32> to vector<16xf32>
        %add3A_3931 = arith.addf %get3A_3930, %get3A_3881 : vector<16xf32>
        %swap3A_3932 = arith.index_cast %rem3A_227 : i32 to index
        %swap3A_3933 = arith.index_cast %add3A_3925 : i32 to index
        %swap3A_3934 = arith.constant 928 : index
        %swap3A_3935 = tpu.vector_load %arg8[%swap3A_3932, %swap3A_3933, %swap3A_3934] {strides = array<i32>} : memref<3x32x1024xf32, #tpu.memory_space<vmem>>, vector<1x1x16xf32>,
        %swap3A_3936 = vector.shape_cast %swap3A_3935 : vector<1x1x16xf32> to vector<16xf32>
        %swap3A_3937 = vector.shape_cast %add3A_3931 : vector<16xf32> to vector<1x1x16xf32>
        tpu.vector_store %arg8[%swap3A_3932, %swap3A_3933, %swap3A_3934], %swap3A_3937 {strides = array<i32>} : memref<3x32x1024xf32, #tpu.memory_space<vmem>>, vector<1x1x16xf32>,
        %get3A_3938 = arith.index_cast %rem3A_227 : i32 to index
        %get3A_3939 = arith.index_cast %scan3A_340 : i32 to index
        %get3A_3940 = arith.constant 944 : index
        %get3A_3941 = tpu.vector_load %arg7[%get3A_3938, %get3A_3939, %get3A_3940] {strides = array<i32>} : memref<3x8x1024xf32, #tpu.memory_space<vmem>>, vector<1x1x16xf32>,
        %get3A_3942 = vector.shape_cast %get3A_3941 : vector<1x1x16xf32> to vector<16xf32>
        %add3A_3943 = arith.constant 0 : i32
        %add3A_3944 = arith.addi %add3A_3943, %scan3A_340 : i32
        %get3A_3945 = arith.index_cast %rem3A_227 : i32 to index
        %get3A_3946 = arith.index_cast %add3A_3944 : i32 to index
        %get3A_3947 = arith.constant 944 : index
        %get3A_3948 = tpu.vector_load %arg8[%get3A_3945, %get3A_3946, %get3A_3947] {strides = array<i32>} : memref<3x32x1024xf32, #tpu.memory_space<vmem>>, vector<1x1x16xf32>,
        %get3A_3949 = vector.shape_cast %get3A_3948 : vector<1x1x16xf32> to vector<16xf32>
        %add3A_3950 = arith.addf %get3A_3949, %get3A_3942 : vector<16xf32>
        %swap3A_3951 = arith.index_cast %rem3A_227 : i32 to index
        %swap3A_3952 = arith.index_cast %add3A_3944 : i32 to index
        %swap3A_3953 = arith.constant 944 : index
        %swap3A_3954 = tpu.vector_load %arg8[%swap3A_3951, %swap3A_3952, %swap3A_3953] {strides = array<i32>} : memref<3x32x1024xf32, #tpu.memory_space<vmem>>, vector<1x1x16xf32>,
        %swap3A_3955 = vector.shape_cast %swap3A_3954 : vector<1x1x16xf32> to vector<16xf32>
        %swap3A_3956 = vector.shape_cast %add3A_3950 : vector<16xf32> to vector<1x1x16xf32>
        tpu.vector_store %arg8[%swap3A_3951, %swap3A_3952, %swap3A_3953], %swap3A_3956 {strides = array<i32>} : memref<3x32x1024xf32, #tpu.memory_space<vmem>>, vector<1x1x16xf32>,
        %add3A_3957 = arith.constant 8 : i32
        %add3A_3958 = arith.addi %add3A_3957, %scan3A_340 : i32
        %get3A_3959 = arith.index_cast %rem3A_227 : i32 to index
        %get3A_3960 = arith.index_cast %add3A_3958 : i32 to index
        %get3A_3961 = arith.constant 944 : index
        %get3A_3962 = tpu.vector_load %arg8[%get3A_3959, %get3A_3960, %get3A_3961] {strides = array<i32>} : memref<3x32x1024xf32, #tpu.memory_space<vmem>>, vector<1x1x16xf32>,
        %get3A_3963 = vector.shape_cast %get3A_3962 : vector<1x1x16xf32> to vector<16xf32>
        %add3A_3964 = arith.addf %get3A_3963, %get3A_3942 : vector<16xf32>
        %swap3A_3965 = arith.index_cast %rem3A_227 : i32 to index
        %swap3A_3966 = arith.index_cast %add3A_3958 : i32 to index
        %swap3A_3967 = arith.constant 944 : index
        %swap3A_3968 = tpu.vector_load %arg8[%swap3A_3965, %swap3A_3966, %swap3A_3967] {strides = array<i32>} : memref<3x32x1024xf32, #tpu.memory_space<vmem>>, vector<1x1x16xf32>,
        %swap3A_3969 = vector.shape_cast %swap3A_3968 : vector<1x1x16xf32> to vector<16xf32>
        %swap3A_3970 = vector.shape_cast %add3A_3964 : vector<16xf32> to vector<1x1x16xf32>
        tpu.vector_store %arg8[%swap3A_3965, %swap3A_3966, %swap3A_3967], %swap3A_3970 {strides = array<i32>} : memref<3x32x1024xf32, #tpu.memory_space<vmem>>, vector<1x1x16xf32>,
        %add3A_3971 = arith.constant 16 : i32
        %add3A_3972 = arith.addi %add3A_3971, %scan3A_340 : i32
        %get3A_3973 = arith.index_cast %rem3A_227 : i32 to index
        %get3A_3974 = arith.index_cast %add3A_3972 : i32 to index
        %get3A_3975 = arith.constant 944 : index
        %get3A_3976 = tpu.vector_load %arg8[%get3A_3973, %get3A_3974, %get3A_3975] {strides = array<i32>} : memref<3x32x1024xf32, #tpu.memory_space<vmem>>, vector<1x1x16xf32>,
        %get3A_3977 = vector.shape_cast %get3A_3976 : vector<1x1x16xf32> to vector<16xf32>
        %add3A_3978 = arith.addf %get3A_3977, %get3A_3942 : vector<16xf32>
        %swap3A_3979 = arith.index_cast %rem3A_227 : i32 to index
        %swap3A_3980 = arith.index_cast %add3A_3972 : i32 to index
        %swap3A_3981 = arith.constant 944 : index
        %swap3A_3982 = tpu.vector_load %arg8[%swap3A_3979, %swap3A_3980, %swap3A_3981] {strides = array<i32>} : memref<3x32x1024xf32, #tpu.memory_space<vmem>>, vector<1x1x16xf32>,
        %swap3A_3983 = vector.shape_cast %swap3A_3982 : vector<1x1x16xf32> to vector<16xf32>
        %swap3A_3984 = vector.shape_cast %add3A_3978 : vector<16xf32> to vector<1x1x16xf32>
        tpu.vector_store %arg8[%swap3A_3979, %swap3A_3980, %swap3A_3981], %swap3A_3984 {strides = array<i32>} : memref<3x32x1024xf32, #tpu.memory_space<vmem>>, vector<1x1x16xf32>,
        %add3A_3985 = arith.constant 24 : i32
        %add3A_3986 = arith.addi %add3A_3985, %scan3A_340 : i32
        %get3A_3987 = arith.index_cast %rem3A_227 : i32 to index
        %get3A_3988 = arith.index_cast %add3A_3986 : i32 to index
        %get3A_3989 = arith.constant 944 : index
        %get3A_3990 = tpu.vector_load %arg8[%get3A_3987, %get3A_3988, %get3A_3989] {strides = array<i32>} : memref<3x32x1024xf32, #tpu.memory_space<vmem>>, vector<1x1x16xf32>,
        %get3A_3991 = vector.shape_cast %get3A_3990 : vector<1x1x16xf32> to vector<16xf32>
        %add3A_3992 = arith.addf %get3A_3991, %get3A_3942 : vector<16xf32>
        %swap3A_3993 = arith.index_cast %rem3A_227 : i32 to index
        %swap3A_3994 = arith.index_cast %add3A_3986 : i32 to index
        %swap3A_3995 = arith.constant 944 : index
        %swap3A_3996 = tpu.vector_load %arg8[%swap3A_3993, %swap3A_3994, %swap3A_3995] {strides = array<i32>} : memref<3x32x1024xf32, #tpu.memory_space<vmem>>, vector<1x1x16xf32>,
        %swap3A_3997 = vector.shape_cast %swap3A_3996 : vector<1x1x16xf32> to vector<16xf32>
        %swap3A_3998 = vector.shape_cast %add3A_3992 : vector<16xf32> to vector<1x1x16xf32>
        tpu.vector_store %arg8[%swap3A_3993, %swap3A_3994, %swap3A_3995], %swap3A_3998 {strides = array<i32>} : memref<3x32x1024xf32, #tpu.memory_space<vmem>>, vector<1x1x16xf32>,
        %get3A_3999 = arith.index_cast %rem3A_227 : i32 to index
        %get3A_4000 = arith.index_cast %scan3A_340 : i32 to index
        %get3A_4001 = arith.constant 960 : index
        %get3A_4002 = tpu.vector_load %arg7[%get3A_3999, %get3A_4000, %get3A_4001] {strides = array<i32>} : memref<3x8x1024xf32, #tpu.memory_space<vmem>>, vector<1x1x16xf32>,
        %get3A_4003 = vector.shape_cast %get3A_4002 : vector<1x1x16xf32> to vector<16xf32>
        %add3A_4004 = arith.constant 0 : i32
        %add3A_4005 = arith.addi %add3A_4004, %scan3A_340 : i32
        %get3A_4006 = arith.index_cast %rem3A_227 : i32 to index
        %get3A_4007 = arith.index_cast %add3A_4005 : i32 to index
        %get3A_4008 = arith.constant 960 : index
        %get3A_4009 = tpu.vector_load %arg8[%get3A_4006, %get3A_4007, %get3A_4008] {strides = array<i32>} : memref<3x32x1024xf32, #tpu.memory_space<vmem>>, vector<1x1x16xf32>,
        %get3A_4010 = vector.shape_cast %get3A_4009 : vector<1x1x16xf32> to vector<16xf32>
        %add3A_4011 = arith.addf %get3A_4010, %get3A_4003 : vector<16xf32>
        %swap3A_4012 = arith.index_cast %rem3A_227 : i32 to index
        %swap3A_4013 = arith.index_cast %add3A_4005 : i32 to index
        %swap3A_4014 = arith.constant 960 : index
        %swap3A_4015 = tpu.vector_load %arg8[%swap3A_4012, %swap3A_4013, %swap3A_4014] {strides = array<i32>} : memref<3x32x1024xf32, #tpu.memory_space<vmem>>, vector<1x1x16xf32>,
        %swap3A_4016 = vector.shape_cast %swap3A_4015 : vector<1x1x16xf32> to vector<16xf32>
        %swap3A_4017 = vector.shape_cast %add3A_4011 : vector<16xf32> to vector<1x1x16xf32>
        tpu.vector_store %arg8[%swap3A_4012, %swap3A_4013, %swap3A_4014], %swap3A_4017 {strides = array<i32>} : memref<3x32x1024xf32, #tpu.memory_space<vmem>>, vector<1x1x16xf32>,
        %add3A_4018 = arith.constant 8 : i32
        %add3A_4019 = arith.addi %add3A_4018, %scan3A_340 : i32
        %get3A_4020 = arith.index_cast %rem3A_227 : i32 to index
        %get3A_4021 = arith.index_cast %add3A_4019 : i32 to index
        %get3A_4022 = arith.constant 960 : index
        %get3A_4023 = tpu.vector_load %arg8[%get3A_4020, %get3A_4021, %get3A_4022] {strides = array<i32>} : memref<3x32x1024xf32, #tpu.memory_space<vmem>>, vector<1x1x16xf32>,
        %get3A_4024 = vector.shape_cast %get3A_4023 : vector<1x1x16xf32> to vector<16xf32>
        %add3A_4025 = arith.addf %get3A_4024, %get3A_4003 : vector<16xf32>
        %swap3A_4026 = arith.index_cast %rem3A_227 : i32 to index
        %swap3A_4027 = arith.index_cast %add3A_4019 : i32 to index
        %swap3A_4028 = arith.constant 960 : index
        %swap3A_4029 = tpu.vector_load %arg8[%swap3A_4026, %swap3A_4027, %swap3A_4028] {strides = array<i32>} : memref<3x32x1024xf32, #tpu.memory_space<vmem>>, vector<1x1x16xf32>,
        %swap3A_4030 = vector.shape_cast %swap3A_4029 : vector<1x1x16xf32> to vector<16xf32>
        %swap3A_4031 = vector.shape_cast %add3A_4025 : vector<16xf32> to vector<1x1x16xf32>
        tpu.vector_store %arg8[%swap3A_4026, %swap3A_4027, %swap3A_4028], %swap3A_4031 {strides = array<i32>} : memref<3x32x1024xf32, #tpu.memory_space<vmem>>, vector<1x1x16xf32>,
        %add3A_4032 = arith.constant 16 : i32
        %add3A_4033 = arith.addi %add3A_4032, %scan3A_340 : i32
        %get3A_4034 = arith.index_cast %rem3A_227 : i32 to index
        %get3A_4035 = arith.index_cast %add3A_4033 : i32 to index
        %get3A_4036 = arith.constant 960 : index
        %get3A_4037 = tpu.vector_load %arg8[%get3A_4034, %get3A_4035, %get3A_4036] {strides = array<i32>} : memref<3x32x1024xf32, #tpu.memory_space<vmem>>, vector<1x1x16xf32>,
        %get3A_4038 = vector.shape_cast %get3A_4037 : vector<1x1x16xf32> to vector<16xf32>
        %add3A_4039 = arith.addf %get3A_4038, %get3A_4003 : vector<16xf32>
        %swap3A_4040 = arith.index_cast %rem3A_227 : i32 to index
        %swap3A_4041 = arith.index_cast %add3A_4033 : i32 to index
        %swap3A_4042 = arith.constant 960 : index
        %swap3A_4043 = tpu.vector_load %arg8[%swap3A_4040, %swap3A_4041, %swap3A_4042] {strides = array<i32>} : memref<3x32x1024xf32, #tpu.memory_space<vmem>>, vector<1x1x16xf32>,
        %swap3A_4044 = vector.shape_cast %swap3A_4043 : vector<1x1x16xf32> to vector<16xf32>
        %swap3A_4045 = vector.shape_cast %add3A_4039 : vector<16xf32> to vector<1x1x16xf32>
        tpu.vector_store %arg8[%swap3A_4040, %swap3A_4041, %swap3A_4042], %swap3A_4045 {strides = array<i32>} : memref<3x32x1024xf32, #tpu.memory_space<vmem>>, vector<1x1x16xf32>,
        %add3A_4046 = arith.constant 24 : i32
        %add3A_4047 = arith.addi %add3A_4046, %scan3A_340 : i32
        %get3A_4048 = arith.index_cast %rem3A_227 : i32 to index
        %get3A_4049 = arith.index_cast %add3A_4047 : i32 to index
        %get3A_4050 = arith.constant 960 : index
        %get3A_4051 = tpu.vector_load %arg8[%get3A_4048, %get3A_4049, %get3A_4050] {strides = array<i32>} : memref<3x32x1024xf32, #tpu.memory_space<vmem>>, vector<1x1x16xf32>,
        %get3A_4052 = vector.shape_cast %get3A_4051 : vector<1x1x16xf32> to vector<16xf32>
        %add3A_4053 = arith.addf %get3A_4052, %get3A_4003 : vector<16xf32>
        %swap3A_4054 = arith.index_cast %rem3A_227 : i32 to index
        %swap3A_4055 = arith.index_cast %add3A_4047 : i32 to index
        %swap3A_4056 = arith.constant 960 : index
        %swap3A_4057 = tpu.vector_load %arg8[%swap3A_4054, %swap3A_4055, %swap3A_4056] {strides = array<i32>} : memref<3x32x1024xf32, #tpu.memory_space<vmem>>, vector<1x1x16xf32>,
        %swap3A_4058 = vector.shape_cast %swap3A_4057 : vector<1x1x16xf32> to vector<16xf32>
        %swap3A_4059 = vector.shape_cast %add3A_4053 : vector<16xf32> to vector<1x1x16xf32>
        tpu.vector_store %arg8[%swap3A_4054, %swap3A_4055, %swap3A_4056], %swap3A_4059 {strides = array<i32>} : memref<3x32x1024xf32, #tpu.memory_space<vmem>>, vector<1x1x16xf32>,
        %get3A_4060 = arith.index_cast %rem3A_227 : i32 to index
        %get3A_4061 = arith.index_cast %scan3A_340 : i32 to index
        %get3A_4062 = arith.constant 976 : index
        %get3A_4063 = tpu.vector_load %arg7[%get3A_4060, %get3A_4061, %get3A_4062] {strides = array<i32>} : memref<3x8x1024xf32, #tpu.memory_space<vmem>>, vector<1x1x16xf32>,
        %get3A_4064 = vector.shape_cast %get3A_4063 : vector<1x1x16xf32> to vector<16xf32>
        %add3A_4065 = arith.constant 0 : i32
        %add3A_4066 = arith.addi %add3A_4065, %scan3A_340 : i32
        %get3A_4067 = arith.index_cast %rem3A_227 : i32 to index
        %get3A_4068 = arith.index_cast %add3A_4066 : i32 to index
        %get3A_4069 = arith.constant 976 : index
        %get3A_4070 = tpu.vector_load %arg8[%get3A_4067, %get3A_4068, %get3A_4069] {strides = array<i32>} : memref<3x32x1024xf32, #tpu.memory_space<vmem>>, vector<1x1x16xf32>,
        %get3A_4071 = vector.shape_cast %get3A_4070 : vector<1x1x16xf32> to vector<16xf32>
        %add3A_4072 = arith.addf %get3A_4071, %get3A_4064 : vector<16xf32>
        %swap3A_4073 = arith.index_cast %rem3A_227 : i32 to index
        %swap3A_4074 = arith.index_cast %add3A_4066 : i32 to index
        %swap3A_4075 = arith.constant 976 : index
        %swap3A_4076 = tpu.vector_load %arg8[%swap3A_4073, %swap3A_4074, %swap3A_4075] {strides = array<i32>} : memref<3x32x1024xf32, #tpu.memory_space<vmem>>, vector<1x1x16xf32>,
        %swap3A_4077 = vector.shape_cast %swap3A_4076 : vector<1x1x16xf32> to vector<16xf32>
        %swap3A_4078 = vector.shape_cast %add3A_4072 : vector<16xf32> to vector<1x1x16xf32>
        tpu.vector_store %arg8[%swap3A_4073, %swap3A_4074, %swap3A_4075], %swap3A_4078 {strides = array<i32>} : memref<3x32x1024xf32, #tpu.memory_space<vmem>>, vector<1x1x16xf32>,
        %add3A_4079 = arith.constant 8 : i32
        %add3A_4080 = arith.addi %add3A_4079, %scan3A_340 : i32
        %get3A_4081 = arith.index_cast %rem3A_227 : i32 to index
        %get3A_4082 = arith.index_cast %add3A_4080 : i32 to index
        %get3A_4083 = arith.constant 976 : index
        %get3A_4084 = tpu.vector_load %arg8[%get3A_4081, %get3A_4082, %get3A_4083] {strides = array<i32>} : memref<3x32x1024xf32, #tpu.memory_space<vmem>>, vector<1x1x16xf32>,
        %get3A_4085 = vector.shape_cast %get3A_4084 : vector<1x1x16xf32> to vector<16xf32>
        %add3A_4086 = arith.addf %get3A_4085, %get3A_4064 : vector<16xf32>
        %swap3A_4087 = arith.index_cast %rem3A_227 : i32 to index
        %swap3A_4088 = arith.index_cast %add3A_4080 : i32 to index
        %swap3A_4089 = arith.constant 976 : index
        %swap3A_4090 = tpu.vector_load %arg8[%swap3A_4087, %swap3A_4088, %swap3A_4089] {strides = array<i32>} : memref<3x32x1024xf32, #tpu.memory_space<vmem>>, vector<1x1x16xf32>,
        %swap3A_4091 = vector.shape_cast %swap3A_4090 : vector<1x1x16xf32> to vector<16xf32>
        %swap3A_4092 = vector.shape_cast %add3A_4086 : vector<16xf32> to vector<1x1x16xf32>
        tpu.vector_store %arg8[%swap3A_4087, %swap3A_4088, %swap3A_4089], %swap3A_4092 {strides = array<i32>} : memref<3x32x1024xf32, #tpu.memory_space<vmem>>, vector<1x1x16xf32>,
        %add3A_4093 = arith.constant 16 : i32
        %add3A_4094 = arith.addi %add3A_4093, %scan3A_340 : i32
        %get3A_4095 = arith.index_cast %rem3A_227 : i32 to index
        %get3A_4096 = arith.index_cast %add3A_4094 : i32 to index
        %get3A_4097 = arith.constant 976 : index
        %get3A_4098 = tpu.vector_load %arg8[%get3A_4095, %get3A_4096, %get3A_4097] {strides = array<i32>} : memref<3x32x1024xf32, #tpu.memory_space<vmem>>, vector<1x1x16xf32>,
        %get3A_4099 = vector.shape_cast %get3A_4098 : vector<1x1x16xf32> to vector<16xf32>
        %add3A_4100 = arith.addf %get3A_4099, %get3A_4064 : vector<16xf32>
        %swap3A_4101 = arith.index_cast %rem3A_227 : i32 to index
        %swap3A_4102 = arith.index_cast %add3A_4094 : i32 to index
        %swap3A_4103 = arith.constant 976 : index
        %swap3A_4104 = tpu.vector_load %arg8[%swap3A_4101, %swap3A_4102, %swap3A_4103] {strides = array<i32>} : memref<3x32x1024xf32, #tpu.memory_space<vmem>>, vector<1x1x16xf32>,
        %swap3A_4105 = vector.shape_cast %swap3A_4104 : vector<1x1x16xf32> to vector<16xf32>
        %swap3A_4106 = vector.shape_cast %add3A_4100 : vector<16xf32> to vector<1x1x16xf32>
        tpu.vector_store %arg8[%swap3A_4101, %swap3A_4102, %swap3A_4103], %swap3A_4106 {strides = array<i32>} : memref<3x32x1024xf32, #tpu.memory_space<vmem>>, vector<1x1x16xf32>,
        %add3A_4107 = arith.constant 24 : i32
        %add3A_4108 = arith.addi %add3A_4107, %scan3A_340 : i32
        %get3A_4109 = arith.index_cast %rem3A_227 : i32 to index
        %get3A_4110 = arith.index_cast %add3A_4108 : i32 to index
        %get3A_4111 = arith.constant 976 : index
        %get3A_4112 = tpu.vector_load %arg8[%get3A_4109, %get3A_4110, %get3A_4111] {strides = array<i32>} : memref<3x32x1024xf32, #tpu.memory_space<vmem>>, vector<1x1x16xf32>,
        %get3A_4113 = vector.shape_cast %get3A_4112 : vector<1x1x16xf32> to vector<16xf32>
        %add3A_4114 = arith.addf %get3A_4113, %get3A_4064 : vector<16xf32>
        %swap3A_4115 = arith.index_cast %rem3A_227 : i32 to index
        %swap3A_4116 = arith.index_cast %add3A_4108 : i32 to index
        %swap3A_4117 = arith.constant 976 : index
        %swap3A_4118 = tpu.vector_load %arg8[%swap3A_4115, %swap3A_4116, %swap3A_4117] {strides = array<i32>} : memref<3x32x1024xf32, #tpu.memory_space<vmem>>, vector<1x1x16xf32>,
        %swap3A_4119 = vector.shape_cast %swap3A_4118 : vector<1x1x16xf32> to vector<16xf32>
        %swap3A_4120 = vector.shape_cast %add3A_4114 : vector<16xf32> to vector<1x1x16xf32>
        tpu.vector_store %arg8[%swap3A_4115, %swap3A_4116, %swap3A_4117], %swap3A_4120 {strides = array<i32>} : memref<3x32x1024xf32, #tpu.memory_space<vmem>>, vector<1x1x16xf32>,
        %get3A_4121 = arith.index_cast %rem3A_227 : i32 to index
        %get3A_4122 = arith.index_cast %scan3A_340 : i32 to index
        %get3A_4123 = arith.constant 992 : index
        %get3A_4124 = tpu.vector_load %arg7[%get3A_4121, %get3A_4122, %get3A_4123] {strides = array<i32>} : memref<3x8x1024xf32, #tpu.memory_space<vmem>>, vector<1x1x16xf32>,
        %get3A_4125 = vector.shape_cast %get3A_4124 : vector<1x1x16xf32> to vector<16xf32>
        %add3A_4126 = arith.constant 0 : i32
        %add3A_4127 = arith.addi %add3A_4126, %scan3A_340 : i32
        %get3A_4128 = arith.index_cast %rem3A_227 : i32 to index
        %get3A_4129 = arith.index_cast %add3A_4127 : i32 to index
        %get3A_4130 = arith.constant 992 : index
        %get3A_4131 = tpu.vector_load %arg8[%get3A_4128, %get3A_4129, %get3A_4130] {strides = array<i32>} : memref<3x32x1024xf32, #tpu.memory_space<vmem>>, vector<1x1x16xf32>,
        %get3A_4132 = vector.shape_cast %get3A_4131 : vector<1x1x16xf32> to vector<16xf32>
        %add3A_4133 = arith.addf %get3A_4132, %get3A_4125 : vector<16xf32>
        %swap3A_4134 = arith.index_cast %rem3A_227 : i32 to index
        %swap3A_4135 = arith.index_cast %add3A_4127 : i32 to index
        %swap3A_4136 = arith.constant 992 : index
        %swap3A_4137 = tpu.vector_load %arg8[%swap3A_4134, %swap3A_4135, %swap3A_4136] {strides = array<i32>} : memref<3x32x1024xf32, #tpu.memory_space<vmem>>, vector<1x1x16xf32>,
        %swap3A_4138 = vector.shape_cast %swap3A_4137 : vector<1x1x16xf32> to vector<16xf32>
        %swap3A_4139 = vector.shape_cast %add3A_4133 : vector<16xf32> to vector<1x1x16xf32>
        tpu.vector_store %arg8[%swap3A_4134, %swap3A_4135, %swap3A_4136], %swap3A_4139 {strides = array<i32>} : memref<3x32x1024xf32, #tpu.memory_space<vmem>>, vector<1x1x16xf32>,
        %add3A_4140 = arith.constant 8 : i32
        %add3A_4141 = arith.addi %add3A_4140, %scan3A_340 : i32
        %get3A_4142 = arith.index_cast %rem3A_227 : i32 to index
        %get3A_4143 = arith.index_cast %add3A_4141 : i32 to index
        %get3A_4144 = arith.constant 992 : index
        %get3A_4145 = tpu.vector_load %arg8[%get3A_4142, %get3A_4143, %get3A_4144] {strides = array<i32>} : memref<3x32x1024xf32, #tpu.memory_space<vmem>>, vector<1x1x16xf32>,
        %get3A_4146 = vector.shape_cast %get3A_4145 : vector<1x1x16xf32> to vector<16xf32>
        %add3A_4147 = arith.addf %get3A_4146, %get3A_4125 : vector<16xf32>
        %swap3A_4148 = arith.index_cast %rem3A_227 : i32 to index
        %swap3A_4149 = arith.index_cast %add3A_4141 : i32 to index
        %swap3A_4150 = arith.constant 992 : index
        %swap3A_4151 = tpu.vector_load %arg8[%swap3A_4148, %swap3A_4149, %swap3A_4150] {strides = array<i32>} : memref<3x32x1024xf32, #tpu.memory_space<vmem>>, vector<1x1x16xf32>,
        %swap3A_4152 = vector.shape_cast %swap3A_4151 : vector<1x1x16xf32> to vector<16xf32>
        %swap3A_4153 = vector.shape_cast %add3A_4147 : vector<16xf32> to vector<1x1x16xf32>
        tpu.vector_store %arg8[%swap3A_4148, %swap3A_4149, %swap3A_4150], %swap3A_4153 {strides = array<i32>} : memref<3x32x1024xf32, #tpu.memory_space<vmem>>, vector<1x1x16xf32>,
        %add3A_4154 = arith.constant 16 : i32
        %add3A_4155 = arith.addi %add3A_4154, %scan3A_340 : i32
        %get3A_4156 = arith.index_cast %rem3A_227 : i32 to index
        %get3A_4157 = arith.index_cast %add3A_4155 : i32 to index
        %get3A_4158 = arith.constant 992 : index
        %get3A_4159 = tpu.vector_load %arg8[%get3A_4156, %get3A_4157, %get3A_4158] {strides = array<i32>} : memref<3x32x1024xf32, #tpu.memory_space<vmem>>, vector<1x1x16xf32>,
        %get3A_4160 = vector.shape_cast %get3A_4159 : vector<1x1x16xf32> to vector<16xf32>
        %add3A_4161 = arith.addf %get3A_4160, %get3A_4125 : vector<16xf32>
        %swap3A_4162 = arith.index_cast %rem3A_227 : i32 to index
        %swap3A_4163 = arith.index_cast %add3A_4155 : i32 to index
        %swap3A_4164 = arith.constant 992 : index
        %swap3A_4165 = tpu.vector_load %arg8[%swap3A_4162, %swap3A_4163, %swap3A_4164] {strides = array<i32>} : memref<3x32x1024xf32, #tpu.memory_space<vmem>>, vector<1x1x16xf32>,
        %swap3A_4166 = vector.shape_cast %swap3A_4165 : vector<1x1x16xf32> to vector<16xf32>
        %swap3A_4167 = vector.shape_cast %add3A_4161 : vector<16xf32> to vector<1x1x16xf32>
        tpu.vector_store %arg8[%swap3A_4162, %swap3A_4163, %swap3A_4164], %swap3A_4167 {strides = array<i32>} : memref<3x32x1024xf32, #tpu.memory_space<vmem>>, vector<1x1x16xf32>,
        %add3A_4168 = arith.constant 24 : i32
        %add3A_4169 = arith.addi %add3A_4168, %scan3A_340 : i32
        %get3A_4170 = arith.index_cast %rem3A_227 : i32 to index
        %get3A_4171 = arith.index_cast %add3A_4169 : i32 to index
        %get3A_4172 = arith.constant 992 : index
        %get3A_4173 = tpu.vector_load %arg8[%get3A_4170, %get3A_4171, %get3A_4172] {strides = array<i32>} : memref<3x32x1024xf32, #tpu.memory_space<vmem>>, vector<1x1x16xf32>,
        %get3A_4174 = vector.shape_cast %get3A_4173 : vector<1x1x16xf32> to vector<16xf32>
        %add3A_4175 = arith.addf %get3A_4174, %get3A_4125 : vector<16xf32>
        %swap3A_4176 = arith.index_cast %rem3A_227 : i32 to index
        %swap3A_4177 = arith.index_cast %add3A_4169 : i32 to index
        %swap3A_4178 = arith.constant 992 : index
        %swap3A_4179 = tpu.vector_load %arg8[%swap3A_4176, %swap3A_4177, %swap3A_4178] {strides = array<i32>} : memref<3x32x1024xf32, #tpu.memory_space<vmem>>, vector<1x1x16xf32>,
        %swap3A_4180 = vector.shape_cast %swap3A_4179 : vector<1x1x16xf32> to vector<16xf32>
        %swap3A_4181 = vector.shape_cast %add3A_4175 : vector<16xf32> to vector<1x1x16xf32>
        tpu.vector_store %arg8[%swap3A_4176, %swap3A_4177, %swap3A_4178], %swap3A_4181 {strides = array<i32>} : memref<3x32x1024xf32, #tpu.memory_space<vmem>>, vector<1x1x16xf32>,
        %get3A_4182 = arith.index_cast %rem3A_227 : i32 to index
        %get3A_4183 = arith.index_cast %scan3A_340 : i32 to index
        %get3A_4184 = arith.constant 1008 : index
        %get3A_4185 = tpu.vector_load %arg7[%get3A_4182, %get3A_4183, %get3A_4184] {strides = array<i32>} : memref<3x8x1024xf32, #tpu.memory_space<vmem>>, vector<1x1x16xf32>,
        %get3A_4186 = vector.shape_cast %get3A_4185 : vector<1x1x16xf32> to vector<16xf32>
        %add3A_4187 = arith.constant 0 : i32
        %add3A_4188 = arith.addi %add3A_4187, %scan3A_340 : i32
        %get3A_4189 = arith.index_cast %rem3A_227 : i32 to index
        %get3A_4190 = arith.index_cast %add3A_4188 : i32 to index
        %get3A_4191 = arith.constant 1008 : index
        %get3A_4192 = tpu.vector_load %arg8[%get3A_4189, %get3A_4190, %get3A_4191] {strides = array<i32>} : memref<3x32x1024xf32, #tpu.memory_space<vmem>>, vector<1x1x16xf32>,
        %get3A_4193 = vector.shape_cast %get3A_4192 : vector<1x1x16xf32> to vector<16xf32>
        %add3A_4194 = arith.addf %get3A_4193, %get3A_4186 : vector<16xf32>
        %swap3A_4195 = arith.index_cast %rem3A_227 : i32 to index
        %swap3A_4196 = arith.index_cast %add3A_4188 : i32 to index
        %swap3A_4197 = arith.constant 1008 : index
        %swap3A_4198 = tpu.vector_load %arg8[%swap3A_4195, %swap3A_4196, %swap3A_4197] {strides = array<i32>} : memref<3x32x1024xf32, #tpu.memory_space<vmem>>, vector<1x1x16xf32>,
        %swap3A_4199 = vector.shape_cast %swap3A_4198 : vector<1x1x16xf32> to vector<16xf32>
        %swap3A_4200 = vector.shape_cast %add3A_4194 : vector<16xf32> to vector<1x1x16xf32>
        tpu.vector_store %arg8[%swap3A_4195, %swap3A_4196, %swap3A_4197], %swap3A_4200 {strides = array<i32>} : memref<3x32x1024xf32, #tpu.memory_space<vmem>>, vector<1x1x16xf32>,
        %add3A_4201 = arith.constant 8 : i32
        %add3A_4202 = arith.addi %add3A_4201, %scan3A_340 : i32
        %get3A_4203 = arith.index_cast %rem3A_227 : i32 to index
        %get3A_4204 = arith.index_cast %add3A_4202 : i32 to index
        %get3A_4205 = arith.constant 1008 : index
        %get3A_4206 = tpu.vector_load %arg8[%get3A_4203, %get3A_4204, %get3A_4205] {strides = array<i32>} : memref<3x32x1024xf32, #tpu.memory_space<vmem>>, vector<1x1x16xf32>,
        %get3A_4207 = vector.shape_cast %get3A_4206 : vector<1x1x16xf32> to vector<16xf32>
        %add3A_4208 = arith.addf %get3A_4207, %get3A_4186 : vector<16xf32>
        %swap3A_4209 = arith.index_cast %rem3A_227 : i32 to index
        %swap3A_4210 = arith.index_cast %add3A_4202 : i32 to index
        %swap3A_4211 = arith.constant 1008 : index
        %swap3A_4212 = tpu.vector_load %arg8[%swap3A_4209, %swap3A_4210, %swap3A_4211] {strides = array<i32>} : memref<3x32x1024xf32, #tpu.memory_space<vmem>>, vector<1x1x16xf32>,
        %swap3A_4213 = vector.shape_cast %swap3A_4212 : vector<1x1x16xf32> to vector<16xf32>
        %swap3A_4214 = vector.shape_cast %add3A_4208 : vector<16xf32> to vector<1x1x16xf32>
        tpu.vector_store %arg8[%swap3A_4209, %swap3A_4210, %swap3A_4211], %swap3A_4214 {strides = array<i32>} : memref<3x32x1024xf32, #tpu.memory_space<vmem>>, vector<1x1x16xf32>,
        %add3A_4215 = arith.constant 16 : i32
        %add3A_4216 = arith.addi %add3A_4215, %scan3A_340 : i32
        %get3A_4217 = arith.index_cast %rem3A_227 : i32 to index
        %get3A_4218 = arith.index_cast %add3A_4216 : i32 to index
        %get3A_4219 = arith.constant 1008 : index
        %get3A_4220 = tpu.vector_load %arg8[%get3A_4217, %get3A_4218, %get3A_4219] {strides = array<i32>} : memref<3x32x1024xf32, #tpu.memory_space<vmem>>, vector<1x1x16xf32>,
        %get3A_4221 = vector.shape_cast %get3A_4220 : vector<1x1x16xf32> to vector<16xf32>
        %add3A_4222 = arith.addf %get3A_4221, %get3A_4186 : vector<16xf32>
        %swap3A_4223 = arith.index_cast %rem3A_227 : i32 to index
        %swap3A_4224 = arith.index_cast %add3A_4216 : i32 to index
        %swap3A_4225 = arith.constant 1008 : index
        %swap3A_4226 = tpu.vector_load %arg8[%swap3A_4223, %swap3A_4224, %swap3A_4225] {strides = array<i32>} : memref<3x32x1024xf32, #tpu.memory_space<vmem>>, vector<1x1x16xf32>,
        %swap3A_4227 = vector.shape_cast %swap3A_4226 : vector<1x1x16xf32> to vector<16xf32>
        %swap3A_4228 = vector.shape_cast %add3A_4222 : vector<16xf32> to vector<1x1x16xf32>
        tpu.vector_store %arg8[%swap3A_4223, %swap3A_4224, %swap3A_4225], %swap3A_4228 {strides = array<i32>} : memref<3x32x1024xf32, #tpu.memory_space<vmem>>, vector<1x1x16xf32>,
        %add3A_4229 = arith.constant 24 : i32
        %add3A_4230 = arith.addi %add3A_4229, %scan3A_340 : i32
        %get3A_4231 = arith.index_cast %rem3A_227 : i32 to index
        %get3A_4232 = arith.index_cast %add3A_4230 : i32 to index
        %get3A_4233 = arith.constant 1008 : index
        %get3A_4234 = tpu.vector_load %arg8[%get3A_4231, %get3A_4232, %get3A_4233] {strides = array<i32>} : memref<3x32x1024xf32, #tpu.memory_space<vmem>>, vector<1x1x16xf32>,
        %get3A_4235 = vector.shape_cast %get3A_4234 : vector<1x1x16xf32> to vector<16xf32>
        %add3A_4236 = arith.addf %get3A_4235, %get3A_4186 : vector<16xf32>
        %swap3A_4237 = arith.index_cast %rem3A_227 : i32 to index
        %swap3A_4238 = arith.index_cast %add3A_4230 : i32 to index
        %swap3A_4239 = arith.constant 1008 : index
        %swap3A_4240 = tpu.vector_load %arg8[%swap3A_4237, %swap3A_4238, %swap3A_4239] {strides = array<i32>} : memref<3x32x1024xf32, #tpu.memory_space<vmem>>, vector<1x1x16xf32>,
        %swap3A_4241 = vector.shape_cast %swap3A_4240 : vector<1x1x16xf32> to vector<16xf32>
        %swap3A_4242 = vector.shape_cast %add3A_4236 : vector<16xf32> to vector<1x1x16xf32>
        tpu.vector_store %arg8[%swap3A_4237, %swap3A_4238, %swap3A_4239], %swap3A_4242 {strides = array<i32>} : memref<3x32x1024xf32, #tpu.memory_space<vmem>>, vector<1x1x16xf32>,
      }
      %scan3A_264 = arith.constant 8 : i32
      %mul3A_265 = arith.constant 8 : i32
      %mul3A_266 = arith.muli %scan3A_226, %mul3A_265 : i32
      %add3A_267 = arith.addi %mul3A_2, %mul3A_266 : i32
      %dma_start3A_268 = arith.constant 0 : i32
      %dma_start3A_269 = arith.constant 0 : i32
      %dma_start3A_270 = arith.constant 0 : i32
      %dma_start3A_271 = tpu.memref_slice %arg8[%rem3A_227, %dma_start3A_269, %dma_start3A_270] : memref<3x32x1024xf32, #tpu.memory_space<vmem>> -> memref<1x8x1024xf32, #tpu.memory_space<vmem>>
      %dma_start3A_272 = tpu.memref_squeeze %dma_start3A_271 : memref<1x8x1024xf32, #tpu.memory_space<vmem>> -> memref<8x1024xf32, #tpu.memory_space<vmem>>
      %dma_start3A_273 = arith.constant 0 : i32
      %dma_start3A_274 = tpu.memref_slice %arg5[%dma_start3A_268, %add3A_267, %dma_start3A_273] : memref<4x8192x1024xf32, #tpu.memory_space<hbm>> -> memref<1x8x1024xf32, #tpu.memory_space<hbm>>
      %dma_start3A_275 = tpu.memref_squeeze %dma_start3A_274 : memref<1x8x1024xf32, #tpu.memory_space<hbm>> -> memref<8x1024xf32, #tpu.memory_space<hbm>>
      %dma_start3A_276 = tpu.memref_slice %arg10[%rem3A_227] : memref<3x!tpu.dma_semaphore, #tpu.memory_space<semaphore_mem>> -> memref<1x!tpu.dma_semaphore, #tpu.memory_space<semaphore_mem>>
      %dma_start3A_277 = tpu.memref_squeeze %dma_start3A_276 : memref<1x!tpu.dma_semaphore, #tpu.memory_space<semaphore_mem>> -> memref<!tpu.dma_semaphore, #tpu.memory_space<semaphore_mem>>
      %dma_start3A_278 = arith.constant 0 : i32
      %dma_start3A_279 = tpu.memref_slice %arg5[%dma_start3A_268, %add3A_267, %dma_start3A_278] : memref<4x8192x1024xf32, #tpu.memory_space<hbm>> -> memref<1x8x1024xf32, #tpu.memory_space<hbm>>
      %dma_start3A_280 = tpu.memref_squeeze %dma_start3A_279 : memref<1x8x1024xf32, #tpu.memory_space<hbm>> -> memref<8x1024xf32, #tpu.memory_space<hbm>>
      %dma_start3A_281 = arith.constant 0 : i32
      %dma_start3A_282 = arith.constant 0 : i32
      %dma_start3A_283 = tpu.memref_slice %arg8[%rem3A_227, %dma_start3A_281, %dma_start3A_282] : memref<3x32x1024xf32, #tpu.memory_space<vmem>> -> memref<1x8x1024xf32, #tpu.memory_space<vmem>>
      %dma_start3A_284 = tpu.memref_squeeze %dma_start3A_283 : memref<1x8x1024xf32, #tpu.memory_space<vmem>> -> memref<8x1024xf32, #tpu.memory_space<vmem>>
      tpu.enqueue_dma source(%dma_start3A_284 : memref<8x1024xf32, #tpu.memory_space<vmem>>) target(%dma_start3A_280 : memref<8x1024xf32, #tpu.memory_space<hbm>>) target_semaphore(%dma_start3A_277 : memref<!tpu.dma_semaphore, #tpu.memory_space<semaphore_mem>>)
      %dma_start3A_285 = arith.constant 1 : i32
      %dma_start3A_286 = arith.constant 8 : i32
      %dma_start3A_287 = arith.constant 0 : i32
      %dma_start3A_288 = tpu.memref_slice %arg8[%rem3A_227, %dma_start3A_286, %dma_start3A_287] : memref<3x32x1024xf32, #tpu.memory_space<vmem>> -> memref<1x8x1024xf32, #tpu.memory_space<vmem>>
      %dma_start3A_289 = tpu.memref_squeeze %dma_start3A_288 : memref<1x8x1024xf32, #tpu.memory_space<vmem>> -> memref<8x1024xf32, #tpu.memory_space<vmem>>
      %dma_start3A_290 = arith.constant 0 : i32
      %dma_start3A_291 = tpu.memref_slice %arg5[%dma_start3A_285, %add3A_267, %dma_start3A_290] : memref<4x8192x1024xf32, #tpu.memory_space<hbm>> -> memref<1x8x1024xf32, #tpu.memory_space<hbm>>
      %dma_start3A_292 = tpu.memref_squeeze %dma_start3A_291 : memref<1x8x1024xf32, #tpu.memory_space<hbm>> -> memref<8x1024xf32, #tpu.memory_space<hbm>>
      %dma_start3A_293 = tpu.memref_slice %arg10[%rem3A_227] : memref<3x!tpu.dma_semaphore, #tpu.memory_space<semaphore_mem>> -> memref<1x!tpu.dma_semaphore, #tpu.memory_space<semaphore_mem>>
      %dma_start3A_294 = tpu.memref_squeeze %dma_start3A_293 : memref<1x!tpu.dma_semaphore, #tpu.memory_space<semaphore_mem>> -> memref<!tpu.dma_semaphore, #tpu.memory_space<semaphore_mem>>
      %dma_start3A_295 = arith.constant 0 : i32
      %dma_start3A_296 = tpu.memref_slice %arg5[%dma_start3A_285, %add3A_267, %dma_start3A_295] : memref<4x8192x1024xf32, #tpu.memory_space<hbm>> -> memref<1x8x1024xf32, #tpu.memory_space<hbm>>
      %dma_start3A_297 = tpu.memref_squeeze %dma_start3A_296 : memref<1x8x1024xf32, #tpu.memory_space<hbm>> -> memref<8x1024xf32, #tpu.memory_space<hbm>>
      %dma_start3A_298 = arith.constant 8 : i32
      %dma_start3A_299 = arith.constant 0 : i32
      %dma_start3A_300 = tpu.memref_slice %arg8[%rem3A_227, %dma_start3A_298, %dma_start3A_299] : memref<3x32x1024xf32, #tpu.memory_space<vmem>> -> memref<1x8x1024xf32, #tpu.memory_space<vmem>>
      %dma_start3A_301 = tpu.memref_squeeze %dma_start3A_300 : memref<1x8x1024xf32, #tpu.memory_space<vmem>> -> memref<8x1024xf32, #tpu.memory_space<vmem>>
      tpu.enqueue_dma source(%dma_start3A_301 : memref<8x1024xf32, #tpu.memory_space<vmem>>) target(%dma_start3A_297 : memref<8x1024xf32, #tpu.memory_space<hbm>>) target_semaphore(%dma_start3A_294 : memref<!tpu.dma_semaphore, #tpu.memory_space<semaphore_mem>>)
      %dma_start3A_302 = arith.constant 2 : i32
      %dma_start3A_303 = arith.constant 16 : i32
      %dma_start3A_304 = arith.constant 0 : i32
      %dma_start3A_305 = tpu.memref_slice %arg8[%rem3A_227, %dma_start3A_303, %dma_start3A_304] : memref<3x32x1024xf32, #tpu.memory_space<vmem>> -> memref<1x8x1024xf32, #tpu.memory_space<vmem>>
      %dma_start3A_306 = tpu.memref_squeeze %dma_start3A_305 : memref<1x8x1024xf32, #tpu.memory_space<vmem>> -> memref<8x1024xf32, #tpu.memory_space<vmem>>
      %dma_start3A_307 = arith.constant 0 : i32
      %dma_start3A_308 = tpu.memref_slice %arg5[%dma_start3A_302, %add3A_267, %dma_start3A_307] : memref<4x8192x1024xf32, #tpu.memory_space<hbm>> -> memref<1x8x1024xf32, #tpu.memory_space<hbm>>
      %dma_start3A_309 = tpu.memref_squeeze %dma_start3A_308 : memref<1x8x1024xf32, #tpu.memory_space<hbm>> -> memref<8x1024xf32, #tpu.memory_space<hbm>>
      %dma_start3A_310 = tpu.memref_slice %arg10[%rem3A_227] : memref<3x!tpu.dma_semaphore, #tpu.memory_space<semaphore_mem>> -> memref<1x!tpu.dma_semaphore, #tpu.memory_space<semaphore_mem>>
      %dma_start3A_311 = tpu.memref_squeeze %dma_start3A_310 : memref<1x!tpu.dma_semaphore, #tpu.memory_space<semaphore_mem>> -> memref<!tpu.dma_semaphore, #tpu.memory_space<semaphore_mem>>
      %dma_start3A_312 = arith.constant 0 : i32
      %dma_start3A_313 = tpu.memref_slice %arg5[%dma_start3A_302, %add3A_267, %dma_start3A_312] : memref<4x8192x1024xf32, #tpu.memory_space<hbm>> -> memref<1x8x1024xf32, #tpu.memory_space<hbm>>
      %dma_start3A_314 = tpu.memref_squeeze %dma_start3A_313 : memref<1x8x1024xf32, #tpu.memory_space<hbm>> -> memref<8x1024xf32, #tpu.memory_space<hbm>>
      %dma_start3A_315 = arith.constant 16 : i32
      %dma_start3A_316 = arith.constant 0 : i32
      %dma_start3A_317 = tpu.memref_slice %arg8[%rem3A_227, %dma_start3A_315, %dma_start3A_316] : memref<3x32x1024xf32, #tpu.memory_space<vmem>> -> memref<1x8x1024xf32, #tpu.memory_space<vmem>>
      %dma_start3A_318 = tpu.memref_squeeze %dma_start3A_317 : memref<1x8x1024xf32, #tpu.memory_space<vmem>> -> memref<8x1024xf32, #tpu.memory_space<vmem>>
      tpu.enqueue_dma source(%dma_start3A_318 : memref<8x1024xf32, #tpu.memory_space<vmem>>) target(%dma_start3A_314 : memref<8x1024xf32, #tpu.memory_space<hbm>>) target_semaphore(%dma_start3A_311 : memref<!tpu.dma_semaphore, #tpu.memory_space<semaphore_mem>>)
      %dma_start3A_319 = arith.constant 3 : i32
      %dma_start3A_320 = arith.constant 24 : i32
      %dma_start3A_321 = arith.constant 0 : i32
      %dma_start3A_322 = tpu.memref_slice %arg8[%rem3A_227, %dma_start3A_320, %dma_start3A_321] : memref<3x32x1024xf32, #tpu.memory_space<vmem>> -> memref<1x8x1024xf32, #tpu.memory_space<vmem>>
      %dma_start3A_323 = tpu.memref_squeeze %dma_start3A_322 : memref<1x8x1024xf32, #tpu.memory_space<vmem>> -> memref<8x1024xf32, #tpu.memory_space<vmem>>
      %dma_start3A_324 = arith.constant 0 : i32
      %dma_start3A_325 = tpu.memref_slice %arg5[%dma_start3A_319, %add3A_267, %dma_start3A_324] : memref<4x8192x1024xf32, #tpu.memory_space<hbm>> -> memref<1x8x1024xf32, #tpu.memory_space<hbm>>
      %dma_start3A_326 = tpu.memref_squeeze %dma_start3A_325 : memref<1x8x1024xf32, #tpu.memory_space<hbm>> -> memref<8x1024xf32, #tpu.memory_space<hbm>>
      %dma_start3A_327 = tpu.memref_slice %arg10[%rem3A_227] : memref<3x!tpu.dma_semaphore, #tpu.memory_space<semaphore_mem>> -> memref<1x!tpu.dma_semaphore, #tpu.memory_space<semaphore_mem>>
      %dma_start3A_328 = tpu.memref_squeeze %dma_start3A_327 : memref<1x!tpu.dma_semaphore, #tpu.memory_space<semaphore_mem>> -> memref<!tpu.dma_semaphore, #tpu.memory_space<semaphore_mem>>
      %dma_start3A_329 = arith.constant 0 : i32
      %dma_start3A_330 = tpu.memref_slice %arg5[%dma_start3A_319, %add3A_267, %dma_start3A_329] : memref<4x8192x1024xf32, #tpu.memory_space<hbm>> -> memref<1x8x1024xf32, #tpu.memory_space<hbm>>
      %dma_start3A_331 = tpu.memref_squeeze %dma_start3A_330 : memref<1x8x1024xf32, #tpu.memory_space<hbm>> -> memref<8x1024xf32, #tpu.memory_space<hbm>>
      %dma_start3A_332 = arith.constant 24 : i32
      %dma_start3A_333 = arith.constant 0 : i32
      %dma_start3A_334 = tpu.memref_slice %arg8[%rem3A_227, %dma_start3A_332, %dma_start3A_333] : memref<3x32x1024xf32, #tpu.memory_space<vmem>> -> memref<1x8x1024xf32, #tpu.memory_space<vmem>>
      %dma_start3A_335 = tpu.memref_squeeze %dma_start3A_334 : memref<1x8x1024xf32, #tpu.memory_space<vmem>> -> memref<8x1024xf32, #tpu.memory_space<vmem>>
      tpu.enqueue_dma source(%dma_start3A_335 : memref<8x1024xf32, #tpu.memory_space<vmem>>) target(%dma_start3A_331 : memref<8x1024xf32, #tpu.memory_space<hbm>>) target_semaphore(%dma_start3A_328 : memref<!tpu.dma_semaphore, #tpu.memory_space<semaphore_mem>>)
      %add3A_336 = arith.constant 2 : i32
      %add3A_337 = arith.addi %scan3A_226, %add3A_336 : i32
      %lt3A = arith.constant 32 : i32
      %lt3A_338 = arith.cmpi slt, %add3A_337, %lt3A : i32
      %convert_element_type3A = arith.extui %lt3A_338 : i1 to i32
      %cond3A = arith.constant 0 : i32
      %cond3A_339 = arith.cmpi ne, %convert_element_type3A, %cond3A : i32
      scf.if %cond3A_339 {
        %ge3A = arith.constant 1 : i32
        %ge3A_340 = arith.cmpi sge, %scan3A_226, %ge3A : i32
        %convert_element_type3A_341 = arith.extui %ge3A_340 : i1 to i32
        %cond3A_342 = arith.constant 0 : i32
        %cond3A_343 = arith.cmpi ne, %convert_element_type3A_341, %cond3A_342 : i32
        scf.if %cond3A_343 {
          %dma_wait3A_419 = arith.constant 0 : i32
          %dma_wait3A_420 = arith.constant 0 : i32
          %dma_wait3A_421 = arith.constant 0 : i32
          %dma_wait3A_422 = tpu.memref_slice %arg8[%rem3A_231, %dma_wait3A_420, %dma_wait3A_421] : memref<3x32x1024xf32, #tpu.memory_space<vmem>> -> memref<1x32x1024xf32, #tpu.memory_space<vmem>>
          %dma_wait3A_423 = tpu.memref_squeeze %dma_wait3A_422 : memref<1x32x1024xf32, #tpu.memory_space<vmem>> -> memref<32x1024xf32, #tpu.memory_space<vmem>>
          %dma_wait3A_424 = arith.constant 0 : i32
          %dma_wait3A_425 = tpu.memref_slice %arg5[%dma_wait3A_419, %mul3A_2, %dma_wait3A_424] : memref<4x8192x1024xf32, #tpu.memory_space<hbm>> -> memref<1x32x1024xf32, #tpu.memory_space<hbm>>
          %dma_wait3A_426 = tpu.memref_squeeze %dma_wait3A_425 : memref<1x32x1024xf32, #tpu.memory_space<hbm>> -> memref<32x1024xf32, #tpu.memory_space<hbm>>
          %dma_wait3A_427 = tpu.memref_slice %arg10[%rem3A_231] : memref<3x!tpu.dma_semaphore, #tpu.memory_space<semaphore_mem>> -> memref<1x!tpu.dma_semaphore, #tpu.memory_space<semaphore_mem>>
          %dma_wait3A_428 = tpu.memref_squeeze %dma_wait3A_427 : memref<1x!tpu.dma_semaphore, #tpu.memory_space<semaphore_mem>> -> memref<!tpu.dma_semaphore, #tpu.memory_space<semaphore_mem>>
          %dma_wait3A_429 = arith.constant 0 : i32
          %dma_wait3A_430 = tpu.memref_slice %arg5[%dma_wait3A_419, %mul3A_2, %dma_wait3A_429] : memref<4x8192x1024xf32, #tpu.memory_space<hbm>> -> memref<1x32x1024xf32, #tpu.memory_space<hbm>>
          %dma_wait3A_431 = tpu.memref_squeeze %dma_wait3A_430 : memref<1x32x1024xf32, #tpu.memory_space<hbm>> -> memref<32x1024xf32, #tpu.memory_space<hbm>>
          %dma_wait3A_432 = arith.constant 0 : i32
          %dma_wait3A_433 = arith.constant 0 : i32
          %dma_wait3A_434 = tpu.memref_slice %arg8[%rem3A_231, %dma_wait3A_432, %dma_wait3A_433] : memref<3x32x1024xf32, #tpu.memory_space<vmem>> -> memref<1x32x1024xf32, #tpu.memory_space<vmem>>
          %dma_wait3A_435 = tpu.memref_squeeze %dma_wait3A_434 : memref<1x32x1024xf32, #tpu.memory_space<vmem>> -> memref<32x1024xf32, #tpu.memory_space<vmem>>
          tpu.wait_dma2 semaphore(%dma_wait3A_428 : memref<!tpu.dma_semaphore, #tpu.memory_space<semaphore_mem>>) src(%dma_wait3A_435 : memref<32x1024xf32, #tpu.memory_space<vmem>>) dst(%dma_wait3A_431 : memref<32x1024xf32, #tpu.memory_space<hbm>>)
        } else {
        }
        %add3A_344 = arith.constant 2 : i32
        %add3A_345 = arith.addi %scan3A_226, %add3A_344 : i32
        %mul3A_346 = arith.constant 8 : i32
        %mul3A_347 = arith.muli %add3A_345, %mul3A_346 : i32
        %add3A_348 = arith.addi %mul3A_2, %mul3A_347 : i32
        %dma_start3A_349 = arith.constant 0 : i32
        %dma_start3A_350 = arith.constant 0 : i32
        %dma_start3A_351 = tpu.memref_slice %arg7[%rem3A_231, %dma_start3A_349, %dma_start3A_350] : memref<3x8x1024xf32, #tpu.memory_space<vmem>> -> memref<1x8x1024xf32, #tpu.memory_space<vmem>>
        %dma_start3A_352 = tpu.memref_squeeze %dma_start3A_351 : memref<1x8x1024xf32, #tpu.memory_space<vmem>> -> memref<8x1024xf32, #tpu.memory_space<vmem>>
        %dma_start3A_353 = arith.constant 0 : i32
        %dma_start3A_354 = tpu.memref_slice %arg4[%add3A_348, %dma_start3A_353] : memref<8192x1024xf32, #tpu.memory_space<hbm>> -> memref<8x1024xf32, #tpu.memory_space<hbm>>
        %dma_start3A_355 = tpu.memref_slice %arg9[%rem3A_231] : memref<3x!tpu.dma_semaphore, #tpu.memory_space<semaphore_mem>> -> memref<1x!tpu.dma_semaphore, #tpu.memory_space<semaphore_mem>>
        %dma_start3A_356 = tpu.memref_squeeze %dma_start3A_355 : memref<1x!tpu.dma_semaphore, #tpu.memory_space<semaphore_mem>> -> memref<!tpu.dma_semaphore, #tpu.memory_space<semaphore_mem>>
        %dma_start3A_357 = arith.constant 0 : i32
        %dma_start3A_358 = arith.constant 0 : i32
        %dma_start3A_359 = tpu.memref_slice %arg7[%rem3A_231, %dma_start3A_357, %dma_start3A_358] : memref<3x8x1024xf32, #tpu.memory_space<vmem>> -> memref<1x8x1024xf32, #tpu.memory_space<vmem>>
        %dma_start3A_360 = tpu.memref_squeeze %dma_start3A_359 : memref<1x8x1024xf32, #tpu.memory_space<vmem>> -> memref<8x1024xf32, #tpu.memory_space<vmem>>
        %dma_start3A_361 = arith.constant 0 : i32
        %dma_start3A_362 = tpu.memref_slice %arg4[%add3A_348, %dma_start3A_361] : memref<8192x1024xf32, #tpu.memory_space<hbm>> -> memref<8x1024xf32, #tpu.memory_space<hbm>>
        tpu.enqueue_dma source(%dma_start3A_362 : memref<8x1024xf32, #tpu.memory_space<hbm>>) target(%dma_start3A_360 : memref<8x1024xf32, #tpu.memory_space<vmem>>) target_semaphore(%dma_start3A_356 : memref<!tpu.dma_semaphore, #tpu.memory_space<semaphore_mem>>)
        %mul3A_363 = arith.constant 8 : i32
        %mul3A_364 = arith.muli %add3A_345, %mul3A_363 : i32
        %dma_start3A_365 = arith.constant 0 : i32
        %dma_start3A_366 = arith.constant 0 : i32
        %dma_start3A_367 = arith.constant 0 : i32
        %dma_start3A_368 = tpu.memref_slice %arg8[%rem3A_231, %dma_start3A_366, %dma_start3A_367] : memref<3x32x1024xf32, #tpu.memory_space<vmem>> -> memref<1x8x1024xf32, #tpu.memory_space<vmem>>
        %dma_start3A_369 = tpu.memref_squeeze %dma_start3A_368 : memref<1x8x1024xf32, #tpu.memory_space<vmem>> -> memref<8x1024xf32, #tpu.memory_space<vmem>>
        %dma_start3A_370 = tpu.memref_slice %arg6[%dma_start3A_365, %mul3A_364] : memref<4x256xi32, #tpu.memory_space<vmem>> -> memref<1x8xi32, #tpu.memory_space<vmem>>
        %dma_start3A_371 = tpu.memref_squeeze %dma_start3A_370 : memref<1x8xi32, #tpu.memory_space<vmem>> -> memref<8xi32, #tpu.memory_space<vmem>>
        %dma_start3A_372 = arith.constant 0 : i32
        %dma_start3A_373 = arith.constant 0 : i32
        %dma_start3A_374 = tpu.memref_slice %arg3[%dma_start3A_372, %dma_start3A_373] : memref<8192x1024xf32, #tpu.memory_space<hbm>> -> memref<8192x1024xf32, #tpu.memory_space<hbm>>
        %dma_start3A_375 = tpu.memref_slice %arg9[%rem3A_231] : memref<3x!tpu.dma_semaphore, #tpu.memory_space<semaphore_mem>> -> memref<1x!tpu.dma_semaphore, #tpu.memory_space<semaphore_mem>>
        %dma_start3A_376 = tpu.memref_squeeze %dma_start3A_375 : memref<1x!tpu.dma_semaphore, #tpu.memory_space<semaphore_mem>> -> memref<!tpu.dma_semaphore, #tpu.memory_space<semaphore_mem>>
        tpu.enqueue_indirect_dma source(%dma_start3A_374 : memref<8192x1024xf32, #tpu.memory_space<hbm>>) target(%dma_start3A_369 : memref<8x1024xf32, #tpu.memory_space<vmem>>) offsets(%dma_start3A_371 : memref<8xi32, #tpu.memory_space<vmem>>) semaphore(%dma_start3A_376 : memref<!tpu.dma_semaphore, #tpu.memory_space<semaphore_mem>>)
        %mul3A_377 = arith.constant 8 : i32
        %mul3A_378 = arith.muli %add3A_345, %mul3A_377 : i32
        %dma_start3A_379 = arith.constant 1 : i32
        %dma_start3A_380 = arith.constant 8 : i32
        %dma_start3A_381 = arith.constant 0 : i32
        %dma_start3A_382 = tpu.memref_slice %arg8[%rem3A_231, %dma_start3A_380, %dma_start3A_381] : memref<3x32x1024xf32, #tpu.memory_space<vmem>> -> memref<1x8x1024xf32, #tpu.memory_space<vmem>>
        %dma_start3A_383 = tpu.memref_squeeze %dma_start3A_382 : memref<1x8x1024xf32, #tpu.memory_space<vmem>> -> memref<8x1024xf32, #tpu.memory_space<vmem>>
        %dma_start3A_384 = tpu.memref_slice %arg6[%dma_start3A_379, %mul3A_378] : memref<4x256xi32, #tpu.memory_space<vmem>> -> memref<1x8xi32, #tpu.memory_space<vmem>>
        %dma_start3A_385 = tpu.memref_squeeze %dma_start3A_384 : memref<1x8xi32, #tpu.memory_space<vmem>> -> memref<8xi32, #tpu.memory_space<vmem>>
        %dma_start3A_386 = arith.constant 0 : i32
        %dma_start3A_387 = arith.constant 0 : i32
        %dma_start3A_388 = tpu.memref_slice %arg3[%dma_start3A_386, %dma_start3A_387] : memref<8192x1024xf32, #tpu.memory_space<hbm>> -> memref<8192x1024xf32, #tpu.memory_space<hbm>>
        %dma_start3A_389 = tpu.memref_slice %arg9[%rem3A_231] : memref<3x!tpu.dma_semaphore, #tpu.memory_space<semaphore_mem>> -> memref<1x!tpu.dma_semaphore, #tpu.memory_space<semaphore_mem>>
        %dma_start3A_390 = tpu.memref_squeeze %dma_start3A_389 : memref<1x!tpu.dma_semaphore, #tpu.memory_space<semaphore_mem>> -> memref<!tpu.dma_semaphore, #tpu.memory_space<semaphore_mem>>
        tpu.enqueue_indirect_dma source(%dma_start3A_388 : memref<8192x1024xf32, #tpu.memory_space<hbm>>) target(%dma_start3A_383 : memref<8x1024xf32, #tpu.memory_space<vmem>>) offsets(%dma_start3A_385 : memref<8xi32, #tpu.memory_space<vmem>>) semaphore(%dma_start3A_390 : memref<!tpu.dma_semaphore, #tpu.memory_space<semaphore_mem>>)
        %mul3A_391 = arith.constant 8 : i32
        %mul3A_392 = arith.muli %add3A_345, %mul3A_391 : i32
        %dma_start3A_393 = arith.constant 2 : i32
        %dma_start3A_394 = arith.constant 16 : i32
        %dma_start3A_395 = arith.constant 0 : i32
        %dma_start3A_396 = tpu.memref_slice %arg8[%rem3A_231, %dma_start3A_394, %dma_start3A_395] : memref<3x32x1024xf32, #tpu.memory_space<vmem>> -> memref<1x8x1024xf32, #tpu.memory_space<vmem>>
        %dma_start3A_397 = tpu.memref_squeeze %dma_start3A_396 : memref<1x8x1024xf32, #tpu.memory_space<vmem>> -> memref<8x1024xf32, #tpu.memory_space<vmem>>
        %dma_start3A_398 = tpu.memref_slice %arg6[%dma_start3A_393, %mul3A_392] : memref<4x256xi32, #tpu.memory_space<vmem>> -> memref<1x8xi32, #tpu.memory_space<vmem>>
        %dma_start3A_399 = tpu.memref_squeeze %dma_start3A_398 : memref<1x8xi32, #tpu.memory_space<vmem>> -> memref<8xi32, #tpu.memory_space<vmem>>
        %dma_start3A_400 = arith.constant 0 : i32
        %dma_start3A_401 = arith.constant 0 : i32
        %dma_start3A_402 = tpu.memref_slice %arg3[%dma_start3A_400, %dma_start3A_401] : memref<8192x1024xf32, #tpu.memory_space<hbm>> -> memref<8192x1024xf32, #tpu.memory_space<hbm>>
        %dma_start3A_403 = tpu.memref_slice %arg9[%rem3A_231] : memref<3x!tpu.dma_semaphore, #tpu.memory_space<semaphore_mem>> -> memref<1x!tpu.dma_semaphore, #tpu.memory_space<semaphore_mem>>
        %dma_start3A_404 = tpu.memref_squeeze %dma_start3A_403 : memref<1x!tpu.dma_semaphore, #tpu.memory_space<semaphore_mem>> -> memref<!tpu.dma_semaphore, #tpu.memory_space<semaphore_mem>>
        tpu.enqueue_indirect_dma source(%dma_start3A_402 : memref<8192x1024xf32, #tpu.memory_space<hbm>>) target(%dma_start3A_397 : memref<8x1024xf32, #tpu.memory_space<vmem>>) offsets(%dma_start3A_399 : memref<8xi32, #tpu.memory_space<vmem>>) semaphore(%dma_start3A_404 : memref<!tpu.dma_semaphore, #tpu.memory_space<semaphore_mem>>)
        %mul3A_405 = arith.constant 8 : i32
        %mul3A_406 = arith.muli %add3A_345, %mul3A_405 : i32
        %dma_start3A_407 = arith.constant 3 : i32
        %dma_start3A_408 = arith.constant 24 : i32
        %dma_start3A_409 = arith.constant 0 : i32
        %dma_start3A_410 = tpu.memref_slice %arg8[%rem3A_231, %dma_start3A_408, %dma_start3A_409] : memref<3x32x1024xf32, #tpu.memory_space<vmem>> -> memref<1x8x1024xf32, #tpu.memory_space<vmem>>
        %dma_start3A_411 = tpu.memref_squeeze %dma_start3A_410 : memref<1x8x1024xf32, #tpu.memory_space<vmem>> -> memref<8x1024xf32, #tpu.memory_space<vmem>>
        %dma_start3A_412 = tpu.memref_slice %arg6[%dma_start3A_407, %mul3A_406] : memref<4x256xi32, #tpu.memory_space<vmem>> -> memref<1x8xi32, #tpu.memory_space<vmem>>
        %dma_start3A_413 = tpu.memref_squeeze %dma_start3A_412 : memref<1x8xi32, #tpu.memory_space<vmem>> -> memref<8xi32, #tpu.memory_space<vmem>>
        %dma_start3A_414 = arith.constant 0 : i32
        %dma_start3A_415 = arith.constant 0 : i32
        %dma_start3A_416 = tpu.memref_slice %arg3[%dma_start3A_414, %dma_start3A_415] : memref<8192x1024xf32, #tpu.memory_space<hbm>> -> memref<8192x1024xf32, #tpu.memory_space<hbm>>
        %dma_start3A_417 = tpu.memref_slice %arg9[%rem3A_231] : memref<3x!tpu.dma_semaphore, #tpu.memory_space<semaphore_mem>> -> memref<1x!tpu.dma_semaphore, #tpu.memory_space<semaphore_mem>>
        %dma_start3A_418 = tpu.memref_squeeze %dma_start3A_417 : memref<1x!tpu.dma_semaphore, #tpu.memory_space<semaphore_mem>> -> memref<!tpu.dma_semaphore, #tpu.memory_space<semaphore_mem>>
        tpu.enqueue_indirect_dma source(%dma_start3A_416 : memref<8192x1024xf32, #tpu.memory_space<hbm>>) target(%dma_start3A_411 : memref<8x1024xf32, #tpu.memory_space<vmem>>) offsets(%dma_start3A_413 : memref<8xi32, #tpu.memory_space<vmem>>) semaphore(%dma_start3A_418 : memref<!tpu.dma_semaphore, #tpu.memory_space<semaphore_mem>>)
      } else {
      }
    }
    %scan3A_169 = arith.constant 32 : i32
    %dma_wait3A = arith.constant 2 : i32
    %dma_wait3A_170 = arith.constant 0 : i32
    %dma_wait3A_171 = arith.constant 2 : i32
    %dma_wait3A_172 = arith.constant 0 : i32
    %dma_wait3A_173 = arith.constant 0 : i32
    %dma_wait3A_174 = tpu.memref_slice %arg8[%dma_wait3A, %dma_wait3A_172, %dma_wait3A_173] : memref<3x32x1024xf32, #tpu.memory_space<vmem>> -> memref<1x32x1024xf32, #tpu.memory_space<vmem>>
    %dma_wait3A_175 = tpu.memref_squeeze %dma_wait3A_174 : memref<1x32x1024xf32, #tpu.memory_space<vmem>> -> memref<32x1024xf32, #tpu.memory_space<vmem>>
    %dma_wait3A_176 = arith.constant 0 : i32
    %dma_wait3A_177 = tpu.memref_slice %arg5[%dma_wait3A_170, %mul3A_2, %dma_wait3A_176] : memref<4x8192x1024xf32, #tpu.memory_space<hbm>> -> memref<1x32x1024xf32, #tpu.memory_space<hbm>>
    %dma_wait3A_178 = tpu.memref_squeeze %dma_wait3A_177 : memref<1x32x1024xf32, #tpu.memory_space<hbm>> -> memref<32x1024xf32, #tpu.memory_space<hbm>>
    %dma_wait3A_179 = tpu.memref_slice %arg10[%dma_wait3A_171] : memref<3x!tpu.dma_semaphore, #tpu.memory_space<semaphore_mem>> -> memref<1x!tpu.dma_semaphore, #tpu.memory_space<semaphore_mem>>
    %dma_wait3A_180 = tpu.memref_squeeze %dma_wait3A_179 : memref<1x!tpu.dma_semaphore, #tpu.memory_space<semaphore_mem>> -> memref<!tpu.dma_semaphore, #tpu.memory_space<semaphore_mem>>
    %dma_wait3A_181 = arith.constant 0 : i32
    %dma_wait3A_182 = tpu.memref_slice %arg5[%dma_wait3A_170, %mul3A_2, %dma_wait3A_181] : memref<4x8192x1024xf32, #tpu.memory_space<hbm>> -> memref<1x32x1024xf32, #tpu.memory_space<hbm>>
    %dma_wait3A_183 = tpu.memref_squeeze %dma_wait3A_182 : memref<1x32x1024xf32, #tpu.memory_space<hbm>> -> memref<32x1024xf32, #tpu.memory_space<hbm>>
    %dma_wait3A_184 = arith.constant 0 : i32
    %dma_wait3A_185 = arith.constant 0 : i32
    %dma_wait3A_186 = tpu.memref_slice %arg8[%dma_wait3A, %dma_wait3A_184, %dma_wait3A_185] : memref<3x32x1024xf32, #tpu.memory_space<vmem>> -> memref<1x32x1024xf32, #tpu.memory_space<vmem>>
    %dma_wait3A_187 = tpu.memref_squeeze %dma_wait3A_186 : memref<1x32x1024xf32, #tpu.memory_space<vmem>> -> memref<32x1024xf32, #tpu.memory_space<vmem>>
    tpu.wait_dma2 semaphore(%dma_wait3A_180 : memref<!tpu.dma_semaphore, #tpu.memory_space<semaphore_mem>>) src(%dma_wait3A_187 : memref<32x1024xf32, #tpu.memory_space<vmem>>) dst(%dma_wait3A_183 : memref<32x1024xf32, #tpu.memory_space<hbm>>)
    %dma_wait3A_188 = arith.constant 0 : i32
    %dma_wait3A_189 = arith.constant 0 : i32
    %dma_wait3A_190 = arith.constant 0 : i32
    %dma_wait3A_191 = arith.constant 0 : i32
    %dma_wait3A_192 = arith.constant 0 : i32
    %dma_wait3A_193 = tpu.memref_slice %arg8[%dma_wait3A_188, %dma_wait3A_191, %dma_wait3A_192] : memref<3x32x1024xf32, #tpu.memory_space<vmem>> -> memref<1x32x1024xf32, #tpu.memory_space<vmem>>
    %dma_wait3A_194 = tpu.memref_squeeze %dma_wait3A_193 : memref<1x32x1024xf32, #tpu.memory_space<vmem>> -> memref<32x1024xf32, #tpu.memory_space<vmem>>
    %dma_wait3A_195 = arith.constant 0 : i32
    %dma_wait3A_196 = tpu.memref_slice %arg5[%dma_wait3A_189, %mul3A_2, %dma_wait3A_195] : memref<4x8192x1024xf32, #tpu.memory_space<hbm>> -> memref<1x32x1024xf32, #tpu.memory_space<hbm>>
    %dma_wait3A_197 = tpu.memref_squeeze %dma_wait3A_196 : memref<1x32x1024xf32, #tpu.memory_space<hbm>> -> memref<32x1024xf32, #tpu.memory_space<hbm>>
    %dma_wait3A_198 = tpu.memref_slice %arg10[%dma_wait3A_190] : memref<3x!tpu.dma_semaphore, #tpu.memory_space<semaphore_mem>> -> memref<1x!tpu.dma_semaphore, #tpu.memory_space<semaphore_mem>>
    %dma_wait3A_199 = tpu.memref_squeeze %dma_wait3A_198 : memref<1x!tpu.dma_semaphore, #tpu.memory_space<semaphore_mem>> -> memref<!tpu.dma_semaphore, #tpu.memory_space<semaphore_mem>>
    %dma_wait3A_200 = arith.constant 0 : i32
    %dma_wait3A_201 = tpu.memref_slice %arg5[%dma_wait3A_189, %mul3A_2, %dma_wait3A_200] : memref<4x8192x1024xf32, #tpu.memory_space<hbm>> -> memref<1x32x1024xf32, #tpu.memory_space<hbm>>
    %dma_wait3A_202 = tpu.memref_squeeze %dma_wait3A_201 : memref<1x32x1024xf32, #tpu.memory_space<hbm>> -> memref<32x1024xf32, #tpu.memory_space<hbm>>
    %dma_wait3A_203 = arith.constant 0 : i32
    %dma_wait3A_204 = arith.constant 0 : i32
    %dma_wait3A_205 = tpu.memref_slice %arg8[%dma_wait3A_188, %dma_wait3A_203, %dma_wait3A_204] : memref<3x32x1024xf32, #tpu.memory_space<vmem>> -> memref<1x32x1024xf32, #tpu.memory_space<vmem>>
    %dma_wait3A_206 = tpu.memref_squeeze %dma_wait3A_205 : memref<1x32x1024xf32, #tpu.memory_space<vmem>> -> memref<32x1024xf32, #tpu.memory_space<vmem>>
    tpu.wait_dma2 semaphore(%dma_wait3A_199 : memref<!tpu.dma_semaphore, #tpu.memory_space<semaphore_mem>>) src(%dma_wait3A_206 : memref<32x1024xf32, #tpu.memory_space<vmem>>) dst(%dma_wait3A_202 : memref<32x1024xf32, #tpu.memory_space<hbm>>)
    %dma_wait3A_207 = arith.constant 1 : i32
    %dma_wait3A_208 = arith.constant 0 : i32
    %dma_wait3A_209 = arith.constant 1 : i32
    %dma_wait3A_210 = arith.constant 0 : i32
    %dma_wait3A_211 = arith.constant 0 : i32
    %dma_wait3A_212 = tpu.memref_slice %arg8[%dma_wait3A_207, %dma_wait3A_210, %dma_wait3A_211] : memref<3x32x1024xf32, #tpu.memory_space<vmem>> -> memref<1x32x1024xf32, #tpu.memory_space<vmem>>
    %dma_wait3A_213 = tpu.memref_squeeze %dma_wait3A_212 : memref<1x32x1024xf32, #tpu.memory_space<vmem>> -> memref<32x1024xf32, #tpu.memory_space<vmem>>
    %dma_wait3A_214 = arith.constant 0 : i32
    %dma_wait3A_215 = tpu.memref_slice %arg5[%dma_wait3A_208, %mul3A_2, %dma_wait3A_214] : memref<4x8192x1024xf32, #tpu.memory_space<hbm>> -> memref<1x32x1024xf32, #tpu.memory_space<hbm>>
    %dma_wait3A_216 = tpu.memref_squeeze %dma_wait3A_215 : memref<1x32x1024xf32, #tpu.memory_space<hbm>> -> memref<32x1024xf32, #tpu.memory_space<hbm>>
    %dma_wait3A_217 = tpu.memref_slice %arg10[%dma_wait3A_209] : memref<3x!tpu.dma_semaphore, #tpu.memory_space<semaphore_mem>> -> memref<1x!tpu.dma_semaphore, #tpu.memory_space<semaphore_mem>>
    %dma_wait3A_218 = tpu.memref_squeeze %dma_wait3A_217 : memref<1x!tpu.dma_semaphore, #tpu.memory_space<semaphore_mem>> -> memref<!tpu.dma_semaphore, #tpu.memory_space<semaphore_mem>>
    %dma_wait3A_219 = arith.constant 0 : i32
    %dma_wait3A_220 = tpu.memref_slice %arg5[%dma_wait3A_208, %mul3A_2, %dma_wait3A_219] : memref<4x8192x1024xf32, #tpu.memory_space<hbm>> -> memref<1x32x1024xf32, #tpu.memory_space<hbm>>
    %dma_wait3A_221 = tpu.memref_squeeze %dma_wait3A_220 : memref<1x32x1024xf32, #tpu.memory_space<hbm>> -> memref<32x1024xf32, #tpu.memory_space<hbm>>
    %dma_wait3A_222 = arith.constant 0 : i32
    %dma_wait3A_223 = arith.constant 0 : i32
    %dma_wait3A_224 = tpu.memref_slice %arg8[%dma_wait3A_207, %dma_wait3A_222, %dma_wait3A_223] : memref<3x32x1024xf32, #tpu.memory_space<vmem>> -> memref<1x32x1024xf32, #tpu.memory_space<vmem>>
    %dma_wait3A_225 = tpu.memref_squeeze %dma_wait3A_224 : memref<1x32x1024xf32, #tpu.memory_space<vmem>> -> memref<32x1024xf32, #tpu.memory_space<vmem>>
    tpu.wait_dma2 semaphore(%dma_wait3A_218 : memref<!tpu.dma_semaphore, #tpu.memory_space<semaphore_mem>>) src(%dma_wait3A_225 : memref<32x1024xf32, #tpu.memory_space<vmem>>) dst(%dma_wait3A_221 : memref<32x1024xf32, #tpu.memory_space<hbm>>)
    return
  }
}

</mosaic_0001>

<sc_bundles>
// kernel: kernel.3.cloned.1.call-start
scs
__scs_entry_jumppad:
0x0: {  	(pc) =	sbr.rel $0x88, $3  }
0x1: {  	(tag) =	ssettag $0x0;
	lr =	simm.s32 $0x1  }
0x2: {  	[smem:$0x3F9E] =	sst lr;
	_ =	strace $0xD0000000  }
0x3: {  	_ = 	snop  }
0x4: {  	_ = 	snop  }
0x5: {  	_ = 	snop  }
0x6: {  	_ = 	snop  }
0x7: {  	_ = 	snop  }
__scs_overlays_trampoline_lowered:
0x8: {  	[smem:$0x3FAD] =	sst s0  }
0x9: {  	[smem:$0x3FAE] =	sst s1  }
0xa: {  	[smem:$0x3FAF] =	sst s2  }
0xb: {  	[smem:$0x3FB0] =	sst s3  }
0xc: {  	[smem:$0x3FB1] =	sst s4  }
0xd: {  	[smem:$0x3FB2] =	sst s5  }
0xe: {  	[smem:$0x3FB3] =	sst s6  }
0xf: {  	[smem:$0x3FB4] =	sst s7  }
0x10: {  	[smem:$0x3FB5] =	sst s8  }
0x11: {  	[smem:$0x3FB6] =	sst s9;
	s0 =	simm.s32 @!p0 $0x0  }
0x12: {  	s1 =	sld [smem:$0x3F9C];
	s0 =	simm.s32 @p0 $0x1  }
0x13: {  	[smem:$0x3FB7] =	sst s0;
	s0 =	simm.s32 @!p1 $0x0  }
0x14: {  	s2 =	sld [smem:$0x3F9B];
	s0 =	simm.s32 @p1 $0x1  }
0x15: {  	[smem:$0x3FB8] =	sst s0;
	s0 =	simm.s32 @!p2 $0x0  }
0x16: {  	s3 =	sld [smem:$0x3FDB];
	s0 =	simm.s32 @p2 $0x1  }
0x17: {  	s4 =	simm.s32 $0x1BF5;
	[smem:$0x3FBA] =	sst s0  }
0x18: {  	s0 =	sld [smem:$0x3F9D];
	_ =	swait.ge [sflag:s4], $0x0  }
0x19: {  	s7 =	sld [smem:$0x3F9E]  }
0x1a: {  	s8 =	sadd.s32 $0xFFFFE003, lr  }
0x1b: {  	s9 =	sadd.s32 $0xFFFFFEF7, lr;
	s5 =	simm.s32 $0xFFFFFFFF;
	p2 =	slt.u32 s8, $0xFFFFF086  }
0x1c: {  	p1 =	slt.u32 s9, $0xF7A;
	s5 =	simm.s32 @!p2 $0x0  }
0x1d: {  	s5 =	simm.s32 @p1 $0x1;
	p0 =	seq.s32 s7, s2  }
0x1e: {  	s7 =	smul.u32 @!p0 $0xF7A, s2;
	p2 =	seq.s32 @!p0 s5, $0x0  }
0x1f: {  	s9 =	smul.u32 $0xF7A, s1;
	s8 =	simm.s32 @!p0 $0x1BF5;
	p2 =	por !p2, p0  }
0x20: {  	[sflag:s8] =	ssyncset.s32 @!p0 $0xFFFFF086;
	s6 =	sadd.s32 @!p0 s3, s7;
	s7 =	simm.s32 @!p0 $0x108  }
0x21: {  	s3 =	sadd.s32 s3, s9;
	s6 =	sadd.s32 @!p0 $0x88, s6;
	s7 =	simm.s32 @p2 $0x1082  }
0x22: {  	[simem:s7], [sflag:s8] =	dma.local @!p0 [hbm:s6], $0xF7A  }
0x23: {  	s9 =	sor.u32 $0xD0000000, s2;
	s6 =	simm.s32 $0x108;
	_ =	swait.ge @!p0 [sflag:s8], $0x0  }
0x24: {  	s3 =	sadd.s32 $0x88, s3;
	s6 =	simm.s32 @!p1 $0x1082;
	[sflag:s4] =	ssyncset.s32 $0xFFFFF086  }
0x25: {  	[simem:s6], [sflag:s4] =	dma.local [hbm:s3], $0xF7A  }
0x26: {  	[smem:$0x3F9E] =	sst s1;
	(tag) =	ssettag s2;
	_ =	strace s9  }
0x27: {  	s1 =	sld [smem:$0x3FAE]  }
0x28: {  	s2 =	sld [smem:$0x3FAF]  }
0x29: {  	s4 =	sld [smem:$0x3FB1]  }
0x2a: {  	p0 =	seq.s32 s5, $0x0;
	s5 =	sld [smem:$0x3FB2]  }
0x2b: {  	s6 =	sld [smem:$0x3FB3]  }
0x2c: {  	s7 =	sld [smem:$0x3FB4]  }
0x2d: {  	s3 =	simm.s32 $0x108;
	s8 =	sld [smem:$0x3FB5]  }
0x2e: {  	s3 =	simm.s32 @!p0 $0x1082;
	s9 =	sld [smem:$0x3FB6]  }
0x2f: {  	lr =	sadd.s32 s0, s3;
	s0 =	sld [smem:$0x3FAD]  }
0x30: {  	s3 =	sld [smem:$0x3FB0]  }
0x31: {  	[smem:$0x3FB9] =	sst s10  }
0x32: {  	s10 =	sld [smem:$0x3FB7];
	_ =	sdelay $0x3  }
0x33: {  	p0 =	seq.s32 s10, $0x1;
	s10 =	sld [smem:$0x3FB9];
	_ =	sdelay $0x3  }
0x34: {  	[smem:$0x3FB9] =	sst s10  }
0x35: {  	s10 =	sld [smem:$0x3FB8];
	_ =	sdelay $0x3  }
0x36: {  	p1 =	seq.s32 s10, $0x1;
	s10 =	sld [smem:$0x3FB9];
	_ =	sdelay $0x3  }
0x37: {  	[smem:$0x3FB9] =	sst s10  }
0x38: {  	s10 =	sld [smem:$0x3FBA]  }
0x39: {  	_ = 	snop;
	(pc) =	sbr.ind lr, $3  }
0x3a: {  	_ = 	snop  }
0x3b: {  	_ = 	snop  }
0x3c: {  	p2 =	seq.s32 s10, $0x1;
	s10 =	sld [smem:$0x3FB9]  }
0x3d: {  	_ =	shalt  }
0x3e: {  	_ =	shalt  }
0x3f: {  	_ =	shalt  }
0x40: {  	_ =	shalt  }
0x41: {  	_ =	shalt  }
0x42: {  	_ =	shalt  }
0x43: {  	_ =	shalt  }
0x44: {  	_ =	shalt  }
0x45: {  	_ =	shalt  }
0x46: {  	_ =	shalt  }
0x47: {  	_ =	shalt  }
0x48: {  	_ =	shalt  }
0x49: {  	_ =	shalt  }
0x4a: {  	_ =	shalt  }
0x4b: {  	_ =	shalt  }
0x4c: {  	_ =	shalt  }
0x4d: {  	_ =	shalt  }
0x4e: {  	_ =	shalt  }
0x4f: {  	_ =	shalt  }
0x50: {  	_ =	shalt  }
0x51: {  	_ =	shalt  }
0x52: {  	_ =	shalt  }
0x53: {  	_ =	shalt  }
0x54: {  	_ =	shalt  }
0x55: {  	_ =	shalt  }
0x56: {  	_ =	shalt  }
0x57: {  	_ =	shalt  }
0x58: {  	_ =	shalt  }
0x59: {  	_ =	shalt  }
0x5a: {  	_ =	shalt  }
0x5b: {  	_ =	shalt  }
0x5c: {  	_ =	shalt  }
0x5d: {  	_ =	shalt  }
0x5e: {  	_ =	shalt  }
0x5f: {  	_ =	shalt  }
0x60: {  	_ =	shalt  }
0x61: {  	_ =	shalt  }
0x62: {  	_ =	shalt  }
0x63: {  	_ =	shalt  }
0x64: {  	_ =	shalt  }
0x65: {  	_ =	shalt  }
0x66: {  	_ =	shalt  }
0x67: {  	_ =	shalt  }
0x68: {  	_ =	shalt  }
0x69: {  	_ =	shalt  }
0x6a: {  	_ =	shalt  }
0x6b: {  	_ =	shalt  }
0x6c: {  	_ =	shalt  }
0x6d: {  	_ =	shalt  }
0x6e: {  	_ =	shalt  }
0x6f: {  	_ =	shalt  }
0x70: {  	_ =	shalt  }
0x71: {  	_ =	shalt  }
0x72: {  	_ =	shalt  }
0x73: {  	_ =	shalt  }
0x74: {  	_ =	shalt  }
0x75: {  	_ =	shalt  }
0x76: {  	_ =	shalt  }
0x77: {  	_ =	shalt  }
0x78: {  	_ =	shalt  }
0x79: {  	_ =	shalt  }
0x7a: {  	_ =	shalt  }
0x7b: {  	_ =	shalt  }
0x7c: {  	_ =	shalt  }
0x7d: {  	_ =	shalt  }
0x7e: {  	_ =	shalt  }
0x7f: {  	_ =	shalt  }
0x80: {  	_ =	shalt  }
0x81: {  	_ =	shalt  }
0x82: {  	_ =	shalt  }
0x83: {  	_ =	shalt  }
0x84: {  	_ =	shalt  }
0x85: {  	_ =	shalt  }
0x86: {  	_ =	shalt  }
0x87: {  	_ =	shalt  }
.Lfunc_end0:
.L_simem_size_0:
called_computation_lowered:
.L_overlay_start_0:
0x88: {  	s2 =	sld [smem:$0x3FD9]  }
0x89: {  	s3 =	sld [smem:$0x3FFE];
	_ =	sdelay $0x1  }
0x8a: {  	s1 =	srdreg.scid  }
0x8b: {  	s0 =	sand.u32 $0x1, s1  }
0x8c: {  	s18 =	sshll.u32 s0, $0xA;
	s2 =	sadd.s32 s3, s2  }
0x8d: {  	s2 =	sadd.s32 s2, s18  }
0x8e: {  	[smem:$0x3FC5] =	sst s2  }
0x8f: {  	_ = 	snop  }
0x90: {  	s2 =	sld [smem:$0x3FC9]  }
0x91: {  	s19 =	sld [smem:$0x3FC8]  }
0x92: {  	s4 =	sld [smem:$0x3FC7]  }
0x93: {  	s5 =	sld [smem:$0x3FD0];
	(tm) =	ssettm $0x1  }
0x94: {  	s6 =	sld [smem:$0x3FFB];
	_ =	sdelay $0x3  }
0x95: {  	_ =	strace s6  }
0x96: {  	s6 =	sld [smem:$0x3FFC];
	_ =	sdelay $0x3  }
0x97: {  	_ =	strace s6  }
0x98: {  	s6 =	sld [smem:$0x3FFD];
	_ =	sdelay $0x3  }
0x99: {  	_ =	strace s6  }
0x9a: {  	_ =	strace $0x8FFFFFFF  }
0x9b: {  	s20 =	sld [smem:$0x3FDB];
	_ =	sdelay $0x1  }
0x9c: {  	s7 =	simm.s32 $_scs_section_size  }
0x9d: {  	s8 =	simm.s32 $_size__tile_overlayer_lowered;
	s9 =	simm.s32 $_tile_overlayer_lowered  }
0x9e: {  	s23 =	simm.s32 $0x1BFF;
	s22 =	sshll.u32 s9, $0x1;
	s6 =	sadd.s32 s7, s20  }
0x9f: {  	s10 =	simm.s32 $0x0;
	s21 =	sshll.u32 s8, $0x1;
	s8 =	sadd.s32 s22, s6  }
0xa0: {  	[timem:s10], [sflag:s23] =	dma.local [hbm:s8], s21  }
0xa1: {  	_ =	swait.ge [sflag:s23], s21  }
0xa2: {  	s7 =	ssub.s32 $0x0, s21;
	[sflag:s23] =	ssyncset.done $0x0  }
0xa3: {  	[sflag:s23] =	ssyncadd.s32 s7;
	_ =	sdelay $0x1  }
0xa4: {  	s24 =	simm.s32 $0x1B8B  }
0xa5: {  	_ =	swait.ge [sflag:s24], $0x1  }
0xa6: {  	[sflag:s24] =	ssyncset.done $0x0  }
0xa7: {  	s25 =	simm.s32 $0x1B8E;
	[sflag:s24] =	ssyncadd.s32 $0xFFFFFFFF  }
0xa8: {  	s26 =	simm.s32 $execute0_lowered;
	[smem:$0x3FD2] =	sst s25  }
0xa9: {  	s7 =	sshll.u32 s26, $0x1;
	_ =	strace $0x80000046;
	[dreg:$0x1] =	wrdreg $0xFFFFFFFF  }
0xaa: {  	s28 =	simm.s32 $_size_execute0_lowered;
	s6 =	sadd.s32 s6, s7;
	[dreg:$0x0] =	wrdreg $0x0  }
0xab: {  	s7 =	sshll.u32 s28, $0x1;
	[dreg:$0x2] =	wrdreg s6  }
0xac: {  	[dreg:$0x3] =	wrdreg s7  }
0xad: {  	[dreg:$0x4] =	wrdreg $0xC0  }
0xae: {  	_ =	task [dreg:s10], $0x5FFFF  }
0xaf: {  	[dreg:$0x1] =	wrdreg $0xFFFFFFFF  }
0xb0: {  	[dreg:$0x0] =	wrdreg $0x60  }
0xb1: {  	[dreg:$0x2] =	wrdreg s2  }
0xb2: {  	[dreg:$0x3] =	wrdreg s19  }
0xb3: {  	[dreg:$0x4] =	wrdreg s4  }
0xb4: {  	[dreg:$0x5] =	wrdreg s5  }
0xb5: {  	[dreg:$0x6] =	wrdreg $0x9  }
0xb6: {  	_ =	task.clear_ibuf [dreg:s10], $0x7FFFF;
	_ =	strace $0x90000046  }
0xb7: {  	s29 =	simm.s32 $0x9;
	_ =	strace $0x80000048  }
0xb8: {  	_ =	swait.ge [sflag:s29], $0x1  }
0xb9: {  	[sflag:s29] =	ssyncadd.s32 $0xFFFFFFFF  }
0xba: {  	_ =	strace $0x90000048  }
0xbb: {  	_ =	sfence  }
0xbc: {  	s30 =	sld [smem:$0x0];
	_ =	sdelay $0x2  }
0xbd: {  	s31 =	sshll.u32 s1, $0xD;
	s1 =	sshrl.u32 s1, $0x2  }
0xbe: {  	s3 =	sand.u32 $0x4000, s31;
	s1 =	sadd.s32 s1, s30  }
0xbf: {  	s0 =	sor.u32 s3, s0;
	s1 =	sshll.u32 s1, $0x11  }
0xc0: {  	s0 =	sor.u32 s1, s0  }
0xc1: {  	s0 =	sadd.s32 $0x8F2B, s0  }
0xc2: {  	[sflag:s0] =	ssyncadd.remote.s32 $0x1  }
0xc3: {  	_ =	sfence.sel $0xFFFF  }
0xc4: {  	[dreg:$0x0] =	wrdreg $0xFFFFFFFF;
	(pc) =	sbr.abs _section_cstart, $3  }
0xc5: {  	[dreg:$0x1] =	wrdreg $0xFFFFFFFF  }
0xc6: {  	_ =	task.clear_ibuf [dreg:s10], $0x2FFFF;
	_ =	strace $0x9FFFFFFF  }
0xc7: {  	(tm) =	ssettm $0x7FFFFFFF  }
tec
execute0_lowered:
.L_overlay_start_1:
0x0: {  	(tag) =	ssettag $0x1  }
0x1: {  	s0 =	rddreg [dreg:$0x0]  }
0x2: {  	s1 =	rddreg [dreg:$0x1]  }
0x3: {  	s2 =	srdreg.scid;
	s3 =	rddreg [dreg:$0x2]  }
0x4: {  	s5 =	stileid.u32;
	s4 =	rddreg [dreg:$0x3];
	s21 =	simm.s32 $0x7  }
0x5: {  	s22 =	simm.s32 $0x6;
	s24 =	simm.s32 $0x4;
	s25 =	simm.s32 $0x5  }
0x6: {  	s28 =	simm.s32 $0x0;
	s2 =	sand.u32 $0x1, s2;
	s5 =	sshll.u32 s5, $0x9  }
0x7: {  	s12 =	sadd.s32 $0x100, s1;
	s13 =	sadd.s32 $0x200, s1;
	s14 =	sadd.s32 $0x300, s1  }
0x8: {  	s17 =	sadd.s32 $0x300000, s4;
	s6 =	sshll.u32 s2, $0x8;
	s2 =	ssub.s32 $0x2, s2  }
0x9: {  	s5 =	sor.u32 s6, s5;
	s6 =	simm.s32 $0x0;
	s8 =	sshrl.u32 s2, $0x1  }
0xa: {  	s7 =	sshrl.u32 s5, $0x1;
	[smem:$0x7FF] =	sst s6;
	s30 =	ssub.s32 s2, s8  }
.Ltmp0:
0xb: {  	s31 =	sshll.u32 s5, $0x7;
	s16 =	sshrl.u32 s5, $0x3;
	(pc) =	sbr.rel .LBB2_1-.Ltmp0, $4  }
0xc: {  	s7 =	sadd.s32 s0, s7;
	_ =	strace $0x80000047;
	s11 =	sadd.s32 s3, s31  }
0xd: {  	v0 =	vlaneseq.u32;
	s18 =	smax.u32 s30, $0x1;
	s8 =	sadd.s32 $0x10, s7;
	s9 =	sadd.s32 $0x20, s7  }
0xe: {  	v1 =	vshrl.u32 v0, $0x3;
	s10 =	sadd.s32 $0x30, s7;
	s2 =	sadd.s32 $0x400, s11;
	s19 =	sadd.s32 $0x40, s7  }
0xf: {  	vm0 =	vmmov $0xffff;
	v0 =	vand.u32 $0x7, v0;
	v1 =	vmul.u32 $0x8, v1;
	[dreg:$0x5] =	wrdreg s2;
	s23 =	sadd.s32 $0x40, s8;
	s26 =	sadd.s32 $0x40, s9  }
.LBB2_7:
0x10: {  	_ =	swait.ge [sflag:s22], $0x8000  }
0x11: {  	[sflag:s22] =	ssyncset.done $0x0  }
0x12: {  	s28 =	sadd.s32 $0x1, s28;
	[sflag:s22] =	ssyncadd.s32 $0xFFFF8000  }
0x13: {  	p0 =	sne.s32 s28, s18;
	_ =	swait.ge [sflag:s24], $0x8000  }
.Ltmp1:
0x14: {  	[sflag:s24] =	ssyncset.done $0x0;
	(pc) =	sbr.rel @!p0 .LBB2_8-.Ltmp1, $4  }
0x15: {  	[sflag:s24] =	ssyncadd.s32 $0xFFFF8000  }
0x16: {  	_ =	swait.ge [sflag:s25], $0x8000  }
0x17: {  	[sflag:s25] =	ssyncset.done $0x0  }
0x18: {  	[sflag:s25] =	ssyncadd.s32 $0xFFFF8000  }
.LBB2_1:
0x19: {  	[tilespmem:s6], [sflag:$0x7] =	stream.linear.gather [hbm4b:s7+s6], $0x80, $0x38;
	[tilespmem:$0x1E400] =	vst v63  }
0x1a: {  	s0 =	simm.s32 $0x200  }
0x1b: {  	[tilespmem:s0], [sflag:$0x7] =	stream.linear.gather [hbm4b:s19+s6], $0x80, $0x38;
	[tilespmem:$0x1E400] =	vst v63  }
0x1c: {  	_ =	swait.ge [sflag:s21], $0x100  }
0x1d: {  	[sflag:s21] =	ssyncset.done $0x0  }
0x1e: {  	s31 =	simm.s32 $0x80;
	[sflag:s21] =	ssyncadd.s32 $0xFFFFFF00  }
0x1f: {  	[tilespmem:s31], [sflag:$0x7] =	stream.linear.gather [hbm4b:s8+s6], $0x80, $0x38;
	[tilespmem:$0x1E400] =	vst v63  }
0x20: {  	s2 =	simm.s32 $0x280  }
0x21: {  	[tilespmem:s2], [sflag:$0x7] =	stream.linear.gather [hbm4b:s23+s6], $0x80, $0x38;
	[tilespmem:$0x1E400] =	vst v63  }
0x22: {  	_ =	swait.ge [sflag:s21], $0x100  }
0x23: {  	[sflag:s21] =	ssyncset.done $0x0  }
0x24: {  	s15 =	simm.s32 $0x100;
	[sflag:s21] =	ssyncadd.s32 $0xFFFFFF00  }
0x25: {  	[tilespmem:s15], [sflag:$0x7] =	stream.linear.gather [hbm4b:s9+s6], $0x80, $0x38;
	[tilespmem:$0x1E400] =	vst v63  }
0x26: {  	s20 =	simm.s32 $0x300  }
0x27: {  	[tilespmem:s20], [sflag:$0x7] =	stream.linear.gather [hbm4b:s26+s6], $0x80, $0x38;
	[tilespmem:$0x1E400] =	vst v63  }
0x28: {  	_ =	swait.ge [sflag:s21], $0x100  }
0x29: {  	[sflag:s21] =	ssyncset.done $0x0  }
0x2a: {  	s30 =	simm.s32 $0x180;
	[sflag:s21] =	ssyncadd.s32 $0xFFFFFF00  }
0x2b: {  	[tilespmem:s30], [sflag:$0x7] =	stream.linear.gather [hbm4b:s10+s6], $0x80, $0x38;
	[tilespmem:$0x1E400] =	vst v63  }
0x2c: {  	s31 =	sadd.s32 $0x40, s10;
	s2 =	simm.s32 $0x380  }
0x2d: {  	[tilespmem:s2], [sflag:$0x7] =	stream.linear.gather [hbm4b:s31+s6], $0x80, $0x38;
	[tilespmem:$0x1E400] =	vst v63  }
0x2e: {  	_ =	swait.ge [sflag:s21], $0x100  }
0x2f: {  	[sflag:s21] =	ssyncset.done $0x0  }
0x30: {  	s2 =	simm.s32 $0x400;
	[sflag:s21] =	ssyncadd.s32 $0xFFFFFF00  }
0x31: {  	[tilespmem:s2], [sflag:$0x1] =	stream.linear.gather [hbm4b:s11+s6], $0x2000, $0x38;
	[tilespmem:$0x1E400] =	vst v63  }
0x32: {  	v2 =	vld.msk [tilespmem:$0x0], $0xff;
	_ =	sdelay $0x4  }
0x33: {  	v3 =	vshll.u32 v2, $0x3  }
0x34: {  	v2 =	vand.u32 $0x7, v2;
	v3 =	vand.u32 $0xFFFFFFC0, v3  }
0x35: {  	v2 =	vor.u32 v2, v3  }
0x36: {  	v2 =	vperm.xlane v2, v0;
	_ =	sdelay $0x1  }
0x37: {  	v2 =	vadd.s32 v1, v2;
	_ =	sdelay $0x3  }
0x38: {  	s15 =	simm.s32 $0x6400  }
0x39: {  	[tilespmem:s15], [sflag:$0x1] =	stream.indirect_vreg.gather [hbm4b:s1+s6], $0x80, v2, vm0, $0xb8;
	[tilespmem:$0x1E400] =	vst v63  }
0x3a: {  	s20 =	simm.s32 $0x6C00  }
0x3b: {  	[tilespmem:s20], [sflag:$0x1] =	stream.indirect_vreg.gather [hbm4b:s12+s6], $0x80, v2, vm0, $0xb8;
	[tilespmem:$0x1E400] =	vst v63  }
0x3c: {  	s30 =	simm.s32 $0x7400  }
0x3d: {  	[tilespmem:s30], [sflag:$0x1] =	stream.indirect_vreg.gather [hbm4b:s13+s6], $0x80, v2, vm0, $0xb8;
	[tilespmem:$0x1E400] =	vst v63  }
0x3e: {  	s31 =	simm.s32 $0x7C00  }
0x3f: {  	[tilespmem:s31], [sflag:$0x1] =	stream.indirect_vreg.gather [hbm4b:s14+s6], $0x80, v2, vm0, $0xb8;
	[tilespmem:$0x1E400] =	vst v63  }
0x40: {  	v2 =	vld.msk [tilespmem:$0x80], $0xff;
	_ =	sdelay $0x4  }
0x41: {  	v3 =	vshll.u32 v2, $0x3  }
0x42: {  	v2 =	vand.u32 $0x7, v2;
	v3 =	vand.u32 $0xFFFFFFC0, v3  }
0x43: {  	v2 =	vor.u32 v2, v3  }
0x44: {  	v2 =	vperm.xlane v2, v0;
	_ =	sdelay $0x1  }
0x45: {  	v2 =	vadd.s32 v1, v2;
	_ =	sdelay $0x3  }
0x46: {  	s2 =	simm.s32 $0x8400  }
0x47: {  	[tilespmem:s2], [sflag:$0x1] =	stream.indirect_vreg.gather [hbm4b:s1+s6], $0x80, v2, vm0, $0xb8;
	[tilespmem:$0x1E400] =	vst v63  }
0x48: {  	s15 =	simm.s32 $0x8C00  }
0x49: {  	[tilespmem:s15], [sflag:$0x1] =	stream.indirect_vreg.gather [hbm4b:s12+s6], $0x80, v2, vm0, $0xb8;
	[tilespmem:$0x1E400] =	vst v63  }
0x4a: {  	s20 =	simm.s32 $0x9400  }
0x4b: {  	[tilespmem:s20], [sflag:$0x1] =	stream.indirect_vreg.gather [hbm4b:s13+s6], $0x80, v2, vm0, $0xb8;
	[tilespmem:$0x1E400] =	vst v63  }
0x4c: {  	s30 =	simm.s32 $0x9C00  }
0x4d: {  	[tilespmem:s30], [sflag:$0x1] =	stream.indirect_vreg.gather [hbm4b:s14+s6], $0x80, v2, vm0, $0xb8;
	[tilespmem:$0x1E400] =	vst v63  }
0x4e: {  	v2 =	vld.msk [tilespmem:$0x100], $0xff;
	_ =	sdelay $0x4  }
0x4f: {  	v3 =	vshll.u32 v2, $0x3  }
0x50: {  	v2 =	vand.u32 $0x7, v2;
	v3 =	vand.u32 $0xFFFFFFC0, v3  }
0x51: {  	v2 =	vor.u32 v2, v3  }
0x52: {  	v2 =	vperm.xlane v2, v0;
	_ =	sdelay $0x1  }
0x53: {  	v2 =	vadd.s32 v1, v2;
	_ =	sdelay $0x3  }
0x54: {  	s31 =	simm.s32 $0xA400  }
0x55: {  	[tilespmem:s31], [sflag:$0x1] =	stream.indirect_vreg.gather [hbm4b:s1+s6], $0x80, v2, vm0, $0xb8;
	[tilespmem:$0x1E400] =	vst v63  }
0x56: {  	s2 =	simm.s32 $0xAC00  }
0x57: {  	[tilespmem:s2], [sflag:$0x1] =	stream.indirect_vreg.gather [hbm4b:s12+s6], $0x80, v2, vm0, $0xb8;
	[tilespmem:$0x1E400] =	vst v63  }
0x58: {  	s15 =	simm.s32 $0xB400  }
0x59: {  	[tilespmem:s15], [sflag:$0x1] =	stream.indirect_vreg.gather [hbm4b:s13+s6], $0x80, v2, vm0, $0xb8;
	[tilespmem:$0x1E400] =	vst v63  }
0x5a: {  	s20 =	simm.s32 $0xBC00  }
0x5b: {  	[tilespmem:s20], [sflag:$0x1] =	stream.indirect_vreg.gather [hbm4b:s14+s6], $0x80, v2, vm0, $0xb8;
	[tilespmem:$0x1E400] =	vst v63  }
0x5c: {  	v2 =	vld.msk [tilespmem:$0x180], $0xff;
	_ =	sdelay $0x4  }
0x5d: {  	v3 =	vshll.u32 v2, $0x3  }
0x5e: {  	v2 =	vand.u32 $0x7, v2;
	v3 =	vand.u32 $0xFFFFFFC0, v3  }
0x5f: {  	v2 =	vor.u32 v2, v3  }
0x60: {  	v2 =	vperm.xlane v2, v0;
	_ =	sdelay $0x1  }
0x61: {  	v2 =	vadd.s32 v1, v2;
	_ =	sdelay $0x3  }
0x62: {  	s30 =	simm.s32 $0xC400  }
0x63: {  	[tilespmem:s30], [sflag:$0x1] =	stream.indirect_vreg.gather [hbm4b:s1+s6], $0x80, v2, vm0, $0xb8;
	[tilespmem:$0x1E400] =	vst v63  }
0x64: {  	s31 =	simm.s32 $0xCC00  }
0x65: {  	[tilespmem:s31], [sflag:$0x1] =	stream.indirect_vreg.gather [hbm4b:s12+s6], $0x80, v2, vm0, $0xb8;
	[tilespmem:$0x1E400] =	vst v63  }
0x66: {  	s2 =	simm.s32 $0xD400  }
0x67: {  	[tilespmem:s2], [sflag:$0x1] =	stream.indirect_vreg.gather [hbm4b:s13+s6], $0x80, v2, vm0, $0xb8;
	[tilespmem:$0x1E400] =	vst v63  }
0x68: {  	s15 =	simm.s32 $0xDC00  }
0x69: {  	[tilespmem:s15], [sflag:$0x1] =	stream.indirect_vreg.gather [hbm4b:s14+s6], $0x80, v2, vm0, $0xb8;
	[tilespmem:$0x1E400] =	vst v63  }
0x6a: {  	s20 =	rddreg [dreg:$0x5];
	s30 =	simm.s32 $0x2400  }
0x6b: {  	[tilespmem:s30], [sflag:$0x2] =	stream.linear.gather [hbm4b:s20+s6], $0x2000, $0x38;
	[tilespmem:$0x1E400] =	vst v63  }
0x6c: {  	v2 =	vld.msk [tilespmem:$0x8], $0xff;
	_ =	sdelay $0x4  }
0x6d: {  	v3 =	vshll.u32 v2, $0x3  }
0x6e: {  	v2 =	vand.u32 $0x7, v2;
	v3 =	vand.u32 $0xFFFFFFC0, v3  }
0x6f: {  	v2 =	vor.u32 v2, v3  }
0x70: {  	v2 =	vperm.xlane v2, v0;
	_ =	sdelay $0x1  }
0x71: {  	v2 =	vadd.s32 v1, v2;
	_ =	sdelay $0x3  }
0x72: {  	s31 =	simm.s32 $0xE400  }
0x73: {  	[tilespmem:s31], [sflag:$0x2] =	stream.indirect_vreg.gather [hbm4b:s1+s6], $0x80, v2, vm0, $0xb8;
	[tilespmem:$0x1E400] =	vst v63  }
0x74: {  	s2 =	simm.s32 $0xEC00  }
0x75: {  	[tilespmem:s2], [sflag:$0x2] =	stream.indirect_vreg.gather [hbm4b:s12+s6], $0x80, v2, vm0, $0xb8;
	[tilespmem:$0x1E400] =	vst v63  }
0x76: {  	s15 =	simm.s32 $0xF400  }
0x77: {  	[tilespmem:s15], [sflag:$0x2] =	stream.indirect_vreg.gather [hbm4b:s13+s6], $0x80, v2, vm0, $0xb8;
	[tilespmem:$0x1E400] =	vst v63  }
0x78: {  	s20 =	simm.s32 $0xFC00  }
0x79: {  	[tilespmem:s20], [sflag:$0x2] =	stream.indirect_vreg.gather [hbm4b:s14+s6], $0x80, v2, vm0, $0xb8;
	[tilespmem:$0x1E400] =	vst v63  }
0x7a: {  	v2 =	vld.msk [tilespmem:$0x88], $0xff;
	_ =	sdelay $0x4  }
0x7b: {  	v3 =	vshll.u32 v2, $0x3  }
0x7c: {  	v2 =	vand.u32 $0x7, v2;
	v3 =	vand.u32 $0xFFFFFFC0, v3  }
0x7d: {  	v2 =	vor.u32 v2, v3  }
0x7e: {  	v2 =	vperm.xlane v2, v0;
	_ =	sdelay $0x1  }
0x7f: {  	v2 =	vadd.s32 v1, v2;
	_ =	sdelay $0x3  }
0x80: {  	s30 =	simm.s32 $0x10400  }
0x81: {  	[tilespmem:s30], [sflag:$0x2] =	stream.indirect_vreg.gather [hbm4b:s1+s6], $0x80, v2, vm0, $0xb8;
	[tilespmem:$0x1E400] =	vst v63  }
0x82: {  	s31 =	simm.s32 $0x10C00  }
0x83: {  	[tilespmem:s31], [sflag:$0x2] =	stream.indirect_vreg.gather [hbm4b:s12+s6], $0x80, v2, vm0, $0xb8;
	[tilespmem:$0x1E400] =	vst v63  }
0x84: {  	s2 =	simm.s32 $0x11400  }
0x85: {  	[tilespmem:s2], [sflag:$0x2] =	stream.indirect_vreg.gather [hbm4b:s13+s6], $0x80, v2, vm0, $0xb8;
	[tilespmem:$0x1E400] =	vst v63  }
0x86: {  	s15 =	simm.s32 $0x11C00  }
0x87: {  	[tilespmem:s15], [sflag:$0x2] =	stream.indirect_vreg.gather [hbm4b:s14+s6], $0x80, v2, vm0, $0xb8;
	[tilespmem:$0x1E400] =	vst v63  }
0x88: {  	v2 =	vld.msk [tilespmem:$0x108], $0xff;
	_ =	sdelay $0x4  }
0x89: {  	v3 =	vshll.u32 v2, $0x3  }
0x8a: {  	v2 =	vand.u32 $0x7, v2;
	v3 =	vand.u32 $0xFFFFFFC0, v3  }
0x8b: {  	v2 =	vor.u32 v2, v3  }
0x8c: {  	v2 =	vperm.xlane v2, v0;
	_ =	sdelay $0x1  }
0x8d: {  	v2 =	vadd.s32 v1, v2;
	_ =	sdelay $0x3  }
0x8e: {  	s20 =	simm.s32 $0x12400  }
0x8f: {  	[tilespmem:s20], [sflag:$0x2] =	stream.indirect_vreg.gather [hbm4b:s1+s6], $0x80, v2, vm0, $0xb8;
	[tilespmem:$0x1E400] =	vst v63  }
0x90: {  	s30 =	simm.s32 $0x12C00  }
0x91: {  	[tilespmem:s30], [sflag:$0x2] =	stream.indirect_vreg.gather [hbm4b:s12+s6], $0x80, v2, vm0, $0xb8;
	[tilespmem:$0x1E400] =	vst v63  }
0x92: {  	s31 =	simm.s32 $0x13400  }
0x93: {  	[tilespmem:s31], [sflag:$0x2] =	stream.indirect_vreg.gather [hbm4b:s13+s6], $0x80, v2, vm0, $0xb8;
	[tilespmem:$0x1E400] =	vst v63  }
0x94: {  	s2 =	simm.s32 $0x13C00  }
0x95: {  	[tilespmem:s2], [sflag:$0x2] =	stream.indirect_vreg.gather [hbm4b:s14+s6], $0x80, v2, vm0, $0xb8;
	[tilespmem:$0x1E400] =	vst v63  }
0x96: {  	v2 =	vld.msk [tilespmem:$0x188], $0xff;
	_ =	sdelay $0x4  }
0x97: {  	v3 =	vshll.u32 v2, $0x3  }
0x98: {  	v2 =	vand.u32 $0x7, v2;
	v3 =	vand.u32 $0xFFFFFFC0, v3  }
0x99: {  	v2 =	vor.u32 v2, v3  }
0x9a: {  	v2 =	vperm.xlane v2, v0;
	_ =	sdelay $0x1  }
0x9b: {  	v2 =	vadd.s32 v1, v2;
	_ =	sdelay $0x3  }
0x9c: {  	s15 =	simm.s32 $0x14400  }
0x9d: {  	[tilespmem:s15], [sflag:$0x2] =	stream.indirect_vreg.gather [hbm4b:s1+s6], $0x80, v2, vm0, $0xb8;
	[tilespmem:$0x1E400] =	vst v63  }
0x9e: {  	s20 =	simm.s32 $0x14C00  }
0x9f: {  	[tilespmem:s20], [sflag:$0x2] =	stream.indirect_vreg.gather [hbm4b:s12+s6], $0x80, v2, vm0, $0xb8;
	[tilespmem:$0x1E400] =	vst v63  }
.Ltmp2:
0xa0: {  	_ = 	snop;
	(pc) =	sbr.rel .LBB2_2-.Ltmp2, $4  }
0xa1: {  	s30 =	simm.s32 $0x15400  }
0xa2: {  	[tilespmem:s30], [sflag:$0x2] =	stream.indirect_vreg.gather [hbm4b:s13+s6], $0x80, v2, vm0, $0xb8;
	[tilespmem:$0x1E400] =	vst v63  }
0xa3: {  	s29 =	simm.s32 $0x0;
	s31 =	simm.s32 $0x15C00  }
0xa4: {  	[tilespmem:s31], [sflag:$0x2] =	stream.indirect_vreg.gather [hbm4b:s14+s6], $0x80, v2, vm0, $0xb8;
	[tilespmem:$0x1E400] =	vst v63  }
.LBB2_6:
0xa5: {  	s29 =	sadd.s32 $0x1, s29  }
0xa6: {  	p0 =	sne.s32 s29, $0x20  }
.Ltmp3:
0xa7: {  	_ = 	snop;
	(pc) =	sbr.rel @!p0 .LBB2_7-.Ltmp3, $1  }
0xa8: {  	_ =	sdelay $0x3  }
.LBB2_2:
0xa9: {  	s0 =	smul.u32 $0xAB, s29;
	_ =	sdelay $0x1  }
0xaa: {  	s0 =	sshrl.u32 s0, $0x9  }
0xab: {  	s0 =	sand.u32 $0x7F, s0  }
0xac: {  	s0 =	smul.u32 $0x3, s0;
	_ =	sdelay $0x1  }
0xad: {  	s0 =	ssub.s32 s29, s0  }
0xae: {  	s31 =	sand.u32 $0xFF, s0  }
0xaf: {  	s0 =	sadd.s32 $0x1, s31;
	s30 =	sshll.u32 s31, $0xF  }
0xb0: {  	_ =	swait.ge [sflag:s0], $0x2000;
	s2 =	sshrl.u32 s30, $0x2  }
0xb1: {  	[sflag:s0] =	ssyncset.done $0x0;
	s20 =	sor.u32 $0x400, s2  }
0xb2: {  	s2 =	sor.u32 $0x6400, s30;
	[sflag:s0] =	ssyncadd.s32 $0xFFFFE000;
	v2 =	vmov s20  }
0xb3: {  	v3 =	vmov s2;
	_ =	swait.ge [sflag:s0], $0x8000  }
0xb4: {  	[sflag:s0] =	ssyncset.done $0x0  }
0xb5: {  	[sflag:s0] =	ssyncadd.s32 $0xFFFF8000;
	s0 =	simm.s32 $0x0  }
.LBB2_3:
0xb6: {  	s20 =	sshll.u32 s0, $0x7  }
0xb7: {  	v4 =	vld.idx.msk [tilespmem:v2+s20+$0x0 ss:$0x1], $0xffff  }
0xb8: {  	v5 =	vld.idx.msk [tilespmem:v3+s20+$0x0 ss:$0x1], $0xffff  }
0xb9: {  	v6 =	vld.idx.msk [tilespmem:v3+s20+$0x2000 ss:$0x1], $0xffff  }
0xba: {  	v7 =	vld.idx.msk [tilespmem:v3+s20+$0x4000 ss:$0x1], $0xffff  }
0xbb: {  	v8 =	vld.idx.msk [tilespmem:v3+s20+$0x6000 ss:$0x1], $0xffff;
	_ =	sdelay $0x1  }
0xbc: {  	v5 =	vadd.f32 v5, v4  }
0xbd: {  	v6 =	vadd.f32 v6, v4  }
0xbe: {  	[tilespmem:v3+s20+$0x0 ss:$0x1] =	vst.idx.msk $0xffff, v5;
	v5 =	vadd.f32 v7, v4  }
0xbf: {  	[tilespmem:v3+s20+$0x2000 ss:$0x1] =	vst.idx.msk $0xffff, v6;
	v4 =	vadd.f32 v8, v4  }
0xc0: {  	[tilespmem:v3+s20+$0x4000 ss:$0x1] =	vst.idx.msk $0xffff, v5  }
0xc1: {  	[tilespmem:v3+s20+$0x6000 ss:$0x1] =	vst.idx.msk $0xffff, v4;
	v5 =	vld.idx.msk [tilespmem:v3+s20+$0x10 ss:$0x1], $0xffff  }
0xc2: {  	v4 =	vld.idx.msk [tilespmem:v2+s20+$0x10 ss:$0x1], $0xffff  }
0xc3: {  	v6 =	vld.idx.msk [tilespmem:v3+s20+$0x2010 ss:$0x1], $0xffff  }
0xc4: {  	v36 =	vld.idx.msk [tilespmem:v3+s20+$0x4010 ss:$0x1], $0xffff  }
0xc5: {  	v37 =	vld.idx.msk [tilespmem:v3+s20+$0x6010 ss:$0x1], $0xffff;
	_ =	sdelay $0x1  }
0xc6: {  	v5 =	vadd.f32 v5, v4  }
0xc7: {  	v6 =	vadd.f32 v6, v4  }
0xc8: {  	[tilespmem:v3+s20+$0x10 ss:$0x1] =	vst.idx.msk $0xffff, v5;
	v5 =	vadd.f32 v36, v4  }
0xc9: {  	[tilespmem:v3+s20+$0x2010 ss:$0x1] =	vst.idx.msk $0xffff, v6;
	v4 =	vadd.f32 v37, v4  }
0xca: {  	[tilespmem:v3+s20+$0x4010 ss:$0x1] =	vst.idx.msk $0xffff, v5  }
0xcb: {  	[tilespmem:v3+s20+$0x6010 ss:$0x1] =	vst.idx.msk $0xffff, v4;
	v5 =	vld.idx.msk [tilespmem:v3+s20+$0x20 ss:$0x1], $0xffff  }
0xcc: {  	v4 =	vld.idx.msk [tilespmem:v2+s20+$0x20 ss:$0x1], $0xffff  }
0xcd: {  	v6 =	vld.idx.msk [tilespmem:v3+s20+$0x2020 ss:$0x1], $0xffff  }
0xce: {  	v38 =	vld.idx.msk [tilespmem:v3+s20+$0x4020 ss:$0x1], $0xffff  }
0xcf: {  	v39 =	vld.idx.msk [tilespmem:v3+s20+$0x6020 ss:$0x1], $0xffff;
	_ =	sdelay $0x1  }
0xd0: {  	v5 =	vadd.f32 v5, v4  }
0xd1: {  	v6 =	vadd.f32 v6, v4  }
0xd2: {  	[tilespmem:v3+s20+$0x20 ss:$0x1] =	vst.idx.msk $0xffff, v5;
	v5 =	vadd.f32 v38, v4  }
0xd3: {  	[tilespmem:v3+s20+$0x2020 ss:$0x1] =	vst.idx.msk $0xffff, v6;
	v4 =	vadd.f32 v39, v4  }
0xd4: {  	[tilespmem:v3+s20+$0x4020 ss:$0x1] =	vst.idx.msk $0xffff, v5  }
0xd5: {  	[tilespmem:v3+s20+$0x6020 ss:$0x1] =	vst.idx.msk $0xffff, v4;
	v5 =	vld.idx.msk [tilespmem:v3+s20+$0x30 ss:$0x1], $0xffff  }
0xd6: {  	v4 =	vld.idx.msk [tilespmem:v2+s20+$0x30 ss:$0x1], $0xffff  }
0xd7: {  	v6 =	vld.idx.msk [tilespmem:v3+s20+$0x2030 ss:$0x1], $0xffff  }
0xd8: {  	v40 =	vld.idx.msk [tilespmem:v3+s20+$0x4030 ss:$0x1], $0xffff  }
0xd9: {  	v41 =	vld.idx.msk [tilespmem:v3+s20+$0x6030 ss:$0x1], $0xffff;
	_ =	sdelay $0x1  }
0xda: {  	v5 =	vadd.f32 v5, v4  }
0xdb: {  	v6 =	vadd.f32 v6, v4  }
0xdc: {  	[tilespmem:v3+s20+$0x30 ss:$0x1] =	vst.idx.msk $0xffff, v5;
	v5 =	vadd.f32 v40, v4  }
0xdd: {  	[tilespmem:v3+s20+$0x2030 ss:$0x1] =	vst.idx.msk $0xffff, v6;
	v4 =	vadd.f32 v41, v4  }
0xde: {  	[tilespmem:v3+s20+$0x4030 ss:$0x1] =	vst.idx.msk $0xffff, v5  }
0xdf: {  	[tilespmem:v3+s20+$0x6030 ss:$0x1] =	vst.idx.msk $0xffff, v4;
	v5 =	vld.idx.msk [tilespmem:v3+s20+$0x40 ss:$0x1], $0xffff  }
0xe0: {  	v4 =	vld.idx.msk [tilespmem:v2+s20+$0x40 ss:$0x1], $0xffff  }
0xe1: {  	v6 =	vld.idx.msk [tilespmem:v3+s20+$0x2040 ss:$0x1], $0xffff  }
0xe2: {  	v42 =	vld.idx.msk [tilespmem:v3+s20+$0x4040 ss:$0x1], $0xffff  }
0xe3: {  	v43 =	vld.idx.msk [tilespmem:v3+s20+$0x6040 ss:$0x1], $0xffff;
	_ =	sdelay $0x1  }
0xe4: {  	v5 =	vadd.f32 v5, v4  }
0xe5: {  	v6 =	vadd.f32 v6, v4  }
0xe6: {  	[tilespmem:v3+s20+$0x40 ss:$0x1] =	vst.idx.msk $0xffff, v5;
	v5 =	vadd.f32 v42, v4  }
0xe7: {  	[tilespmem:v3+s20+$0x2040 ss:$0x1] =	vst.idx.msk $0xffff, v6;
	v4 =	vadd.f32 v43, v4  }
0xe8: {  	[tilespmem:v3+s20+$0x4040 ss:$0x1] =	vst.idx.msk $0xffff, v5  }
0xe9: {  	[tilespmem:v3+s20+$0x6040 ss:$0x1] =	vst.idx.msk $0xffff, v4;
	v5 =	vld.idx.msk [tilespmem:v3+s20+$0x50 ss:$0x1], $0xffff  }
0xea: {  	v4 =	vld.idx.msk [tilespmem:v2+s20+$0x50 ss:$0x1], $0xffff  }
0xeb: {  	v6 =	vld.idx.msk [tilespmem:v3+s20+$0x2050 ss:$0x1], $0xffff  }
0xec: {  	v44 =	vld.idx.msk [tilespmem:v3+s20+$0x4050 ss:$0x1], $0xffff  }
0xed: {  	v45 =	vld.idx.msk [tilespmem:v3+s20+$0x6050 ss:$0x1], $0xffff;
	_ =	sdelay $0x1  }
0xee: {  	v5 =	vadd.f32 v5, v4  }
0xef: {  	v6 =	vadd.f32 v6, v4  }
0xf0: {  	[tilespmem:v3+s20+$0x50 ss:$0x1] =	vst.idx.msk $0xffff, v5;
	v5 =	vadd.f32 v44, v4  }
0xf1: {  	[tilespmem:v3+s20+$0x2050 ss:$0x1] =	vst.idx.msk $0xffff, v6;
	v4 =	vadd.f32 v45, v4  }
0xf2: {  	[tilespmem:v3+s20+$0x4050 ss:$0x1] =	vst.idx.msk $0xffff, v5  }
0xf3: {  	[tilespmem:v3+s20+$0x6050 ss:$0x1] =	vst.idx.msk $0xffff, v4;
	v5 =	vld.idx.msk [tilespmem:v3+s20+$0x60 ss:$0x1], $0xffff  }
0xf4: {  	v4 =	vld.idx.msk [tilespmem:v2+s20+$0x60 ss:$0x1], $0xffff  }
0xf5: {  	v6 =	vld.idx.msk [tilespmem:v3+s20+$0x2060 ss:$0x1], $0xffff  }
0xf6: {  	v46 =	vld.idx.msk [tilespmem:v3+s20+$0x4060 ss:$0x1], $0xffff  }
0xf7: {  	v47 =	vld.idx.msk [tilespmem:v3+s20+$0x6060 ss:$0x1], $0xffff;
	_ =	sdelay $0x1  }
0xf8: {  	v5 =	vadd.f32 v5, v4  }
0xf9: {  	v6 =	vadd.f32 v6, v4  }
0xfa: {  	[tilespmem:v3+s20+$0x60 ss:$0x1] =	vst.idx.msk $0xffff, v5;
	v5 =	vadd.f32 v46, v4  }
0xfb: {  	[tilespmem:v3+s20+$0x2060 ss:$0x1] =	vst.idx.msk $0xffff, v6;
	v4 =	vadd.f32 v47, v4  }
0xfc: {  	[tilespmem:v3+s20+$0x4060 ss:$0x1] =	vst.idx.msk $0xffff, v5  }
0xfd: {  	[tilespmem:v3+s20+$0x6060 ss:$0x1] =	vst.idx.msk $0xffff, v4;
	v5 =	vld.idx.msk [tilespmem:v3+s20+$0x70 ss:$0x1], $0xffff  }
0xfe: {  	v4 =	vld.idx.msk [tilespmem:v2+s20+$0x70 ss:$0x1], $0xffff  }
0xff: {  	v6 =	vld.idx.msk [tilespmem:v3+s20+$0x2070 ss:$0x1], $0xffff  }
0x100: {  	v48 =	vld.idx.msk [tilespmem:v3+s20+$0x4070 ss:$0x1], $0xffff  }
0x101: {  	v49 =	vld.idx.msk [tilespmem:v3+s20+$0x6070 ss:$0x1], $0xffff;
	_ =	sdelay $0x1  }
0x102: {  	v5 =	vadd.f32 v5, v4  }
0x103: {  	v6 =	vadd.f32 v6, v4  }
0x104: {  	[tilespmem:v3+s20+$0x70 ss:$0x1] =	vst.idx.msk $0xffff, v5;
	v5 =	vadd.f32 v48, v4  }
0x105: {  	[tilespmem:v3+s20+$0x2070 ss:$0x1] =	vst.idx.msk $0xffff, v6;
	v4 =	vadd.f32 v49, v4  }
0x106: {  	[tilespmem:v3+s20+$0x4070 ss:$0x1] =	vst.idx.msk $0xffff, v5  }
0x107: {  	[tilespmem:v3+s20+$0x6070 ss:$0x1] =	vst.idx.msk $0xffff, v4;
	v5 =	vld.idx.msk [tilespmem:v3+s20+$0x400 ss:$0x1], $0xffff  }
0x108: {  	v4 =	vld.idx.msk [tilespmem:v2+s20+$0x400 ss:$0x1], $0xffff  }
0x109: {  	v50 =	vld.idx.msk [tilespmem:v3+s20+$0x2400 ss:$0x1], $0xffff;
	_ =	sdelay $0x3  }
0x10a: {  	v5 =	vadd.f32 v5, v4  }
0x10b: {  	v6 =	vadd.f32 v50, v4  }
0x10c: {  	[tilespmem:v3+s20+$0x400 ss:$0x1] =	vst.idx.msk $0xffff, v5  }
0x10d: {  	[tilespmem:v3+s20+$0x2400 ss:$0x1] =	vst.idx.msk $0xffff, v6  }
0x10e: {  	v5 =	vld.idx.msk [tilespmem:v3+s20+$0x4400 ss:$0x1], $0xffff  }
0x10f: {  	v6 =	vld.idx.msk [tilespmem:v3+s20+$0x6400 ss:$0x1], $0xffff;
	_ =	sdelay $0x3  }
0x110: {  	v5 =	vadd.f32 v5, v4  }
0x111: {  	v4 =	vadd.f32 v6, v4  }
0x112: {  	[tilespmem:v3+s20+$0x4400 ss:$0x1] =	vst.idx.msk $0xffff, v5  }
0x113: {  	[tilespmem:v3+s20+$0x6400 ss:$0x1] =	vst.idx.msk $0xffff, v4;
	v5 =	vld.idx.msk [tilespmem:v3+s20+$0x410 ss:$0x1], $0xffff  }
0x114: {  	v4 =	vld.idx.msk [tilespmem:v2+s20+$0x410 ss:$0x1], $0xffff  }
0x115: {  	v51 =	vld.idx.msk [tilespmem:v3+s20+$0x2410 ss:$0x1], $0xffff  }
0x116: {  	v52 =	vld.idx.msk [tilespmem:v3+s20+$0x4410 ss:$0x1], $0xffff  }
0x117: {  	v53 =	vld.idx.msk [tilespmem:v3+s20+$0x6410 ss:$0x1], $0xffff;
	_ =	sdelay $0x1  }
0x118: {  	v5 =	vadd.f32 v5, v4  }
0x119: {  	v6 =	vadd.f32 v51, v4  }
0x11a: {  	[tilespmem:v3+s20+$0x410 ss:$0x1] =	vst.idx.msk $0xffff, v5;
	v5 =	vadd.f32 v52, v4  }
0x11b: {  	[tilespmem:v3+s20+$0x2410 ss:$0x1] =	vst.idx.msk $0xffff, v6;
	v4 =	vadd.f32 v53, v4  }
0x11c: {  	[tilespmem:v3+s20+$0x4410 ss:$0x1] =	vst.idx.msk $0xffff, v5  }
0x11d: {  	[tilespmem:v3+s20+$0x6410 ss:$0x1] =	vst.idx.msk $0xffff, v4;
	v5 =	vld.idx.msk [tilespmem:v3+s20+$0x420 ss:$0x1], $0xffff  }
0x11e: {  	v4 =	vld.idx.msk [tilespmem:v2+s20+$0x420 ss:$0x1], $0xffff  }
0x11f: {  	v6 =	vld.idx.msk [tilespmem:v3+s20+$0x2420 ss:$0x1], $0xffff  }
0x120: {  	v54 =	vld.idx.msk [tilespmem:v3+s20+$0x4420 ss:$0x1], $0xffff  }
0x121: {  	v55 =	vld.idx.msk [tilespmem:v3+s20+$0x6420 ss:$0x1], $0xffff;
	_ =	sdelay $0x1  }
0x122: {  	v5 =	vadd.f32 v5, v4  }
0x123: {  	v6 =	vadd.f32 v6, v4  }
0x124: {  	[tilespmem:v3+s20+$0x420 ss:$0x1] =	vst.idx.msk $0xffff, v5;
	v5 =	vadd.f32 v54, v4  }
0x125: {  	[tilespmem:v3+s20+$0x2420 ss:$0x1] =	vst.idx.msk $0xffff, v6;
	v4 =	vadd.f32 v55, v4  }
0x126: {  	[tilespmem:v3+s20+$0x4420 ss:$0x1] =	vst.idx.msk $0xffff, v5  }
0x127: {  	[tilespmem:v3+s20+$0x6420 ss:$0x1] =	vst.idx.msk $0xffff, v4;
	v5 =	vld.idx.msk [tilespmem:v3+s20+$0x430 ss:$0x1], $0xffff  }
0x128: {  	v4 =	vld.idx.msk [tilespmem:v2+s20+$0x430 ss:$0x1], $0xffff  }
0x129: {  	v6 =	vld.idx.msk [tilespmem:v3+s20+$0x2430 ss:$0x1], $0xffff  }
0x12a: {  	v56 =	vld.idx.msk [tilespmem:v3+s20+$0x4430 ss:$0x1], $0xffff  }
0x12b: {  	v57 =	vld.idx.msk [tilespmem:v3+s20+$0x6430 ss:$0x1], $0xffff;
	_ =	sdelay $0x1  }
0x12c: {  	v5 =	vadd.f32 v5, v4  }
0x12d: {  	v6 =	vadd.f32 v6, v4  }
0x12e: {  	[tilespmem:v3+s20+$0x430 ss:$0x1] =	vst.idx.msk $0xffff, v5;
	v5 =	vadd.f32 v56, v4  }
0x12f: {  	[tilespmem:v3+s20+$0x2430 ss:$0x1] =	vst.idx.msk $0xffff, v6;
	v4 =	vadd.f32 v57, v4  }
0x130: {  	[tilespmem:v3+s20+$0x4430 ss:$0x1] =	vst.idx.msk $0xffff, v5  }
0x131: {  	[tilespmem:v3+s20+$0x6430 ss:$0x1] =	vst.idx.msk $0xffff, v4;
	v5 =	vld.idx.msk [tilespmem:v3+s20+$0x440 ss:$0x1], $0xffff  }
0x132: {  	v4 =	vld.idx.msk [tilespmem:v2+s20+$0x440 ss:$0x1], $0xffff  }
0x133: {  	v6 =	vld.idx.msk [tilespmem:v3+s20+$0x2440 ss:$0x1], $0xffff  }
0x134: {  	v58 =	vld.idx.msk [tilespmem:v3+s20+$0x4440 ss:$0x1], $0xffff  }
0x135: {  	v59 =	vld.idx.msk [tilespmem:v3+s20+$0x6440 ss:$0x1], $0xffff;
	_ =	sdelay $0x1  }
0x136: {  	v5 =	vadd.f32 v5, v4  }
0x137: {  	v6 =	vadd.f32 v6, v4  }
0x138: {  	[tilespmem:v3+s20+$0x440 ss:$0x1] =	vst.idx.msk $0xffff, v5;
	v5 =	vadd.f32 v58, v4  }
0x139: {  	[tilespmem:v3+s20+$0x2440 ss:$0x1] =	vst.idx.msk $0xffff, v6;
	v4 =	vadd.f32 v59, v4  }
0x13a: {  	[tilespmem:v3+s20+$0x4440 ss:$0x1] =	vst.idx.msk $0xffff, v5  }
0x13b: {  	[tilespmem:v3+s20+$0x6440 ss:$0x1] =	vst.idx.msk $0xffff, v4;
	v5 =	vld.idx.msk [tilespmem:v3+s20+$0x450 ss:$0x1], $0xffff  }
0x13c: {  	v4 =	vld.idx.msk [tilespmem:v2+s20+$0x450 ss:$0x1], $0xffff  }
0x13d: {  	v6 =	vld.idx.msk [tilespmem:v3+s20+$0x2450 ss:$0x1], $0xffff  }
0x13e: {  	v60 =	vld.idx.msk [tilespmem:v3+s20+$0x4450 ss:$0x1], $0xffff  }
0x13f: {  	v61 =	vld.idx.msk [tilespmem:v3+s20+$0x6450 ss:$0x1], $0xffff;
	_ =	sdelay $0x1  }
0x140: {  	v5 =	vadd.f32 v5, v4  }
0x141: {  	v6 =	vadd.f32 v6, v4  }
0x142: {  	[tilespmem:v3+s20+$0x450 ss:$0x1] =	vst.idx.msk $0xffff, v5;
	v5 =	vadd.f32 v60, v4  }
0x143: {  	[tilespmem:v3+s20+$0x2450 ss:$0x1] =	vst.idx.msk $0xffff, v6;
	v4 =	vadd.f32 v61, v4  }
0x144: {  	[tilespmem:v3+s20+$0x4450 ss:$0x1] =	vst.idx.msk $0xffff, v5  }
0x145: {  	[tilespmem:v3+s20+$0x6450 ss:$0x1] =	vst.idx.msk $0xffff, v4;
	v5 =	vld.idx.msk [tilespmem:v3+s20+$0x460 ss:$0x1], $0xffff  }
0x146: {  	v4 =	vld.idx.msk [tilespmem:v2+s20+$0x460 ss:$0x1], $0xffff  }
0x147: {  	v6 =	vld.idx.msk [tilespmem:v3+s20+$0x2460 ss:$0x1], $0xffff  }
0x148: {  	v62 =	vld.idx.msk [tilespmem:v3+s20+$0x4460 ss:$0x1], $0xffff  }
0x149: {  	v63 =	vld.idx.msk [tilespmem:v3+s20+$0x6460 ss:$0x1], $0xffff;
	_ =	sdelay $0x1  }
0x14a: {  	v5 =	vadd.f32 v5, v4  }
0x14b: {  	v6 =	vadd.f32 v6, v4  }
0x14c: {  	[tilespmem:v3+s20+$0x460 ss:$0x1] =	vst.idx.msk $0xffff, v5;
	v5 =	vadd.f32 v62, v4  }
0x14d: {  	[tilespmem:v3+s20+$0x2460 ss:$0x1] =	vst.idx.msk $0xffff, v6;
	v4 =	vadd.f32 v63, v4  }
0x14e: {  	[tilespmem:v3+s20+$0x4460 ss:$0x1] =	vst.idx.msk $0xffff, v5  }
0x14f: {  	[tilespmem:v3+s20+$0x6460 ss:$0x1] =	vst.idx.msk $0xffff, v4;
	v5 =	vld.idx.msk [tilespmem:v3+s20+$0x470 ss:$0x1], $0xffff  }
0x150: {  	v4 =	vld.idx.msk [tilespmem:v2+s20+$0x470 ss:$0x1], $0xffff  }
0x151: {  	v6 =	vld.idx.msk [tilespmem:v3+s20+$0x2470 ss:$0x1], $0xffff  }
0x152: {  	v12 =	vld.idx.msk [tilespmem:v3+s20+$0x4470 ss:$0x1], $0xffff  }
0x153: {  	v13 =	vld.idx.msk [tilespmem:v3+s20+$0x6470 ss:$0x1], $0xffff;
	_ =	sdelay $0x1  }
0x154: {  	v5 =	vadd.f32 v5, v4  }
0x155: {  	v6 =	vadd.f32 v6, v4  }
0x156: {  	[tilespmem:v3+s20+$0x470 ss:$0x1] =	vst.idx.msk $0xffff, v5;
	v5 =	vadd.f32 v12, v4  }
0x157: {  	[tilespmem:v3+s20+$0x2470 ss:$0x1] =	vst.idx.msk $0xffff, v6;
	v4 =	vadd.f32 v13, v4  }
0x158: {  	[tilespmem:v3+s20+$0x4470 ss:$0x1] =	vst.idx.msk $0xffff, v5  }
0x159: {  	[tilespmem:v3+s20+$0x6470 ss:$0x1] =	vst.idx.msk $0xffff, v4;
	v5 =	vld.idx.msk [tilespmem:v3+s20+$0x800 ss:$0x1], $0xffff  }
0x15a: {  	v4 =	vld.idx.msk [tilespmem:v2+s20+$0x800 ss:$0x1], $0xffff  }
0x15b: {  	v14 =	vld.idx.msk [tilespmem:v3+s20+$0x2800 ss:$0x1], $0xffff  }
0x15c: {  	v15 =	vld.idx.msk [tilespmem:v3+s20+$0x4800 ss:$0x1], $0xffff  }
0x15d: {  	v16 =	vld.idx.msk [tilespmem:v3+s20+$0x6800 ss:$0x1], $0xffff;
	_ =	sdelay $0x1  }
0x15e: {  	v5 =	vadd.f32 v5, v4  }
0x15f: {  	v6 =	vadd.f32 v14, v4  }
0x160: {  	[tilespmem:v3+s20+$0x800 ss:$0x1] =	vst.idx.msk $0xffff, v5;
	v5 =	vadd.f32 v15, v4  }
0x161: {  	[tilespmem:v3+s20+$0x2800 ss:$0x1] =	vst.idx.msk $0xffff, v6;
	v4 =	vadd.f32 v16, v4  }
0x162: {  	[tilespmem:v3+s20+$0x4800 ss:$0x1] =	vst.idx.msk $0xffff, v5  }
0x163: {  	[tilespmem:v3+s20+$0x6800 ss:$0x1] =	vst.idx.msk $0xffff, v4;
	v5 =	vld.idx.msk [tilespmem:v3+s20+$0x810 ss:$0x1], $0xffff  }
0x164: {  	v4 =	vld.idx.msk [tilespmem:v2+s20+$0x810 ss:$0x1], $0xffff  }
0x165: {  	v6 =	vld.idx.msk [tilespmem:v3+s20+$0x2810 ss:$0x1], $0xffff  }
0x166: {  	v17 =	vld.idx.msk [tilespmem:v3+s20+$0x4810 ss:$0x1], $0xffff  }
0x167: {  	v18 =	vld.idx.msk [tilespmem:v3+s20+$0x6810 ss:$0x1], $0xffff;
	_ =	sdelay $0x1  }
0x168: {  	v5 =	vadd.f32 v5, v4  }
0x169: {  	v6 =	vadd.f32 v6, v4  }
0x16a: {  	[tilespmem:v3+s20+$0x810 ss:$0x1] =	vst.idx.msk $0xffff, v5;
	v5 =	vadd.f32 v17, v4  }
0x16b: {  	[tilespmem:v3+s20+$0x2810 ss:$0x1] =	vst.idx.msk $0xffff, v6;
	v4 =	vadd.f32 v18, v4  }
0x16c: {  	[tilespmem:v3+s20+$0x4810 ss:$0x1] =	vst.idx.msk $0xffff, v5  }
0x16d: {  	[tilespmem:v3+s20+$0x6810 ss:$0x1] =	vst.idx.msk $0xffff, v4;
	v5 =	vld.idx.msk [tilespmem:v3+s20+$0x820 ss:$0x1], $0xffff  }
0x16e: {  	v4 =	vld.idx.msk [tilespmem:v2+s20+$0x820 ss:$0x1], $0xffff  }
0x16f: {  	v6 =	vld.idx.msk [tilespmem:v3+s20+$0x2820 ss:$0x1], $0xffff  }
0x170: {  	v19 =	vld.idx.msk [tilespmem:v3+s20+$0x4820 ss:$0x1], $0xffff  }
0x171: {  	v20 =	vld.idx.msk [tilespmem:v3+s20+$0x6820 ss:$0x1], $0xffff;
	_ =	sdelay $0x1  }
0x172: {  	v5 =	vadd.f32 v5, v4  }
0x173: {  	v6 =	vadd.f32 v6, v4  }
0x174: {  	[tilespmem:v3+s20+$0x820 ss:$0x1] =	vst.idx.msk $0xffff, v5;
	v5 =	vadd.f32 v19, v4  }
0x175: {  	[tilespmem:v3+s20+$0x2820 ss:$0x1] =	vst.idx.msk $0xffff, v6;
	v4 =	vadd.f32 v20, v4  }
0x176: {  	[tilespmem:v3+s20+$0x4820 ss:$0x1] =	vst.idx.msk $0xffff, v5  }
0x177: {  	[tilespmem:v3+s20+$0x6820 ss:$0x1] =	vst.idx.msk $0xffff, v4;
	v5 =	vld.idx.msk [tilespmem:v3+s20+$0x830 ss:$0x1], $0xffff  }
0x178: {  	v4 =	vld.idx.msk [tilespmem:v2+s20+$0x830 ss:$0x1], $0xffff  }
0x179: {  	v6 =	vld.idx.msk [tilespmem:v3+s20+$0x2830 ss:$0x1], $0xffff  }
0x17a: {  	v21 =	vld.idx.msk [tilespmem:v3+s20+$0x4830 ss:$0x1], $0xffff  }
0x17b: {  	v22 =	vld.idx.msk [tilespmem:v3+s20+$0x6830 ss:$0x1], $0xffff;
	_ =	sdelay $0x1  }
0x17c: {  	v5 =	vadd.f32 v5, v4  }
0x17d: {  	v6 =	vadd.f32 v6, v4  }
0x17e: {  	[tilespmem:v3+s20+$0x830 ss:$0x1] =	vst.idx.msk $0xffff, v5;
	v5 =	vadd.f32 v21, v4  }
0x17f: {  	[tilespmem:v3+s20+$0x2830 ss:$0x1] =	vst.idx.msk $0xffff, v6;
	v4 =	vadd.f32 v22, v4  }
0x180: {  	[tilespmem:v3+s20+$0x4830 ss:$0x1] =	vst.idx.msk $0xffff, v5  }
0x181: {  	[tilespmem:v3+s20+$0x6830 ss:$0x1] =	vst.idx.msk $0xffff, v4;
	v5 =	vld.idx.msk [tilespmem:v3+s20+$0x840 ss:$0x1], $0xffff  }
0x182: {  	v4 =	vld.idx.msk [tilespmem:v2+s20+$0x840 ss:$0x1], $0xffff  }
0x183: {  	v6 =	vld.idx.msk [tilespmem:v3+s20+$0x2840 ss:$0x1], $0xffff  }
0x184: {  	v23 =	vld.idx.msk [tilespmem:v3+s20+$0x4840 ss:$0x1], $0xffff  }
0x185: {  	v24 =	vld.idx.msk [tilespmem:v3+s20+$0x6840 ss:$0x1], $0xffff;
	_ =	sdelay $0x1  }
0x186: {  	v5 =	vadd.f32 v5, v4  }
0x187: {  	v6 =	vadd.f32 v6, v4  }
0x188: {  	[tilespmem:v3+s20+$0x840 ss:$0x1] =	vst.idx.msk $0xffff, v5;
	v5 =	vadd.f32 v23, v4  }
0x189: {  	[tilespmem:v3+s20+$0x2840 ss:$0x1] =	vst.idx.msk $0xffff, v6;
	v4 =	vadd.f32 v24, v4  }
0x18a: {  	[tilespmem:v3+s20+$0x4840 ss:$0x1] =	vst.idx.msk $0xffff, v5  }
0x18b: {  	[tilespmem:v3+s20+$0x6840 ss:$0x1] =	vst.idx.msk $0xffff, v4;
	v5 =	vld.idx.msk [tilespmem:v3+s20+$0x850 ss:$0x1], $0xffff  }
0x18c: {  	v4 =	vld.idx.msk [tilespmem:v2+s20+$0x850 ss:$0x1], $0xffff  }
0x18d: {  	v6 =	vld.idx.msk [tilespmem:v3+s20+$0x2850 ss:$0x1], $0xffff  }
0x18e: {  	v25 =	vld.idx.msk [tilespmem:v3+s20+$0x4850 ss:$0x1], $0xffff  }
0x18f: {  	v26 =	vld.idx.msk [tilespmem:v3+s20+$0x6850 ss:$0x1], $0xffff;
	_ =	sdelay $0x1  }
0x190: {  	v5 =	vadd.f32 v5, v4  }
0x191: {  	v6 =	vadd.f32 v6, v4  }
0x192: {  	[tilespmem:v3+s20+$0x850 ss:$0x1] =	vst.idx.msk $0xffff, v5;
	v5 =	vadd.f32 v25, v4  }
0x193: {  	[tilespmem:v3+s20+$0x2850 ss:$0x1] =	vst.idx.msk $0xffff, v6;
	v4 =	vadd.f32 v26, v4  }
0x194: {  	[tilespmem:v3+s20+$0x4850 ss:$0x1] =	vst.idx.msk $0xffff, v5  }
0x195: {  	[tilespmem:v3+s20+$0x6850 ss:$0x1] =	vst.idx.msk $0xffff, v4;
	v5 =	vld.idx.msk [tilespmem:v3+s20+$0x860 ss:$0x1], $0xffff  }
0x196: {  	v4 =	vld.idx.msk [tilespmem:v2+s20+$0x860 ss:$0x1], $0xffff  }
0x197: {  	v6 =	vld.idx.msk [tilespmem:v3+s20+$0x2860 ss:$0x1], $0xffff  }
0x198: {  	v27 =	vld.idx.msk [tilespmem:v3+s20+$0x4860 ss:$0x1], $0xffff  }
0x199: {  	v28 =	vld.idx.msk [tilespmem:v3+s20+$0x6860 ss:$0x1], $0xffff;
	_ =	sdelay $0x1  }
0x19a: {  	v5 =	vadd.f32 v5, v4  }
0x19b: {  	v6 =	vadd.f32 v6, v4  }
0x19c: {  	[tilespmem:v3+s20+$0x860 ss:$0x1] =	vst.idx.msk $0xffff, v5;
	v5 =	vadd.f32 v27, v4  }
0x19d: {  	[tilespmem:v3+s20+$0x2860 ss:$0x1] =	vst.idx.msk $0xffff, v6;
	v4 =	vadd.f32 v28, v4  }
0x19e: {  	[tilespmem:v3+s20+$0x4860 ss:$0x1] =	vst.idx.msk $0xffff, v5  }
0x19f: {  	[tilespmem:v3+s20+$0x6860 ss:$0x1] =	vst.idx.msk $0xffff, v4;
	v5 =	vld.idx.msk [tilespmem:v3+s20+$0x870 ss:$0x1], $0xffff  }
0x1a0: {  	v4 =	vld.idx.msk [tilespmem:v2+s20+$0x870 ss:$0x1], $0xffff  }
0x1a1: {  	v6 =	vld.idx.msk [tilespmem:v3+s20+$0x2870 ss:$0x1], $0xffff  }
0x1a2: {  	v29 =	vld.idx.msk [tilespmem:v3+s20+$0x4870 ss:$0x1], $0xffff  }
0x1a3: {  	v30 =	vld.idx.msk [tilespmem:v3+s20+$0x6870 ss:$0x1], $0xffff;
	_ =	sdelay $0x1  }
0x1a4: {  	v5 =	vadd.f32 v5, v4  }
0x1a5: {  	v6 =	vadd.f32 v6, v4  }
0x1a6: {  	[tilespmem:v3+s20+$0x870 ss:$0x1] =	vst.idx.msk $0xffff, v5;
	v5 =	vadd.f32 v29, v4  }
0x1a7: {  	[tilespmem:v3+s20+$0x2870 ss:$0x1] =	vst.idx.msk $0xffff, v6;
	v4 =	vadd.f32 v30, v4  }
0x1a8: {  	[tilespmem:v3+s20+$0x4870 ss:$0x1] =	vst.idx.msk $0xffff, v5  }
0x1a9: {  	[tilespmem:v3+s20+$0x6870 ss:$0x1] =	vst.idx.msk $0xffff, v4;
	v5 =	vld.idx.msk [tilespmem:v3+s20+$0xC00 ss:$0x1], $0xffff  }
0x1aa: {  	v4 =	vld.idx.msk [tilespmem:v2+s20+$0xC00 ss:$0x1], $0xffff  }
0x1ab: {  	v31 =	vld.idx.msk [tilespmem:v3+s20+$0x2C00 ss:$0x1], $0xffff  }
0x1ac: {  	v32 =	vld.idx.msk [tilespmem:v3+s20+$0x4C00 ss:$0x1], $0xffff  }
0x1ad: {  	v33 =	vld.idx.msk [tilespmem:v3+s20+$0x6C00 ss:$0x1], $0xffff;
	_ =	sdelay $0x1  }
0x1ae: {  	v5 =	vadd.f32 v5, v4  }
0x1af: {  	v6 =	vadd.f32 v31, v4  }
0x1b0: {  	[tilespmem:v3+s20+$0xC00 ss:$0x1] =	vst.idx.msk $0xffff, v5;
	v5 =	vadd.f32 v32, v4  }
0x1b1: {  	[tilespmem:v3+s20+$0x2C00 ss:$0x1] =	vst.idx.msk $0xffff, v6;
	v4 =	vadd.f32 v33, v4  }
0x1b2: {  	[tilespmem:v3+s20+$0x4C00 ss:$0x1] =	vst.idx.msk $0xffff, v5  }
0x1b3: {  	[tilespmem:v3+s20+$0x6C00 ss:$0x1] =	vst.idx.msk $0xffff, v4;
	v5 =	vld.idx.msk [tilespmem:v3+s20+$0xC10 ss:$0x1], $0xffff  }
0x1b4: {  	v4 =	vld.idx.msk [tilespmem:v2+s20+$0xC10 ss:$0x1], $0xffff  }
0x1b5: {  	v6 =	vld.idx.msk [tilespmem:v3+s20+$0x2C10 ss:$0x1], $0xffff  }
0x1b6: {  	v34 =	vld.idx.msk [tilespmem:v3+s20+$0x4C10 ss:$0x1], $0xffff  }
0x1b7: {  	v35 =	vld.idx.msk [tilespmem:v3+s20+$0x6C10 ss:$0x1], $0xffff;
	_ =	sdelay $0x1  }
0x1b8: {  	v5 =	vadd.f32 v5, v4  }
0x1b9: {  	v6 =	vadd.f32 v6, v4  }
0x1ba: {  	[tilespmem:v3+s20+$0xC10 ss:$0x1] =	vst.idx.msk $0xffff, v5;
	v5 =	vadd.f32 v34, v4  }
0x1bb: {  	[tilespmem:v3+s20+$0x2C10 ss:$0x1] =	vst.idx.msk $0xffff, v6;
	v4 =	vadd.f32 v35, v4  }
0x1bc: {  	[tilespmem:v3+s20+$0x4C10 ss:$0x1] =	vst.idx.msk $0xffff, v5  }
0x1bd: {  	[tilespmem:v3+s20+$0x6C10 ss:$0x1] =	vst.idx.msk $0xffff, v4;
	v5 =	vld.idx.msk [tilespmem:v3+s20+$0xC20 ss:$0x1], $0xffff  }
0x1be: {  	v4 =	vld.idx.msk [tilespmem:v2+s20+$0xC20 ss:$0x1], $0xffff  }
0x1bf: {  	v6 =	vld.idx.msk [tilespmem:v3+s20+$0x2C20 ss:$0x1], $0xffff  }
0x1c0: {  	v36 =	vld.idx.msk [tilespmem:v3+s20+$0x4C20 ss:$0x1], $0xffff  }
0x1c1: {  	v37 =	vld.idx.msk [tilespmem:v3+s20+$0x6C20 ss:$0x1], $0xffff;
	_ =	sdelay $0x1  }
0x1c2: {  	v5 =	vadd.f32 v5, v4  }
0x1c3: {  	v6 =	vadd.f32 v6, v4  }
0x1c4: {  	[tilespmem:v3+s20+$0xC20 ss:$0x1] =	vst.idx.msk $0xffff, v5;
	v5 =	vadd.f32 v36, v4  }
0x1c5: {  	[tilespmem:v3+s20+$0x2C20 ss:$0x1] =	vst.idx.msk $0xffff, v6;
	v4 =	vadd.f32 v37, v4  }
0x1c6: {  	[tilespmem:v3+s20+$0x4C20 ss:$0x1] =	vst.idx.msk $0xffff, v5  }
0x1c7: {  	[tilespmem:v3+s20+$0x6C20 ss:$0x1] =	vst.idx.msk $0xffff, v4;
	v5 =	vld.idx.msk [tilespmem:v3+s20+$0xC30 ss:$0x1], $0xffff  }
0x1c8: {  	v4 =	vld.idx.msk [tilespmem:v2+s20+$0xC30 ss:$0x1], $0xffff  }
0x1c9: {  	v6 =	vld.idx.msk [tilespmem:v3+s20+$0x2C30 ss:$0x1], $0xffff  }
0x1ca: {  	v38 =	vld.idx.msk [tilespmem:v3+s20+$0x4C30 ss:$0x1], $0xffff  }
0x1cb: {  	v39 =	vld.idx.msk [tilespmem:v3+s20+$0x6C30 ss:$0x1], $0xffff;
	_ =	sdelay $0x1  }
0x1cc: {  	v5 =	vadd.f32 v5, v4  }
0x1cd: {  	v6 =	vadd.f32 v6, v4  }
0x1ce: {  	[tilespmem:v3+s20+$0xC30 ss:$0x1] =	vst.idx.msk $0xffff, v5;
	v5 =	vadd.f32 v38, v4  }
0x1cf: {  	[tilespmem:v3+s20+$0x2C30 ss:$0x1] =	vst.idx.msk $0xffff, v6;
	v4 =	vadd.f32 v39, v4  }
0x1d0: {  	[tilespmem:v3+s20+$0x4C30 ss:$0x1] =	vst.idx.msk $0xffff, v5  }
0x1d1: {  	[tilespmem:v3+s20+$0x6C30 ss:$0x1] =	vst.idx.msk $0xffff, v4;
	v5 =	vld.idx.msk [tilespmem:v3+s20+$0xC40 ss:$0x1], $0xffff  }
0x1d2: {  	v4 =	vld.idx.msk [tilespmem:v2+s20+$0xC40 ss:$0x1], $0xffff  }
0x1d3: {  	v6 =	vld.idx.msk [tilespmem:v3+s20+$0x2C40 ss:$0x1], $0xffff  }
0x1d4: {  	v40 =	vld.idx.msk [tilespmem:v3+s20+$0x4C40 ss:$0x1], $0xffff  }
0x1d5: {  	v41 =	vld.idx.msk [tilespmem:v3+s20+$0x6C40 ss:$0x1], $0xffff;
	_ =	sdelay $0x1  }
0x1d6: {  	v5 =	vadd.f32 v5, v4  }
0x1d7: {  	v6 =	vadd.f32 v6, v4  }
0x1d8: {  	[tilespmem:v3+s20+$0xC40 ss:$0x1] =	vst.idx.msk $0xffff, v5;
	v5 =	vadd.f32 v40, v4  }
0x1d9: {  	[tilespmem:v3+s20+$0x2C40 ss:$0x1] =	vst.idx.msk $0xffff, v6;
	v4 =	vadd.f32 v41, v4  }
0x1da: {  	[tilespmem:v3+s20+$0x4C40 ss:$0x1] =	vst.idx.msk $0xffff, v5  }
0x1db: {  	[tilespmem:v3+s20+$0x6C40 ss:$0x1] =	vst.idx.msk $0xffff, v4;
	v5 =	vld.idx.msk [tilespmem:v3+s20+$0xC50 ss:$0x1], $0xffff  }
0x1dc: {  	v4 =	vld.idx.msk [tilespmem:v2+s20+$0xC50 ss:$0x1], $0xffff  }
0x1dd: {  	v6 =	vld.idx.msk [tilespmem:v3+s20+$0x2C50 ss:$0x1], $0xffff  }
0x1de: {  	v42 =	vld.idx.msk [tilespmem:v3+s20+$0x4C50 ss:$0x1], $0xffff  }
0x1df: {  	v43 =	vld.idx.msk [tilespmem:v3+s20+$0x6C50 ss:$0x1], $0xffff;
	_ =	sdelay $0x1  }
0x1e0: {  	v5 =	vadd.f32 v5, v4  }
0x1e1: {  	v6 =	vadd.f32 v6, v4  }
0x1e2: {  	[tilespmem:v3+s20+$0xC50 ss:$0x1] =	vst.idx.msk $0xffff, v5;
	v5 =	vadd.f32 v42, v4  }
0x1e3: {  	[tilespmem:v3+s20+$0x2C50 ss:$0x1] =	vst.idx.msk $0xffff, v6;
	v4 =	vadd.f32 v43, v4  }
0x1e4: {  	[tilespmem:v3+s20+$0x4C50 ss:$0x1] =	vst.idx.msk $0xffff, v5  }
0x1e5: {  	[tilespmem:v3+s20+$0x6C50 ss:$0x1] =	vst.idx.msk $0xffff, v4;
	v5 =	vld.idx.msk [tilespmem:v3+s20+$0xC60 ss:$0x1], $0xffff  }
0x1e6: {  	v4 =	vld.idx.msk [tilespmem:v2+s20+$0xC60 ss:$0x1], $0xffff  }
0x1e7: {  	v6 =	vld.idx.msk [tilespmem:v3+s20+$0x2C60 ss:$0x1], $0xffff  }
0x1e8: {  	v44 =	vld.idx.msk [tilespmem:v3+s20+$0x4C60 ss:$0x1], $0xffff  }
0x1e9: {  	v45 =	vld.idx.msk [tilespmem:v3+s20+$0x6C60 ss:$0x1], $0xffff;
	_ =	sdelay $0x1  }
0x1ea: {  	v5 =	vadd.f32 v5, v4  }
0x1eb: {  	v6 =	vadd.f32 v6, v4  }
0x1ec: {  	[tilespmem:v3+s20+$0xC60 ss:$0x1] =	vst.idx.msk $0xffff, v5;
	v5 =	vadd.f32 v44, v4  }
0x1ed: {  	[tilespmem:v3+s20+$0x2C60 ss:$0x1] =	vst.idx.msk $0xffff, v6;
	v4 =	vadd.f32 v45, v4  }
0x1ee: {  	[tilespmem:v3+s20+$0x4C60 ss:$0x1] =	vst.idx.msk $0xffff, v5  }
0x1ef: {  	[tilespmem:v3+s20+$0x6C60 ss:$0x1] =	vst.idx.msk $0xffff, v4;
	v5 =	vld.idx.msk [tilespmem:v3+s20+$0xC70 ss:$0x1], $0xffff  }
0x1f0: {  	v4 =	vld.idx.msk [tilespmem:v2+s20+$0xC70 ss:$0x1], $0xffff  }
0x1f1: {  	v6 =	vld.idx.msk [tilespmem:v3+s20+$0x2C70 ss:$0x1], $0xffff  }
0x1f2: {  	v46 =	vld.idx.msk [tilespmem:v3+s20+$0x4C70 ss:$0x1], $0xffff  }
0x1f3: {  	v47 =	vld.idx.msk [tilespmem:v3+s20+$0x6C70 ss:$0x1], $0xffff;
	_ =	sdelay $0x1  }
0x1f4: {  	v5 =	vadd.f32 v5, v4  }
0x1f5: {  	v6 =	vadd.f32 v6, v4  }
0x1f6: {  	[tilespmem:v3+s20+$0xC70 ss:$0x1] =	vst.idx.msk $0xffff, v5;
	v5 =	vadd.f32 v46, v4  }
0x1f7: {  	[tilespmem:v3+s20+$0x2C70 ss:$0x1] =	vst.idx.msk $0xffff, v6;
	v4 =	vadd.f32 v47, v4  }
0x1f8: {  	[tilespmem:v3+s20+$0x4C70 ss:$0x1] =	vst.idx.msk $0xffff, v5  }
0x1f9: {  	[tilespmem:v3+s20+$0x6C70 ss:$0x1] =	vst.idx.msk $0xffff, v4;
	v5 =	vld.idx.msk [tilespmem:v3+s20+$0x1000 ss:$0x1], $0xffff  }
0x1fa: {  	v4 =	vld.idx.msk [tilespmem:v2+s20+$0x1000 ss:$0x1], $0xffff  }
0x1fb: {  	v48 =	vld.idx.msk [tilespmem:v3+s20+$0x3000 ss:$0x1], $0xffff  }
0x1fc: {  	v49 =	vld.idx.msk [tilespmem:v3+s20+$0x5000 ss:$0x1], $0xffff  }
0x1fd: {  	v50 =	vld.idx.msk [tilespmem:v3+s20+$0x7000 ss:$0x1], $0xffff;
	_ =	sdelay $0x1  }
0x1fe: {  	v5 =	vadd.f32 v5, v4  }
0x1ff: {  	v6 =	vadd.f32 v48, v4  }
0x200: {  	[tilespmem:v3+s20+$0x1000 ss:$0x1] =	vst.idx.msk $0xffff, v5;
	v5 =	vadd.f32 v49, v4  }
0x201: {  	[tilespmem:v3+s20+$0x3000 ss:$0x1] =	vst.idx.msk $0xffff, v6;
	v4 =	vadd.f32 v50, v4  }
0x202: {  	[tilespmem:v3+s20+$0x5000 ss:$0x1] =	vst.idx.msk $0xffff, v5  }
0x203: {  	[tilespmem:v3+s20+$0x7000 ss:$0x1] =	vst.idx.msk $0xffff, v4;
	v5 =	vld.idx.msk [tilespmem:v3+s20+$0x1010 ss:$0x1], $0xffff  }
0x204: {  	v4 =	vld.idx.msk [tilespmem:v2+s20+$0x1010 ss:$0x1], $0xffff  }
0x205: {  	v6 =	vld.idx.msk [tilespmem:v3+s20+$0x3010 ss:$0x1], $0xffff  }
0x206: {  	v51 =	vld.idx.msk [tilespmem:v3+s20+$0x5010 ss:$0x1], $0xffff  }
0x207: {  	v52 =	vld.idx.msk [tilespmem:v3+s20+$0x7010 ss:$0x1], $0xffff;
	_ =	sdelay $0x1  }
0x208: {  	v5 =	vadd.f32 v5, v4  }
0x209: {  	v6 =	vadd.f32 v6, v4  }
0x20a: {  	[tilespmem:v3+s20+$0x1010 ss:$0x1] =	vst.idx.msk $0xffff, v5;
	v5 =	vadd.f32 v51, v4  }
0x20b: {  	[tilespmem:v3+s20+$0x3010 ss:$0x1] =	vst.idx.msk $0xffff, v6;
	v4 =	vadd.f32 v52, v4  }
0x20c: {  	[tilespmem:v3+s20+$0x5010 ss:$0x1] =	vst.idx.msk $0xffff, v5  }
0x20d: {  	[tilespmem:v3+s20+$0x7010 ss:$0x1] =	vst.idx.msk $0xffff, v4;
	v5 =	vld.idx.msk [tilespmem:v3+s20+$0x1020 ss:$0x1], $0xffff  }
0x20e: {  	v4 =	vld.idx.msk [tilespmem:v2+s20+$0x1020 ss:$0x1], $0xffff  }
0x20f: {  	v6 =	vld.idx.msk [tilespmem:v3+s20+$0x3020 ss:$0x1], $0xffff  }
0x210: {  	v53 =	vld.idx.msk [tilespmem:v3+s20+$0x5020 ss:$0x1], $0xffff  }
0x211: {  	v54 =	vld.idx.msk [tilespmem:v3+s20+$0x7020 ss:$0x1], $0xffff;
	_ =	sdelay $0x1  }
0x212: {  	v5 =	vadd.f32 v5, v4  }
0x213: {  	v6 =	vadd.f32 v6, v4  }
0x214: {  	[tilespmem:v3+s20+$0x1020 ss:$0x1] =	vst.idx.msk $0xffff, v5;
	v5 =	vadd.f32 v53, v4  }
0x215: {  	[tilespmem:v3+s20+$0x3020 ss:$0x1] =	vst.idx.msk $0xffff, v6;
	v4 =	vadd.f32 v54, v4  }
0x216: {  	[tilespmem:v3+s20+$0x5020 ss:$0x1] =	vst.idx.msk $0xffff, v5  }
0x217: {  	[tilespmem:v3+s20+$0x7020 ss:$0x1] =	vst.idx.msk $0xffff, v4;
	v5 =	vld.idx.msk [tilespmem:v3+s20+$0x1030 ss:$0x1], $0xffff  }
0x218: {  	v4 =	vld.idx.msk [tilespmem:v2+s20+$0x1030 ss:$0x1], $0xffff  }
0x219: {  	v6 =	vld.idx.msk [tilespmem:v3+s20+$0x3030 ss:$0x1], $0xffff  }
0x21a: {  	v55 =	vld.idx.msk [tilespmem:v3+s20+$0x5030 ss:$0x1], $0xffff  }
0x21b: {  	v56 =	vld.idx.msk [tilespmem:v3+s20+$0x7030 ss:$0x1], $0xffff;
	_ =	sdelay $0x1  }
0x21c: {  	v5 =	vadd.f32 v5, v4  }
0x21d: {  	v6 =	vadd.f32 v6, v4  }
0x21e: {  	[tilespmem:v3+s20+$0x1030 ss:$0x1] =	vst.idx.msk $0xffff, v5;
	v5 =	vadd.f32 v55, v4  }
0x21f: {  	[tilespmem:v3+s20+$0x3030 ss:$0x1] =	vst.idx.msk $0xffff, v6;
	v4 =	vadd.f32 v56, v4  }
0x220: {  	[tilespmem:v3+s20+$0x5030 ss:$0x1] =	vst.idx.msk $0xffff, v5  }
0x221: {  	[tilespmem:v3+s20+$0x7030 ss:$0x1] =	vst.idx.msk $0xffff, v4;
	v5 =	vld.idx.msk [tilespmem:v3+s20+$0x1040 ss:$0x1], $0xffff  }
0x222: {  	v4 =	vld.idx.msk [tilespmem:v2+s20+$0x1040 ss:$0x1], $0xffff  }
0x223: {  	v6 =	vld.idx.msk [tilespmem:v3+s20+$0x3040 ss:$0x1], $0xffff  }
0x224: {  	v57 =	vld.idx.msk [tilespmem:v3+s20+$0x5040 ss:$0x1], $0xffff  }
0x225: {  	v58 =	vld.idx.msk [tilespmem:v3+s20+$0x7040 ss:$0x1], $0xffff;
	_ =	sdelay $0x1  }
0x226: {  	v5 =	vadd.f32 v5, v4  }
0x227: {  	v6 =	vadd.f32 v6, v4  }
0x228: {  	[tilespmem:v3+s20+$0x1040 ss:$0x1] =	vst.idx.msk $0xffff, v5;
	v5 =	vadd.f32 v57, v4  }
0x229: {  	[tilespmem:v3+s20+$0x3040 ss:$0x1] =	vst.idx.msk $0xffff, v6;
	v4 =	vadd.f32 v58, v4  }
0x22a: {  	[tilespmem:v3+s20+$0x5040 ss:$0x1] =	vst.idx.msk $0xffff, v5  }
0x22b: {  	[tilespmem:v3+s20+$0x7040 ss:$0x1] =	vst.idx.msk $0xffff, v4;
	v5 =	vld.idx.msk [tilespmem:v3+s20+$0x1050 ss:$0x1], $0xffff  }
0x22c: {  	v4 =	vld.idx.msk [tilespmem:v2+s20+$0x1050 ss:$0x1], $0xffff  }
0x22d: {  	v6 =	vld.idx.msk [tilespmem:v3+s20+$0x3050 ss:$0x1], $0xffff  }
0x22e: {  	v59 =	vld.idx.msk [tilespmem:v3+s20+$0x5050 ss:$0x1], $0xffff  }
0x22f: {  	v60 =	vld.idx.msk [tilespmem:v3+s20+$0x7050 ss:$0x1], $0xffff;
	_ =	sdelay $0x1  }
0x230: {  	v5 =	vadd.f32 v5, v4  }
0x231: {  	v6 =	vadd.f32 v6, v4  }
0x232: {  	[tilespmem:v3+s20+$0x1050 ss:$0x1] =	vst.idx.msk $0xffff, v5;
	v5 =	vadd.f32 v59, v4  }
0x233: {  	[tilespmem:v3+s20+$0x3050 ss:$0x1] =	vst.idx.msk $0xffff, v6;
	v4 =	vadd.f32 v60, v4  }
0x234: {  	[tilespmem:v3+s20+$0x5050 ss:$0x1] =	vst.idx.msk $0xffff, v5  }
0x235: {  	[tilespmem:v3+s20+$0x7050 ss:$0x1] =	vst.idx.msk $0xffff, v4;
	v5 =	vld.idx.msk [tilespmem:v3+s20+$0x1060 ss:$0x1], $0xffff  }
0x236: {  	v4 =	vld.idx.msk [tilespmem:v2+s20+$0x1060 ss:$0x1], $0xffff  }
0x237: {  	v6 =	vld.idx.msk [tilespmem:v3+s20+$0x3060 ss:$0x1], $0xffff  }
0x238: {  	v61 =	vld.idx.msk [tilespmem:v3+s20+$0x5060 ss:$0x1], $0xffff  }
0x239: {  	v62 =	vld.idx.msk [tilespmem:v3+s20+$0x7060 ss:$0x1], $0xffff;
	_ =	sdelay $0x1  }
0x23a: {  	v5 =	vadd.f32 v5, v4  }
0x23b: {  	v6 =	vadd.f32 v6, v4  }
0x23c: {  	[tilespmem:v3+s20+$0x1060 ss:$0x1] =	vst.idx.msk $0xffff, v5;
	v5 =	vadd.f32 v61, v4  }
0x23d: {  	[tilespmem:v3+s20+$0x3060 ss:$0x1] =	vst.idx.msk $0xffff, v6;
	v4 =	vadd.f32 v62, v4  }
0x23e: {  	[tilespmem:v3+s20+$0x5060 ss:$0x1] =	vst.idx.msk $0xffff, v5  }
0x23f: {  	[tilespmem:v3+s20+$0x7060 ss:$0x1] =	vst.idx.msk $0xffff, v4;
	v5 =	vld.idx.msk [tilespmem:v3+s20+$0x1070 ss:$0x1], $0xffff  }
0x240: {  	v4 =	vld.idx.msk [tilespmem:v2+s20+$0x1070 ss:$0x1], $0xffff  }
0x241: {  	v6 =	vld.idx.msk [tilespmem:v3+s20+$0x3070 ss:$0x1], $0xffff  }
0x242: {  	v63 =	vld.idx.msk [tilespmem:v3+s20+$0x5070 ss:$0x1], $0xffff  }
0x243: {  	v12 =	vld.idx.msk [tilespmem:v3+s20+$0x7070 ss:$0x1], $0xffff;
	_ =	sdelay $0x1  }
0x244: {  	v5 =	vadd.f32 v5, v4  }
0x245: {  	v6 =	vadd.f32 v6, v4  }
0x246: {  	[tilespmem:v3+s20+$0x1070 ss:$0x1] =	vst.idx.msk $0xffff, v5;
	v5 =	vadd.f32 v63, v4  }
0x247: {  	[tilespmem:v3+s20+$0x3070 ss:$0x1] =	vst.idx.msk $0xffff, v6;
	v4 =	vadd.f32 v12, v4  }
0x248: {  	[tilespmem:v3+s20+$0x5070 ss:$0x1] =	vst.idx.msk $0xffff, v5  }
0x249: {  	[tilespmem:v3+s20+$0x7070 ss:$0x1] =	vst.idx.msk $0xffff, v4;
	v5 =	vld.idx.msk [tilespmem:v3+s20+$0x1400 ss:$0x1], $0xffff  }
0x24a: {  	v4 =	vld.idx.msk [tilespmem:v2+s20+$0x1400 ss:$0x1], $0xffff  }
0x24b: {  	v13 =	vld.idx.msk [tilespmem:v3+s20+$0x3400 ss:$0x1], $0xffff  }
0x24c: {  	v14 =	vld.idx.msk [tilespmem:v3+s20+$0x5400 ss:$0x1], $0xffff  }
0x24d: {  	v15 =	vld.idx.msk [tilespmem:v3+s20+$0x7400 ss:$0x1], $0xffff;
	_ =	sdelay $0x1  }
0x24e: {  	v5 =	vadd.f32 v5, v4  }
0x24f: {  	v6 =	vadd.f32 v13, v4  }
0x250: {  	[tilespmem:v3+s20+$0x1400 ss:$0x1] =	vst.idx.msk $0xffff, v5;
	v5 =	vadd.f32 v14, v4  }
0x251: {  	[tilespmem:v3+s20+$0x3400 ss:$0x1] =	vst.idx.msk $0xffff, v6;
	v4 =	vadd.f32 v15, v4  }
0x252: {  	[tilespmem:v3+s20+$0x5400 ss:$0x1] =	vst.idx.msk $0xffff, v5  }
0x253: {  	[tilespmem:v3+s20+$0x7400 ss:$0x1] =	vst.idx.msk $0xffff, v4;
	v5 =	vld.idx.msk [tilespmem:v3+s20+$0x1410 ss:$0x1], $0xffff  }
0x254: {  	v4 =	vld.idx.msk [tilespmem:v2+s20+$0x1410 ss:$0x1], $0xffff  }
0x255: {  	v6 =	vld.idx.msk [tilespmem:v3+s20+$0x3410 ss:$0x1], $0xffff  }
0x256: {  	v16 =	vld.idx.msk [tilespmem:v3+s20+$0x5410 ss:$0x1], $0xffff  }
0x257: {  	v17 =	vld.idx.msk [tilespmem:v3+s20+$0x7410 ss:$0x1], $0xffff;
	_ =	sdelay $0x1  }
0x258: {  	v5 =	vadd.f32 v5, v4  }
0x259: {  	v6 =	vadd.f32 v6, v4  }
0x25a: {  	[tilespmem:v3+s20+$0x1410 ss:$0x1] =	vst.idx.msk $0xffff, v5;
	v5 =	vadd.f32 v16, v4  }
0x25b: {  	[tilespmem:v3+s20+$0x3410 ss:$0x1] =	vst.idx.msk $0xffff, v6;
	v4 =	vadd.f32 v17, v4  }
0x25c: {  	[tilespmem:v3+s20+$0x5410 ss:$0x1] =	vst.idx.msk $0xffff, v5  }
0x25d: {  	[tilespmem:v3+s20+$0x7410 ss:$0x1] =	vst.idx.msk $0xffff, v4;
	v5 =	vld.idx.msk [tilespmem:v3+s20+$0x1420 ss:$0x1], $0xffff  }
0x25e: {  	v4 =	vld.idx.msk [tilespmem:v2+s20+$0x1420 ss:$0x1], $0xffff  }
0x25f: {  	v6 =	vld.idx.msk [tilespmem:v3+s20+$0x3420 ss:$0x1], $0xffff  }
0x260: {  	v18 =	vld.idx.msk [tilespmem:v3+s20+$0x5420 ss:$0x1], $0xffff  }
0x261: {  	v19 =	vld.idx.msk [tilespmem:v3+s20+$0x7420 ss:$0x1], $0xffff;
	_ =	sdelay $0x1  }
0x262: {  	v5 =	vadd.f32 v5, v4  }
0x263: {  	v6 =	vadd.f32 v6, v4  }
0x264: {  	[tilespmem:v3+s20+$0x1420 ss:$0x1] =	vst.idx.msk $0xffff, v5;
	v5 =	vadd.f32 v18, v4  }
0x265: {  	[tilespmem:v3+s20+$0x3420 ss:$0x1] =	vst.idx.msk $0xffff, v6;
	v4 =	vadd.f32 v19, v4  }
0x266: {  	[tilespmem:v3+s20+$0x5420 ss:$0x1] =	vst.idx.msk $0xffff, v5  }
0x267: {  	[tilespmem:v3+s20+$0x7420 ss:$0x1] =	vst.idx.msk $0xffff, v4;
	v5 =	vld.idx.msk [tilespmem:v3+s20+$0x1430 ss:$0x1], $0xffff  }
0x268: {  	v4 =	vld.idx.msk [tilespmem:v2+s20+$0x1430 ss:$0x1], $0xffff  }
0x269: {  	v6 =	vld.idx.msk [tilespmem:v3+s20+$0x3430 ss:$0x1], $0xffff  }
0x26a: {  	v20 =	vld.idx.msk [tilespmem:v3+s20+$0x5430 ss:$0x1], $0xffff  }
0x26b: {  	v21 =	vld.idx.msk [tilespmem:v3+s20+$0x7430 ss:$0x1], $0xffff;
	_ =	sdelay $0x1  }
0x26c: {  	v5 =	vadd.f32 v5, v4  }
0x26d: {  	v6 =	vadd.f32 v6, v4  }
0x26e: {  	[tilespmem:v3+s20+$0x1430 ss:$0x1] =	vst.idx.msk $0xffff, v5;
	v5 =	vadd.f32 v20, v4  }
0x26f: {  	[tilespmem:v3+s20+$0x3430 ss:$0x1] =	vst.idx.msk $0xffff, v6;
	v4 =	vadd.f32 v21, v4  }
0x270: {  	[tilespmem:v3+s20+$0x5430 ss:$0x1] =	vst.idx.msk $0xffff, v5  }
0x271: {  	[tilespmem:v3+s20+$0x7430 ss:$0x1] =	vst.idx.msk $0xffff, v4;
	v5 =	vld.idx.msk [tilespmem:v3+s20+$0x1440 ss:$0x1], $0xffff  }
0x272: {  	v4 =	vld.idx.msk [tilespmem:v2+s20+$0x1440 ss:$0x1], $0xffff  }
0x273: {  	v6 =	vld.idx.msk [tilespmem:v3+s20+$0x3440 ss:$0x1], $0xffff  }
0x274: {  	v22 =	vld.idx.msk [tilespmem:v3+s20+$0x5440 ss:$0x1], $0xffff  }
0x275: {  	v23 =	vld.idx.msk [tilespmem:v3+s20+$0x7440 ss:$0x1], $0xffff;
	_ =	sdelay $0x1  }
0x276: {  	v5 =	vadd.f32 v5, v4  }
0x277: {  	v6 =	vadd.f32 v6, v4  }
0x278: {  	[tilespmem:v3+s20+$0x1440 ss:$0x1] =	vst.idx.msk $0xffff, v5;
	v5 =	vadd.f32 v22, v4  }
0x279: {  	[tilespmem:v3+s20+$0x3440 ss:$0x1] =	vst.idx.msk $0xffff, v6;
	v4 =	vadd.f32 v23, v4  }
0x27a: {  	[tilespmem:v3+s20+$0x5440 ss:$0x1] =	vst.idx.msk $0xffff, v5  }
0x27b: {  	[tilespmem:v3+s20+$0x7440 ss:$0x1] =	vst.idx.msk $0xffff, v4;
	v5 =	vld.idx.msk [tilespmem:v3+s20+$0x1450 ss:$0x1], $0xffff  }
0x27c: {  	v4 =	vld.idx.msk [tilespmem:v2+s20+$0x1450 ss:$0x1], $0xffff  }
0x27d: {  	v6 =	vld.idx.msk [tilespmem:v3+s20+$0x3450 ss:$0x1], $0xffff  }
0x27e: {  	v24 =	vld.idx.msk [tilespmem:v3+s20+$0x5450 ss:$0x1], $0xffff  }
0x27f: {  	v25 =	vld.idx.msk [tilespmem:v3+s20+$0x7450 ss:$0x1], $0xffff;
	_ =	sdelay $0x1  }
0x280: {  	v5 =	vadd.f32 v5, v4  }
0x281: {  	v6 =	vadd.f32 v6, v4  }
0x282: {  	[tilespmem:v3+s20+$0x1450 ss:$0x1] =	vst.idx.msk $0xffff, v5;
	v5 =	vadd.f32 v24, v4  }
0x283: {  	[tilespmem:v3+s20+$0x3450 ss:$0x1] =	vst.idx.msk $0xffff, v6;
	v4 =	vadd.f32 v25, v4  }
0x284: {  	[tilespmem:v3+s20+$0x5450 ss:$0x1] =	vst.idx.msk $0xffff, v5  }
0x285: {  	[tilespmem:v3+s20+$0x7450 ss:$0x1] =	vst.idx.msk $0xffff, v4;
	v5 =	vld.idx.msk [tilespmem:v3+s20+$0x1460 ss:$0x1], $0xffff  }
0x286: {  	v4 =	vld.idx.msk [tilespmem:v2+s20+$0x1460 ss:$0x1], $0xffff  }
0x287: {  	v6 =	vld.idx.msk [tilespmem:v3+s20+$0x3460 ss:$0x1], $0xffff  }
0x288: {  	v26 =	vld.idx.msk [tilespmem:v3+s20+$0x5460 ss:$0x1], $0xffff  }
0x289: {  	v27 =	vld.idx.msk [tilespmem:v3+s20+$0x7460 ss:$0x1], $0xffff;
	_ =	sdelay $0x1  }
0x28a: {  	v5 =	vadd.f32 v5, v4  }
0x28b: {  	v6 =	vadd.f32 v6, v4  }
0x28c: {  	[tilespmem:v3+s20+$0x1460 ss:$0x1] =	vst.idx.msk $0xffff, v5;
	v5 =	vadd.f32 v26, v4  }
0x28d: {  	[tilespmem:v3+s20+$0x3460 ss:$0x1] =	vst.idx.msk $0xffff, v6;
	v4 =	vadd.f32 v27, v4  }
0x28e: {  	[tilespmem:v3+s20+$0x5460 ss:$0x1] =	vst.idx.msk $0xffff, v5  }
0x28f: {  	[tilespmem:v3+s20+$0x7460 ss:$0x1] =	vst.idx.msk $0xffff, v4;
	v5 =	vld.idx.msk [tilespmem:v3+s20+$0x1470 ss:$0x1], $0xffff  }
0x290: {  	v4 =	vld.idx.msk [tilespmem:v2+s20+$0x1470 ss:$0x1], $0xffff  }
0x291: {  	v6 =	vld.idx.msk [tilespmem:v3+s20+$0x3470 ss:$0x1], $0xffff  }
0x292: {  	v28 =	vld.idx.msk [tilespmem:v3+s20+$0x5470 ss:$0x1], $0xffff  }
0x293: {  	v29 =	vld.idx.msk [tilespmem:v3+s20+$0x7470 ss:$0x1], $0xffff;
	_ =	sdelay $0x1  }
0x294: {  	v5 =	vadd.f32 v5, v4  }
0x295: {  	v6 =	vadd.f32 v6, v4  }
0x296: {  	[tilespmem:v3+s20+$0x1470 ss:$0x1] =	vst.idx.msk $0xffff, v5;
	v5 =	vadd.f32 v28, v4  }
0x297: {  	[tilespmem:v3+s20+$0x3470 ss:$0x1] =	vst.idx.msk $0xffff, v6;
	v4 =	vadd.f32 v29, v4  }
0x298: {  	[tilespmem:v3+s20+$0x5470 ss:$0x1] =	vst.idx.msk $0xffff, v5  }
0x299: {  	[tilespmem:v3+s20+$0x7470 ss:$0x1] =	vst.idx.msk $0xffff, v4;
	v5 =	vld.idx.msk [tilespmem:v3+s20+$0x1800 ss:$0x1], $0xffff  }
0x29a: {  	v4 =	vld.idx.msk [tilespmem:v2+s20+$0x1800 ss:$0x1], $0xffff  }
0x29b: {  	v30 =	vld.idx.msk [tilespmem:v3+s20+$0x3800 ss:$0x1], $0xffff  }
0x29c: {  	v31 =	vld.idx.msk [tilespmem:v3+s20+$0x5800 ss:$0x1], $0xffff  }
0x29d: {  	v32 =	vld.idx.msk [tilespmem:v3+s20+$0x7800 ss:$0x1], $0xffff;
	_ =	sdelay $0x1  }
0x29e: {  	v5 =	vadd.f32 v5, v4  }
0x29f: {  	v6 =	vadd.f32 v30, v4  }
0x2a0: {  	[tilespmem:v3+s20+$0x1800 ss:$0x1] =	vst.idx.msk $0xffff, v5;
	v5 =	vadd.f32 v31, v4  }
0x2a1: {  	[tilespmem:v3+s20+$0x3800 ss:$0x1] =	vst.idx.msk $0xffff, v6;
	v4 =	vadd.f32 v32, v4  }
0x2a2: {  	[tilespmem:v3+s20+$0x5800 ss:$0x1] =	vst.idx.msk $0xffff, v5  }
0x2a3: {  	[tilespmem:v3+s20+$0x7800 ss:$0x1] =	vst.idx.msk $0xffff, v4;
	v5 =	vld.idx.msk [tilespmem:v3+s20+$0x1810 ss:$0x1], $0xffff  }
0x2a4: {  	v4 =	vld.idx.msk [tilespmem:v2+s20+$0x1810 ss:$0x1], $0xffff  }
0x2a5: {  	v6 =	vld.idx.msk [tilespmem:v3+s20+$0x3810 ss:$0x1], $0xffff  }
0x2a6: {  	v33 =	vld.idx.msk [tilespmem:v3+s20+$0x5810 ss:$0x1], $0xffff  }
0x2a7: {  	v34 =	vld.idx.msk [tilespmem:v3+s20+$0x7810 ss:$0x1], $0xffff;
	_ =	sdelay $0x1  }
0x2a8: {  	v5 =	vadd.f32 v5, v4  }
0x2a9: {  	v6 =	vadd.f32 v6, v4  }
0x2aa: {  	[tilespmem:v3+s20+$0x1810 ss:$0x1] =	vst.idx.msk $0xffff, v5;
	v5 =	vadd.f32 v33, v4  }
0x2ab: {  	[tilespmem:v3+s20+$0x3810 ss:$0x1] =	vst.idx.msk $0xffff, v6;
	v4 =	vadd.f32 v34, v4  }
0x2ac: {  	[tilespmem:v3+s20+$0x5810 ss:$0x1] =	vst.idx.msk $0xffff, v5  }
0x2ad: {  	[tilespmem:v3+s20+$0x7810 ss:$0x1] =	vst.idx.msk $0xffff, v4;
	v5 =	vld.idx.msk [tilespmem:v3+s20+$0x1820 ss:$0x1], $0xffff  }
0x2ae: {  	v4 =	vld.idx.msk [tilespmem:v2+s20+$0x1820 ss:$0x1], $0xffff  }
0x2af: {  	v6 =	vld.idx.msk [tilespmem:v3+s20+$0x3820 ss:$0x1], $0xffff  }
0x2b0: {  	v35 =	vld.idx.msk [tilespmem:v3+s20+$0x5820 ss:$0x1], $0xffff  }
0x2b1: {  	v36 =	vld.idx.msk [tilespmem:v3+s20+$0x7820 ss:$0x1], $0xffff;
	_ =	sdelay $0x1  }
0x2b2: {  	v5 =	vadd.f32 v5, v4  }
0x2b3: {  	v6 =	vadd.f32 v6, v4  }
0x2b4: {  	[tilespmem:v3+s20+$0x1820 ss:$0x1] =	vst.idx.msk $0xffff, v5;
	v5 =	vadd.f32 v35, v4  }
0x2b5: {  	[tilespmem:v3+s20+$0x3820 ss:$0x1] =	vst.idx.msk $0xffff, v6;
	v4 =	vadd.f32 v36, v4  }
0x2b6: {  	[tilespmem:v3+s20+$0x5820 ss:$0x1] =	vst.idx.msk $0xffff, v5  }
0x2b7: {  	[tilespmem:v3+s20+$0x7820 ss:$0x1] =	vst.idx.msk $0xffff, v4;
	v5 =	vld.idx.msk [tilespmem:v3+s20+$0x1830 ss:$0x1], $0xffff  }
0x2b8: {  	v4 =	vld.idx.msk [tilespmem:v2+s20+$0x1830 ss:$0x1], $0xffff  }
0x2b9: {  	v6 =	vld.idx.msk [tilespmem:v3+s20+$0x3830 ss:$0x1], $0xffff  }
0x2ba: {  	v37 =	vld.idx.msk [tilespmem:v3+s20+$0x5830 ss:$0x1], $0xffff  }
0x2bb: {  	v38 =	vld.idx.msk [tilespmem:v3+s20+$0x7830 ss:$0x1], $0xffff;
	_ =	sdelay $0x1  }
0x2bc: {  	v5 =	vadd.f32 v5, v4  }
0x2bd: {  	v6 =	vadd.f32 v6, v4  }
0x2be: {  	[tilespmem:v3+s20+$0x1830 ss:$0x1] =	vst.idx.msk $0xffff, v5;
	v5 =	vadd.f32 v37, v4  }
0x2bf: {  	[tilespmem:v3+s20+$0x3830 ss:$0x1] =	vst.idx.msk $0xffff, v6;
	v4 =	vadd.f32 v38, v4  }
0x2c0: {  	[tilespmem:v3+s20+$0x5830 ss:$0x1] =	vst.idx.msk $0xffff, v5  }
0x2c1: {  	[tilespmem:v3+s20+$0x7830 ss:$0x1] =	vst.idx.msk $0xffff, v4;
	v5 =	vld.idx.msk [tilespmem:v3+s20+$0x1840 ss:$0x1], $0xffff  }
0x2c2: {  	v4 =	vld.idx.msk [tilespmem:v2+s20+$0x1840 ss:$0x1], $0xffff  }
0x2c3: {  	v6 =	vld.idx.msk [tilespmem:v3+s20+$0x3840 ss:$0x1], $0xffff  }
0x2c4: {  	v39 =	vld.idx.msk [tilespmem:v3+s20+$0x5840 ss:$0x1], $0xffff  }
0x2c5: {  	v40 =	vld.idx.msk [tilespmem:v3+s20+$0x7840 ss:$0x1], $0xffff;
	_ =	sdelay $0x1  }
0x2c6: {  	v5 =	vadd.f32 v5, v4  }
0x2c7: {  	v6 =	vadd.f32 v6, v4  }
0x2c8: {  	[tilespmem:v3+s20+$0x1840 ss:$0x1] =	vst.idx.msk $0xffff, v5;
	v5 =	vadd.f32 v39, v4  }
0x2c9: {  	[tilespmem:v3+s20+$0x3840 ss:$0x1] =	vst.idx.msk $0xffff, v6;
	v4 =	vadd.f32 v40, v4  }
0x2ca: {  	[tilespmem:v3+s20+$0x5840 ss:$0x1] =	vst.idx.msk $0xffff, v5  }
0x2cb: {  	[tilespmem:v3+s20+$0x7840 ss:$0x1] =	vst.idx.msk $0xffff, v4;
	v5 =	vld.idx.msk [tilespmem:v3+s20+$0x1850 ss:$0x1], $0xffff  }
0x2cc: {  	v4 =	vld.idx.msk [tilespmem:v2+s20+$0x1850 ss:$0x1], $0xffff  }
0x2cd: {  	v6 =	vld.idx.msk [tilespmem:v3+s20+$0x3850 ss:$0x1], $0xffff  }
0x2ce: {  	v41 =	vld.idx.msk [tilespmem:v3+s20+$0x5850 ss:$0x1], $0xffff  }
0x2cf: {  	v42 =	vld.idx.msk [tilespmem:v3+s20+$0x7850 ss:$0x1], $0xffff;
	_ =	sdelay $0x1  }
0x2d0: {  	v5 =	vadd.f32 v5, v4  }
0x2d1: {  	v6 =	vadd.f32 v6, v4  }
0x2d2: {  	[tilespmem:v3+s20+$0x1850 ss:$0x1] =	vst.idx.msk $0xffff, v5;
	v5 =	vadd.f32 v41, v4  }
0x2d3: {  	[tilespmem:v3+s20+$0x3850 ss:$0x1] =	vst.idx.msk $0xffff, v6;
	v4 =	vadd.f32 v42, v4  }
0x2d4: {  	[tilespmem:v3+s20+$0x5850 ss:$0x1] =	vst.idx.msk $0xffff, v5  }
0x2d5: {  	[tilespmem:v3+s20+$0x7850 ss:$0x1] =	vst.idx.msk $0xffff, v4;
	v5 =	vld.idx.msk [tilespmem:v3+s20+$0x1860 ss:$0x1], $0xffff  }
0x2d6: {  	v4 =	vld.idx.msk [tilespmem:v2+s20+$0x1860 ss:$0x1], $0xffff  }
0x2d7: {  	v6 =	vld.idx.msk [tilespmem:v3+s20+$0x3860 ss:$0x1], $0xffff  }
0x2d8: {  	v43 =	vld.idx.msk [tilespmem:v3+s20+$0x5860 ss:$0x1], $0xffff  }
0x2d9: {  	v44 =	vld.idx.msk [tilespmem:v3+s20+$0x7860 ss:$0x1], $0xffff;
	_ =	sdelay $0x1  }
0x2da: {  	v5 =	vadd.f32 v5, v4  }
0x2db: {  	v6 =	vadd.f32 v6, v4  }
0x2dc: {  	[tilespmem:v3+s20+$0x1860 ss:$0x1] =	vst.idx.msk $0xffff, v5;
	v5 =	vadd.f32 v43, v4  }
0x2dd: {  	[tilespmem:v3+s20+$0x3860 ss:$0x1] =	vst.idx.msk $0xffff, v6;
	v4 =	vadd.f32 v44, v4  }
0x2de: {  	[tilespmem:v3+s20+$0x5860 ss:$0x1] =	vst.idx.msk $0xffff, v5  }
0x2df: {  	[tilespmem:v3+s20+$0x7860 ss:$0x1] =	vst.idx.msk $0xffff, v4;
	v5 =	vld.idx.msk [tilespmem:v3+s20+$0x1870 ss:$0x1], $0xffff  }
0x2e0: {  	v4 =	vld.idx.msk [tilespmem:v2+s20+$0x1870 ss:$0x1], $0xffff  }
0x2e1: {  	v6 =	vld.idx.msk [tilespmem:v3+s20+$0x3870 ss:$0x1], $0xffff  }
0x2e2: {  	v45 =	vld.idx.msk [tilespmem:v3+s20+$0x5870 ss:$0x1], $0xffff  }
0x2e3: {  	v46 =	vld.idx.msk [tilespmem:v3+s20+$0x7870 ss:$0x1], $0xffff;
	_ =	sdelay $0x1  }
0x2e4: {  	v5 =	vadd.f32 v5, v4  }
0x2e5: {  	v6 =	vadd.f32 v6, v4  }
0x2e6: {  	[tilespmem:v3+s20+$0x1870 ss:$0x1] =	vst.idx.msk $0xffff, v5;
	v5 =	vadd.f32 v45, v4  }
0x2e7: {  	[tilespmem:v3+s20+$0x3870 ss:$0x1] =	vst.idx.msk $0xffff, v6;
	v4 =	vadd.f32 v46, v4  }
0x2e8: {  	[tilespmem:v3+s20+$0x5870 ss:$0x1] =	vst.idx.msk $0xffff, v5  }
0x2e9: {  	[tilespmem:v3+s20+$0x7870 ss:$0x1] =	vst.idx.msk $0xffff, v4;
	v5 =	vld.idx.msk [tilespmem:v3+s20+$0x1C00 ss:$0x1], $0xffff  }
0x2ea: {  	v4 =	vld.idx.msk [tilespmem:v2+s20+$0x1C00 ss:$0x1], $0xffff  }
0x2eb: {  	v47 =	vld.idx.msk [tilespmem:v3+s20+$0x3C00 ss:$0x1], $0xffff  }
0x2ec: {  	v48 =	vld.idx.msk [tilespmem:v3+s20+$0x5C00 ss:$0x1], $0xffff  }
0x2ed: {  	v49 =	vld.idx.msk [tilespmem:v3+s20+$0x7C00 ss:$0x1], $0xffff;
	_ =	sdelay $0x1  }
0x2ee: {  	v5 =	vadd.f32 v5, v4  }
0x2ef: {  	v6 =	vadd.f32 v47, v4  }
0x2f0: {  	[tilespmem:v3+s20+$0x1C00 ss:$0x1] =	vst.idx.msk $0xffff, v5;
	v5 =	vadd.f32 v48, v4  }
0x2f1: {  	[tilespmem:v3+s20+$0x3C00 ss:$0x1] =	vst.idx.msk $0xffff, v6;
	v4 =	vadd.f32 v49, v4  }
0x2f2: {  	[tilespmem:v3+s20+$0x5C00 ss:$0x1] =	vst.idx.msk $0xffff, v5  }
0x2f3: {  	[tilespmem:v3+s20+$0x7C00 ss:$0x1] =	vst.idx.msk $0xffff, v4;
	v5 =	vld.idx.msk [tilespmem:v3+s20+$0x1C10 ss:$0x1], $0xffff  }
0x2f4: {  	v4 =	vld.idx.msk [tilespmem:v2+s20+$0x1C10 ss:$0x1], $0xffff  }
0x2f5: {  	v6 =	vld.idx.msk [tilespmem:v3+s20+$0x3C10 ss:$0x1], $0xffff  }
0x2f6: {  	v50 =	vld.idx.msk [tilespmem:v3+s20+$0x5C10 ss:$0x1], $0xffff  }
0x2f7: {  	v51 =	vld.idx.msk [tilespmem:v3+s20+$0x7C10 ss:$0x1], $0xffff;
	_ =	sdelay $0x1  }
0x2f8: {  	v5 =	vadd.f32 v5, v4  }
0x2f9: {  	v6 =	vadd.f32 v6, v4  }
0x2fa: {  	[tilespmem:v3+s20+$0x1C10 ss:$0x1] =	vst.idx.msk $0xffff, v5;
	v5 =	vadd.f32 v50, v4  }
0x2fb: {  	[tilespmem:v3+s20+$0x3C10 ss:$0x1] =	vst.idx.msk $0xffff, v6;
	v4 =	vadd.f32 v51, v4  }
0x2fc: {  	[tilespmem:v3+s20+$0x5C10 ss:$0x1] =	vst.idx.msk $0xffff, v5  }
0x2fd: {  	[tilespmem:v3+s20+$0x7C10 ss:$0x1] =	vst.idx.msk $0xffff, v4;
	v5 =	vld.idx.msk [tilespmem:v3+s20+$0x1C20 ss:$0x1], $0xffff  }
0x2fe: {  	v4 =	vld.idx.msk [tilespmem:v2+s20+$0x1C20 ss:$0x1], $0xffff  }
0x2ff: {  	v6 =	vld.idx.msk [tilespmem:v3+s20+$0x3C20 ss:$0x1], $0xffff  }
0x300: {  	v52 =	vld.idx.msk [tilespmem:v3+s20+$0x5C20 ss:$0x1], $0xffff  }
0x301: {  	v53 =	vld.idx.msk [tilespmem:v3+s20+$0x7C20 ss:$0x1], $0xffff;
	_ =	sdelay $0x1  }
0x302: {  	v5 =	vadd.f32 v5, v4  }
0x303: {  	v6 =	vadd.f32 v6, v4  }
0x304: {  	[tilespmem:v3+s20+$0x1C20 ss:$0x1] =	vst.idx.msk $0xffff, v5;
	v5 =	vadd.f32 v52, v4  }
0x305: {  	[tilespmem:v3+s20+$0x3C20 ss:$0x1] =	vst.idx.msk $0xffff, v6;
	v4 =	vadd.f32 v53, v4  }
0x306: {  	[tilespmem:v3+s20+$0x5C20 ss:$0x1] =	vst.idx.msk $0xffff, v5  }
0x307: {  	[tilespmem:v3+s20+$0x7C20 ss:$0x1] =	vst.idx.msk $0xffff, v4;
	v5 =	vld.idx.msk [tilespmem:v3+s20+$0x1C30 ss:$0x1], $0xffff  }
0x308: {  	v4 =	vld.idx.msk [tilespmem:v2+s20+$0x1C30 ss:$0x1], $0xffff  }
0x309: {  	v6 =	vld.idx.msk [tilespmem:v3+s20+$0x3C30 ss:$0x1], $0xffff  }
0x30a: {  	v54 =	vld.idx.msk [tilespmem:v3+s20+$0x5C30 ss:$0x1], $0xffff  }
0x30b: {  	v55 =	vld.idx.msk [tilespmem:v3+s20+$0x7C30 ss:$0x1], $0xffff;
	_ =	sdelay $0x1  }
0x30c: {  	v5 =	vadd.f32 v5, v4  }
0x30d: {  	v6 =	vadd.f32 v6, v4  }
0x30e: {  	[tilespmem:v3+s20+$0x1C30 ss:$0x1] =	vst.idx.msk $0xffff, v5;
	v5 =	vadd.f32 v54, v4  }
0x30f: {  	[tilespmem:v3+s20+$0x3C30 ss:$0x1] =	vst.idx.msk $0xffff, v6;
	v4 =	vadd.f32 v55, v4  }
0x310: {  	[tilespmem:v3+s20+$0x5C30 ss:$0x1] =	vst.idx.msk $0xffff, v5  }
0x311: {  	[tilespmem:v3+s20+$0x7C30 ss:$0x1] =	vst.idx.msk $0xffff, v4;
	v5 =	vld.idx.msk [tilespmem:v3+s20+$0x1C40 ss:$0x1], $0xffff  }
0x312: {  	v4 =	vld.idx.msk [tilespmem:v2+s20+$0x1C40 ss:$0x1], $0xffff  }
0x313: {  	v6 =	vld.idx.msk [tilespmem:v3+s20+$0x3C40 ss:$0x1], $0xffff  }
0x314: {  	v56 =	vld.idx.msk [tilespmem:v3+s20+$0x5C40 ss:$0x1], $0xffff  }
0x315: {  	v57 =	vld.idx.msk [tilespmem:v3+s20+$0x7C40 ss:$0x1], $0xffff;
	_ =	sdelay $0x1  }
0x316: {  	v5 =	vadd.f32 v5, v4  }
0x317: {  	v6 =	vadd.f32 v6, v4  }
0x318: {  	[tilespmem:v3+s20+$0x1C40 ss:$0x1] =	vst.idx.msk $0xffff, v5;
	v5 =	vadd.f32 v56, v4  }
0x319: {  	[tilespmem:v3+s20+$0x3C40 ss:$0x1] =	vst.idx.msk $0xffff, v6;
	v4 =	vadd.f32 v57, v4  }
0x31a: {  	[tilespmem:v3+s20+$0x5C40 ss:$0x1] =	vst.idx.msk $0xffff, v5  }
0x31b: {  	[tilespmem:v3+s20+$0x7C40 ss:$0x1] =	vst.idx.msk $0xffff, v4;
	v5 =	vld.idx.msk [tilespmem:v3+s20+$0x1C50 ss:$0x1], $0xffff  }
0x31c: {  	v4 =	vld.idx.msk [tilespmem:v2+s20+$0x1C50 ss:$0x1], $0xffff  }
0x31d: {  	v6 =	vld.idx.msk [tilespmem:v3+s20+$0x3C50 ss:$0x1], $0xffff  }
0x31e: {  	v58 =	vld.idx.msk [tilespmem:v3+s20+$0x5C50 ss:$0x1], $0xffff  }
0x31f: {  	v59 =	vld.idx.msk [tilespmem:v3+s20+$0x7C50 ss:$0x1], $0xffff;
	_ =	sdelay $0x1  }
0x320: {  	v5 =	vadd.f32 v5, v4  }
0x321: {  	v6 =	vadd.f32 v6, v4  }
0x322: {  	[tilespmem:v3+s20+$0x1C50 ss:$0x1] =	vst.idx.msk $0xffff, v5;
	v5 =	vadd.f32 v58, v4  }
0x323: {  	[tilespmem:v3+s20+$0x3C50 ss:$0x1] =	vst.idx.msk $0xffff, v6;
	v4 =	vadd.f32 v59, v4  }
0x324: {  	[tilespmem:v3+s20+$0x5C50 ss:$0x1] =	vst.idx.msk $0xffff, v5  }
0x325: {  	[tilespmem:v3+s20+$0x7C50 ss:$0x1] =	vst.idx.msk $0xffff, v4;
	v5 =	vld.idx.msk [tilespmem:v3+s20+$0x1C60 ss:$0x1], $0xffff  }
0x326: {  	v4 =	vld.idx.msk [tilespmem:v2+s20+$0x1C60 ss:$0x1], $0xffff  }
0x327: {  	v6 =	vld.idx.msk [tilespmem:v3+s20+$0x3C60 ss:$0x1], $0xffff  }
0x328: {  	v60 =	vld.idx.msk [tilespmem:v3+s20+$0x5C60 ss:$0x1], $0xffff  }
0x329: {  	v61 =	vld.idx.msk [tilespmem:v3+s20+$0x7C60 ss:$0x1], $0xffff;
	_ =	sdelay $0x1  }
0x32a: {  	v5 =	vadd.f32 v5, v4  }
0x32b: {  	v6 =	vadd.f32 v6, v4  }
0x32c: {  	[tilespmem:v3+s20+$0x1C60 ss:$0x1] =	vst.idx.msk $0xffff, v5;
	v5 =	vadd.f32 v60, v4  }
0x32d: {  	[tilespmem:v3+s20+$0x3C60 ss:$0x1] =	vst.idx.msk $0xffff, v6;
	v4 =	vadd.f32 v61, v4  }
0x32e: {  	[tilespmem:v3+s20+$0x5C60 ss:$0x1] =	vst.idx.msk $0xffff, v5  }
0x32f: {  	[tilespmem:v3+s20+$0x7C60 ss:$0x1] =	vst.idx.msk $0xffff, v4;
	v5 =	vld.idx.msk [tilespmem:v3+s20+$0x1C70 ss:$0x1], $0xffff  }
0x330: {  	v4 =	vld.idx.msk [tilespmem:v2+s20+$0x1C70 ss:$0x1], $0xffff  }
0x331: {  	v6 =	vld.idx.msk [tilespmem:v3+s20+$0x3C70 ss:$0x1], $0xffff  }
0x332: {  	v62 =	vld.idx.msk [tilespmem:v3+s20+$0x5C70 ss:$0x1], $0xffff  }
0x333: {  	v63 =	vld.idx.msk [tilespmem:v3+s20+$0x7C70 ss:$0x1], $0xffff;
	_ =	sdelay $0x1  }
0x334: {  	p0 =	sne.s32 s0, $0x7;
	v5 =	vadd.f32 v5, v4  }
.Ltmp4:
0x335: {  	v6 =	vadd.f32 v6, v4;
	(pc) =	sbr.rel @p0 .LBB2_3-.Ltmp4, $4  }
0x336: {  	[tilespmem:v3+s20+$0x1C70 ss:$0x1] =	vst.idx.msk $0xffff, v5;
	v5 =	vadd.f32 v62, v4  }
0x337: {  	[tilespmem:v3+s20+$0x3C70 ss:$0x1] =	vst.idx.msk $0xffff, v6;
	v4 =	vadd.f32 v63, v4  }
0x338: {  	[tilespmem:v3+s20+$0x5C70 ss:$0x1] =	vst.idx.msk $0xffff, v5  }
0x339: {  	s0 =	sadd.s32 $0x1, s0;
	[tilespmem:v3+s20+$0x7C70 ss:$0x1] =	vst.idx.msk $0xffff, v4  }
0x33a: {  	s0 =	sor.u32 s16, s29  }
0x33b: {  	s0 =	sshll.u32 s0, $0xA  }
0x33c: {  	s20 =	sadd.s32 $0x4, s31;
	s15 =	sadd.s32 s4, s0;
	s31 =	sor.u32 $0x100000, s0  }
0x33d: {  	[hbm4b:s15+s6] =	stream.linear.scatter [tilespmem:s2], [sflag:s20], $0x2000, $0x38;
	[tilespmem:$0x1E400] =	vst v63  }
0x33e: {  	p0 =	sgt.u32 s29, $0x1D;
	s2 =	sadd.s32 s4, s31;
	s15 =	sadd.s32 $0x8400, s30  }
0x33f: {  	[hbm4b:s2+s6] =	stream.linear.scatter [tilespmem:s15], [sflag:s20], $0x2000, $0x38;
	[tilespmem:$0x1E400] =	vst v63  }
.Ltmp5:
0x340: {  	s31 =	sor.u32 $0x200000, s0;
	(pc) =	sbr.rel @p0 .LBB2_6-.Ltmp5, $4  }
0x341: {  	s2 =	sadd.s32 s4, s31;
	s15 =	sadd.s32 $0xA400, s30  }
0x342: {  	[hbm4b:s2+s6] =	stream.linear.scatter [tilespmem:s15], [sflag:s20], $0x2000, $0x38;
	[tilespmem:$0x1E400] =	vst v63  }
0x343: {  	s0 =	sadd.s32 s0, s17;
	s31 =	sadd.s32 $0xC400, s30  }
0x344: {  	[hbm4b:s0+s6] =	stream.linear.scatter [tilespmem:s31], [sflag:s20], $0x2000, $0x38;
	[tilespmem:$0x1E400] =	vst v63  }
0x345: {  	s20 =	sadd.s32 $0x2, s29  }
0x346: {  	s0 =	smul.u32 $0xAB, s20;
	_ =	sdelay $0x1  }
0x347: {  	s0 =	sshrl.u32 s0, $0x9  }
0x348: {  	s0 =	sand.u32 $0x7F, s0  }
0x349: {  	s0 =	smul.u32 $0x3, s0;
	_ =	sdelay $0x1  }
0x34a: {  	s0 =	ssub.s32 s20, s0  }
0x34b: {  	p0 =	seq.s32 s29, $0x0;
	s2 =	sand.u32 $0xFF, s0  }
0x34c: {  	s30 =	sadd.s32 @!p0 $0x4, s2  }
0x34d: {  	s31 =	sshll.u32 s20, $0x3;
	_ =	swait.ge @!p0 [sflag:s30], $0x8000  }
0x34e: {  	s15 =	sadd.s32 s5, s31;
	s0 =	sshll.u32 s2, $0xF;
	[sflag:s30] =	ssyncset.done @!p0 $0x0  }
0x34f: {  	s15 =	sshll.u32 s15, $0x7;
	[sflag:s30] =	ssyncadd.s32 @!p0 $0xFFFF8000;
	s30 =	sshrl.u32 s0, $0x2  }
0x350: {  	s15 =	sadd.s32 s3, s15;
	s2 =	sadd.s32 $0x1, s2;
	s30 =	sor.u32 $0x400, s30  }
0x351: {  	[tilespmem:s30], [sflag:s2] =	stream.linear.gather [hbm4b:s15+s6], $0x2000, $0x38;
	[tilespmem:$0x1E400] =	vst v63  }
0x352: {  	s30 =	sshll.u32 s20, $0x5  }
0x353: {  	s31 =	sand.u32 $0x78, s31;
	s15 =	sand.u32 $0x600, s30  }
0x354: {  	s15 =	sor.u32 s31, s15  }
0x355: {  	v2 =	vld.msk [tilespmem:s15+$0x0], $0xff;
	_ =	sdelay $0x4  }
0x356: {  	v3 =	vshll.u32 v2, $0x3  }
0x357: {  	v2 =	vand.u32 $0x7, v2;
	v3 =	vand.u32 $0xFFFFFFC0, v3  }
0x358: {  	v2 =	vor.u32 v2, v3  }
0x359: {  	v2 =	vperm.xlane v2, v0;
	_ =	sdelay $0x1  }
0x35a: {  	v2 =	vadd.s32 v1, v2;
	_ =	sdelay $0x3  }
0x35b: {  	s30 =	sor.u32 $0x6400, s0  }
0x35c: {  	[tilespmem:s30], [sflag:s2] =	stream.indirect_vreg.gather [hbm4b:s1+s6], $0x80, v2, vm0, $0xb8;
	[tilespmem:$0x1E400] =	vst v63  }
0x35d: {  	s31 =	sor.u32 $0x6C00, s0  }
0x35e: {  	[tilespmem:s31], [sflag:s2] =	stream.indirect_vreg.gather [hbm4b:s12+s6], $0x80, v2, vm0, $0xb8;
	[tilespmem:$0x1E400] =	vst v63  }
0x35f: {  	s30 =	sor.u32 $0x7400, s0  }
0x360: {  	[tilespmem:s30], [sflag:s2] =	stream.indirect_vreg.gather [hbm4b:s13+s6], $0x80, v2, vm0, $0xb8;
	[tilespmem:$0x1E400] =	vst v63  }
0x361: {  	s31 =	sor.u32 $0x7C00, s0;
	s30 =	sor.u32 $0x80, s15  }
0x362: {  	[tilespmem:s31], [sflag:s2] =	stream.indirect_vreg.gather [hbm4b:s14+s6], $0x80, v2, vm0, $0xb8;
	[tilespmem:$0x1E400] =	vst v63  }
0x363: {  	v2 =	vld.msk [tilespmem:s30+$0x0], $0xff;
	_ =	sdelay $0x4  }
0x364: {  	v3 =	vshll.u32 v2, $0x3  }
0x365: {  	v2 =	vand.u32 $0x7, v2;
	v3 =	vand.u32 $0xFFFFFFC0, v3  }
0x366: {  	v2 =	vor.u32 v2, v3  }
0x367: {  	v2 =	vperm.xlane v2, v0;
	_ =	sdelay $0x1  }
0x368: {  	v2 =	vadd.s32 v1, v2;
	_ =	sdelay $0x3  }
0x369: {  	s31 =	sadd.s32 $0x8400, s0  }
0x36a: {  	[tilespmem:s31], [sflag:s2] =	stream.indirect_vreg.gather [hbm4b:s1+s6], $0x80, v2, vm0, $0xb8;
	[tilespmem:$0x1E400] =	vst v63  }
0x36b: {  	s30 =	sadd.s32 $0x8C00, s0  }
0x36c: {  	[tilespmem:s30], [sflag:s2] =	stream.indirect_vreg.gather [hbm4b:s12+s6], $0x80, v2, vm0, $0xb8;
	[tilespmem:$0x1E400] =	vst v63  }
0x36d: {  	s31 =	sadd.s32 $0x9400, s0  }
0x36e: {  	[tilespmem:s31], [sflag:s2] =	stream.indirect_vreg.gather [hbm4b:s13+s6], $0x80, v2, vm0, $0xb8;
	[tilespmem:$0x1E400] =	vst v63  }
0x36f: {  	s30 =	sadd.s32 $0x9C00, s0;
	s31 =	sor.u32 $0x100, s15  }
0x370: {  	[tilespmem:s30], [sflag:s2] =	stream.indirect_vreg.gather [hbm4b:s14+s6], $0x80, v2, vm0, $0xb8;
	[tilespmem:$0x1E400] =	vst v63  }
0x371: {  	v2 =	vld.msk [tilespmem:s31+$0x0], $0xff;
	_ =	sdelay $0x4  }
0x372: {  	v3 =	vshll.u32 v2, $0x3  }
0x373: {  	v2 =	vand.u32 $0x7, v2;
	v3 =	vand.u32 $0xFFFFFFC0, v3  }
0x374: {  	v2 =	vor.u32 v2, v3  }
0x375: {  	v2 =	vperm.xlane v2, v0;
	_ =	sdelay $0x1  }
0x376: {  	v2 =	vadd.s32 v1, v2;
	_ =	sdelay $0x3  }
0x377: {  	s30 =	sadd.s32 $0xA400, s0  }
0x378: {  	[tilespmem:s30], [sflag:s2] =	stream.indirect_vreg.gather [hbm4b:s1+s6], $0x80, v2, vm0, $0xb8;
	[tilespmem:$0x1E400] =	vst v63  }
0x379: {  	s31 =	sadd.s32 $0xAC00, s0  }
0x37a: {  	[tilespmem:s31], [sflag:s2] =	stream.indirect_vreg.gather [hbm4b:s12+s6], $0x80, v2, vm0, $0xb8;
	[tilespmem:$0x1E400] =	vst v63  }
0x37b: {  	s30 =	sadd.s32 $0xB400, s0  }
0x37c: {  	[tilespmem:s30], [sflag:s2] =	stream.indirect_vreg.gather [hbm4b:s13+s6], $0x80, v2, vm0, $0xb8;
	[tilespmem:$0x1E400] =	vst v63  }
0x37d: {  	s15 =	sor.u32 $0x180, s15;
	s31 =	sadd.s32 $0xBC00, s0  }
0x37e: {  	[tilespmem:s31], [sflag:s2] =	stream.indirect_vreg.gather [hbm4b:s14+s6], $0x80, v2, vm0, $0xb8;
	[tilespmem:$0x1E400] =	vst v63  }
0x37f: {  	v2 =	vld.msk [tilespmem:s15+$0x0], $0xff;
	_ =	sdelay $0x4  }
0x380: {  	v3 =	vshll.u32 v2, $0x3  }
0x381: {  	v2 =	vand.u32 $0x7, v2;
	v3 =	vand.u32 $0xFFFFFFC0, v3  }
0x382: {  	v2 =	vor.u32 v2, v3  }
0x383: {  	v2 =	vperm.xlane v2, v0;
	_ =	sdelay $0x1  }
0x384: {  	v2 =	vadd.s32 v1, v2;
	_ =	sdelay $0x3  }
0x385: {  	s20 =	sadd.s32 $0xC400, s0  }
0x386: {  	[tilespmem:s20], [sflag:s2] =	stream.indirect_vreg.gather [hbm4b:s1+s6], $0x80, v2, vm0, $0xb8;
	[tilespmem:$0x1E400] =	vst v63  }
0x387: {  	s30 =	sadd.s32 $0xCC00, s0  }
0x388: {  	[tilespmem:s30], [sflag:s2] =	stream.indirect_vreg.gather [hbm4b:s12+s6], $0x80, v2, vm0, $0xb8;
	[tilespmem:$0x1E400] =	vst v63  }
.Ltmp6:
0x389: {  	_ = 	snop;
	(pc) =	sbr.rel .LBB2_6-.Ltmp6, $4  }
0x38a: {  	s31 =	sadd.s32 $0xD400, s0  }
0x38b: {  	[tilespmem:s31], [sflag:s2] =	stream.indirect_vreg.gather [hbm4b:s13+s6], $0x80, v2, vm0, $0xb8;
	[tilespmem:$0x1E400] =	vst v63  }
0x38c: {  	s0 =	sadd.s32 $0xDC00, s0  }
0x38d: {  	[tilespmem:s0], [sflag:s2] =	stream.indirect_vreg.gather [hbm4b:s14+s6], $0x80, v2, vm0, $0xb8;
	[tilespmem:$0x1E400] =	vst v63  }
.LBB2_8:
0x38e: {  	_ =	sfence.sel $0x180000  }
0x38f: {  	[bflag:$0x0] =	sbarrier.arrive $0xFFFF  }
0x390: {  	_ =	strace $0x90000047  }
0x391: {  	s0 =	stileid.u32;
	[bflag:$0x2] =	sbarrier.arrive $0xFFFF  }
0x392: {  	p0 =	sne.s32 s0, $0x0;
	s0 =	rddreg [dreg:$0x4]  }
0x393: {  	s0 =	sadd.s32 @!p0 $0x100000, s0  }
0x394: {  	[sflag:s0] =	ssyncadd.tile.s32 @!p0 $0x1;
	_ =	shalt  }
.Lfunc_end2:
_tile_overlayer_lowered:
.L_overlay_start_2:
0x395: {  	(tag) =	ssettag $0x2  }
0x396: {  	s0 =	rddreg [dreg:$0x0];
	s2 =	stileid.u32  }
0x397: {  	s1 =	rddreg [dreg:$0x1];
	p0 =	sne.s32 s2, $0x0  }
0x398: {  	s3 =	rddreg [dreg:$0x2];
	[bflag:$0x3] =	sbarrier.arrive $0xFFFF;
	s2 =	simm.s32 @!p0 $0x1C07  }
0x399: {  	[timem:s3], [sflag:s2] =	dma.local @!p0 [hbm:s0], s1  }
0x39a: {  	s0 =	simm.s32 @!p0 $0x7  }
0x39b: {  	_ =	swait.ge @!p0 [sflag:s0], s1  }
0x39c: {  	s1 =	ssub.s32 @!p0 $0x0, s1;
	[sflag:s0] =	ssyncset.done @!p0 $0x0  }
0x39d: {  	[sflag:s0] =	ssyncadd.s32 @!p0 s1  }
0x39e: {  	[bflag:$0x3] =	sbarrier.arrive $0xFFFF  }
0x39f: {  	_ =	shalt  }

</sc_bundles>
